<compile_context>
chip_gen: v7x
topology: tpu7x:2x2x1
jax: 0.10.2.dev20260603
libtpu: 0.0.44.dev20260713+nightly
codegen_flags: <defaults>
</compile_context>

<pallas_src>
import functools

import jax
import jax.numpy as jnp
from jax import lax
from jax.experimental import pallas as pl
from jax.experimental.pallas import tpu as pltpu
from jax.experimental.pallas import tpu_sc as plsc

N, D, E, C = 10000, 128, 320000, 40
NC, NS = 2, 16
NW = NC * NS
CH = 128
K = (-(-E // (NW * CH)) + 3) // 4 * 4

HK = K // 2
EPW = K * CH
EPAD = NW * EPW
ROWS_PT = 640
ACC_ROWS = NS * ROWS_PT


HC = CH // 2


def _gather(x_hbm, src_v, j, buf, sem):
    pltpu.async_copy(x_hbm.at[src_v.at[j, pl.ds(0, HC)]],
                     buf.at[pl.ds(0, HC)], sem)
    pltpu.async_copy(x_hbm.at[src_v.at[j, pl.ds(HC, HC)]],
                     buf.at[pl.ds(HC, HC)], sem)


def _gwait(x_hbm, src_v, j, buf, sem):
    pltpu.make_async_copy(x_hbm.at[src_v.at[j, pl.ds(0, HC)]],
                          buf.at[pl.ds(0, HC)], sem).wait()
    pltpu.make_async_copy(x_hbm.at[src_v.at[j, pl.ds(HC, HC)]],
                          buf.at[pl.ds(HC, HC)], sem).wait()


def _make_sc_agg():
    mesh = plsc.VectorSubcoreMesh(core_axis_name="c", subcore_axis_name="s")

    @functools.partial(
        pl.kernel,
        mesh=mesh,
        out_type=(
            jax.ShapeDtypeStruct((ACC_ROWS, D), jnp.float32),
            jax.ShapeDtypeStruct((ACC_ROWS, D), jnp.float32),
        ),
        scratch_types=[
            pltpu.VMEM((HK, CH), jnp.int32),
            pltpu.VMEM((HK, CH), jnp.int32),
            pltpu.VMEM((CH, D), jnp.float32),
            pltpu.VMEM((CH, D), jnp.float32),
            pltpu.VMEM_SHARED((ACC_ROWS, D), jnp.float32),
            pltpu.SemaphoreType.DMA,
            pltpu.SemaphoreType.DMA,
            pltpu.SemaphoreType.DMA,
            pltpu.SemaphoreType.DMA,
        ],
    )
    def sc_agg(x_hbm, srcs_hbm, dsts_hbm, zeros_hbm, out0_hbm, out1_hbm,
               src_v, dst_v, buf0, buf1, acc, sem0, sem1, sems0, sems1):
        c = lax.axis_index("c")
        s = lax.axis_index("s")
        w = s * NC + c
        for base in (0, HK):
            pltpu.sync_copy(srcs_hbm.at[w, pl.ds(base, HK)], src_v)
            pltpu.sync_copy(dsts_hbm.at[w, pl.ds(base, HK)], dst_v)
            _gather(x_hbm, src_v, 0, buf0, sem0)
            _gather(x_hbm, src_v, 1, buf1, sem1)
            if base == 0:
                pltpu.sync_copy(zeros_hbm.at[pl.ds(s * ROWS_PT, ROWS_PT)],
                                acc.at[pl.ds(s * ROWS_PT, ROWS_PT)])
                plsc.subcore_barrier()

            def body(i, carry):
                j = 2 * i
                _gwait(x_hbm, src_v, j, buf0, sem0)
                pltpu.sync_copy(buf0, acc.at[dst_v.at[j]], add=True)
                _gather(x_hbm, src_v, j + 2, buf0, sem0)
                _gwait(x_hbm, src_v, j + 1, buf1, sem1)
                pltpu.sync_copy(buf1, acc.at[dst_v.at[j + 1]], add=True)
                _gather(x_hbm, src_v, j + 3, buf1, sem1)
                return carry

            lax.fori_loop(0, HK // 2 - 1, body, 0)
            _gwait(x_hbm, src_v, HK - 2, buf0, sem0)
            pltpu.sync_copy(buf0, acc.at[dst_v.at[HK - 2]], add=True)
            _gwait(x_hbm, src_v, HK - 1, buf1, sem1)
            pltpu.sync_copy(buf1, acc.at[dst_v.at[HK - 1]], add=True)
        plsc.subcore_barrier()

        @pl.when(c == 0)
        def _():
            pltpu.sync_copy(acc.at[pl.ds(s * ROWS_PT, ROWS_PT)],
                            out0_hbm.at[pl.ds(s * ROWS_PT, ROWS_PT)])

        @pl.when(c == 1)
        def _():
            pltpu.sync_copy(acc.at[pl.ds(s * ROWS_PT, ROWS_PT)],
                            out1_hbm.at[pl.ds(s * ROWS_PT, ROWS_PT)])

    return sc_agg


_sc_agg = _make_sc_agg()


def _mlp_body(x_ref, p0_ref, p1_ref, wa_ref, ba_ref, g_ref, be_ref,
              wb_ref, bb_ref, o_ref):
    h = x_ref[...] + p0_ref[0:N, :] + p1_ref[0:N, :]
    h = jnp.dot(h, wa_ref[...], preferred_element_type=jnp.float32) + ba_ref[...]
    mean = jnp.mean(h, axis=0, keepdims=True)
    var = jnp.mean(jnp.square(h - mean), axis=0, keepdims=True)
    h = (h - mean) * lax.rsqrt(var + 1e-5) * g_ref[...] + be_ref[...]
    h = jnp.maximum(h, 0.0)
    h = jnp.dot(h, wb_ref[...], preferred_element_type=jnp.float32) + bb_ref[...]
    o_ref[...] = jnp.maximum(h, 0.0)


_tc_mlp = pl.pallas_call(
    _mlp_body,
    out_shape=jax.ShapeDtypeStruct((N, D), jnp.float32),
)


def _final_body(x_ref, p0_ref, p1_ref, wa_ref, ba_ref, g_ref, be_ref,
                wb_ref, bb_ref, wl1_ref, bl1_ref, wl2_ref, bl2_ref, o_ref):
    h = x_ref[...] + p0_ref[0:N, :] + p1_ref[0:N, :]
    h = jnp.dot(h, wa_ref[...], preferred_element_type=jnp.float32) + ba_ref[...]
    mean = jnp.mean(h, axis=0, keepdims=True)
    var = jnp.mean(jnp.square(h - mean), axis=0, keepdims=True)
    h = (h - mean) * lax.rsqrt(var + 1e-5) * g_ref[...] + be_ref[...]
    h = jnp.maximum(h, 0.0)
    h = jnp.dot(h, wb_ref[...], preferred_element_type=jnp.float32) + bb_ref[...]
    h = jnp.maximum(h, 0.0)
    h = jnp.dot(h, wl1_ref[...], preferred_element_type=jnp.float32) + bl1_ref[...]
    h = jnp.maximum(h, 0.0)
    o_ref[...] = (jnp.dot(h, wl2_ref[...], preferred_element_type=jnp.float32)
                  + bl2_ref[...])


_tc_final = pl.pallas_call(
    _final_body,
    out_shape=jax.ShapeDtypeStruct((N, C), jnp.float32),
)


def kernel(x, edge_index,
           W1a, b1a, g1, be1, W1b, b1b,
           W2a, b2a, g2, be2, W2b, b2b,
           W3a, b3a, g3, be3, W3b, b3b,
           Wl1, bl1, Wl2, bl2):
    src = edge_index[0]
    dst = edge_index[1]
    pad = EPAD - E
    ar = jnp.arange(pad, dtype=jnp.int32)
    pad_src = ar % N
    pad_dst = N + ar % (ACC_ROWS - N)
    srcs = jnp.concatenate([src, pad_src]).reshape(NW, K, CH)
    dsts = jnp.concatenate([dst, pad_dst]).reshape(NW, K, CH)
    zeros = jnp.zeros((ACC_ROWS, D), jnp.float32)

    r = lambda v: v.reshape(1, -1)
    p0, p1 = _sc_agg(x, srcs, dsts, zeros)
    h = _tc_mlp(x, p0, p1, W1a, r(b1a), r(g1), r(be1), W1b, r(b1b))
    p0, p1 = _sc_agg(h, srcs, dsts, zeros)
    h = _tc_mlp(h, p0, p1, W2a, r(b2a), r(g2), r(be2), W2b, r(b2b))
    p0, p1 = _sc_agg(h, srcs, dsts, zeros)
    out = _tc_final(h, p0, p1, W3a, r(b3a), r(g3), r(be3), W3b, r(b3b),
                    Wl1, r(bl1), Wl2, r(bl2))
    return out

# --- scband reference (transcript-rebuilt; emitter-appended) ---
"""Pipeline reference for scband-net-7473243095503 (READ-ONLY COPY).

The authoritative reference and input builder live on the scoring server;
editing this copy changes nothing except your own understanding.
"""

import jax, jax.numpy as jnp
import numpy as np

N, E, D, C = 10000, 320000, 128, 40


def setup_inputs(seed: int = 0) -> dict:
    key = jax.random.key(seed)
    ks = jax.random.split(key, 32)
    inp = {}
    inp['x'] = jax.random.normal(ks[0], (N, D), dtype=jnp.float32)
    inp['edge_index'] = jax.random.randint(ks[1], (2, E), 0, N, dtype=jnp.int32)
    ki = 2
    for layer in (1, 2, 3):
        inp[f'W{layer}a'] = jax.random.normal(ks[ki], (D, D), dtype=jnp.float32) * 0.1; ki += 1
        inp[f'b{layer}a'] = jnp.zeros((D,), dtype=jnp.float32)
        inp[f'g{layer}'] = jnp.ones((D,), dtype=jnp.float32)
        inp[f'be{layer}'] = jnp.zeros((D,), dtype=jnp.float32)
        inp[f'W{layer}b'] = jax.random.normal(ks[ki], (D, D), dtype=jnp.float32) * 0.1; ki += 1
        inp[f'b{layer}b'] = jnp.zeros((D,), dtype=jnp.float32)
    inp['Wl1'] = jax.random.normal(ks[ki], (D, D), dtype=jnp.float32) * 0.1; ki += 1
    inp['bl1'] = jnp.zeros((D,), dtype=jnp.float32)
    inp['Wl2'] = jax.random.normal(ks[ki], (D, C), dtype=jnp.float32) * 0.1; ki += 1
    inp['bl2'] = jnp.zeros((C,), dtype=jnp.float32)
    return inp


def _gin_layer(x, edge_index, Wa, ba, g, be, Wb, bb):
    # GINConv: h_i = MLP((1+eps)*x_i + sum_{j in N(i)} x_j), eps=0
    src, dst = edge_index[0], edge_index[1]
    agg = jnp.zeros_like(x).at[dst].add(x[src])
    h = x + agg
    # MLP: Linear -> BatchNorm1d (batch stats) -> ReLU -> Linear -> ReLU
    h = h @ Wa + ba
    mean = jnp.mean(h, axis=0)
    var = jnp.var(h, axis=0)
    h = (h - mean) / jnp.sqrt(var + 1e-5) * g + be
    h = jax.nn.relu(h)
    h = h @ Wb + bb
    return jax.nn.relu(h)


def reference(x, edge_index,
              W1a, b1a, g1, be1, W1b, b1b,
              W2a, b2a, g2, be2, W2b, b2b,
              W3a, b3a, g3, be3, W3b, b3b,
              Wl1, bl1, Wl2, bl2):
    h = _gin_layer(x, edge_index, W1a, b1a, g1, be1, W1b, b1b)
    h = _gin_layer(h, edge_index, W2a, b2a, g2, be2, W2b, b2b)
    h = _gin_layer(h, edge_index, W3a, b3a, g3, be3, W3b, b3b)
    h = jax.nn.relu(h @ Wl1 + bl1)
    # dropout p=0.5 is identity in eval mode
    out = h @ Wl2 + bl2
    return out

if __name__ == "__main__":
    import jax
    _d = setup_inputs()
    print(jax.jit(kernel)(*tuple(_d.values())))

</pallas_src>

<mosaic_0001>
#map = affine_map<(d0, d1) -> (0, 0)>
#map1 = affine_map<(d0, d1) -> (0, 0, 0)>
module attributes {stable_mosaic.version = 14 : i64} {
  func.func @sc_agg(%arg0: i32, %arg1: i32, %arg2: memref<10000x128xf32, #tpu.memory_space<hbm>>, %arg3: memref<32x80x128xi32, #tpu.memory_space<hbm>>, %arg4: memref<32x80x128xi32, #tpu.memory_space<hbm>>, %arg5: memref<10240x128xf32, #tpu.memory_space<hbm>>, %arg6: memref<10240x128xf32, #tpu.memory_space<hbm>>, %arg7: memref<10240x128xf32, #tpu.memory_space<hbm>>, %arg8: memref<40x128xi32, #tpu.memory_space<vmem>>, %arg9: memref<40x128xi32, #tpu.memory_space<vmem>>, %arg10: memref<128x128xf32, #tpu.memory_space<vmem>>, %arg11: memref<128x128xf32, #tpu.memory_space<vmem>>, %arg12: memref<10240x128xf32, #tpu.memory_space<vmem_shared>>, %arg13: memref<!tpu.dma_semaphore, #tpu.memory_space<semaphore_mem>>, %arg14: memref<!tpu.dma_semaphore, #tpu.memory_space<semaphore_mem>>, %arg15: memref<!tpu.dma_semaphore, #tpu.memory_space<semaphore_mem>>, %arg16: memref<!tpu.dma_semaphore, #tpu.memory_space<semaphore_mem>>) attributes {dimension_semantics = [#tpu.dimension_semantics<core_parallel>, #tpu.dimension_semantics<subcore_parallel>], iteration_bounds = array<i64: 2, 16>, scalar_prefetch = 0 : i64, scratch_operands = 9 : i64, tpu.core_type = #tpu.core_type<sc_vector_subcore>, window_params = [{transform_indices = #map}, {transform_indices = #map1}, {transform_indices = #map1}, {transform_indices = #map}, {transform_indices = #map}, {transform_indices = #map}]} {
    %mul3A = arith.constant 2 : i32
    %mul3A_0 = arith.muli %arg1, %mul3A : i32
    %add3A = arith.addi %mul3A_0, %arg0 : i32
    "tpu.region"() ({
      %run_scoped3A_185 = tpu.sem_alloc : memref<!tpu.dma_semaphore, #tpu.memory_space<semaphore_mem>>
      %dma_start3A_186 = arith.constant 0 : i32
      %dma_start3A_187 = arith.constant 0 : i32
      %dma_start3A_188 = tpu.memref_slice %arg3[%add3A, %dma_start3A_186, %dma_start3A_187] : memref<32x80x128xi32, #tpu.memory_space<hbm>> -> memref<1x40x128xi32, #tpu.memory_space<hbm>>
      %dma_start3A_189 = tpu.memref_squeeze %dma_start3A_188 : memref<1x40x128xi32, #tpu.memory_space<hbm>> -> memref<40x128xi32, #tpu.memory_space<hbm>>
      %dma_start3A_190 = arith.constant 0 : i32
      %dma_start3A_191 = arith.constant 0 : i32
      %dma_start3A_192 = tpu.memref_slice %arg3[%add3A, %dma_start3A_190, %dma_start3A_191] : memref<32x80x128xi32, #tpu.memory_space<hbm>> -> memref<1x40x128xi32, #tpu.memory_space<hbm>>
      %dma_start3A_193 = tpu.memref_squeeze %dma_start3A_192 : memref<1x40x128xi32, #tpu.memory_space<hbm>> -> memref<40x128xi32, #tpu.memory_space<hbm>>
      tpu.enqueue_dma source(%dma_start3A_193 : memref<40x128xi32, #tpu.memory_space<hbm>>) target(%arg8 : memref<40x128xi32, #tpu.memory_space<vmem>>) target_semaphore(%run_scoped3A_185 : memref<!tpu.dma_semaphore, #tpu.memory_space<semaphore_mem>>)
      %dma_wait3A_194 = arith.constant 0 : i32
      %dma_wait3A_195 = arith.constant 0 : i32
      %dma_wait3A_196 = tpu.memref_slice %arg3[%add3A, %dma_wait3A_194, %dma_wait3A_195] : memref<32x80x128xi32, #tpu.memory_space<hbm>> -> memref<1x40x128xi32, #tpu.memory_space<hbm>>
      %dma_wait3A_197 = tpu.memref_squeeze %dma_wait3A_196 : memref<1x40x128xi32, #tpu.memory_space<hbm>> -> memref<40x128xi32, #tpu.memory_space<hbm>>
      %dma_wait3A_198 = arith.constant 0 : i32
      %dma_wait3A_199 = arith.constant 0 : i32
      %dma_wait3A_200 = tpu.memref_slice %arg3[%add3A, %dma_wait3A_198, %dma_wait3A_199] : memref<32x80x128xi32, #tpu.memory_space<hbm>> -> memref<1x40x128xi32, #tpu.memory_space<hbm>>
      %dma_wait3A_201 = tpu.memref_squeeze %dma_wait3A_200 : memref<1x40x128xi32, #tpu.memory_space<hbm>> -> memref<40x128xi32, #tpu.memory_space<hbm>>
      tpu.wait_dma2 semaphore(%run_scoped3A_185 : memref<!tpu.dma_semaphore, #tpu.memory_space<semaphore_mem>>) src(%dma_wait3A_201 : memref<40x128xi32, #tpu.memory_space<hbm>>) dst(%arg8 : memref<40x128xi32, #tpu.memory_space<vmem>>)
      tpu.yield
    }) : () -> ()
    "tpu.region"() ({
      %run_scoped3A_185 = tpu.sem_alloc : memref<!tpu.dma_semaphore, #tpu.memory_space<semaphore_mem>>
      %dma_start3A_186 = arith.constant 0 : i32
      %dma_start3A_187 = arith.constant 0 : i32
      %dma_start3A_188 = tpu.memref_slice %arg4[%add3A, %dma_start3A_186, %dma_start3A_187] : memref<32x80x128xi32, #tpu.memory_space<hbm>> -> memref<1x40x128xi32, #tpu.memory_space<hbm>>
      %dma_start3A_189 = tpu.memref_squeeze %dma_start3A_188 : memref<1x40x128xi32, #tpu.memory_space<hbm>> -> memref<40x128xi32, #tpu.memory_space<hbm>>
      %dma_start3A_190 = arith.constant 0 : i32
      %dma_start3A_191 = arith.constant 0 : i32
      %dma_start3A_192 = tpu.memref_slice %arg4[%add3A, %dma_start3A_190, %dma_start3A_191] : memref<32x80x128xi32, #tpu.memory_space<hbm>> -> memref<1x40x128xi32, #tpu.memory_space<hbm>>
      %dma_start3A_193 = tpu.memref_squeeze %dma_start3A_192 : memref<1x40x128xi32, #tpu.memory_space<hbm>> -> memref<40x128xi32, #tpu.memory_space<hbm>>
      tpu.enqueue_dma source(%dma_start3A_193 : memref<40x128xi32, #tpu.memory_space<hbm>>) target(%arg9 : memref<40x128xi32, #tpu.memory_space<vmem>>) target_semaphore(%run_scoped3A_185 : memref<!tpu.dma_semaphore, #tpu.memory_space<semaphore_mem>>)
      %dma_wait3A_194 = arith.constant 0 : i32
      %dma_wait3A_195 = arith.constant 0 : i32
      %dma_wait3A_196 = tpu.memref_slice %arg4[%add3A, %dma_wait3A_194, %dma_wait3A_195] : memref<32x80x128xi32, #tpu.memory_space<hbm>> -> memref<1x40x128xi32, #tpu.memory_space<hbm>>
      %dma_wait3A_197 = tpu.memref_squeeze %dma_wait3A_196 : memref<1x40x128xi32, #tpu.memory_space<hbm>> -> memref<40x128xi32, #tpu.memory_space<hbm>>
      %dma_wait3A_198 = arith.constant 0 : i32
      %dma_wait3A_199 = arith.constant 0 : i32
      %dma_wait3A_200 = tpu.memref_slice %arg4[%add3A, %dma_wait3A_198, %dma_wait3A_199] : memref<32x80x128xi32, #tpu.memory_space<hbm>> -> memref<1x40x128xi32, #tpu.memory_space<hbm>>
      %dma_wait3A_201 = tpu.memref_squeeze %dma_wait3A_200 : memref<1x40x128xi32, #tpu.memory_space<hbm>> -> memref<40x128xi32, #tpu.memory_space<hbm>>
      tpu.wait_dma2 semaphore(%run_scoped3A_185 : memref<!tpu.dma_semaphore, #tpu.memory_space<semaphore_mem>>) src(%dma_wait3A_201 : memref<40x128xi32, #tpu.memory_space<hbm>>) dst(%arg9 : memref<40x128xi32, #tpu.memory_space<vmem>>)
      tpu.yield
    }) : () -> ()
    %dma_start3A = arith.constant 0 : i32
    %dma_start3A_1 = arith.constant 0 : i32
    %dma_start3A_2 = arith.constant 0 : i32
    %dma_start3A_3 = tpu.memref_slice %arg10[%dma_start3A_1, %dma_start3A_2] : memref<128x128xf32, #tpu.memory_space<vmem>> -> memref<64x128xf32, #tpu.memory_space<vmem>>
    %dma_start3A_4 = arith.constant 0 : i32
    %dma_start3A_5 = tpu.memref_slice %arg8[%dma_start3A, %dma_start3A_4] : memref<40x128xi32, #tpu.memory_space<vmem>> -> memref<1x64xi32, #tpu.memory_space<vmem>>
    %dma_start3A_6 = tpu.memref_squeeze %dma_start3A_5 : memref<1x64xi32, #tpu.memory_space<vmem>> -> memref<64xi32, #tpu.memory_space<vmem>>
    %dma_start3A_7 = arith.constant 0 : i32
    %dma_start3A_8 = arith.constant 0 : i32
    %dma_start3A_9 = tpu.memref_slice %arg2[%dma_start3A_7, %dma_start3A_8] : memref<10000x128xf32, #tpu.memory_space<hbm>> -> memref<10000x128xf32, #tpu.memory_space<hbm>>
    tpu.enqueue_indirect_dma source(%dma_start3A_9 : memref<10000x128xf32, #tpu.memory_space<hbm>>) target(%dma_start3A_3 : memref<64x128xf32, #tpu.memory_space<vmem>>) offsets(%dma_start3A_6 : memref<64xi32, #tpu.memory_space<vmem>>) semaphore(%arg13 : memref<!tpu.dma_semaphore, #tpu.memory_space<semaphore_mem>>)
    %dma_start3A_10 = arith.constant 0 : i32
    %dma_start3A_11 = arith.constant 64 : i32
    %dma_start3A_12 = arith.constant 0 : i32
    %dma_start3A_13 = tpu.memref_slice %arg10[%dma_start3A_11, %dma_start3A_12] : memref<128x128xf32, #tpu.memory_space<vmem>> -> memref<64x128xf32, #tpu.memory_space<vmem>>
    %dma_start3A_14 = arith.constant 64 : i32
    %dma_start3A_15 = tpu.memref_slice %arg8[%dma_start3A_10, %dma_start3A_14] : memref<40x128xi32, #tpu.memory_space<vmem>> -> memref<1x64xi32, #tpu.memory_space<vmem>>
    %dma_start3A_16 = tpu.memref_squeeze %dma_start3A_15 : memref<1x64xi32, #tpu.memory_space<vmem>> -> memref<64xi32, #tpu.memory_space<vmem>>
    %dma_start3A_17 = arith.constant 0 : i32
    %dma_start3A_18 = arith.constant 0 : i32
    %dma_start3A_19 = tpu.memref_slice %arg2[%dma_start3A_17, %dma_start3A_18] : memref<10000x128xf32, #tpu.memory_space<hbm>> -> memref<10000x128xf32, #tpu.memory_space<hbm>>
    tpu.enqueue_indirect_dma source(%dma_start3A_19 : memref<10000x128xf32, #tpu.memory_space<hbm>>) target(%dma_start3A_13 : memref<64x128xf32, #tpu.memory_space<vmem>>) offsets(%dma_start3A_16 : memref<64xi32, #tpu.memory_space<vmem>>) semaphore(%arg13 : memref<!tpu.dma_semaphore, #tpu.memory_space<semaphore_mem>>)
    %dma_start3A_20 = arith.constant 1 : i32
    %dma_start3A_21 = arith.constant 0 : i32
    %dma_start3A_22 = arith.constant 0 : i32
    %dma_start3A_23 = tpu.memref_slice %arg11[%dma_start3A_21, %dma_start3A_22] : memref<128x128xf32, #tpu.memory_space<vmem>> -> memref<64x128xf32, #tpu.memory_space<vmem>>
    %dma_start3A_24 = arith.constant 0 : i32
    %dma_start3A_25 = tpu.memref_slice %arg8[%dma_start3A_20, %dma_start3A_24] : memref<40x128xi32, #tpu.memory_space<vmem>> -> memref<1x64xi32, #tpu.memory_space<vmem>>
    %dma_start3A_26 = tpu.memref_squeeze %dma_start3A_25 : memref<1x64xi32, #tpu.memory_space<vmem>> -> memref<64xi32, #tpu.memory_space<vmem>>
    %dma_start3A_27 = arith.constant 0 : i32
    %dma_start3A_28 = arith.constant 0 : i32
    %dma_start3A_29 = tpu.memref_slice %arg2[%dma_start3A_27, %dma_start3A_28] : memref<10000x128xf32, #tpu.memory_space<hbm>> -> memref<10000x128xf32, #tpu.memory_space<hbm>>
    tpu.enqueue_indirect_dma source(%dma_start3A_29 : memref<10000x128xf32, #tpu.memory_space<hbm>>) target(%dma_start3A_23 : memref<64x128xf32, #tpu.memory_space<vmem>>) offsets(%dma_start3A_26 : memref<64xi32, #tpu.memory_space<vmem>>) semaphore(%arg14 : memref<!tpu.dma_semaphore, #tpu.memory_space<semaphore_mem>>)
    %dma_start3A_30 = arith.constant 1 : i32
    %dma_start3A_31 = arith.constant 64 : i32
    %dma_start3A_32 = arith.constant 0 : i32
    %dma_start3A_33 = tpu.memref_slice %arg11[%dma_start3A_31, %dma_start3A_32] : memref<128x128xf32, #tpu.memory_space<vmem>> -> memref<64x128xf32, #tpu.memory_space<vmem>>
    %dma_start3A_34 = arith.constant 64 : i32
    %dma_start3A_35 = tpu.memref_slice %arg8[%dma_start3A_30, %dma_start3A_34] : memref<40x128xi32, #tpu.memory_space<vmem>> -> memref<1x64xi32, #tpu.memory_space<vmem>>
    %dma_start3A_36 = tpu.memref_squeeze %dma_start3A_35 : memref<1x64xi32, #tpu.memory_space<vmem>> -> memref<64xi32, #tpu.memory_space<vmem>>
    %dma_start3A_37 = arith.constant 0 : i32
    %dma_start3A_38 = arith.constant 0 : i32
    %dma_start3A_39 = tpu.memref_slice %arg2[%dma_start3A_37, %dma_start3A_38] : memref<10000x128xf32, #tpu.memory_space<hbm>> -> memref<10000x128xf32, #tpu.memory_space<hbm>>
    tpu.enqueue_indirect_dma source(%dma_start3A_39 : memref<10000x128xf32, #tpu.memory_space<hbm>>) target(%dma_start3A_33 : memref<64x128xf32, #tpu.memory_space<vmem>>) offsets(%dma_start3A_36 : memref<64xi32, #tpu.memory_space<vmem>>) semaphore(%arg14 : memref<!tpu.dma_semaphore, #tpu.memory_space<semaphore_mem>>)
    %mul3A_40 = arith.constant 640 : i32
    %mul3A_41 = arith.muli %arg1, %mul3A_40 : i32
    %mul3A_42 = arith.constant 640 : i32
    %mul3A_43 = arith.muli %arg1, %mul3A_42 : i32
    "tpu.region"() ({
      %run_scoped3A_185 = tpu.sem_alloc : memref<!tpu.dma_semaphore, #tpu.memory_space<semaphore_mem>>
      %dma_start3A_186 = arith.constant 0 : i32
      %dma_start3A_187 = tpu.memref_slice %arg12[%mul3A_43, %dma_start3A_186] : memref<10240x128xf32, #tpu.memory_space<vmem_shared>> -> memref<640x128xf32, #tpu.memory_space<vmem_shared>>
      %dma_start3A_188 = arith.constant 0 : i32
      %dma_start3A_189 = tpu.memref_slice %arg5[%mul3A_41, %dma_start3A_188] : memref<10240x128xf32, #tpu.memory_space<hbm>> -> memref<640x128xf32, #tpu.memory_space<hbm>>
      tpu.enqueue_dma source(%dma_start3A_189 : memref<640x128xf32, #tpu.memory_space<hbm>>) target(%dma_start3A_187 : memref<640x128xf32, #tpu.memory_space<vmem_shared>>) target_semaphore(%run_scoped3A_185 : memref<!tpu.dma_semaphore, #tpu.memory_space<semaphore_mem>>)
      %dma_wait3A_190 = arith.constant 0 : i32
      %dma_wait3A_191 = tpu.memref_slice %arg12[%mul3A_43, %dma_wait3A_190] : memref<10240x128xf32, #tpu.memory_space<vmem_shared>> -> memref<640x128xf32, #tpu.memory_space<vmem_shared>>
      %dma_wait3A_192 = arith.constant 0 : i32
      %dma_wait3A_193 = tpu.memref_slice %arg5[%mul3A_41, %dma_wait3A_192] : memref<10240x128xf32, #tpu.memory_space<hbm>> -> memref<640x128xf32, #tpu.memory_space<hbm>>
      tpu.wait_dma2 semaphore(%run_scoped3A_185 : memref<!tpu.dma_semaphore, #tpu.memory_space<semaphore_mem>>) src(%dma_wait3A_193 : memref<640x128xf32, #tpu.memory_space<hbm>>) dst(%dma_wait3A_191 : memref<640x128xf32, #tpu.memory_space<vmem_shared>>)
      tpu.yield
    }) : () -> ()
    %barrier3A = arith.constant 0 : index
    tpu.barrier barrier_id(%barrier3A)
    %scan3A = arith.constant 0 : i32
    %scan3A_44 = arith.constant 0 : i32
    %scan3A_45 = arith.constant 19 : i32
    %scan3A_46 = arith.addi %scan3A_44, %scan3A_45 : i32
    %scan3A_47 = arith.constant 1 : i32
    scf.for %scan3A_185 = %scan3A_44 to %scan3A_46 step %scan3A_47  : i32 {
      %mul3A_186 = arith.constant 2 : i32
      %mul3A_187 = arith.muli %mul3A_186, %scan3A_185 : i32
      %dma_wait3A_188 = arith.constant 0 : i32
      %dma_wait3A_189 = arith.constant 0 : i32
      %dma_wait3A_190 = tpu.memref_slice %arg10[%dma_wait3A_188, %dma_wait3A_189] : memref<128x128xf32, #tpu.memory_space<vmem>> -> memref<64x128xf32, #tpu.memory_space<vmem>>
      %dma_wait3A_191 = arith.constant 0 : i32
      %dma_wait3A_192 = tpu.memref_slice %arg8[%mul3A_187, %dma_wait3A_191] : memref<40x128xi32, #tpu.memory_space<vmem>> -> memref<1x64xi32, #tpu.memory_space<vmem>>
      %dma_wait3A_193 = tpu.memref_squeeze %dma_wait3A_192 : memref<1x64xi32, #tpu.memory_space<vmem>> -> memref<64xi32, #tpu.memory_space<vmem>>
      %dma_wait3A_194 = arith.constant 0 : i32
      %dma_wait3A_195 = arith.constant 0 : i32
      %dma_wait3A_196 = tpu.memref_slice %arg2[%dma_wait3A_194, %dma_wait3A_195] : memref<10000x128xf32, #tpu.memory_space<hbm>> -> memref<10000x128xf32, #tpu.memory_space<hbm>>
      tpu.wait_indirect_dma semaphore(%arg13 : memref<!tpu.dma_semaphore, #tpu.memory_space<semaphore_mem>>) src(%dma_wait3A_196 : memref<10000x128xf32, #tpu.memory_space<hbm>>) dst(%dma_wait3A_190 : memref<64x128xf32, #tpu.memory_space<vmem>>)
      %dma_wait3A_197 = arith.constant 64 : i32
      %dma_wait3A_198 = arith.constant 0 : i32
      %dma_wait3A_199 = tpu.memref_slice %arg10[%dma_wait3A_197, %dma_wait3A_198] : memref<128x128xf32, #tpu.memory_space<vmem>> -> memref<64x128xf32, #tpu.memory_space<vmem>>
      %dma_wait3A_200 = arith.constant 64 : i32
      %dma_wait3A_201 = tpu.memref_slice %arg8[%mul3A_187, %dma_wait3A_200] : memref<40x128xi32, #tpu.memory_space<vmem>> -> memref<1x64xi32, #tpu.memory_space<vmem>>
      %dma_wait3A_202 = tpu.memref_squeeze %dma_wait3A_201 : memref<1x64xi32, #tpu.memory_space<vmem>> -> memref<64xi32, #tpu.memory_space<vmem>>
      %dma_wait3A_203 = arith.constant 0 : i32
      %dma_wait3A_204 = arith.constant 0 : i32
      %dma_wait3A_205 = tpu.memref_slice %arg2[%dma_wait3A_203, %dma_wait3A_204] : memref<10000x128xf32, #tpu.memory_space<hbm>> -> memref<10000x128xf32, #tpu.memory_space<hbm>>
      tpu.wait_indirect_dma semaphore(%arg13 : memref<!tpu.dma_semaphore, #tpu.memory_space<semaphore_mem>>) src(%dma_wait3A_205 : memref<10000x128xf32, #tpu.memory_space<hbm>>) dst(%dma_wait3A_199 : memref<64x128xf32, #tpu.memory_space<vmem>>)
      "tpu.region"() ({
        %run_scoped3A_268 = tpu.sem_alloc : memref<!tpu.dma_semaphore, #tpu.memory_space<semaphore_mem>>
        %dma_start3A_269 = arith.constant 0 : i32
        %dma_start3A_270 = tpu.memref_slice %arg9[%mul3A_187, %dma_start3A_269] : memref<40x128xi32, #tpu.memory_space<vmem>> -> memref<1x128xi32, #tpu.memory_space<vmem>>
        %dma_start3A_271 = tpu.memref_squeeze %dma_start3A_270 : memref<1x128xi32, #tpu.memory_space<vmem>> -> memref<128xi32, #tpu.memory_space<vmem>>
        %dma_start3A_272 = arith.constant 0 : i32
        %dma_start3A_273 = arith.constant 0 : i32
        %dma_start3A_274 = tpu.memref_slice %arg12[%dma_start3A_272, %dma_start3A_273] : memref<10240x128xf32, #tpu.memory_space<vmem_shared>> -> memref<10240x128xf32, #tpu.memory_space<vmem_shared>>
        tpu.enqueue_indirect_dma source(%arg10 : memref<128x128xf32, #tpu.memory_space<vmem>>) target(%dma_start3A_274 : memref<10240x128xf32, #tpu.memory_space<vmem_shared>>) offsets(%dma_start3A_271 : memref<128xi32, #tpu.memory_space<vmem>>) semaphore(%run_scoped3A_268 : memref<!tpu.dma_semaphore, #tpu.memory_space<semaphore_mem>>) {add = true}
        %dma_wait3A_275 = arith.constant 0 : i32
        %dma_wait3A_276 = tpu.memref_slice %arg9[%mul3A_187, %dma_wait3A_275] : memref<40x128xi32, #tpu.memory_space<vmem>> -> memref<1x128xi32, #tpu.memory_space<vmem>>
        %dma_wait3A_277 = tpu.memref_squeeze %dma_wait3A_276 : memref<1x128xi32, #tpu.memory_space<vmem>> -> memref<128xi32, #tpu.memory_space<vmem>>
        %dma_wait3A_278 = arith.constant 0 : i32
        %dma_wait3A_279 = arith.constant 0 : i32
        %dma_wait3A_280 = tpu.memref_slice %arg12[%dma_wait3A_278, %dma_wait3A_279] : memref<10240x128xf32, #tpu.memory_space<vmem_shared>> -> memref<10240x128xf32, #tpu.memory_space<vmem_shared>>
        tpu.wait_indirect_dma semaphore(%run_scoped3A_268 : memref<!tpu.dma_semaphore, #tpu.memory_space<semaphore_mem>>) src(%arg10 : memref<128x128xf32, #tpu.memory_space<vmem>>) dst(%dma_wait3A_280 : memref<10240x128xf32, #tpu.memory_space<vmem_shared>>)
        tpu.yield
      }) : () -> ()
      %add3A_206 = arith.constant 2 : i32
      %add3A_207 = arith.addi %mul3A_187, %add3A_206 : i32
      %dma_start3A_208 = arith.constant 0 : i32
      %dma_start3A_209 = arith.constant 0 : i32
      %dma_start3A_210 = tpu.memref_slice %arg10[%dma_start3A_208, %dma_start3A_209] : memref<128x128xf32, #tpu.memory_space<vmem>> -> memref<64x128xf32, #tpu.memory_space<vmem>>
      %dma_start3A_211 = arith.constant 0 : i32
      %dma_start3A_212 = tpu.memref_slice %arg8[%add3A_207, %dma_start3A_211] : memref<40x128xi32, #tpu.memory_space<vmem>> -> memref<1x64xi32, #tpu.memory_space<vmem>>
      %dma_start3A_213 = tpu.memref_squeeze %dma_start3A_212 : memref<1x64xi32, #tpu.memory_space<vmem>> -> memref<64xi32, #tpu.memory_space<vmem>>
      %dma_start3A_214 = arith.constant 0 : i32
      %dma_start3A_215 = arith.constant 0 : i32
      %dma_start3A_216 = tpu.memref_slice %arg2[%dma_start3A_214, %dma_start3A_215] : memref<10000x128xf32, #tpu.memory_space<hbm>> -> memref<10000x128xf32, #tpu.memory_space<hbm>>
      tpu.enqueue_indirect_dma source(%dma_start3A_216 : memref<10000x128xf32, #tpu.memory_space<hbm>>) target(%dma_start3A_210 : memref<64x128xf32, #tpu.memory_space<vmem>>) offsets(%dma_start3A_213 : memref<64xi32, #tpu.memory_space<vmem>>) semaphore(%arg13 : memref<!tpu.dma_semaphore, #tpu.memory_space<semaphore_mem>>)
      %dma_start3A_217 = arith.constant 64 : i32
      %dma_start3A_218 = arith.constant 0 : i32
      %dma_start3A_219 = tpu.memref_slice %arg10[%dma_start3A_217, %dma_start3A_218] : memref<128x128xf32, #tpu.memory_space<vmem>> -> memref<64x128xf32, #tpu.memory_space<vmem>>
      %dma_start3A_220 = arith.constant 64 : i32
      %dma_start3A_221 = tpu.memref_slice %arg8[%add3A_207, %dma_start3A_220] : memref<40x128xi32, #tpu.memory_space<vmem>> -> memref<1x64xi32, #tpu.memory_space<vmem>>
      %dma_start3A_222 = tpu.memref_squeeze %dma_start3A_221 : memref<1x64xi32, #tpu.memory_space<vmem>> -> memref<64xi32, #tpu.memory_space<vmem>>
      %dma_start3A_223 = arith.constant 0 : i32
      %dma_start3A_224 = arith.constant 0 : i32
      %dma_start3A_225 = tpu.memref_slice %arg2[%dma_start3A_223, %dma_start3A_224] : memref<10000x128xf32, #tpu.memory_space<hbm>> -> memref<10000x128xf32, #tpu.memory_space<hbm>>
      tpu.enqueue_indirect_dma source(%dma_start3A_225 : memref<10000x128xf32, #tpu.memory_space<hbm>>) target(%dma_start3A_219 : memref<64x128xf32, #tpu.memory_space<vmem>>) offsets(%dma_start3A_222 : memref<64xi32, #tpu.memory_space<vmem>>) semaphore(%arg13 : memref<!tpu.dma_semaphore, #tpu.memory_space<semaphore_mem>>)
      %add3A_226 = arith.constant 1 : i32
      %add3A_227 = arith.addi %mul3A_187, %add3A_226 : i32
      %dma_wait3A_228 = arith.constant 0 : i32
      %dma_wait3A_229 = arith.constant 0 : i32
      %dma_wait3A_230 = tpu.memref_slice %arg11[%dma_wait3A_228, %dma_wait3A_229] : memref<128x128xf32, #tpu.memory_space<vmem>> -> memref<64x128xf32, #tpu.memory_space<vmem>>
      %dma_wait3A_231 = arith.constant 0 : i32
      %dma_wait3A_232 = tpu.memref_slice %arg8[%add3A_227, %dma_wait3A_231] : memref<40x128xi32, #tpu.memory_space<vmem>> -> memref<1x64xi32, #tpu.memory_space<vmem>>
      %dma_wait3A_233 = tpu.memref_squeeze %dma_wait3A_232 : memref<1x64xi32, #tpu.memory_space<vmem>> -> memref<64xi32, #tpu.memory_space<vmem>>
      %dma_wait3A_234 = arith.constant 0 : i32
      %dma_wait3A_235 = arith.constant 0 : i32
      %dma_wait3A_236 = tpu.memref_slice %arg2[%dma_wait3A_234, %dma_wait3A_235] : memref<10000x128xf32, #tpu.memory_space<hbm>> -> memref<10000x128xf32, #tpu.memory_space<hbm>>
      tpu.wait_indirect_dma semaphore(%arg14 : memref<!tpu.dma_semaphore, #tpu.memory_space<semaphore_mem>>) src(%dma_wait3A_236 : memref<10000x128xf32, #tpu.memory_space<hbm>>) dst(%dma_wait3A_230 : memref<64x128xf32, #tpu.memory_space<vmem>>)
      %dma_wait3A_237 = arith.constant 64 : i32
      %dma_wait3A_238 = arith.constant 0 : i32
      %dma_wait3A_239 = tpu.memref_slice %arg11[%dma_wait3A_237, %dma_wait3A_238] : memref<128x128xf32, #tpu.memory_space<vmem>> -> memref<64x128xf32, #tpu.memory_space<vmem>>
      %dma_wait3A_240 = arith.constant 64 : i32
      %dma_wait3A_241 = tpu.memref_slice %arg8[%add3A_227, %dma_wait3A_240] : memref<40x128xi32, #tpu.memory_space<vmem>> -> memref<1x64xi32, #tpu.memory_space<vmem>>
      %dma_wait3A_242 = tpu.memref_squeeze %dma_wait3A_241 : memref<1x64xi32, #tpu.memory_space<vmem>> -> memref<64xi32, #tpu.memory_space<vmem>>
      %dma_wait3A_243 = arith.constant 0 : i32
      %dma_wait3A_244 = arith.constant 0 : i32
      %dma_wait3A_245 = tpu.memref_slice %arg2[%dma_wait3A_243, %dma_wait3A_244] : memref<10000x128xf32, #tpu.memory_space<hbm>> -> memref<10000x128xf32, #tpu.memory_space<hbm>>
      tpu.wait_indirect_dma semaphore(%arg14 : memref<!tpu.dma_semaphore, #tpu.memory_space<semaphore_mem>>) src(%dma_wait3A_245 : memref<10000x128xf32, #tpu.memory_space<hbm>>) dst(%dma_wait3A_239 : memref<64x128xf32, #tpu.memory_space<vmem>>)
      %add3A_246 = arith.constant 1 : i32
      %add3A_247 = arith.addi %mul3A_187, %add3A_246 : i32
      "tpu.region"() ({
        %run_scoped3A_268 = tpu.sem_alloc : memref<!tpu.dma_semaphore, #tpu.memory_space<semaphore_mem>>
        %dma_start3A_269 = arith.constant 0 : i32
        %dma_start3A_270 = tpu.memref_slice %arg9[%add3A_247, %dma_start3A_269] : memref<40x128xi32, #tpu.memory_space<vmem>> -> memref<1x128xi32, #tpu.memory_space<vmem>>
        %dma_start3A_271 = tpu.memref_squeeze %dma_start3A_270 : memref<1x128xi32, #tpu.memory_space<vmem>> -> memref<128xi32, #tpu.memory_space<vmem>>
        %dma_start3A_272 = arith.constant 0 : i32
        %dma_start3A_273 = arith.constant 0 : i32
        %dma_start3A_274 = tpu.memref_slice %arg12[%dma_start3A_272, %dma_start3A_273] : memref<10240x128xf32, #tpu.memory_space<vmem_shared>> -> memref<10240x128xf32, #tpu.memory_space<vmem_shared>>
        tpu.enqueue_indirect_dma source(%arg11 : memref<128x128xf32, #tpu.memory_space<vmem>>) target(%dma_start3A_274 : memref<10240x128xf32, #tpu.memory_space<vmem_shared>>) offsets(%dma_start3A_271 : memref<128xi32, #tpu.memory_space<vmem>>) semaphore(%run_scoped3A_268 : memref<!tpu.dma_semaphore, #tpu.memory_space<semaphore_mem>>) {add = true}
        %dma_wait3A_275 = arith.constant 0 : i32
        %dma_wait3A_276 = tpu.memref_slice %arg9[%add3A_247, %dma_wait3A_275] : memref<40x128xi32, #tpu.memory_space<vmem>> -> memref<1x128xi32, #tpu.memory_space<vmem>>
        %dma_wait3A_277 = tpu.memref_squeeze %dma_wait3A_276 : memref<1x128xi32, #tpu.memory_space<vmem>> -> memref<128xi32, #tpu.memory_space<vmem>>
        %dma_wait3A_278 = arith.constant 0 : i32
        %dma_wait3A_279 = arith.constant 0 : i32
        %dma_wait3A_280 = tpu.memref_slice %arg12[%dma_wait3A_278, %dma_wait3A_279] : memref<10240x128xf32, #tpu.memory_space<vmem_shared>> -> memref<10240x128xf32, #tpu.memory_space<vmem_shared>>
        tpu.wait_indirect_dma semaphore(%run_scoped3A_268 : memref<!tpu.dma_semaphore, #tpu.memory_space<semaphore_mem>>) src(%arg11 : memref<128x128xf32, #tpu.memory_space<vmem>>) dst(%dma_wait3A_280 : memref<10240x128xf32, #tpu.memory_space<vmem_shared>>)
        tpu.yield
      }) : () -> ()
      %add3A_248 = arith.constant 3 : i32
      %add3A_249 = arith.addi %mul3A_187, %add3A_248 : i32
      %dma_start3A_250 = arith.constant 0 : i32
      %dma_start3A_251 = arith.constant 0 : i32
      %dma_start3A_252 = tpu.memref_slice %arg11[%dma_start3A_250, %dma_start3A_251] : memref<128x128xf32, #tpu.memory_space<vmem>> -> memref<64x128xf32, #tpu.memory_space<vmem>>
      %dma_start3A_253 = arith.constant 0 : i32
      %dma_start3A_254 = tpu.memref_slice %arg8[%add3A_249, %dma_start3A_253] : memref<40x128xi32, #tpu.memory_space<vmem>> -> memref<1x64xi32, #tpu.memory_space<vmem>>
      %dma_start3A_255 = tpu.memref_squeeze %dma_start3A_254 : memref<1x64xi32, #tpu.memory_space<vmem>> -> memref<64xi32, #tpu.memory_space<vmem>>
      %dma_start3A_256 = arith.constant 0 : i32
      %dma_start3A_257 = arith.constant 0 : i32
      %dma_start3A_258 = tpu.memref_slice %arg2[%dma_start3A_256, %dma_start3A_257] : memref<10000x128xf32, #tpu.memory_space<hbm>> -> memref<10000x128xf32, #tpu.memory_space<hbm>>
      tpu.enqueue_indirect_dma source(%dma_start3A_258 : memref<10000x128xf32, #tpu.memory_space<hbm>>) target(%dma_start3A_252 : memref<64x128xf32, #tpu.memory_space<vmem>>) offsets(%dma_start3A_255 : memref<64xi32, #tpu.memory_space<vmem>>) semaphore(%arg14 : memref<!tpu.dma_semaphore, #tpu.memory_space<semaphore_mem>>)
      %dma_start3A_259 = arith.constant 64 : i32
      %dma_start3A_260 = arith.constant 0 : i32
      %dma_start3A_261 = tpu.memref_slice %arg11[%dma_start3A_259, %dma_start3A_260] : memref<128x128xf32, #tpu.memory_space<vmem>> -> memref<64x128xf32, #tpu.memory_space<vmem>>
      %dma_start3A_262 = arith.constant 64 : i32
      %dma_start3A_263 = tpu.memref_slice %arg8[%add3A_249, %dma_start3A_262] : memref<40x128xi32, #tpu.memory_space<vmem>> -> memref<1x64xi32, #tpu.memory_space<vmem>>
      %dma_start3A_264 = tpu.memref_squeeze %dma_start3A_263 : memref<1x64xi32, #tpu.memory_space<vmem>> -> memref<64xi32, #tpu.memory_space<vmem>>
      %dma_start3A_265 = arith.constant 0 : i32
      %dma_start3A_266 = arith.constant 0 : i32
      %dma_start3A_267 = tpu.memref_slice %arg2[%dma_start3A_265, %dma_start3A_266] : memref<10000x128xf32, #tpu.memory_space<hbm>> -> memref<10000x128xf32, #tpu.memory_space<hbm>>
      tpu.enqueue_indirect_dma source(%dma_start3A_267 : memref<10000x128xf32, #tpu.memory_space<hbm>>) target(%dma_start3A_261 : memref<64x128xf32, #tpu.memory_space<vmem>>) offsets(%dma_start3A_264 : memref<64xi32, #tpu.memory_space<vmem>>) semaphore(%arg14 : memref<!tpu.dma_semaphore, #tpu.memory_space<semaphore_mem>>)
    }
    %scan3A_48 = arith.constant 19 : i32
    %dma_wait3A = arith.constant 38 : i32
    %dma_wait3A_49 = arith.constant 0 : i32
    %dma_wait3A_50 = arith.constant 0 : i32
    %dma_wait3A_51 = tpu.memref_slice %arg10[%dma_wait3A_49, %dma_wait3A_50] : memref<128x128xf32, #tpu.memory_space<vmem>> -> memref<64x128xf32, #tpu.memory_space<vmem>>
    %dma_wait3A_52 = arith.constant 0 : i32
    %dma_wait3A_53 = tpu.memref_slice %arg8[%dma_wait3A, %dma_wait3A_52] : memref<40x128xi32, #tpu.memory_space<vmem>> -> memref<1x64xi32, #tpu.memory_space<vmem>>
    %dma_wait3A_54 = tpu.memref_squeeze %dma_wait3A_53 : memref<1x64xi32, #tpu.memory_space<vmem>> -> memref<64xi32, #tpu.memory_space<vmem>>
    %dma_wait3A_55 = arith.constant 0 : i32
    %dma_wait3A_56 = arith.constant 0 : i32
    %dma_wait3A_57 = tpu.memref_slice %arg2[%dma_wait3A_55, %dma_wait3A_56] : memref<10000x128xf32, #tpu.memory_space<hbm>> -> memref<10000x128xf32, #tpu.memory_space<hbm>>
    tpu.wait_indirect_dma semaphore(%arg13 : memref<!tpu.dma_semaphore, #tpu.memory_space<semaphore_mem>>) src(%dma_wait3A_57 : memref<10000x128xf32, #tpu.memory_space<hbm>>) dst(%dma_wait3A_51 : memref<64x128xf32, #tpu.memory_space<vmem>>)
    %dma_wait3A_58 = arith.constant 38 : i32
    %dma_wait3A_59 = arith.constant 64 : i32
    %dma_wait3A_60 = arith.constant 0 : i32
    %dma_wait3A_61 = tpu.memref_slice %arg10[%dma_wait3A_59, %dma_wait3A_60] : memref<128x128xf32, #tpu.memory_space<vmem>> -> memref<64x128xf32, #tpu.memory_space<vmem>>
    %dma_wait3A_62 = arith.constant 64 : i32
    %dma_wait3A_63 = tpu.memref_slice %arg8[%dma_wait3A_58, %dma_wait3A_62] : memref<40x128xi32, #tpu.memory_space<vmem>> -> memref<1x64xi32, #tpu.memory_space<vmem>>
    %dma_wait3A_64 = tpu.memref_squeeze %dma_wait3A_63 : memref<1x64xi32, #tpu.memory_space<vmem>> -> memref<64xi32, #tpu.memory_space<vmem>>
    %dma_wait3A_65 = arith.constant 0 : i32
    %dma_wait3A_66 = arith.constant 0 : i32
    %dma_wait3A_67 = tpu.memref_slice %arg2[%dma_wait3A_65, %dma_wait3A_66] : memref<10000x128xf32, #tpu.memory_space<hbm>> -> memref<10000x128xf32, #tpu.memory_space<hbm>>
    tpu.wait_indirect_dma semaphore(%arg13 : memref<!tpu.dma_semaphore, #tpu.memory_space<semaphore_mem>>) src(%dma_wait3A_67 : memref<10000x128xf32, #tpu.memory_space<hbm>>) dst(%dma_wait3A_61 : memref<64x128xf32, #tpu.memory_space<vmem>>)
    %run_scoped3A = arith.constant 38 : i32
    "tpu.region"() ({
      %run_scoped3A_185 = tpu.sem_alloc : memref<!tpu.dma_semaphore, #tpu.memory_space<semaphore_mem>>
      %dma_start3A_186 = arith.constant 0 : i32
      %dma_start3A_187 = tpu.memref_slice %arg9[%run_scoped3A, %dma_start3A_186] : memref<40x128xi32, #tpu.memory_space<vmem>> -> memref<1x128xi32, #tpu.memory_space<vmem>>
      %dma_start3A_188 = tpu.memref_squeeze %dma_start3A_187 : memref<1x128xi32, #tpu.memory_space<vmem>> -> memref<128xi32, #tpu.memory_space<vmem>>
      %dma_start3A_189 = arith.constant 0 : i32
      %dma_start3A_190 = arith.constant 0 : i32
      %dma_start3A_191 = tpu.memref_slice %arg12[%dma_start3A_189, %dma_start3A_190] : memref<10240x128xf32, #tpu.memory_space<vmem_shared>> -> memref<10240x128xf32, #tpu.memory_space<vmem_shared>>
      tpu.enqueue_indirect_dma source(%arg10 : memref<128x128xf32, #tpu.memory_space<vmem>>) target(%dma_start3A_191 : memref<10240x128xf32, #tpu.memory_space<vmem_shared>>) offsets(%dma_start3A_188 : memref<128xi32, #tpu.memory_space<vmem>>) semaphore(%run_scoped3A_185 : memref<!tpu.dma_semaphore, #tpu.memory_space<semaphore_mem>>) {add = true}
      %dma_wait3A_192 = arith.constant 0 : i32
      %dma_wait3A_193 = tpu.memref_slice %arg9[%run_scoped3A, %dma_wait3A_192] : memref<40x128xi32, #tpu.memory_space<vmem>> -> memref<1x128xi32, #tpu.memory_space<vmem>>
      %dma_wait3A_194 = tpu.memref_squeeze %dma_wait3A_193 : memref<1x128xi32, #tpu.memory_space<vmem>> -> memref<128xi32, #tpu.memory_space<vmem>>
      %dma_wait3A_195 = arith.constant 0 : i32
      %dma_wait3A_196 = arith.constant 0 : i32
      %dma_wait3A_197 = tpu.memref_slice %arg12[%dma_wait3A_195, %dma_wait3A_196] : memref<10240x128xf32, #tpu.memory_space<vmem_shared>> -> memref<10240x128xf32, #tpu.memory_space<vmem_shared>>
      tpu.wait_indirect_dma semaphore(%run_scoped3A_185 : memref<!tpu.dma_semaphore, #tpu.memory_space<semaphore_mem>>) src(%arg10 : memref<128x128xf32, #tpu.memory_space<vmem>>) dst(%dma_wait3A_197 : memref<10240x128xf32, #tpu.memory_space<vmem_shared>>)
      tpu.yield
    }) : () -> ()
    %dma_wait3A_68 = arith.constant 39 : i32
    %dma_wait3A_69 = arith.constant 0 : i32
    %dma_wait3A_70 = arith.constant 0 : i32
    %dma_wait3A_71 = tpu.memref_slice %arg11[%dma_wait3A_69, %dma_wait3A_70] : memref<128x128xf32, #tpu.memory_space<vmem>> -> memref<64x128xf32, #tpu.memory_space<vmem>>
    %dma_wait3A_72 = arith.constant 0 : i32
    %dma_wait3A_73 = tpu.memref_slice %arg8[%dma_wait3A_68, %dma_wait3A_72] : memref<40x128xi32, #tpu.memory_space<vmem>> -> memref<1x64xi32, #tpu.memory_space<vmem>>
    %dma_wait3A_74 = tpu.memref_squeeze %dma_wait3A_73 : memref<1x64xi32, #tpu.memory_space<vmem>> -> memref<64xi32, #tpu.memory_space<vmem>>
    %dma_wait3A_75 = arith.constant 0 : i32
    %dma_wait3A_76 = arith.constant 0 : i32
    %dma_wait3A_77 = tpu.memref_slice %arg2[%dma_wait3A_75, %dma_wait3A_76] : memref<10000x128xf32, #tpu.memory_space<hbm>> -> memref<10000x128xf32, #tpu.memory_space<hbm>>
    tpu.wait_indirect_dma semaphore(%arg14 : memref<!tpu.dma_semaphore, #tpu.memory_space<semaphore_mem>>) src(%dma_wait3A_77 : memref<10000x128xf32, #tpu.memory_space<hbm>>) dst(%dma_wait3A_71 : memref<64x128xf32, #tpu.memory_space<vmem>>)
    %dma_wait3A_78 = arith.constant 39 : i32
    %dma_wait3A_79 = arith.constant 64 : i32
    %dma_wait3A_80 = arith.constant 0 : i32
    %dma_wait3A_81 = tpu.memref_slice %arg11[%dma_wait3A_79, %dma_wait3A_80] : memref<128x128xf32, #tpu.memory_space<vmem>> -> memref<64x128xf32, #tpu.memory_space<vmem>>
    %dma_wait3A_82 = arith.constant 64 : i32
    %dma_wait3A_83 = tpu.memref_slice %arg8[%dma_wait3A_78, %dma_wait3A_82] : memref<40x128xi32, #tpu.memory_space<vmem>> -> memref<1x64xi32, #tpu.memory_space<vmem>>
    %dma_wait3A_84 = tpu.memref_squeeze %dma_wait3A_83 : memref<1x64xi32, #tpu.memory_space<vmem>> -> memref<64xi32, #tpu.memory_space<vmem>>
    %dma_wait3A_85 = arith.constant 0 : i32
    %dma_wait3A_86 = arith.constant 0 : i32
    %dma_wait3A_87 = tpu.memref_slice %arg2[%dma_wait3A_85, %dma_wait3A_86] : memref<10000x128xf32, #tpu.memory_space<hbm>> -> memref<10000x128xf32, #tpu.memory_space<hbm>>
    tpu.wait_indirect_dma semaphore(%arg14 : memref<!tpu.dma_semaphore, #tpu.memory_space<semaphore_mem>>) src(%dma_wait3A_87 : memref<10000x128xf32, #tpu.memory_space<hbm>>) dst(%dma_wait3A_81 : memref<64x128xf32, #tpu.memory_space<vmem>>)
    %run_scoped3A_88 = arith.constant 39 : i32
    "tpu.region"() ({
      %run_scoped3A_185 = tpu.sem_alloc : memref<!tpu.dma_semaphore, #tpu.memory_space<semaphore_mem>>
      %dma_start3A_186 = arith.constant 0 : i32
      %dma_start3A_187 = tpu.memref_slice %arg9[%run_scoped3A_88, %dma_start3A_186] : memref<40x128xi32, #tpu.memory_space<vmem>> -> memref<1x128xi32, #tpu.memory_space<vmem>>
      %dma_start3A_188 = tpu.memref_squeeze %dma_start3A_187 : memref<1x128xi32, #tpu.memory_space<vmem>> -> memref<128xi32, #tpu.memory_space<vmem>>
      %dma_start3A_189 = arith.constant 0 : i32
      %dma_start3A_190 = arith.constant 0 : i32
      %dma_start3A_191 = tpu.memref_slice %arg12[%dma_start3A_189, %dma_start3A_190] : memref<10240x128xf32, #tpu.memory_space<vmem_shared>> -> memref<10240x128xf32, #tpu.memory_space<vmem_shared>>
      tpu.enqueue_indirect_dma source(%arg11 : memref<128x128xf32, #tpu.memory_space<vmem>>) target(%dma_start3A_191 : memref<10240x128xf32, #tpu.memory_space<vmem_shared>>) offsets(%dma_start3A_188 : memref<128xi32, #tpu.memory_space<vmem>>) semaphore(%run_scoped3A_185 : memref<!tpu.dma_semaphore, #tpu.memory_space<semaphore_mem>>) {add = true}
      %dma_wait3A_192 = arith.constant 0 : i32
      %dma_wait3A_193 = tpu.memref_slice %arg9[%run_scoped3A_88, %dma_wait3A_192] : memref<40x128xi32, #tpu.memory_space<vmem>> -> memref<1x128xi32, #tpu.memory_space<vmem>>
      %dma_wait3A_194 = tpu.memref_squeeze %dma_wait3A_193 : memref<1x128xi32, #tpu.memory_space<vmem>> -> memref<128xi32, #tpu.memory_space<vmem>>
      %dma_wait3A_195 = arith.constant 0 : i32
      %dma_wait3A_196 = arith.constant 0 : i32
      %dma_wait3A_197 = tpu.memref_slice %arg12[%dma_wait3A_195, %dma_wait3A_196] : memref<10240x128xf32, #tpu.memory_space<vmem_shared>> -> memref<10240x128xf32, #tpu.memory_space<vmem_shared>>
      tpu.wait_indirect_dma semaphore(%run_scoped3A_185 : memref<!tpu.dma_semaphore, #tpu.memory_space<semaphore_mem>>) src(%arg11 : memref<128x128xf32, #tpu.memory_space<vmem>>) dst(%dma_wait3A_197 : memref<10240x128xf32, #tpu.memory_space<vmem_shared>>)
      tpu.yield
    }) : () -> ()
    "tpu.region"() ({
      %run_scoped3A_185 = tpu.sem_alloc : memref<!tpu.dma_semaphore, #tpu.memory_space<semaphore_mem>>
      %dma_start3A_186 = arith.constant 40 : i32
      %dma_start3A_187 = arith.constant 0 : i32
      %dma_start3A_188 = tpu.memref_slice %arg3[%add3A, %dma_start3A_186, %dma_start3A_187] : memref<32x80x128xi32, #tpu.memory_space<hbm>> -> memref<1x40x128xi32, #tpu.memory_space<hbm>>
      %dma_start3A_189 = tpu.memref_squeeze %dma_start3A_188 : memref<1x40x128xi32, #tpu.memory_space<hbm>> -> memref<40x128xi32, #tpu.memory_space<hbm>>
      %dma_start3A_190 = arith.constant 40 : i32
      %dma_start3A_191 = arith.constant 0 : i32
      %dma_start3A_192 = tpu.memref_slice %arg3[%add3A, %dma_start3A_190, %dma_start3A_191] : memref<32x80x128xi32, #tpu.memory_space<hbm>> -> memref<1x40x128xi32, #tpu.memory_space<hbm>>
      %dma_start3A_193 = tpu.memref_squeeze %dma_start3A_192 : memref<1x40x128xi32, #tpu.memory_space<hbm>> -> memref<40x128xi32, #tpu.memory_space<hbm>>
      tpu.enqueue_dma source(%dma_start3A_193 : memref<40x128xi32, #tpu.memory_space<hbm>>) target(%arg8 : memref<40x128xi32, #tpu.memory_space<vmem>>) target_semaphore(%run_scoped3A_185 : memref<!tpu.dma_semaphore, #tpu.memory_space<semaphore_mem>>)
      %dma_wait3A_194 = arith.constant 40 : i32
      %dma_wait3A_195 = arith.constant 0 : i32
      %dma_wait3A_196 = tpu.memref_slice %arg3[%add3A, %dma_wait3A_194, %dma_wait3A_195] : memref<32x80x128xi32, #tpu.memory_space<hbm>> -> memref<1x40x128xi32, #tpu.memory_space<hbm>>
      %dma_wait3A_197 = tpu.memref_squeeze %dma_wait3A_196 : memref<1x40x128xi32, #tpu.memory_space<hbm>> -> memref<40x128xi32, #tpu.memory_space<hbm>>
      %dma_wait3A_198 = arith.constant 40 : i32
      %dma_wait3A_199 = arith.constant 0 : i32
      %dma_wait3A_200 = tpu.memref_slice %arg3[%add3A, %dma_wait3A_198, %dma_wait3A_199] : memref<32x80x128xi32, #tpu.memory_space<hbm>> -> memref<1x40x128xi32, #tpu.memory_space<hbm>>
      %dma_wait3A_201 = tpu.memref_squeeze %dma_wait3A_200 : memref<1x40x128xi32, #tpu.memory_space<hbm>> -> memref<40x128xi32, #tpu.memory_space<hbm>>
      tpu.wait_dma2 semaphore(%run_scoped3A_185 : memref<!tpu.dma_semaphore, #tpu.memory_space<semaphore_mem>>) src(%dma_wait3A_201 : memref<40x128xi32, #tpu.memory_space<hbm>>) dst(%arg8 : memref<40x128xi32, #tpu.memory_space<vmem>>)
      tpu.yield
    }) : () -> ()
    "tpu.region"() ({
      %run_scoped3A_185 = tpu.sem_alloc : memref<!tpu.dma_semaphore, #tpu.memory_space<semaphore_mem>>
      %dma_start3A_186 = arith.constant 40 : i32
      %dma_start3A_187 = arith.constant 0 : i32
      %dma_start3A_188 = tpu.memref_slice %arg4[%add3A, %dma_start3A_186, %dma_start3A_187] : memref<32x80x128xi32, #tpu.memory_space<hbm>> -> memref<1x40x128xi32, #tpu.memory_space<hbm>>
      %dma_start3A_189 = tpu.memref_squeeze %dma_start3A_188 : memref<1x40x128xi32, #tpu.memory_space<hbm>> -> memref<40x128xi32, #tpu.memory_space<hbm>>
      %dma_start3A_190 = arith.constant 40 : i32
      %dma_start3A_191 = arith.constant 0 : i32
      %dma_start3A_192 = tpu.memref_slice %arg4[%add3A, %dma_start3A_190, %dma_start3A_191] : memref<32x80x128xi32, #tpu.memory_space<hbm>> -> memref<1x40x128xi32, #tpu.memory_space<hbm>>
      %dma_start3A_193 = tpu.memref_squeeze %dma_start3A_192 : memref<1x40x128xi32, #tpu.memory_space<hbm>> -> memref<40x128xi32, #tpu.memory_space<hbm>>
      tpu.enqueue_dma source(%dma_start3A_193 : memref<40x128xi32, #tpu.memory_space<hbm>>) target(%arg9 : memref<40x128xi32, #tpu.memory_space<vmem>>) target_semaphore(%run_scoped3A_185 : memref<!tpu.dma_semaphore, #tpu.memory_space<semaphore_mem>>)
      %dma_wait3A_194 = arith.constant 40 : i32
      %dma_wait3A_195 = arith.constant 0 : i32
      %dma_wait3A_196 = tpu.memref_slice %arg4[%add3A, %dma_wait3A_194, %dma_wait3A_195] : memref<32x80x128xi32, #tpu.memory_space<hbm>> -> memref<1x40x128xi32, #tpu.memory_space<hbm>>
      %dma_wait3A_197 = tpu.memref_squeeze %dma_wait3A_196 : memref<1x40x128xi32, #tpu.memory_space<hbm>> -> memref<40x128xi32, #tpu.memory_space<hbm>>
      %dma_wait3A_198 = arith.constant 40 : i32
      %dma_wait3A_199 = arith.constant 0 : i32
      %dma_wait3A_200 = tpu.memref_slice %arg4[%add3A, %dma_wait3A_198, %dma_wait3A_199] : memref<32x80x128xi32, #tpu.memory_space<hbm>> -> memref<1x40x128xi32, #tpu.memory_space<hbm>>
      %dma_wait3A_201 = tpu.memref_squeeze %dma_wait3A_200 : memref<1x40x128xi32, #tpu.memory_space<hbm>> -> memref<40x128xi32, #tpu.memory_space<hbm>>
      tpu.wait_dma2 semaphore(%run_scoped3A_185 : memref<!tpu.dma_semaphore, #tpu.memory_space<semaphore_mem>>) src(%dma_wait3A_201 : memref<40x128xi32, #tpu.memory_space<hbm>>) dst(%arg9 : memref<40x128xi32, #tpu.memory_space<vmem>>)
      tpu.yield
    }) : () -> ()
    %dma_start3A_89 = arith.constant 0 : i32
    %dma_start3A_90 = arith.constant 0 : i32
    %dma_start3A_91 = arith.constant 0 : i32
    %dma_start3A_92 = tpu.memref_slice %arg10[%dma_start3A_90, %dma_start3A_91] : memref<128x128xf32, #tpu.memory_space<vmem>> -> memref<64x128xf32, #tpu.memory_space<vmem>>
    %dma_start3A_93 = arith.constant 0 : i32
    %dma_start3A_94 = tpu.memref_slice %arg8[%dma_start3A_89, %dma_start3A_93] : memref<40x128xi32, #tpu.memory_space<vmem>> -> memref<1x64xi32, #tpu.memory_space<vmem>>
    %dma_start3A_95 = tpu.memref_squeeze %dma_start3A_94 : memref<1x64xi32, #tpu.memory_space<vmem>> -> memref<64xi32, #tpu.memory_space<vmem>>
    %dma_start3A_96 = arith.constant 0 : i32
    %dma_start3A_97 = arith.constant 0 : i32
    %dma_start3A_98 = tpu.memref_slice %arg2[%dma_start3A_96, %dma_start3A_97] : memref<10000x128xf32, #tpu.memory_space<hbm>> -> memref<10000x128xf32, #tpu.memory_space<hbm>>
    tpu.enqueue_indirect_dma source(%dma_start3A_98 : memref<10000x128xf32, #tpu.memory_space<hbm>>) target(%dma_start3A_92 : memref<64x128xf32, #tpu.memory_space<vmem>>) offsets(%dma_start3A_95 : memref<64xi32, #tpu.memory_space<vmem>>) semaphore(%arg13 : memref<!tpu.dma_semaphore, #tpu.memory_space<semaphore_mem>>)
    %dma_start3A_99 = arith.constant 0 : i32
    %dma_start3A_100 = arith.constant 64 : i32
    %dma_start3A_101 = arith.constant 0 : i32
    %dma_start3A_102 = tpu.memref_slice %arg10[%dma_start3A_100, %dma_start3A_101] : memref<128x128xf32, #tpu.memory_space<vmem>> -> memref<64x128xf32, #tpu.memory_space<vmem>>
    %dma_start3A_103 = arith.constant 64 : i32
    %dma_start3A_104 = tpu.memref_slice %arg8[%dma_start3A_99, %dma_start3A_103] : memref<40x128xi32, #tpu.memory_space<vmem>> -> memref<1x64xi32, #tpu.memory_space<vmem>>
    %dma_start3A_105 = tpu.memref_squeeze %dma_start3A_104 : memref<1x64xi32, #tpu.memory_space<vmem>> -> memref<64xi32, #tpu.memory_space<vmem>>
    %dma_start3A_106 = arith.constant 0 : i32
    %dma_start3A_107 = arith.constant 0 : i32
    %dma_start3A_108 = tpu.memref_slice %arg2[%dma_start3A_106, %dma_start3A_107] : memref<10000x128xf32, #tpu.memory_space<hbm>> -> memref<10000x128xf32, #tpu.memory_space<hbm>>
    tpu.enqueue_indirect_dma source(%dma_start3A_108 : memref<10000x128xf32, #tpu.memory_space<hbm>>) target(%dma_start3A_102 : memref<64x128xf32, #tpu.memory_space<vmem>>) offsets(%dma_start3A_105 : memref<64xi32, #tpu.memory_space<vmem>>) semaphore(%arg13 : memref<!tpu.dma_semaphore, #tpu.memory_space<semaphore_mem>>)
    %dma_start3A_109 = arith.constant 1 : i32
    %dma_start3A_110 = arith.constant 0 : i32
    %dma_start3A_111 = arith.constant 0 : i32
    %dma_start3A_112 = tpu.memref_slice %arg11[%dma_start3A_110, %dma_start3A_111] : memref<128x128xf32, #tpu.memory_space<vmem>> -> memref<64x128xf32, #tpu.memory_space<vmem>>
    %dma_start3A_113 = arith.constant 0 : i32
    %dma_start3A_114 = tpu.memref_slice %arg8[%dma_start3A_109, %dma_start3A_113] : memref<40x128xi32, #tpu.memory_space<vmem>> -> memref<1x64xi32, #tpu.memory_space<vmem>>
    %dma_start3A_115 = tpu.memref_squeeze %dma_start3A_114 : memref<1x64xi32, #tpu.memory_space<vmem>> -> memref<64xi32, #tpu.memory_space<vmem>>
    %dma_start3A_116 = arith.constant 0 : i32
    %dma_start3A_117 = arith.constant 0 : i32
    %dma_start3A_118 = tpu.memref_slice %arg2[%dma_start3A_116, %dma_start3A_117] : memref<10000x128xf32, #tpu.memory_space<hbm>> -> memref<10000x128xf32, #tpu.memory_space<hbm>>
    tpu.enqueue_indirect_dma source(%dma_start3A_118 : memref<10000x128xf32, #tpu.memory_space<hbm>>) target(%dma_start3A_112 : memref<64x128xf32, #tpu.memory_space<vmem>>) offsets(%dma_start3A_115 : memref<64xi32, #tpu.memory_space<vmem>>) semaphore(%arg14 : memref<!tpu.dma_semaphore, #tpu.memory_space<semaphore_mem>>)
    %dma_start3A_119 = arith.constant 1 : i32
    %dma_start3A_120 = arith.constant 64 : i32
    %dma_start3A_121 = arith.constant 0 : i32
    %dma_start3A_122 = tpu.memref_slice %arg11[%dma_start3A_120, %dma_start3A_121] : memref<128x128xf32, #tpu.memory_space<vmem>> -> memref<64x128xf32, #tpu.memory_space<vmem>>
    %dma_start3A_123 = arith.constant 64 : i32
    %dma_start3A_124 = tpu.memref_slice %arg8[%dma_start3A_119, %dma_start3A_123] : memref<40x128xi32, #tpu.memory_space<vmem>> -> memref<1x64xi32, #tpu.memory_space<vmem>>
    %dma_start3A_125 = tpu.memref_squeeze %dma_start3A_124 : memref<1x64xi32, #tpu.memory_space<vmem>> -> memref<64xi32, #tpu.memory_space<vmem>>
    %dma_start3A_126 = arith.constant 0 : i32
    %dma_start3A_127 = arith.constant 0 : i32
    %dma_start3A_128 = tpu.memref_slice %arg2[%dma_start3A_126, %dma_start3A_127] : memref<10000x128xf32, #tpu.memory_space<hbm>> -> memref<10000x128xf32, #tpu.memory_space<hbm>>
    tpu.enqueue_indirect_dma source(%dma_start3A_128 : memref<10000x128xf32, #tpu.memory_space<hbm>>) target(%dma_start3A_122 : memref<64x128xf32, #tpu.memory_space<vmem>>) offsets(%dma_start3A_125 : memref<64xi32, #tpu.memory_space<vmem>>) semaphore(%arg14 : memref<!tpu.dma_semaphore, #tpu.memory_space<semaphore_mem>>)
    %scan3A_129 = arith.constant 0 : i32
    %scan3A_130 = arith.constant 0 : i32
    %scan3A_131 = arith.constant 19 : i32
    %scan3A_132 = arith.addi %scan3A_130, %scan3A_131 : i32
    %scan3A_133 = arith.constant 1 : i32
    scf.for %scan3A_185 = %scan3A_130 to %scan3A_132 step %scan3A_133  : i32 {
      %mul3A_186 = arith.constant 2 : i32
      %mul3A_187 = arith.muli %mul3A_186, %scan3A_185 : i32
      %dma_wait3A_188 = arith.constant 0 : i32
      %dma_wait3A_189 = arith.constant 0 : i32
      %dma_wait3A_190 = tpu.memref_slice %arg10[%dma_wait3A_188, %dma_wait3A_189] : memref<128x128xf32, #tpu.memory_space<vmem>> -> memref<64x128xf32, #tpu.memory_space<vmem>>
      %dma_wait3A_191 = arith.constant 0 : i32
      %dma_wait3A_192 = tpu.memref_slice %arg8[%mul3A_187, %dma_wait3A_191] : memref<40x128xi32, #tpu.memory_space<vmem>> -> memref<1x64xi32, #tpu.memory_space<vmem>>
      %dma_wait3A_193 = tpu.memref_squeeze %dma_wait3A_192 : memref<1x64xi32, #tpu.memory_space<vmem>> -> memref<64xi32, #tpu.memory_space<vmem>>
      %dma_wait3A_194 = arith.constant 0 : i32
      %dma_wait3A_195 = arith.constant 0 : i32
      %dma_wait3A_196 = tpu.memref_slice %arg2[%dma_wait3A_194, %dma_wait3A_195] : memref<10000x128xf32, #tpu.memory_space<hbm>> -> memref<10000x128xf32, #tpu.memory_space<hbm>>
      tpu.wait_indirect_dma semaphore(%arg13 : memref<!tpu.dma_semaphore, #tpu.memory_space<semaphore_mem>>) src(%dma_wait3A_196 : memref<10000x128xf32, #tpu.memory_space<hbm>>) dst(%dma_wait3A_190 : memref<64x128xf32, #tpu.memory_space<vmem>>)
      %dma_wait3A_197 = arith.constant 64 : i32
      %dma_wait3A_198 = arith.constant 0 : i32
      %dma_wait3A_199 = tpu.memref_slice %arg10[%dma_wait3A_197, %dma_wait3A_198] : memref<128x128xf32, #tpu.memory_space<vmem>> -> memref<64x128xf32, #tpu.memory_space<vmem>>
      %dma_wait3A_200 = arith.constant 64 : i32
      %dma_wait3A_201 = tpu.memref_slice %arg8[%mul3A_187, %dma_wait3A_200] : memref<40x128xi32, #tpu.memory_space<vmem>> -> memref<1x64xi32, #tpu.memory_space<vmem>>
      %dma_wait3A_202 = tpu.memref_squeeze %dma_wait3A_201 : memref<1x64xi32, #tpu.memory_space<vmem>> -> memref<64xi32, #tpu.memory_space<vmem>>
      %dma_wait3A_203 = arith.constant 0 : i32
      %dma_wait3A_204 = arith.constant 0 : i32
      %dma_wait3A_205 = tpu.memref_slice %arg2[%dma_wait3A_203, %dma_wait3A_204] : memref<10000x128xf32, #tpu.memory_space<hbm>> -> memref<10000x128xf32, #tpu.memory_space<hbm>>
      tpu.wait_indirect_dma semaphore(%arg13 : memref<!tpu.dma_semaphore, #tpu.memory_space<semaphore_mem>>) src(%dma_wait3A_205 : memref<10000x128xf32, #tpu.memory_space<hbm>>) dst(%dma_wait3A_199 : memref<64x128xf32, #tpu.memory_space<vmem>>)
      "tpu.region"() ({
        %run_scoped3A_268 = tpu.sem_alloc : memref<!tpu.dma_semaphore, #tpu.memory_space<semaphore_mem>>
        %dma_start3A_269 = arith.constant 0 : i32
        %dma_start3A_270 = tpu.memref_slice %arg9[%mul3A_187, %dma_start3A_269] : memref<40x128xi32, #tpu.memory_space<vmem>> -> memref<1x128xi32, #tpu.memory_space<vmem>>
        %dma_start3A_271 = tpu.memref_squeeze %dma_start3A_270 : memref<1x128xi32, #tpu.memory_space<vmem>> -> memref<128xi32, #tpu.memory_space<vmem>>
        %dma_start3A_272 = arith.constant 0 : i32
        %dma_start3A_273 = arith.constant 0 : i32
        %dma_start3A_274 = tpu.memref_slice %arg12[%dma_start3A_272, %dma_start3A_273] : memref<10240x128xf32, #tpu.memory_space<vmem_shared>> -> memref<10240x128xf32, #tpu.memory_space<vmem_shared>>
        tpu.enqueue_indirect_dma source(%arg10 : memref<128x128xf32, #tpu.memory_space<vmem>>) target(%dma_start3A_274 : memref<10240x128xf32, #tpu.memory_space<vmem_shared>>) offsets(%dma_start3A_271 : memref<128xi32, #tpu.memory_space<vmem>>) semaphore(%run_scoped3A_268 : memref<!tpu.dma_semaphore, #tpu.memory_space<semaphore_mem>>) {add = true}
        %dma_wait3A_275 = arith.constant 0 : i32
        %dma_wait3A_276 = tpu.memref_slice %arg9[%mul3A_187, %dma_wait3A_275] : memref<40x128xi32, #tpu.memory_space<vmem>> -> memref<1x128xi32, #tpu.memory_space<vmem>>
        %dma_wait3A_277 = tpu.memref_squeeze %dma_wait3A_276 : memref<1x128xi32, #tpu.memory_space<vmem>> -> memref<128xi32, #tpu.memory_space<vmem>>
        %dma_wait3A_278 = arith.constant 0 : i32
        %dma_wait3A_279 = arith.constant 0 : i32
        %dma_wait3A_280 = tpu.memref_slice %arg12[%dma_wait3A_278, %dma_wait3A_279] : memref<10240x128xf32, #tpu.memory_space<vmem_shared>> -> memref<10240x128xf32, #tpu.memory_space<vmem_shared>>
        tpu.wait_indirect_dma semaphore(%run_scoped3A_268 : memref<!tpu.dma_semaphore, #tpu.memory_space<semaphore_mem>>) src(%arg10 : memref<128x128xf32, #tpu.memory_space<vmem>>) dst(%dma_wait3A_280 : memref<10240x128xf32, #tpu.memory_space<vmem_shared>>)
        tpu.yield
      }) : () -> ()
      %add3A_206 = arith.constant 2 : i32
      %add3A_207 = arith.addi %mul3A_187, %add3A_206 : i32
      %dma_start3A_208 = arith.constant 0 : i32
      %dma_start3A_209 = arith.constant 0 : i32
      %dma_start3A_210 = tpu.memref_slice %arg10[%dma_start3A_208, %dma_start3A_209] : memref<128x128xf32, #tpu.memory_space<vmem>> -> memref<64x128xf32, #tpu.memory_space<vmem>>
      %dma_start3A_211 = arith.constant 0 : i32
      %dma_start3A_212 = tpu.memref_slice %arg8[%add3A_207, %dma_start3A_211] : memref<40x128xi32, #tpu.memory_space<vmem>> -> memref<1x64xi32, #tpu.memory_space<vmem>>
      %dma_start3A_213 = tpu.memref_squeeze %dma_start3A_212 : memref<1x64xi32, #tpu.memory_space<vmem>> -> memref<64xi32, #tpu.memory_space<vmem>>
      %dma_start3A_214 = arith.constant 0 : i32
      %dma_start3A_215 = arith.constant 0 : i32
      %dma_start3A_216 = tpu.memref_slice %arg2[%dma_start3A_214, %dma_start3A_215] : memref<10000x128xf32, #tpu.memory_space<hbm>> -> memref<10000x128xf32, #tpu.memory_space<hbm>>
      tpu.enqueue_indirect_dma source(%dma_start3A_216 : memref<10000x128xf32, #tpu.memory_space<hbm>>) target(%dma_start3A_210 : memref<64x128xf32, #tpu.memory_space<vmem>>) offsets(%dma_start3A_213 : memref<64xi32, #tpu.memory_space<vmem>>) semaphore(%arg13 : memref<!tpu.dma_semaphore, #tpu.memory_space<semaphore_mem>>)
      %dma_start3A_217 = arith.constant 64 : i32
      %dma_start3A_218 = arith.constant 0 : i32
      %dma_start3A_219 = tpu.memref_slice %arg10[%dma_start3A_217, %dma_start3A_218] : memref<128x128xf32, #tpu.memory_space<vmem>> -> memref<64x128xf32, #tpu.memory_space<vmem>>
      %dma_start3A_220 = arith.constant 64 : i32
      %dma_start3A_221 = tpu.memref_slice %arg8[%add3A_207, %dma_start3A_220] : memref<40x128xi32, #tpu.memory_space<vmem>> -> memref<1x64xi32, #tpu.memory_space<vmem>>
      %dma_start3A_222 = tpu.memref_squeeze %dma_start3A_221 : memref<1x64xi32, #tpu.memory_space<vmem>> -> memref<64xi32, #tpu.memory_space<vmem>>
      %dma_start3A_223 = arith.constant 0 : i32
      %dma_start3A_224 = arith.constant 0 : i32
      %dma_start3A_225 = tpu.memref_slice %arg2[%dma_start3A_223, %dma_start3A_224] : memref<10000x128xf32, #tpu.memory_space<hbm>> -> memref<10000x128xf32, #tpu.memory_space<hbm>>
      tpu.enqueue_indirect_dma source(%dma_start3A_225 : memref<10000x128xf32, #tpu.memory_space<hbm>>) target(%dma_start3A_219 : memref<64x128xf32, #tpu.memory_space<vmem>>) offsets(%dma_start3A_222 : memref<64xi32, #tpu.memory_space<vmem>>) semaphore(%arg13 : memref<!tpu.dma_semaphore, #tpu.memory_space<semaphore_mem>>)
      %add3A_226 = arith.constant 1 : i32
      %add3A_227 = arith.addi %mul3A_187, %add3A_226 : i32
      %dma_wait3A_228 = arith.constant 0 : i32
      %dma_wait3A_229 = arith.constant 0 : i32
      %dma_wait3A_230 = tpu.memref_slice %arg11[%dma_wait3A_228, %dma_wait3A_229] : memref<128x128xf32, #tpu.memory_space<vmem>> -> memref<64x128xf32, #tpu.memory_space<vmem>>
      %dma_wait3A_231 = arith.constant 0 : i32
      %dma_wait3A_232 = tpu.memref_slice %arg8[%add3A_227, %dma_wait3A_231] : memref<40x128xi32, #tpu.memory_space<vmem>> -> memref<1x64xi32, #tpu.memory_space<vmem>>
      %dma_wait3A_233 = tpu.memref_squeeze %dma_wait3A_232 : memref<1x64xi32, #tpu.memory_space<vmem>> -> memref<64xi32, #tpu.memory_space<vmem>>
      %dma_wait3A_234 = arith.constant 0 : i32
      %dma_wait3A_235 = arith.constant 0 : i32
      %dma_wait3A_236 = tpu.memref_slice %arg2[%dma_wait3A_234, %dma_wait3A_235] : memref<10000x128xf32, #tpu.memory_space<hbm>> -> memref<10000x128xf32, #tpu.memory_space<hbm>>
      tpu.wait_indirect_dma semaphore(%arg14 : memref<!tpu.dma_semaphore, #tpu.memory_space<semaphore_mem>>) src(%dma_wait3A_236 : memref<10000x128xf32, #tpu.memory_space<hbm>>) dst(%dma_wait3A_230 : memref<64x128xf32, #tpu.memory_space<vmem>>)
      %dma_wait3A_237 = arith.constant 64 : i32
      %dma_wait3A_238 = arith.constant 0 : i32
      %dma_wait3A_239 = tpu.memref_slice %arg11[%dma_wait3A_237, %dma_wait3A_238] : memref<128x128xf32, #tpu.memory_space<vmem>> -> memref<64x128xf32, #tpu.memory_space<vmem>>
      %dma_wait3A_240 = arith.constant 64 : i32
      %dma_wait3A_241 = tpu.memref_slice %arg8[%add3A_227, %dma_wait3A_240] : memref<40x128xi32, #tpu.memory_space<vmem>> -> memref<1x64xi32, #tpu.memory_space<vmem>>
      %dma_wait3A_242 = tpu.memref_squeeze %dma_wait3A_241 : memref<1x64xi32, #tpu.memory_space<vmem>> -> memref<64xi32, #tpu.memory_space<vmem>>
      %dma_wait3A_243 = arith.constant 0 : i32
      %dma_wait3A_244 = arith.constant 0 : i32
      %dma_wait3A_245 = tpu.memref_slice %arg2[%dma_wait3A_243, %dma_wait3A_244] : memref<10000x128xf32, #tpu.memory_space<hbm>> -> memref<10000x128xf32, #tpu.memory_space<hbm>>
      tpu.wait_indirect_dma semaphore(%arg14 : memref<!tpu.dma_semaphore, #tpu.memory_space<semaphore_mem>>) src(%dma_wait3A_245 : memref<10000x128xf32, #tpu.memory_space<hbm>>) dst(%dma_wait3A_239 : memref<64x128xf32, #tpu.memory_space<vmem>>)
      %add3A_246 = arith.constant 1 : i32
      %add3A_247 = arith.addi %mul3A_187, %add3A_246 : i32
      "tpu.region"() ({
        %run_scoped3A_268 = tpu.sem_alloc : memref<!tpu.dma_semaphore, #tpu.memory_space<semaphore_mem>>
        %dma_start3A_269 = arith.constant 0 : i32
        %dma_start3A_270 = tpu.memref_slice %arg9[%add3A_247, %dma_start3A_269] : memref<40x128xi32, #tpu.memory_space<vmem>> -> memref<1x128xi32, #tpu.memory_space<vmem>>
        %dma_start3A_271 = tpu.memref_squeeze %dma_start3A_270 : memref<1x128xi32, #tpu.memory_space<vmem>> -> memref<128xi32, #tpu.memory_space<vmem>>
        %dma_start3A_272 = arith.constant 0 : i32
        %dma_start3A_273 = arith.constant 0 : i32
        %dma_start3A_274 = tpu.memref_slice %arg12[%dma_start3A_272, %dma_start3A_273] : memref<10240x128xf32, #tpu.memory_space<vmem_shared>> -> memref<10240x128xf32, #tpu.memory_space<vmem_shared>>
        tpu.enqueue_indirect_dma source(%arg11 : memref<128x128xf32, #tpu.memory_space<vmem>>) target(%dma_start3A_274 : memref<10240x128xf32, #tpu.memory_space<vmem_shared>>) offsets(%dma_start3A_271 : memref<128xi32, #tpu.memory_space<vmem>>) semaphore(%run_scoped3A_268 : memref<!tpu.dma_semaphore, #tpu.memory_space<semaphore_mem>>) {add = true}
        %dma_wait3A_275 = arith.constant 0 : i32
        %dma_wait3A_276 = tpu.memref_slice %arg9[%add3A_247, %dma_wait3A_275] : memref<40x128xi32, #tpu.memory_space<vmem>> -> memref<1x128xi32, #tpu.memory_space<vmem>>
        %dma_wait3A_277 = tpu.memref_squeeze %dma_wait3A_276 : memref<1x128xi32, #tpu.memory_space<vmem>> -> memref<128xi32, #tpu.memory_space<vmem>>
        %dma_wait3A_278 = arith.constant 0 : i32
        %dma_wait3A_279 = arith.constant 0 : i32
        %dma_wait3A_280 = tpu.memref_slice %arg12[%dma_wait3A_278, %dma_wait3A_279] : memref<10240x128xf32, #tpu.memory_space<vmem_shared>> -> memref<10240x128xf32, #tpu.memory_space<vmem_shared>>
        tpu.wait_indirect_dma semaphore(%run_scoped3A_268 : memref<!tpu.dma_semaphore, #tpu.memory_space<semaphore_mem>>) src(%arg11 : memref<128x128xf32, #tpu.memory_space<vmem>>) dst(%dma_wait3A_280 : memref<10240x128xf32, #tpu.memory_space<vmem_shared>>)
        tpu.yield
      }) : () -> ()
      %add3A_248 = arith.constant 3 : i32
      %add3A_249 = arith.addi %mul3A_187, %add3A_248 : i32
      %dma_start3A_250 = arith.constant 0 : i32
      %dma_start3A_251 = arith.constant 0 : i32
      %dma_start3A_252 = tpu.memref_slice %arg11[%dma_start3A_250, %dma_start3A_251] : memref<128x128xf32, #tpu.memory_space<vmem>> -> memref<64x128xf32, #tpu.memory_space<vmem>>
      %dma_start3A_253 = arith.constant 0 : i32
      %dma_start3A_254 = tpu.memref_slice %arg8[%add3A_249, %dma_start3A_253] : memref<40x128xi32, #tpu.memory_space<vmem>> -> memref<1x64xi32, #tpu.memory_space<vmem>>
      %dma_start3A_255 = tpu.memref_squeeze %dma_start3A_254 : memref<1x64xi32, #tpu.memory_space<vmem>> -> memref<64xi32, #tpu.memory_space<vmem>>
      %dma_start3A_256 = arith.constant 0 : i32
      %dma_start3A_257 = arith.constant 0 : i32
      %dma_start3A_258 = tpu.memref_slice %arg2[%dma_start3A_256, %dma_start3A_257] : memref<10000x128xf32, #tpu.memory_space<hbm>> -> memref<10000x128xf32, #tpu.memory_space<hbm>>
      tpu.enqueue_indirect_dma source(%dma_start3A_258 : memref<10000x128xf32, #tpu.memory_space<hbm>>) target(%dma_start3A_252 : memref<64x128xf32, #tpu.memory_space<vmem>>) offsets(%dma_start3A_255 : memref<64xi32, #tpu.memory_space<vmem>>) semaphore(%arg14 : memref<!tpu.dma_semaphore, #tpu.memory_space<semaphore_mem>>)
      %dma_start3A_259 = arith.constant 64 : i32
      %dma_start3A_260 = arith.constant 0 : i32
      %dma_start3A_261 = tpu.memref_slice %arg11[%dma_start3A_259, %dma_start3A_260] : memref<128x128xf32, #tpu.memory_space<vmem>> -> memref<64x128xf32, #tpu.memory_space<vmem>>
      %dma_start3A_262 = arith.constant 64 : i32
      %dma_start3A_263 = tpu.memref_slice %arg8[%add3A_249, %dma_start3A_262] : memref<40x128xi32, #tpu.memory_space<vmem>> -> memref<1x64xi32, #tpu.memory_space<vmem>>
      %dma_start3A_264 = tpu.memref_squeeze %dma_start3A_263 : memref<1x64xi32, #tpu.memory_space<vmem>> -> memref<64xi32, #tpu.memory_space<vmem>>
      %dma_start3A_265 = arith.constant 0 : i32
      %dma_start3A_266 = arith.constant 0 : i32
      %dma_start3A_267 = tpu.memref_slice %arg2[%dma_start3A_265, %dma_start3A_266] : memref<10000x128xf32, #tpu.memory_space<hbm>> -> memref<10000x128xf32, #tpu.memory_space<hbm>>
      tpu.enqueue_indirect_dma source(%dma_start3A_267 : memref<10000x128xf32, #tpu.memory_space<hbm>>) target(%dma_start3A_261 : memref<64x128xf32, #tpu.memory_space<vmem>>) offsets(%dma_start3A_264 : memref<64xi32, #tpu.memory_space<vmem>>) semaphore(%arg14 : memref<!tpu.dma_semaphore, #tpu.memory_space<semaphore_mem>>)
    }
    %scan3A_134 = arith.constant 19 : i32
    %dma_wait3A_135 = arith.constant 38 : i32
    %dma_wait3A_136 = arith.constant 0 : i32
    %dma_wait3A_137 = arith.constant 0 : i32
    %dma_wait3A_138 = tpu.memref_slice %arg10[%dma_wait3A_136, %dma_wait3A_137] : memref<128x128xf32, #tpu.memory_space<vmem>> -> memref<64x128xf32, #tpu.memory_space<vmem>>
    %dma_wait3A_139 = arith.constant 0 : i32
    %dma_wait3A_140 = tpu.memref_slice %arg8[%dma_wait3A_135, %dma_wait3A_139] : memref<40x128xi32, #tpu.memory_space<vmem>> -> memref<1x64xi32, #tpu.memory_space<vmem>>
    %dma_wait3A_141 = tpu.memref_squeeze %dma_wait3A_140 : memref<1x64xi32, #tpu.memory_space<vmem>> -> memref<64xi32, #tpu.memory_space<vmem>>
    %dma_wait3A_142 = arith.constant 0 : i32
    %dma_wait3A_143 = arith.constant 0 : i32
    %dma_wait3A_144 = tpu.memref_slice %arg2[%dma_wait3A_142, %dma_wait3A_143] : memref<10000x128xf32, #tpu.memory_space<hbm>> -> memref<10000x128xf32, #tpu.memory_space<hbm>>
    tpu.wait_indirect_dma semaphore(%arg13 : memref<!tpu.dma_semaphore, #tpu.memory_space<semaphore_mem>>) src(%dma_wait3A_144 : memref<10000x128xf32, #tpu.memory_space<hbm>>) dst(%dma_wait3A_138 : memref<64x128xf32, #tpu.memory_space<vmem>>)
    %dma_wait3A_145 = arith.constant 38 : i32
    %dma_wait3A_146 = arith.constant 64 : i32
    %dma_wait3A_147 = arith.constant 0 : i32
    %dma_wait3A_148 = tpu.memref_slice %arg10[%dma_wait3A_146, %dma_wait3A_147] : memref<128x128xf32, #tpu.memory_space<vmem>> -> memref<64x128xf32, #tpu.memory_space<vmem>>
    %dma_wait3A_149 = arith.constant 64 : i32
    %dma_wait3A_150 = tpu.memref_slice %arg8[%dma_wait3A_145, %dma_wait3A_149] : memref<40x128xi32, #tpu.memory_space<vmem>> -> memref<1x64xi32, #tpu.memory_space<vmem>>
    %dma_wait3A_151 = tpu.memref_squeeze %dma_wait3A_150 : memref<1x64xi32, #tpu.memory_space<vmem>> -> memref<64xi32, #tpu.memory_space<vmem>>
    %dma_wait3A_152 = arith.constant 0 : i32
    %dma_wait3A_153 = arith.constant 0 : i32
    %dma_wait3A_154 = tpu.memref_slice %arg2[%dma_wait3A_152, %dma_wait3A_153] : memref<10000x128xf32, #tpu.memory_space<hbm>> -> memref<10000x128xf32, #tpu.memory_space<hbm>>
    tpu.wait_indirect_dma semaphore(%arg13 : memref<!tpu.dma_semaphore, #tpu.memory_space<semaphore_mem>>) src(%dma_wait3A_154 : memref<10000x128xf32, #tpu.memory_space<hbm>>) dst(%dma_wait3A_148 : memref<64x128xf32, #tpu.memory_space<vmem>>)
    %run_scoped3A_155 = arith.constant 38 : i32
    "tpu.region"() ({
      %run_scoped3A_185 = tpu.sem_alloc : memref<!tpu.dma_semaphore, #tpu.memory_space<semaphore_mem>>
      %dma_start3A_186 = arith.constant 0 : i32
      %dma_start3A_187 = tpu.memref_slice %arg9[%run_scoped3A_155, %dma_start3A_186] : memref<40x128xi32, #tpu.memory_space<vmem>> -> memref<1x128xi32, #tpu.memory_space<vmem>>
      %dma_start3A_188 = tpu.memref_squeeze %dma_start3A_187 : memref<1x128xi32, #tpu.memory_space<vmem>> -> memref<128xi32, #tpu.memory_space<vmem>>
      %dma_start3A_189 = arith.constant 0 : i32
      %dma_start3A_190 = arith.constant 0 : i32
      %dma_start3A_191 = tpu.memref_slice %arg12[%dma_start3A_189, %dma_start3A_190] : memref<10240x128xf32, #tpu.memory_space<vmem_shared>> -> memref<10240x128xf32, #tpu.memory_space<vmem_shared>>
      tpu.enqueue_indirect_dma source(%arg10 : memref<128x128xf32, #tpu.memory_space<vmem>>) target(%dma_start3A_191 : memref<10240x128xf32, #tpu.memory_space<vmem_shared>>) offsets(%dma_start3A_188 : memref<128xi32, #tpu.memory_space<vmem>>) semaphore(%run_scoped3A_185 : memref<!tpu.dma_semaphore, #tpu.memory_space<semaphore_mem>>) {add = true}
      %dma_wait3A_192 = arith.constant 0 : i32
      %dma_wait3A_193 = tpu.memref_slice %arg9[%run_scoped3A_155, %dma_wait3A_192] : memref<40x128xi32, #tpu.memory_space<vmem>> -> memref<1x128xi32, #tpu.memory_space<vmem>>
      %dma_wait3A_194 = tpu.memref_squeeze %dma_wait3A_193 : memref<1x128xi32, #tpu.memory_space<vmem>> -> memref<128xi32, #tpu.memory_space<vmem>>
      %dma_wait3A_195 = arith.constant 0 : i32
      %dma_wait3A_196 = arith.constant 0 : i32
      %dma_wait3A_197 = tpu.memref_slice %arg12[%dma_wait3A_195, %dma_wait3A_196] : memref<10240x128xf32, #tpu.memory_space<vmem_shared>> -> memref<10240x128xf32, #tpu.memory_space<vmem_shared>>
      tpu.wait_indirect_dma semaphore(%run_scoped3A_185 : memref<!tpu.dma_semaphore, #tpu.memory_space<semaphore_mem>>) src(%arg10 : memref<128x128xf32, #tpu.memory_space<vmem>>) dst(%dma_wait3A_197 : memref<10240x128xf32, #tpu.memory_space<vmem_shared>>)
      tpu.yield
    }) : () -> ()
    %dma_wait3A_156 = arith.constant 39 : i32
    %dma_wait3A_157 = arith.constant 0 : i32
    %dma_wait3A_158 = arith.constant 0 : i32
    %dma_wait3A_159 = tpu.memref_slice %arg11[%dma_wait3A_157, %dma_wait3A_158] : memref<128x128xf32, #tpu.memory_space<vmem>> -> memref<64x128xf32, #tpu.memory_space<vmem>>
    %dma_wait3A_160 = arith.constant 0 : i32
    %dma_wait3A_161 = tpu.memref_slice %arg8[%dma_wait3A_156, %dma_wait3A_160] : memref<40x128xi32, #tpu.memory_space<vmem>> -> memref<1x64xi32, #tpu.memory_space<vmem>>
    %dma_wait3A_162 = tpu.memref_squeeze %dma_wait3A_161 : memref<1x64xi32, #tpu.memory_space<vmem>> -> memref<64xi32, #tpu.memory_space<vmem>>
    %dma_wait3A_163 = arith.constant 0 : i32
    %dma_wait3A_164 = arith.constant 0 : i32
    %dma_wait3A_165 = tpu.memref_slice %arg2[%dma_wait3A_163, %dma_wait3A_164] : memref<10000x128xf32, #tpu.memory_space<hbm>> -> memref<10000x128xf32, #tpu.memory_space<hbm>>
    tpu.wait_indirect_dma semaphore(%arg14 : memref<!tpu.dma_semaphore, #tpu.memory_space<semaphore_mem>>) src(%dma_wait3A_165 : memref<10000x128xf32, #tpu.memory_space<hbm>>) dst(%dma_wait3A_159 : memref<64x128xf32, #tpu.memory_space<vmem>>)
    %dma_wait3A_166 = arith.constant 39 : i32
    %dma_wait3A_167 = arith.constant 64 : i32
    %dma_wait3A_168 = arith.constant 0 : i32
    %dma_wait3A_169 = tpu.memref_slice %arg11[%dma_wait3A_167, %dma_wait3A_168] : memref<128x128xf32, #tpu.memory_space<vmem>> -> memref<64x128xf32, #tpu.memory_space<vmem>>
    %dma_wait3A_170 = arith.constant 64 : i32
    %dma_wait3A_171 = tpu.memref_slice %arg8[%dma_wait3A_166, %dma_wait3A_170] : memref<40x128xi32, #tpu.memory_space<vmem>> -> memref<1x64xi32, #tpu.memory_space<vmem>>
    %dma_wait3A_172 = tpu.memref_squeeze %dma_wait3A_171 : memref<1x64xi32, #tpu.memory_space<vmem>> -> memref<64xi32, #tpu.memory_space<vmem>>
    %dma_wait3A_173 = arith.constant 0 : i32
    %dma_wait3A_174 = arith.constant 0 : i32
    %dma_wait3A_175 = tpu.memref_slice %arg2[%dma_wait3A_173, %dma_wait3A_174] : memref<10000x128xf32, #tpu.memory_space<hbm>> -> memref<10000x128xf32, #tpu.memory_space<hbm>>
    tpu.wait_indirect_dma semaphore(%arg14 : memref<!tpu.dma_semaphore, #tpu.memory_space<semaphore_mem>>) src(%dma_wait3A_175 : memref<10000x128xf32, #tpu.memory_space<hbm>>) dst(%dma_wait3A_169 : memref<64x128xf32, #tpu.memory_space<vmem>>)
    %run_scoped3A_176 = arith.constant 39 : i32
    "tpu.region"() ({
      %run_scoped3A_185 = tpu.sem_alloc : memref<!tpu.dma_semaphore, #tpu.memory_space<semaphore_mem>>
      %dma_start3A_186 = arith.constant 0 : i32
      %dma_start3A_187 = tpu.memref_slice %arg9[%run_scoped3A_176, %dma_start3A_186] : memref<40x128xi32, #tpu.memory_space<vmem>> -> memref<1x128xi32, #tpu.memory_space<vmem>>
      %dma_start3A_188 = tpu.memref_squeeze %dma_start3A_187 : memref<1x128xi32, #tpu.memory_space<vmem>> -> memref<128xi32, #tpu.memory_space<vmem>>
      %dma_start3A_189 = arith.constant 0 : i32
      %dma_start3A_190 = arith.constant 0 : i32
      %dma_start3A_191 = tpu.memref_slice %arg12[%dma_start3A_189, %dma_start3A_190] : memref<10240x128xf32, #tpu.memory_space<vmem_shared>> -> memref<10240x128xf32, #tpu.memory_space<vmem_shared>>
      tpu.enqueue_indirect_dma source(%arg11 : memref<128x128xf32, #tpu.memory_space<vmem>>) target(%dma_start3A_191 : memref<10240x128xf32, #tpu.memory_space<vmem_shared>>) offsets(%dma_start3A_188 : memref<128xi32, #tpu.memory_space<vmem>>) semaphore(%run_scoped3A_185 : memref<!tpu.dma_semaphore, #tpu.memory_space<semaphore_mem>>) {add = true}
      %dma_wait3A_192 = arith.constant 0 : i32
      %dma_wait3A_193 = tpu.memref_slice %arg9[%run_scoped3A_176, %dma_wait3A_192] : memref<40x128xi32, #tpu.memory_space<vmem>> -> memref<1x128xi32, #tpu.memory_space<vmem>>
      %dma_wait3A_194 = tpu.memref_squeeze %dma_wait3A_193 : memref<1x128xi32, #tpu.memory_space<vmem>> -> memref<128xi32, #tpu.memory_space<vmem>>
      %dma_wait3A_195 = arith.constant 0 : i32
      %dma_wait3A_196 = arith.constant 0 : i32
      %dma_wait3A_197 = tpu.memref_slice %arg12[%dma_wait3A_195, %dma_wait3A_196] : memref<10240x128xf32, #tpu.memory_space<vmem_shared>> -> memref<10240x128xf32, #tpu.memory_space<vmem_shared>>
      tpu.wait_indirect_dma semaphore(%run_scoped3A_185 : memref<!tpu.dma_semaphore, #tpu.memory_space<semaphore_mem>>) src(%arg11 : memref<128x128xf32, #tpu.memory_space<vmem>>) dst(%dma_wait3A_197 : memref<10240x128xf32, #tpu.memory_space<vmem_shared>>)
      tpu.yield
    }) : () -> ()
    %barrier3A_177 = arith.constant 0 : index
    tpu.barrier barrier_id(%barrier3A_177)
    %eq3A = arith.constant 0 : i32
    %eq3A_178 = arith.cmpi eq, %arg0, %eq3A : i32
    %convert_element_type3A = arith.extui %eq3A_178 : i1 to i32
    %cond3A = arith.constant 0 : i32
    %cond3A_179 = arith.cmpi ne, %convert_element_type3A, %cond3A : i32
    scf.if %cond3A_179 {
      %mul3A_185 = arith.constant 640 : i32
      %mul3A_186 = arith.muli %arg1, %mul3A_185 : i32
      %mul3A_187 = arith.constant 640 : i32
      %mul3A_188 = arith.muli %arg1, %mul3A_187 : i32
      "tpu.region"() ({
        %run_scoped3A_189 = tpu.sem_alloc : memref<!tpu.dma_semaphore, #tpu.memory_space<semaphore_mem>>
        %dma_start3A_190 = arith.constant 0 : i32
        %dma_start3A_191 = tpu.memref_slice %arg6[%mul3A_188, %dma_start3A_190] : memref<10240x128xf32, #tpu.memory_space<hbm>> -> memref<640x128xf32, #tpu.memory_space<hbm>>
        %dma_start3A_192 = arith.constant 0 : i32
        %dma_start3A_193 = tpu.memref_slice %arg12[%mul3A_186, %dma_start3A_192] : memref<10240x128xf32, #tpu.memory_space<vmem_shared>> -> memref<640x128xf32, #tpu.memory_space<vmem_shared>>
        tpu.enqueue_dma source(%dma_start3A_193 : memref<640x128xf32, #tpu.memory_space<vmem_shared>>) target(%dma_start3A_191 : memref<640x128xf32, #tpu.memory_space<hbm>>) target_semaphore(%run_scoped3A_189 : memref<!tpu.dma_semaphore, #tpu.memory_space<semaphore_mem>>)
        %dma_wait3A_194 = arith.constant 0 : i32
        %dma_wait3A_195 = tpu.memref_slice %arg6[%mul3A_188, %dma_wait3A_194] : memref<10240x128xf32, #tpu.memory_space<hbm>> -> memref<640x128xf32, #tpu.memory_space<hbm>>
        %dma_wait3A_196 = arith.constant 0 : i32
        %dma_wait3A_197 = tpu.memref_slice %arg12[%mul3A_186, %dma_wait3A_196] : memref<10240x128xf32, #tpu.memory_space<vmem_shared>> -> memref<640x128xf32, #tpu.memory_space<vmem_shared>>
        tpu.wait_dma2 semaphore(%run_scoped3A_189 : memref<!tpu.dma_semaphore, #tpu.memory_space<semaphore_mem>>) src(%dma_wait3A_197 : memref<640x128xf32, #tpu.memory_space<vmem_shared>>) dst(%dma_wait3A_195 : memref<640x128xf32, #tpu.memory_space<hbm>>)
        tpu.yield
      }) : () -> ()
    } else {
    }
    %eq3A_180 = arith.constant 1 : i32
    %eq3A_181 = arith.cmpi eq, %arg0, %eq3A_180 : i32
    %convert_element_type3A_182 = arith.extui %eq3A_181 : i1 to i32
    %cond3A_183 = arith.constant 0 : i32
    %cond3A_184 = arith.cmpi ne, %convert_element_type3A_182, %cond3A_183 : i32
    scf.if %cond3A_184 {
      %mul3A_185 = arith.constant 640 : i32
      %mul3A_186 = arith.muli %arg1, %mul3A_185 : i32
      %mul3A_187 = arith.constant 640 : i32
      %mul3A_188 = arith.muli %arg1, %mul3A_187 : i32
      "tpu.region"() ({
        %run_scoped3A_189 = tpu.sem_alloc : memref<!tpu.dma_semaphore, #tpu.memory_space<semaphore_mem>>
        %dma_start3A_190 = arith.constant 0 : i32
        %dma_start3A_191 = tpu.memref_slice %arg7[%mul3A_188, %dma_start3A_190] : memref<10240x128xf32, #tpu.memory_space<hbm>> -> memref<640x128xf32, #tpu.memory_space<hbm>>
        %dma_start3A_192 = arith.constant 0 : i32
        %dma_start3A_193 = tpu.memref_slice %arg12[%mul3A_186, %dma_start3A_192] : memref<10240x128xf32, #tpu.memory_space<vmem_shared>> -> memref<640x128xf32, #tpu.memory_space<vmem_shared>>
        tpu.enqueue_dma source(%dma_start3A_193 : memref<640x128xf32, #tpu.memory_space<vmem_shared>>) target(%dma_start3A_191 : memref<640x128xf32, #tpu.memory_space<hbm>>) target_semaphore(%run_scoped3A_189 : memref<!tpu.dma_semaphore, #tpu.memory_space<semaphore_mem>>)
        %dma_wait3A_194 = arith.constant 0 : i32
        %dma_wait3A_195 = tpu.memref_slice %arg7[%mul3A_188, %dma_wait3A_194] : memref<10240x128xf32, #tpu.memory_space<hbm>> -> memref<640x128xf32, #tpu.memory_space<hbm>>
        %dma_wait3A_196 = arith.constant 0 : i32
        %dma_wait3A_197 = tpu.memref_slice %arg12[%mul3A_186, %dma_wait3A_196] : memref<10240x128xf32, #tpu.memory_space<vmem_shared>> -> memref<640x128xf32, #tpu.memory_space<vmem_shared>>
        tpu.wait_dma2 semaphore(%run_scoped3A_189 : memref<!tpu.dma_semaphore, #tpu.memory_space<semaphore_mem>>) src(%dma_wait3A_197 : memref<640x128xf32, #tpu.memory_space<vmem_shared>>) dst(%dma_wait3A_195 : memref<640x128xf32, #tpu.memory_space<hbm>>)
        tpu.yield
      }) : () -> ()
    } else {
    }
    return
  }
}

#map = affine_map<(d0, d1) -> (0, 0)>
#map1 = affine_map<(d0, d1) -> (0, 0, 0)>
module attributes {stable_mosaic.version = 14 : i64} {
  func.func @sc_agg(%arg0: i32, %arg1: i32, %arg2: memref<10000x128xf32, #tpu.memory_space<hbm>>, %arg3: memref<32x80x128xi32, #tpu.memory_space<hbm>>, %arg4: memref<32x80x128xi32, #tpu.memory_space<hbm>>, %arg5: memref<10240x128xf32, #tpu.memory_space<hbm>>, %arg6: memref<10240x128xf32, #tpu.memory_space<hbm>>, %arg7: memref<10240x128xf32, #tpu.memory_space<hbm>>, %arg8: memref<40x128xi32, #tpu.memory_space<vmem>>, %arg9: memref<40x128xi32, #tpu.memory_space<vmem>>, %arg10: memref<128x128xf32, #tpu.memory_space<vmem>>, %arg11: memref<128x128xf32, #tpu.memory_space<vmem>>, %arg12: memref<10240x128xf32, #tpu.memory_space<vmem_shared>>, %arg13: memref<!tpu.dma_semaphore, #tpu.memory_space<semaphore_mem>>, %arg14: memref<!tpu.dma_semaphore, #tpu.memory_space<semaphore_mem>>, %arg15: memref<!tpu.dma_semaphore, #tpu.memory_space<semaphore_mem>>, %arg16: memref<!tpu.dma_semaphore, #tpu.memory_space<semaphore_mem>>) attributes {dimension_semantics = [#tpu.dimension_semantics<core_parallel>, #tpu.dimension_semantics<subcore_parallel>], iteration_bounds = array<i64: 2, 16>, scalar_prefetch = 0 : i64, scratch_operands = 9 : i64, tpu.core_type = #tpu.core_type<sc_vector_subcore>, window_params = [{transform_indices = #map}, {transform_indices = #map1}, {transform_indices = #map1}, {transform_indices = #map}, {transform_indices = #map}, {transform_indices = #map}]} {
    %mul3A = arith.constant 2 : i32
    %mul3A_0 = arith.muli %arg1, %mul3A : i32
    %add3A = arith.addi %mul3A_0, %arg0 : i32
    "tpu.region"() ({
      %run_scoped3A_185 = tpu.sem_alloc : memref<!tpu.dma_semaphore, #tpu.memory_space<semaphore_mem>>
      %dma_start3A_186 = arith.constant 0 : i32
      %dma_start3A_187 = arith.constant 0 : i32
      %dma_start3A_188 = tpu.memref_slice %arg3[%add3A, %dma_start3A_186, %dma_start3A_187] : memref<32x80x128xi32, #tpu.memory_space<hbm>> -> memref<1x40x128xi32, #tpu.memory_space<hbm>>
      %dma_start3A_189 = tpu.memref_squeeze %dma_start3A_188 : memref<1x40x128xi32, #tpu.memory_space<hbm>> -> memref<40x128xi32, #tpu.memory_space<hbm>>
      %dma_start3A_190 = arith.constant 0 : i32
      %dma_start3A_191 = arith.constant 0 : i32
      %dma_start3A_192 = tpu.memref_slice %arg3[%add3A, %dma_start3A_190, %dma_start3A_191] : memref<32x80x128xi32, #tpu.memory_space<hbm>> -> memref<1x40x128xi32, #tpu.memory_space<hbm>>
      %dma_start3A_193 = tpu.memref_squeeze %dma_start3A_192 : memref<1x40x128xi32, #tpu.memory_space<hbm>> -> memref<40x128xi32, #tpu.memory_space<hbm>>
      tpu.enqueue_dma source(%dma_start3A_193 : memref<40x128xi32, #tpu.memory_space<hbm>>) target(%arg8 : memref<40x128xi32, #tpu.memory_space<vmem>>) target_semaphore(%run_scoped3A_185 : memref<!tpu.dma_semaphore, #tpu.memory_space<semaphore_mem>>)
      %dma_wait3A_194 = arith.constant 0 : i32
      %dma_wait3A_195 = arith.constant 0 : i32
      %dma_wait3A_196 = tpu.memref_slice %arg3[%add3A, %dma_wait3A_194, %dma_wait3A_195] : memref<32x80x128xi32, #tpu.memory_space<hbm>> -> memref<1x40x128xi32, #tpu.memory_space<hbm>>
      %dma_wait3A_197 = tpu.memref_squeeze %dma_wait3A_196 : memref<1x40x128xi32, #tpu.memory_space<hbm>> -> memref<40x128xi32, #tpu.memory_space<hbm>>
      %dma_wait3A_198 = arith.constant 0 : i32
      %dma_wait3A_199 = arith.constant 0 : i32
      %dma_wait3A_200 = tpu.memref_slice %arg3[%add3A, %dma_wait3A_198, %dma_wait3A_199] : memref<32x80x128xi32, #tpu.memory_space<hbm>> -> memref<1x40x128xi32, #tpu.memory_space<hbm>>
      %dma_wait3A_201 = tpu.memref_squeeze %dma_wait3A_200 : memref<1x40x128xi32, #tpu.memory_space<hbm>> -> memref<40x128xi32, #tpu.memory_space<hbm>>
      tpu.wait_dma2 semaphore(%run_scoped3A_185 : memref<!tpu.dma_semaphore, #tpu.memory_space<semaphore_mem>>) src(%dma_wait3A_201 : memref<40x128xi32, #tpu.memory_space<hbm>>) dst(%arg8 : memref<40x128xi32, #tpu.memory_space<vmem>>)
      tpu.yield
    }) : () -> ()
    "tpu.region"() ({
      %run_scoped3A_185 = tpu.sem_alloc : memref<!tpu.dma_semaphore, #tpu.memory_space<semaphore_mem>>
      %dma_start3A_186 = arith.constant 0 : i32
      %dma_start3A_187 = arith.constant 0 : i32
      %dma_start3A_188 = tpu.memref_slice %arg4[%add3A, %dma_start3A_186, %dma_start3A_187] : memref<32x80x128xi32, #tpu.memory_space<hbm>> -> memref<1x40x128xi32, #tpu.memory_space<hbm>>
      %dma_start3A_189 = tpu.memref_squeeze %dma_start3A_188 : memref<1x40x128xi32, #tpu.memory_space<hbm>> -> memref<40x128xi32, #tpu.memory_space<hbm>>
      %dma_start3A_190 = arith.constant 0 : i32
      %dma_start3A_191 = arith.constant 0 : i32
      %dma_start3A_192 = tpu.memref_slice %arg4[%add3A, %dma_start3A_190, %dma_start3A_191] : memref<32x80x128xi32, #tpu.memory_space<hbm>> -> memref<1x40x128xi32, #tpu.memory_space<hbm>>
      %dma_start3A_193 = tpu.memref_squeeze %dma_start3A_192 : memref<1x40x128xi32, #tpu.memory_space<hbm>> -> memref<40x128xi32, #tpu.memory_space<hbm>>
      tpu.enqueue_dma source(%dma_start3A_193 : memref<40x128xi32, #tpu.memory_space<hbm>>) target(%arg9 : memref<40x128xi32, #tpu.memory_space<vmem>>) target_semaphore(%run_scoped3A_185 : memref<!tpu.dma_semaphore, #tpu.memory_space<semaphore_mem>>)
      %dma_wait3A_194 = arith.constant 0 : i32
      %dma_wait3A_195 = arith.constant 0 : i32
      %dma_wait3A_196 = tpu.memref_slice %arg4[%add3A, %dma_wait3A_194, %dma_wait3A_195] : memref<32x80x128xi32, #tpu.memory_space<hbm>> -> memref<1x40x128xi32, #tpu.memory_space<hbm>>
      %dma_wait3A_197 = tpu.memref_squeeze %dma_wait3A_196 : memref<1x40x128xi32, #tpu.memory_space<hbm>> -> memref<40x128xi32, #tpu.memory_space<hbm>>
      %dma_wait3A_198 = arith.constant 0 : i32
      %dma_wait3A_199 = arith.constant 0 : i32
      %dma_wait3A_200 = tpu.memref_slice %arg4[%add3A, %dma_wait3A_198, %dma_wait3A_199] : memref<32x80x128xi32, #tpu.memory_space<hbm>> -> memref<1x40x128xi32, #tpu.memory_space<hbm>>
      %dma_wait3A_201 = tpu.memref_squeeze %dma_wait3A_200 : memref<1x40x128xi32, #tpu.memory_space<hbm>> -> memref<40x128xi32, #tpu.memory_space<hbm>>
      tpu.wait_dma2 semaphore(%run_scoped3A_185 : memref<!tpu.dma_semaphore, #tpu.memory_space<semaphore_mem>>) src(%dma_wait3A_201 : memref<40x128xi32, #tpu.memory_space<hbm>>) dst(%arg9 : memref<40x128xi32, #tpu.memory_space<vmem>>)
      tpu.yield
    }) : () -> ()
    %dma_start3A = arith.constant 0 : i32
    %dma_start3A_1 = arith.constant 0 : i32
    %dma_start3A_2 = arith.constant 0 : i32
    %dma_start3A_3 = tpu.memref_slice %arg10[%dma_start3A_1, %dma_start3A_2] : memref<128x128xf32, #tpu.memory_space<vmem>> -> memref<64x128xf32, #tpu.memory_space<vmem>>
    %dma_start3A_4 = arith.constant 0 : i32
    %dma_start3A_5 = tpu.memref_slice %arg8[%dma_start3A, %dma_start3A_4] : memref<40x128xi32, #tpu.memory_space<vmem>> -> memref<1x64xi32, #tpu.memory_space<vmem>>
    %dma_start3A_6 = tpu.memref_squeeze %dma_start3A_5 : memref<1x64xi32, #tpu.memory_space<vmem>> -> memref<64xi32, #tpu.memory_space<vmem>>
    %dma_start3A_7 = arith.constant 0 : i32
    %dma_start3A_8 = arith.constant 0 : i32
    %dma_start3A_9 = tpu.memref_slice %arg2[%dma_start3A_7, %dma_start3A_8] : memref<10000x128xf32, #tpu.memory_space<hbm>> -> memref<10000x128xf32, #tpu.memory_space<hbm>>
    tpu.enqueue_indirect_dma source(%dma_start3A_9 : memref<10000x128xf32, #tpu.memory_space<hbm>>) target(%dma_start3A_3 : memref<64x128xf32, #tpu.memory_space<vmem>>) offsets(%dma_start3A_6 : memref<64xi32, #tpu.memory_space<vmem>>) semaphore(%arg13 : memref<!tpu.dma_semaphore, #tpu.memory_space<semaphore_mem>>)
    %dma_start3A_10 = arith.constant 0 : i32
    %dma_start3A_11 = arith.constant 64 : i32
    %dma_start3A_12 = arith.constant 0 : i32
    %dma_start3A_13 = tpu.memref_slice %arg10[%dma_start3A_11, %dma_start3A_12] : memref<128x128xf32, #tpu.memory_space<vmem>> -> memref<64x128xf32, #tpu.memory_space<vmem>>
    %dma_start3A_14 = arith.constant 64 : i32
    %dma_start3A_15 = tpu.memref_slice %arg8[%dma_start3A_10, %dma_start3A_14] : memref<40x128xi32, #tpu.memory_space<vmem>> -> memref<1x64xi32, #tpu.memory_space<vmem>>
    %dma_start3A_16 = tpu.memref_squeeze %dma_start3A_15 : memref<1x64xi32, #tpu.memory_space<vmem>> -> memref<64xi32, #tpu.memory_space<vmem>>
    %dma_start3A_17 = arith.constant 0 : i32
    %dma_start3A_18 = arith.constant 0 : i32
    %dma_start3A_19 = tpu.memref_slice %arg2[%dma_start3A_17, %dma_start3A_18] : memref<10000x128xf32, #tpu.memory_space<hbm>> -> memref<10000x128xf32, #tpu.memory_space<hbm>>
    tpu.enqueue_indirect_dma source(%dma_start3A_19 : memref<10000x128xf32, #tpu.memory_space<hbm>>) target(%dma_start3A_13 : memref<64x128xf32, #tpu.memory_space<vmem>>) offsets(%dma_start3A_16 : memref<64xi32, #tpu.memory_space<vmem>>) semaphore(%arg13 : memref<!tpu.dma_semaphore, #tpu.memory_space<semaphore_mem>>)
    %dma_start3A_20 = arith.constant 1 : i32
    %dma_start3A_21 = arith.constant 0 : i32
    %dma_start3A_22 = arith.constant 0 : i32
    %dma_start3A_23 = tpu.memref_slice %arg11[%dma_start3A_21, %dma_start3A_22] : memref<128x128xf32, #tpu.memory_space<vmem>> -> memref<64x128xf32, #tpu.memory_space<vmem>>
    %dma_start3A_24 = arith.constant 0 : i32
    %dma_start3A_25 = tpu.memref_slice %arg8[%dma_start3A_20, %dma_start3A_24] : memref<40x128xi32, #tpu.memory_space<vmem>> -> memref<1x64xi32, #tpu.memory_space<vmem>>
    %dma_start3A_26 = tpu.memref_squeeze %dma_start3A_25 : memref<1x64xi32, #tpu.memory_space<vmem>> -> memref<64xi32, #tpu.memory_space<vmem>>
    %dma_start3A_27 = arith.constant 0 : i32
    %dma_start3A_28 = arith.constant 0 : i32
    %dma_start3A_29 = tpu.memref_slice %arg2[%dma_start3A_27, %dma_start3A_28] : memref<10000x128xf32, #tpu.memory_space<hbm>> -> memref<10000x128xf32, #tpu.memory_space<hbm>>
    tpu.enqueue_indirect_dma source(%dma_start3A_29 : memref<10000x128xf32, #tpu.memory_space<hbm>>) target(%dma_start3A_23 : memref<64x128xf32, #tpu.memory_space<vmem>>) offsets(%dma_start3A_26 : memref<64xi32, #tpu.memory_space<vmem>>) semaphore(%arg14 : memref<!tpu.dma_semaphore, #tpu.memory_space<semaphore_mem>>)
    %dma_start3A_30 = arith.constant 1 : i32
    %dma_start3A_31 = arith.constant 64 : i32
    %dma_start3A_32 = arith.constant 0 : i32
    %dma_start3A_33 = tpu.memref_slice %arg11[%dma_start3A_31, %dma_start3A_32] : memref<128x128xf32, #tpu.memory_space<vmem>> -> memref<64x128xf32, #tpu.memory_space<vmem>>
    %dma_start3A_34 = arith.constant 64 : i32
    %dma_start3A_35 = tpu.memref_slice %arg8[%dma_start3A_30, %dma_start3A_34] : memref<40x128xi32, #tpu.memory_space<vmem>> -> memref<1x64xi32, #tpu.memory_space<vmem>>
    %dma_start3A_36 = tpu.memref_squeeze %dma_start3A_35 : memref<1x64xi32, #tpu.memory_space<vmem>> -> memref<64xi32, #tpu.memory_space<vmem>>
    %dma_start3A_37 = arith.constant 0 : i32
    %dma_start3A_38 = arith.constant 0 : i32
    %dma_start3A_39 = tpu.memref_slice %arg2[%dma_start3A_37, %dma_start3A_38] : memref<10000x128xf32, #tpu.memory_space<hbm>> -> memref<10000x128xf32, #tpu.memory_space<hbm>>
    tpu.enqueue_indirect_dma source(%dma_start3A_39 : memref<10000x128xf32, #tpu.memory_space<hbm>>) target(%dma_start3A_33 : memref<64x128xf32, #tpu.memory_space<vmem>>) offsets(%dma_start3A_36 : memref<64xi32, #tpu.memory_space<vmem>>) semaphore(%arg14 : memref<!tpu.dma_semaphore, #tpu.memory_space<semaphore_mem>>)
    %mul3A_40 = arith.constant 640 : i32
    %mul3A_41 = arith.muli %arg1, %mul3A_40 : i32
    %mul3A_42 = arith.constant 640 : i32
    %mul3A_43 = arith.muli %arg1, %mul3A_42 : i32
    "tpu.region"() ({
      %run_scoped3A_185 = tpu.sem_alloc : memref<!tpu.dma_semaphore, #tpu.memory_space<semaphore_mem>>
      %dma_start3A_186 = arith.constant 0 : i32
      %dma_start3A_187 = tpu.memref_slice %arg12[%mul3A_43, %dma_start3A_186] : memref<10240x128xf32, #tpu.memory_space<vmem_shared>> -> memref<640x128xf32, #tpu.memory_space<vmem_shared>>
      %dma_start3A_188 = arith.constant 0 : i32
      %dma_start3A_189 = tpu.memref_slice %arg5[%mul3A_41, %dma_start3A_188] : memref<10240x128xf32, #tpu.memory_space<hbm>> -> memref<640x128xf32, #tpu.memory_space<hbm>>
      tpu.enqueue_dma source(%dma_start3A_189 : memref<640x128xf32, #tpu.memory_space<hbm>>) target(%dma_start3A_187 : memref<640x128xf32, #tpu.memory_space<vmem_shared>>) target_semaphore(%run_scoped3A_185 : memref<!tpu.dma_semaphore, #tpu.memory_space<semaphore_mem>>)
      %dma_wait3A_190 = arith.constant 0 : i32
      %dma_wait3A_191 = tpu.memref_slice %arg12[%mul3A_43, %dma_wait3A_190] : memref<10240x128xf32, #tpu.memory_space<vmem_shared>> -> memref<640x128xf32, #tpu.memory_space<vmem_shared>>
      %dma_wait3A_192 = arith.constant 0 : i32
      %dma_wait3A_193 = tpu.memref_slice %arg5[%mul3A_41, %dma_wait3A_192] : memref<10240x128xf32, #tpu.memory_space<hbm>> -> memref<640x128xf32, #tpu.memory_space<hbm>>
      tpu.wait_dma2 semaphore(%run_scoped3A_185 : memref<!tpu.dma_semaphore, #tpu.memory_space<semaphore_mem>>) src(%dma_wait3A_193 : memref<640x128xf32, #tpu.memory_space<hbm>>) dst(%dma_wait3A_191 : memref<640x128xf32, #tpu.memory_space<vmem_shared>>)
      tpu.yield
    }) : () -> ()
    %barrier3A = arith.constant 0 : index
    tpu.barrier barrier_id(%barrier3A)
    %scan3A = arith.constant 0 : i32
    %scan3A_44 = arith.constant 0 : i32
    %scan3A_45 = arith.constant 19 : i32
    %scan3A_46 = arith.addi %scan3A_44, %scan3A_45 : i32
    %scan3A_47 = arith.constant 1 : i32
    scf.for %scan3A_185 = %scan3A_44 to %scan3A_46 step %scan3A_47  : i32 {
      %mul3A_186 = arith.constant 2 : i32
      %mul3A_187 = arith.muli %mul3A_186, %scan3A_185 : i32
      %dma_wait3A_188 = arith.constant 0 : i32
      %dma_wait3A_189 = arith.constant 0 : i32
      %dma_wait3A_190 = tpu.memref_slice %arg10[%dma_wait3A_188, %dma_wait3A_189] : memref<128x128xf32, #tpu.memory_space<vmem>> -> memref<64x128xf32, #tpu.memory_space<vmem>>
      %dma_wait3A_191 = arith.constant 0 : i32
      %dma_wait3A_192 = tpu.memref_slice %arg8[%mul3A_187, %dma_wait3A_191] : memref<40x128xi32, #tpu.memory_space<vmem>> -> memref<1x64xi32, #tpu.memory_space<vmem>>
      %dma_wait3A_193 = tpu.memref_squeeze %dma_wait3A_192 : memref<1x64xi32, #tpu.memory_space<vmem>> -> memref<64xi32, #tpu.memory_space<vmem>>
      %dma_wait3A_194 = arith.constant 0 : i32
      %dma_wait3A_195 = arith.constant 0 : i32
      %dma_wait3A_196 = tpu.memref_slice %arg2[%dma_wait3A_194, %dma_wait3A_195] : memref<10000x128xf32, #tpu.memory_space<hbm>> -> memref<10000x128xf32, #tpu.memory_space<hbm>>
      tpu.wait_indirect_dma semaphore(%arg13 : memref<!tpu.dma_semaphore, #tpu.memory_space<semaphore_mem>>) src(%dma_wait3A_196 : memref<10000x128xf32, #tpu.memory_space<hbm>>) dst(%dma_wait3A_190 : memref<64x128xf32, #tpu.memory_space<vmem>>)
      %dma_wait3A_197 = arith.constant 64 : i32
      %dma_wait3A_198 = arith.constant 0 : i32
      %dma_wait3A_199 = tpu.memref_slice %arg10[%dma_wait3A_197, %dma_wait3A_198] : memref<128x128xf32, #tpu.memory_space<vmem>> -> memref<64x128xf32, #tpu.memory_space<vmem>>
      %dma_wait3A_200 = arith.constant 64 : i32
      %dma_wait3A_201 = tpu.memref_slice %arg8[%mul3A_187, %dma_wait3A_200] : memref<40x128xi32, #tpu.memory_space<vmem>> -> memref<1x64xi32, #tpu.memory_space<vmem>>
      %dma_wait3A_202 = tpu.memref_squeeze %dma_wait3A_201 : memref<1x64xi32, #tpu.memory_space<vmem>> -> memref<64xi32, #tpu.memory_space<vmem>>
      %dma_wait3A_203 = arith.constant 0 : i32
      %dma_wait3A_204 = arith.constant 0 : i32
      %dma_wait3A_205 = tpu.memref_slice %arg2[%dma_wait3A_203, %dma_wait3A_204] : memref<10000x128xf32, #tpu.memory_space<hbm>> -> memref<10000x128xf32, #tpu.memory_space<hbm>>
      tpu.wait_indirect_dma semaphore(%arg13 : memref<!tpu.dma_semaphore, #tpu.memory_space<semaphore_mem>>) src(%dma_wait3A_205 : memref<10000x128xf32, #tpu.memory_space<hbm>>) dst(%dma_wait3A_199 : memref<64x128xf32, #tpu.memory_space<vmem>>)
      "tpu.region"() ({
        %run_scoped3A_268 = tpu.sem_alloc : memref<!tpu.dma_semaphore, #tpu.memory_space<semaphore_mem>>
        %dma_start3A_269 = arith.constant 0 : i32
        %dma_start3A_270 = tpu.memref_slice %arg9[%mul3A_187, %dma_start3A_269] : memref<40x128xi32, #tpu.memory_space<vmem>> -> memref<1x128xi32, #tpu.memory_space<vmem>>
        %dma_start3A_271 = tpu.memref_squeeze %dma_start3A_270 : memref<1x128xi32, #tpu.memory_space<vmem>> -> memref<128xi32, #tpu.memory_space<vmem>>
        %dma_start3A_272 = arith.constant 0 : i32
        %dma_start3A_273 = arith.constant 0 : i32
        %dma_start3A_274 = tpu.memref_slice %arg12[%dma_start3A_272, %dma_start3A_273] : memref<10240x128xf32, #tpu.memory_space<vmem_shared>> -> memref<10240x128xf32, #tpu.memory_space<vmem_shared>>
        tpu.enqueue_indirect_dma source(%arg10 : memref<128x128xf32, #tpu.memory_space<vmem>>) target(%dma_start3A_274 : memref<10240x128xf32, #tpu.memory_space<vmem_shared>>) offsets(%dma_start3A_271 : memref<128xi32, #tpu.memory_space<vmem>>) semaphore(%run_scoped3A_268 : memref<!tpu.dma_semaphore, #tpu.memory_space<semaphore_mem>>) {add = true}
        %dma_wait3A_275 = arith.constant 0 : i32
        %dma_wait3A_276 = tpu.memref_slice %arg9[%mul3A_187, %dma_wait3A_275] : memref<40x128xi32, #tpu.memory_space<vmem>> -> memref<1x128xi32, #tpu.memory_space<vmem>>
        %dma_wait3A_277 = tpu.memref_squeeze %dma_wait3A_276 : memref<1x128xi32, #tpu.memory_space<vmem>> -> memref<128xi32, #tpu.memory_space<vmem>>
        %dma_wait3A_278 = arith.constant 0 : i32
        %dma_wait3A_279 = arith.constant 0 : i32
        %dma_wait3A_280 = tpu.memref_slice %arg12[%dma_wait3A_278, %dma_wait3A_279] : memref<10240x128xf32, #tpu.memory_space<vmem_shared>> -> memref<10240x128xf32, #tpu.memory_space<vmem_shared>>
        tpu.wait_indirect_dma semaphore(%run_scoped3A_268 : memref<!tpu.dma_semaphore, #tpu.memory_space<semaphore_mem>>) src(%arg10 : memref<128x128xf32, #tpu.memory_space<vmem>>) dst(%dma_wait3A_280 : memref<10240x128xf32, #tpu.memory_space<vmem_shared>>)
        tpu.yield
      }) : () -> ()
      %add3A_206 = arith.constant 2 : i32
      %add3A_207 = arith.addi %mul3A_187, %add3A_206 : i32
      %dma_start3A_208 = arith.constant 0 : i32
      %dma_start3A_209 = arith.constant 0 : i32
      %dma_start3A_210 = tpu.memref_slice %arg10[%dma_start3A_208, %dma_start3A_209] : memref<128x128xf32, #tpu.memory_space<vmem>> -> memref<64x128xf32, #tpu.memory_space<vmem>>
      %dma_start3A_211 = arith.constant 0 : i32
      %dma_start3A_212 = tpu.memref_slice %arg8[%add3A_207, %dma_start3A_211] : memref<40x128xi32, #tpu.memory_space<vmem>> -> memref<1x64xi32, #tpu.memory_space<vmem>>
      %dma_start3A_213 = tpu.memref_squeeze %dma_start3A_212 : memref<1x64xi32, #tpu.memory_space<vmem>> -> memref<64xi32, #tpu.memory_space<vmem>>
      %dma_start3A_214 = arith.constant 0 : i32
      %dma_start3A_215 = arith.constant 0 : i32
      %dma_start3A_216 = tpu.memref_slice %arg2[%dma_start3A_214, %dma_start3A_215] : memref<10000x128xf32, #tpu.memory_space<hbm>> -> memref<10000x128xf32, #tpu.memory_space<hbm>>
      tpu.enqueue_indirect_dma source(%dma_start3A_216 : memref<10000x128xf32, #tpu.memory_space<hbm>>) target(%dma_start3A_210 : memref<64x128xf32, #tpu.memory_space<vmem>>) offsets(%dma_start3A_213 : memref<64xi32, #tpu.memory_space<vmem>>) semaphore(%arg13 : memref<!tpu.dma_semaphore, #tpu.memory_space<semaphore_mem>>)
      %dma_start3A_217 = arith.constant 64 : i32
      %dma_start3A_218 = arith.constant 0 : i32
      %dma_start3A_219 = tpu.memref_slice %arg10[%dma_start3A_217, %dma_start3A_218] : memref<128x128xf32, #tpu.memory_space<vmem>> -> memref<64x128xf32, #tpu.memory_space<vmem>>
      %dma_start3A_220 = arith.constant 64 : i32
      %dma_start3A_221 = tpu.memref_slice %arg8[%add3A_207, %dma_start3A_220] : memref<40x128xi32, #tpu.memory_space<vmem>> -> memref<1x64xi32, #tpu.memory_space<vmem>>
      %dma_start3A_222 = tpu.memref_squeeze %dma_start3A_221 : memref<1x64xi32, #tpu.memory_space<vmem>> -> memref<64xi32, #tpu.memory_space<vmem>>
      %dma_start3A_223 = arith.constant 0 : i32
      %dma_start3A_224 = arith.constant 0 : i32
      %dma_start3A_225 = tpu.memref_slice %arg2[%dma_start3A_223, %dma_start3A_224] : memref<10000x128xf32, #tpu.memory_space<hbm>> -> memref<10000x128xf32, #tpu.memory_space<hbm>>
      tpu.enqueue_indirect_dma source(%dma_start3A_225 : memref<10000x128xf32, #tpu.memory_space<hbm>>) target(%dma_start3A_219 : memref<64x128xf32, #tpu.memory_space<vmem>>) offsets(%dma_start3A_222 : memref<64xi32, #tpu.memory_space<vmem>>) semaphore(%arg13 : memref<!tpu.dma_semaphore, #tpu.memory_space<semaphore_mem>>)
      %add3A_226 = arith.constant 1 : i32
      %add3A_227 = arith.addi %mul3A_187, %add3A_226 : i32
      %dma_wait3A_228 = arith.constant 0 : i32
      %dma_wait3A_229 = arith.constant 0 : i32
      %dma_wait3A_230 = tpu.memref_slice %arg11[%dma_wait3A_228, %dma_wait3A_229] : memref<128x128xf32, #tpu.memory_space<vmem>> -> memref<64x128xf32, #tpu.memory_space<vmem>>
      %dma_wait3A_231 = arith.constant 0 : i32
      %dma_wait3A_232 = tpu.memref_slice %arg8[%add3A_227, %dma_wait3A_231] : memref<40x128xi32, #tpu.memory_space<vmem>> -> memref<1x64xi32, #tpu.memory_space<vmem>>
      %dma_wait3A_233 = tpu.memref_squeeze %dma_wait3A_232 : memref<1x64xi32, #tpu.memory_space<vmem>> -> memref<64xi32, #tpu.memory_space<vmem>>
      %dma_wait3A_234 = arith.constant 0 : i32
      %dma_wait3A_235 = arith.constant 0 : i32
      %dma_wait3A_236 = tpu.memref_slice %arg2[%dma_wait3A_234, %dma_wait3A_235] : memref<10000x128xf32, #tpu.memory_space<hbm>> -> memref<10000x128xf32, #tpu.memory_space<hbm>>
      tpu.wait_indirect_dma semaphore(%arg14 : memref<!tpu.dma_semaphore, #tpu.memory_space<semaphore_mem>>) src(%dma_wait3A_236 : memref<10000x128xf32, #tpu.memory_space<hbm>>) dst(%dma_wait3A_230 : memref<64x128xf32, #tpu.memory_space<vmem>>)
      %dma_wait3A_237 = arith.constant 64 : i32
      %dma_wait3A_238 = arith.constant 0 : i32
      %dma_wait3A_239 = tpu.memref_slice %arg11[%dma_wait3A_237, %dma_wait3A_238] : memref<128x128xf32, #tpu.memory_space<vmem>> -> memref<64x128xf32, #tpu.memory_space<vmem>>
      %dma_wait3A_240 = arith.constant 64 : i32
      %dma_wait3A_241 = tpu.memref_slice %arg8[%add3A_227, %dma_wait3A_240] : memref<40x128xi32, #tpu.memory_space<vmem>> -> memref<1x64xi32, #tpu.memory_space<vmem>>
      %dma_wait3A_242 = tpu.memref_squeeze %dma_wait3A_241 : memref<1x64xi32, #tpu.memory_space<vmem>> -> memref<64xi32, #tpu.memory_space<vmem>>
      %dma_wait3A_243 = arith.constant 0 : i32
      %dma_wait3A_244 = arith.constant 0 : i32
      %dma_wait3A_245 = tpu.memref_slice %arg2[%dma_wait3A_243, %dma_wait3A_244] : memref<10000x128xf32, #tpu.memory_space<hbm>> -> memref<10000x128xf32, #tpu.memory_space<hbm>>
      tpu.wait_indirect_dma semaphore(%arg14 : memref<!tpu.dma_semaphore, #tpu.memory_space<semaphore_mem>>) src(%dma_wait3A_245 : memref<10000x128xf32, #tpu.memory_space<hbm>>) dst(%dma_wait3A_239 : memref<64x128xf32, #tpu.memory_space<vmem>>)
      %add3A_246 = arith.constant 1 : i32
      %add3A_247 = arith.addi %mul3A_187, %add3A_246 : i32
      "tpu.region"() ({
        %run_scoped3A_268 = tpu.sem_alloc : memref<!tpu.dma_semaphore, #tpu.memory_space<semaphore_mem>>
        %dma_start3A_269 = arith.constant 0 : i32
        %dma_start3A_270 = tpu.memref_slice %arg9[%add3A_247, %dma_start3A_269] : memref<40x128xi32, #tpu.memory_space<vmem>> -> memref<1x128xi32, #tpu.memory_space<vmem>>
        %dma_start3A_271 = tpu.memref_squeeze %dma_start3A_270 : memref<1x128xi32, #tpu.memory_space<vmem>> -> memref<128xi32, #tpu.memory_space<vmem>>
        %dma_start3A_272 = arith.constant 0 : i32
        %dma_start3A_273 = arith.constant 0 : i32
        %dma_start3A_274 = tpu.memref_slice %arg12[%dma_start3A_272, %dma_start3A_273] : memref<10240x128xf32, #tpu.memory_space<vmem_shared>> -> memref<10240x128xf32, #tpu.memory_space<vmem_shared>>
        tpu.enqueue_indirect_dma source(%arg11 : memref<128x128xf32, #tpu.memory_space<vmem>>) target(%dma_start3A_274 : memref<10240x128xf32, #tpu.memory_space<vmem_shared>>) offsets(%dma_start3A_271 : memref<128xi32, #tpu.memory_space<vmem>>) semaphore(%run_scoped3A_268 : memref<!tpu.dma_semaphore, #tpu.memory_space<semaphore_mem>>) {add = true}
        %dma_wait3A_275 = arith.constant 0 : i32
        %dma_wait3A_276 = tpu.memref_slice %arg9[%add3A_247, %dma_wait3A_275] : memref<40x128xi32, #tpu.memory_space<vmem>> -> memref<1x128xi32, #tpu.memory_space<vmem>>
        %dma_wait3A_277 = tpu.memref_squeeze %dma_wait3A_276 : memref<1x128xi32, #tpu.memory_space<vmem>> -> memref<128xi32, #tpu.memory_space<vmem>>
        %dma_wait3A_278 = arith.constant 0 : i32
        %dma_wait3A_279 = arith.constant 0 : i32
        %dma_wait3A_280 = tpu.memref_slice %arg12[%dma_wait3A_278, %dma_wait3A_279] : memref<10240x128xf32, #tpu.memory_space<vmem_shared>> -> memref<10240x128xf32, #tpu.memory_space<vmem_shared>>
        tpu.wait_indirect_dma semaphore(%run_scoped3A_268 : memref<!tpu.dma_semaphore, #tpu.memory_space<semaphore_mem>>) src(%arg11 : memref<128x128xf32, #tpu.memory_space<vmem>>) dst(%dma_wait3A_280 : memref<10240x128xf32, #tpu.memory_space<vmem_shared>>)
        tpu.yield
      }) : () -> ()
      %add3A_248 = arith.constant 3 : i32
      %add3A_249 = arith.addi %mul3A_187, %add3A_248 : i32
      %dma_start3A_250 = arith.constant 0 : i32
      %dma_start3A_251 = arith.constant 0 : i32
      %dma_start3A_252 = tpu.memref_slice %arg11[%dma_start3A_250, %dma_start3A_251] : memref<128x128xf32, #tpu.memory_space<vmem>> -> memref<64x128xf32, #tpu.memory_space<vmem>>
      %dma_start3A_253 = arith.constant 0 : i32
      %dma_start3A_254 = tpu.memref_slice %arg8[%add3A_249, %dma_start3A_253] : memref<40x128xi32, #tpu.memory_space<vmem>> -> memref<1x64xi32, #tpu.memory_space<vmem>>
      %dma_start3A_255 = tpu.memref_squeeze %dma_start3A_254 : memref<1x64xi32, #tpu.memory_space<vmem>> -> memref<64xi32, #tpu.memory_space<vmem>>
      %dma_start3A_256 = arith.constant 0 : i32
      %dma_start3A_257 = arith.constant 0 : i32
      %dma_start3A_258 = tpu.memref_slice %arg2[%dma_start3A_256, %dma_start3A_257] : memref<10000x128xf32, #tpu.memory_space<hbm>> -> memref<10000x128xf32, #tpu.memory_space<hbm>>
      tpu.enqueue_indirect_dma source(%dma_start3A_258 : memref<10000x128xf32, #tpu.memory_space<hbm>>) target(%dma_start3A_252 : memref<64x128xf32, #tpu.memory_space<vmem>>) offsets(%dma_start3A_255 : memref<64xi32, #tpu.memory_space<vmem>>) semaphore(%arg14 : memref<!tpu.dma_semaphore, #tpu.memory_space<semaphore_mem>>)
      %dma_start3A_259 = arith.constant 64 : i32
      %dma_start3A_260 = arith.constant 0 : i32
      %dma_start3A_261 = tpu.memref_slice %arg11[%dma_start3A_259, %dma_start3A_260] : memref<128x128xf32, #tpu.memory_space<vmem>> -> memref<64x128xf32, #tpu.memory_space<vmem>>
      %dma_start3A_262 = arith.constant 64 : i32
      %dma_start3A_263 = tpu.memref_slice %arg8[%add3A_249, %dma_start3A_262] : memref<40x128xi32, #tpu.memory_space<vmem>> -> memref<1x64xi32, #tpu.memory_space<vmem>>
      %dma_start3A_264 = tpu.memref_squeeze %dma_start3A_263 : memref<1x64xi32, #tpu.memory_space<vmem>> -> memref<64xi32, #tpu.memory_space<vmem>>
      %dma_start3A_265 = arith.constant 0 : i32
      %dma_start3A_266 = arith.constant 0 : i32
      %dma_start3A_267 = tpu.memref_slice %arg2[%dma_start3A_265, %dma_start3A_266] : memref<10000x128xf32, #tpu.memory_space<hbm>> -> memref<10000x128xf32, #tpu.memory_space<hbm>>
      tpu.enqueue_indirect_dma source(%dma_start3A_267 : memref<10000x128xf32, #tpu.memory_space<hbm>>) target(%dma_start3A_261 : memref<64x128xf32, #tpu.memory_space<vmem>>) offsets(%dma_start3A_264 : memref<64xi32, #tpu.memory_space<vmem>>) semaphore(%arg14 : memref<!tpu.dma_semaphore, #tpu.memory_space<semaphore_mem>>)
    }
    %scan3A_48 = arith.constant 19 : i32
    %dma_wait3A = arith.constant 38 : i32
    %dma_wait3A_49 = arith.constant 0 : i32
    %dma_wait3A_50 = arith.constant 0 : i32
    %dma_wait3A_51 = tpu.memref_slice %arg10[%dma_wait3A_49, %dma_wait3A_50] : memref<128x128xf32, #tpu.memory_space<vmem>> -> memref<64x128xf32, #tpu.memory_space<vmem>>
    %dma_wait3A_52 = arith.constant 0 : i32
    %dma_wait3A_53 = tpu.memref_slice %arg8[%dma_wait3A, %dma_wait3A_52] : memref<40x128xi32, #tpu.memory_space<vmem>> -> memref<1x64xi32, #tpu.memory_space<vmem>>
    %dma_wait3A_54 = tpu.memref_squeeze %dma_wait3A_53 : memref<1x64xi32, #tpu.memory_space<vmem>> -> memref<64xi32, #tpu.memory_space<vmem>>
    %dma_wait3A_55 = arith.constant 0 : i32
    %dma_wait3A_56 = arith.constant 0 : i32
    %dma_wait3A_57 = tpu.memref_slice %arg2[%dma_wait3A_55, %dma_wait3A_56] : memref<10000x128xf32, #tpu.memory_space<hbm>> -> memref<10000x128xf32, #tpu.memory_space<hbm>>
    tpu.wait_indirect_dma semaphore(%arg13 : memref<!tpu.dma_semaphore, #tpu.memory_space<semaphore_mem>>) src(%dma_wait3A_57 : memref<10000x128xf32, #tpu.memory_space<hbm>>) dst(%dma_wait3A_51 : memref<64x128xf32, #tpu.memory_space<vmem>>)
    %dma_wait3A_58 = arith.constant 38 : i32
    %dma_wait3A_59 = arith.constant 64 : i32
    %dma_wait3A_60 = arith.constant 0 : i32
    %dma_wait3A_61 = tpu.memref_slice %arg10[%dma_wait3A_59, %dma_wait3A_60] : memref<128x128xf32, #tpu.memory_space<vmem>> -> memref<64x128xf32, #tpu.memory_space<vmem>>
    %dma_wait3A_62 = arith.constant 64 : i32
    %dma_wait3A_63 = tpu.memref_slice %arg8[%dma_wait3A_58, %dma_wait3A_62] : memref<40x128xi32, #tpu.memory_space<vmem>> -> memref<1x64xi32, #tpu.memory_space<vmem>>
    %dma_wait3A_64 = tpu.memref_squeeze %dma_wait3A_63 : memref<1x64xi32, #tpu.memory_space<vmem>> -> memref<64xi32, #tpu.memory_space<vmem>>
    %dma_wait3A_65 = arith.constant 0 : i32
    %dma_wait3A_66 = arith.constant 0 : i32
    %dma_wait3A_67 = tpu.memref_slice %arg2[%dma_wait3A_65, %dma_wait3A_66] : memref<10000x128xf32, #tpu.memory_space<hbm>> -> memref<10000x128xf32, #tpu.memory_space<hbm>>
    tpu.wait_indirect_dma semaphore(%arg13 : memref<!tpu.dma_semaphore, #tpu.memory_space<semaphore_mem>>) src(%dma_wait3A_67 : memref<10000x128xf32, #tpu.memory_space<hbm>>) dst(%dma_wait3A_61 : memref<64x128xf32, #tpu.memory_space<vmem>>)
    %run_scoped3A = arith.constant 38 : i32
    "tpu.region"() ({
      %run_scoped3A_185 = tpu.sem_alloc : memref<!tpu.dma_semaphore, #tpu.memory_space<semaphore_mem>>
      %dma_start3A_186 = arith.constant 0 : i32
      %dma_start3A_187 = tpu.memref_slice %arg9[%run_scoped3A, %dma_start3A_186] : memref<40x128xi32, #tpu.memory_space<vmem>> -> memref<1x128xi32, #tpu.memory_space<vmem>>
      %dma_start3A_188 = tpu.memref_squeeze %dma_start3A_187 : memref<1x128xi32, #tpu.memory_space<vmem>> -> memref<128xi32, #tpu.memory_space<vmem>>
      %dma_start3A_189 = arith.constant 0 : i32
      %dma_start3A_190 = arith.constant 0 : i32
      %dma_start3A_191 = tpu.memref_slice %arg12[%dma_start3A_189, %dma_start3A_190] : memref<10240x128xf32, #tpu.memory_space<vmem_shared>> -> memref<10240x128xf32, #tpu.memory_space<vmem_shared>>
      tpu.enqueue_indirect_dma source(%arg10 : memref<128x128xf32, #tpu.memory_space<vmem>>) target(%dma_start3A_191 : memref<10240x128xf32, #tpu.memory_space<vmem_shared>>) offsets(%dma_start3A_188 : memref<128xi32, #tpu.memory_space<vmem>>) semaphore(%run_scoped3A_185 : memref<!tpu.dma_semaphore, #tpu.memory_space<semaphore_mem>>) {add = true}
      %dma_wait3A_192 = arith.constant 0 : i32
      %dma_wait3A_193 = tpu.memref_slice %arg9[%run_scoped3A, %dma_wait3A_192] : memref<40x128xi32, #tpu.memory_space<vmem>> -> memref<1x128xi32, #tpu.memory_space<vmem>>
      %dma_wait3A_194 = tpu.memref_squeeze %dma_wait3A_193 : memref<1x128xi32, #tpu.memory_space<vmem>> -> memref<128xi32, #tpu.memory_space<vmem>>
      %dma_wait3A_195 = arith.constant 0 : i32
      %dma_wait3A_196 = arith.constant 0 : i32
      %dma_wait3A_197 = tpu.memref_slice %arg12[%dma_wait3A_195, %dma_wait3A_196] : memref<10240x128xf32, #tpu.memory_space<vmem_shared>> -> memref<10240x128xf32, #tpu.memory_space<vmem_shared>>
      tpu.wait_indirect_dma semaphore(%run_scoped3A_185 : memref<!tpu.dma_semaphore, #tpu.memory_space<semaphore_mem>>) src(%arg10 : memref<128x128xf32, #tpu.memory_space<vmem>>) dst(%dma_wait3A_197 : memref<10240x128xf32, #tpu.memory_space<vmem_shared>>)
      tpu.yield
    }) : () -> ()
    %dma_wait3A_68 = arith.constant 39 : i32
    %dma_wait3A_69 = arith.constant 0 : i32
    %dma_wait3A_70 = arith.constant 0 : i32
    %dma_wait3A_71 = tpu.memref_slice %arg11[%dma_wait3A_69, %dma_wait3A_70] : memref<128x128xf32, #tpu.memory_space<vmem>> -> memref<64x128xf32, #tpu.memory_space<vmem>>
    %dma_wait3A_72 = arith.constant 0 : i32
    %dma_wait3A_73 = tpu.memref_slice %arg8[%dma_wait3A_68, %dma_wait3A_72] : memref<40x128xi32, #tpu.memory_space<vmem>> -> memref<1x64xi32, #tpu.memory_space<vmem>>
    %dma_wait3A_74 = tpu.memref_squeeze %dma_wait3A_73 : memref<1x64xi32, #tpu.memory_space<vmem>> -> memref<64xi32, #tpu.memory_space<vmem>>
    %dma_wait3A_75 = arith.constant 0 : i32
    %dma_wait3A_76 = arith.constant 0 : i32
    %dma_wait3A_77 = tpu.memref_slice %arg2[%dma_wait3A_75, %dma_wait3A_76] : memref<10000x128xf32, #tpu.memory_space<hbm>> -> memref<10000x128xf32, #tpu.memory_space<hbm>>
    tpu.wait_indirect_dma semaphore(%arg14 : memref<!tpu.dma_semaphore, #tpu.memory_space<semaphore_mem>>) src(%dma_wait3A_77 : memref<10000x128xf32, #tpu.memory_space<hbm>>) dst(%dma_wait3A_71 : memref<64x128xf32, #tpu.memory_space<vmem>>)
    %dma_wait3A_78 = arith.constant 39 : i32
    %dma_wait3A_79 = arith.constant 64 : i32
    %dma_wait3A_80 = arith.constant 0 : i32
    %dma_wait3A_81 = tpu.memref_slice %arg11[%dma_wait3A_79, %dma_wait3A_80] : memref<128x128xf32, #tpu.memory_space<vmem>> -> memref<64x128xf32, #tpu.memory_space<vmem>>
    %dma_wait3A_82 = arith.constant 64 : i32
    %dma_wait3A_83 = tpu.memref_slice %arg8[%dma_wait3A_78, %dma_wait3A_82] : memref<40x128xi32, #tpu.memory_space<vmem>> -> memref<1x64xi32, #tpu.memory_space<vmem>>
    %dma_wait3A_84 = tpu.memref_squeeze %dma_wait3A_83 : memref<1x64xi32, #tpu.memory_space<vmem>> -> memref<64xi32, #tpu.memory_space<vmem>>
    %dma_wait3A_85 = arith.constant 0 : i32
    %dma_wait3A_86 = arith.constant 0 : i32
    %dma_wait3A_87 = tpu.memref_slice %arg2[%dma_wait3A_85, %dma_wait3A_86] : memref<10000x128xf32, #tpu.memory_space<hbm>> -> memref<10000x128xf32, #tpu.memory_space<hbm>>
    tpu.wait_indirect_dma semaphore(%arg14 : memref<!tpu.dma_semaphore, #tpu.memory_space<semaphore_mem>>) src(%dma_wait3A_87 : memref<10000x128xf32, #tpu.memory_space<hbm>>) dst(%dma_wait3A_81 : memref<64x128xf32, #tpu.memory_space<vmem>>)
    %run_scoped3A_88 = arith.constant 39 : i32
    "tpu.region"() ({
      %run_scoped3A_185 = tpu.sem_alloc : memref<!tpu.dma_semaphore, #tpu.memory_space<semaphore_mem>>
      %dma_start3A_186 = arith.constant 0 : i32
      %dma_start3A_187 = tpu.memref_slice %arg9[%run_scoped3A_88, %dma_start3A_186] : memref<40x128xi32, #tpu.memory_space<vmem>> -> memref<1x128xi32, #tpu.memory_space<vmem>>
      %dma_start3A_188 = tpu.memref_squeeze %dma_start3A_187 : memref<1x128xi32, #tpu.memory_space<vmem>> -> memref<128xi32, #tpu.memory_space<vmem>>
      %dma_start3A_189 = arith.constant 0 : i32
      %dma_start3A_190 = arith.constant 0 : i32
      %dma_start3A_191 = tpu.memref_slice %arg12[%dma_start3A_189, %dma_start3A_190] : memref<10240x128xf32, #tpu.memory_space<vmem_shared>> -> memref<10240x128xf32, #tpu.memory_space<vmem_shared>>
      tpu.enqueue_indirect_dma source(%arg11 : memref<128x128xf32, #tpu.memory_space<vmem>>) target(%dma_start3A_191 : memref<10240x128xf32, #tpu.memory_space<vmem_shared>>) offsets(%dma_start3A_188 : memref<128xi32, #tpu.memory_space<vmem>>) semaphore(%run_scoped3A_185 : memref<!tpu.dma_semaphore, #tpu.memory_space<semaphore_mem>>) {add = true}
      %dma_wait3A_192 = arith.constant 0 : i32
      %dma_wait3A_193 = tpu.memref_slice %arg9[%run_scoped3A_88, %dma_wait3A_192] : memref<40x128xi32, #tpu.memory_space<vmem>> -> memref<1x128xi32, #tpu.memory_space<vmem>>
      %dma_wait3A_194 = tpu.memref_squeeze %dma_wait3A_193 : memref<1x128xi32, #tpu.memory_space<vmem>> -> memref<128xi32, #tpu.memory_space<vmem>>
      %dma_wait3A_195 = arith.constant 0 : i32
      %dma_wait3A_196 = arith.constant 0 : i32
      %dma_wait3A_197 = tpu.memref_slice %arg12[%dma_wait3A_195, %dma_wait3A_196] : memref<10240x128xf32, #tpu.memory_space<vmem_shared>> -> memref<10240x128xf32, #tpu.memory_space<vmem_shared>>
      tpu.wait_indirect_dma semaphore(%run_scoped3A_185 : memref<!tpu.dma_semaphore, #tpu.memory_space<semaphore_mem>>) src(%arg11 : memref<128x128xf32, #tpu.memory_space<vmem>>) dst(%dma_wait3A_197 : memref<10240x128xf32, #tpu.memory_space<vmem_shared>>)
      tpu.yield
    }) : () -> ()
    "tpu.region"() ({
      %run_scoped3A_185 = tpu.sem_alloc : memref<!tpu.dma_semaphore, #tpu.memory_space<semaphore_mem>>
      %dma_start3A_186 = arith.constant 40 : i32
      %dma_start3A_187 = arith.constant 0 : i32
      %dma_start3A_188 = tpu.memref_slice %arg3[%add3A, %dma_start3A_186, %dma_start3A_187] : memref<32x80x128xi32, #tpu.memory_space<hbm>> -> memref<1x40x128xi32, #tpu.memory_space<hbm>>
      %dma_start3A_189 = tpu.memref_squeeze %dma_start3A_188 : memref<1x40x128xi32, #tpu.memory_space<hbm>> -> memref<40x128xi32, #tpu.memory_space<hbm>>
      %dma_start3A_190 = arith.constant 40 : i32
      %dma_start3A_191 = arith.constant 0 : i32
      %dma_start3A_192 = tpu.memref_slice %arg3[%add3A, %dma_start3A_190, %dma_start3A_191] : memref<32x80x128xi32, #tpu.memory_space<hbm>> -> memref<1x40x128xi32, #tpu.memory_space<hbm>>
      %dma_start3A_193 = tpu.memref_squeeze %dma_start3A_192 : memref<1x40x128xi32, #tpu.memory_space<hbm>> -> memref<40x128xi32, #tpu.memory_space<hbm>>
      tpu.enqueue_dma source(%dma_start3A_193 : memref<40x128xi32, #tpu.memory_space<hbm>>) target(%arg8 : memref<40x128xi32, #tpu.memory_space<vmem>>) target_semaphore(%run_scoped3A_185 : memref<!tpu.dma_semaphore, #tpu.memory_space<semaphore_mem>>)
      %dma_wait3A_194 = arith.constant 40 : i32
      %dma_wait3A_195 = arith.constant 0 : i32
      %dma_wait3A_196 = tpu.memref_slice %arg3[%add3A, %dma_wait3A_194, %dma_wait3A_195] : memref<32x80x128xi32, #tpu.memory_space<hbm>> -> memref<1x40x128xi32, #tpu.memory_space<hbm>>
      %dma_wait3A_197 = tpu.memref_squeeze %dma_wait3A_196 : memref<1x40x128xi32, #tpu.memory_space<hbm>> -> memref<40x128xi32, #tpu.memory_space<hbm>>
      %dma_wait3A_198 = arith.constant 40 : i32
      %dma_wait3A_199 = arith.constant 0 : i32
      %dma_wait3A_200 = tpu.memref_slice %arg3[%add3A, %dma_wait3A_198, %dma_wait3A_199] : memref<32x80x128xi32, #tpu.memory_space<hbm>> -> memref<1x40x128xi32, #tpu.memory_space<hbm>>
      %dma_wait3A_201 = tpu.memref_squeeze %dma_wait3A_200 : memref<1x40x128xi32, #tpu.memory_space<hbm>> -> memref<40x128xi32, #tpu.memory_space<hbm>>
      tpu.wait_dma2 semaphore(%run_scoped3A_185 : memref<!tpu.dma_semaphore, #tpu.memory_space<semaphore_mem>>) src(%dma_wait3A_201 : memref<40x128xi32, #tpu.memory_space<hbm>>) dst(%arg8 : memref<40x128xi32, #tpu.memory_space<vmem>>)
      tpu.yield
    }) : () -> ()
    "tpu.region"() ({
      %run_scoped3A_185 = tpu.sem_alloc : memref<!tpu.dma_semaphore, #tpu.memory_space<semaphore_mem>>
      %dma_start3A_186 = arith.constant 40 : i32
      %dma_start3A_187 = arith.constant 0 : i32
      %dma_start3A_188 = tpu.memref_slice %arg4[%add3A, %dma_start3A_186, %dma_start3A_187] : memref<32x80x128xi32, #tpu.memory_space<hbm>> -> memref<1x40x128xi32, #tpu.memory_space<hbm>>
      %dma_start3A_189 = tpu.memref_squeeze %dma_start3A_188 : memref<1x40x128xi32, #tpu.memory_space<hbm>> -> memref<40x128xi32, #tpu.memory_space<hbm>>
      %dma_start3A_190 = arith.constant 40 : i32
      %dma_start3A_191 = arith.constant 0 : i32
      %dma_start3A_192 = tpu.memref_slice %arg4[%add3A, %dma_start3A_190, %dma_start3A_191] : memref<32x80x128xi32, #tpu.memory_space<hbm>> -> memref<1x40x128xi32, #tpu.memory_space<hbm>>
      %dma_start3A_193 = tpu.memref_squeeze %dma_start3A_192 : memref<1x40x128xi32, #tpu.memory_space<hbm>> -> memref<40x128xi32, #tpu.memory_space<hbm>>
      tpu.enqueue_dma source(%dma_start3A_193 : memref<40x128xi32, #tpu.memory_space<hbm>>) target(%arg9 : memref<40x128xi32, #tpu.memory_space<vmem>>) target_semaphore(%run_scoped3A_185 : memref<!tpu.dma_semaphore, #tpu.memory_space<semaphore_mem>>)
      %dma_wait3A_194 = arith.constant 40 : i32
      %dma_wait3A_195 = arith.constant 0 : i32
      %dma_wait3A_196 = tpu.memref_slice %arg4[%add3A, %dma_wait3A_194, %dma_wait3A_195] : memref<32x80x128xi32, #tpu.memory_space<hbm>> -> memref<1x40x128xi32, #tpu.memory_space<hbm>>
      %dma_wait3A_197 = tpu.memref_squeeze %dma_wait3A_196 : memref<1x40x128xi32, #tpu.memory_space<hbm>> -> memref<40x128xi32, #tpu.memory_space<hbm>>
      %dma_wait3A_198 = arith.constant 40 : i32
      %dma_wait3A_199 = arith.constant 0 : i32
      %dma_wait3A_200 = tpu.memref_slice %arg4[%add3A, %dma_wait3A_198, %dma_wait3A_199] : memref<32x80x128xi32, #tpu.memory_space<hbm>> -> memref<1x40x128xi32, #tpu.memory_space<hbm>>
      %dma_wait3A_201 = tpu.memref_squeeze %dma_wait3A_200 : memref<1x40x128xi32, #tpu.memory_space<hbm>> -> memref<40x128xi32, #tpu.memory_space<hbm>>
      tpu.wait_dma2 semaphore(%run_scoped3A_185 : memref<!tpu.dma_semaphore, #tpu.memory_space<semaphore_mem>>) src(%dma_wait3A_201 : memref<40x128xi32, #tpu.memory_space<hbm>>) dst(%arg9 : memref<40x128xi32, #tpu.memory_space<vmem>>)
      tpu.yield
    }) : () -> ()
    %dma_start3A_89 = arith.constant 0 : i32
    %dma_start3A_90 = arith.constant 0 : i32
    %dma_start3A_91 = arith.constant 0 : i32
    %dma_start3A_92 = tpu.memref_slice %arg10[%dma_start3A_90, %dma_start3A_91] : memref<128x128xf32, #tpu.memory_space<vmem>> -> memref<64x128xf32, #tpu.memory_space<vmem>>
    %dma_start3A_93 = arith.constant 0 : i32
    %dma_start3A_94 = tpu.memref_slice %arg8[%dma_start3A_89, %dma_start3A_93] : memref<40x128xi32, #tpu.memory_space<vmem>> -> memref<1x64xi32, #tpu.memory_space<vmem>>
    %dma_start3A_95 = tpu.memref_squeeze %dma_start3A_94 : memref<1x64xi32, #tpu.memory_space<vmem>> -> memref<64xi32, #tpu.memory_space<vmem>>
    %dma_start3A_96 = arith.constant 0 : i32
    %dma_start3A_97 = arith.constant 0 : i32
    %dma_start3A_98 = tpu.memref_slice %arg2[%dma_start3A_96, %dma_start3A_97] : memref<10000x128xf32, #tpu.memory_space<hbm>> -> memref<10000x128xf32, #tpu.memory_space<hbm>>
    tpu.enqueue_indirect_dma source(%dma_start3A_98 : memref<10000x128xf32, #tpu.memory_space<hbm>>) target(%dma_start3A_92 : memref<64x128xf32, #tpu.memory_space<vmem>>) offsets(%dma_start3A_95 : memref<64xi32, #tpu.memory_space<vmem>>) semaphore(%arg13 : memref<!tpu.dma_semaphore, #tpu.memory_space<semaphore_mem>>)
    %dma_start3A_99 = arith.constant 0 : i32
    %dma_start3A_100 = arith.constant 64 : i32
    %dma_start3A_101 = arith.constant 0 : i32
    %dma_start3A_102 = tpu.memref_slice %arg10[%dma_start3A_100, %dma_start3A_101] : memref<128x128xf32, #tpu.memory_space<vmem>> -> memref<64x128xf32, #tpu.memory_space<vmem>>
    %dma_start3A_103 = arith.constant 64 : i32
    %dma_start3A_104 = tpu.memref_slice %arg8[%dma_start3A_99, %dma_start3A_103] : memref<40x128xi32, #tpu.memory_space<vmem>> -> memref<1x64xi32, #tpu.memory_space<vmem>>
    %dma_start3A_105 = tpu.memref_squeeze %dma_start3A_104 : memref<1x64xi32, #tpu.memory_space<vmem>> -> memref<64xi32, #tpu.memory_space<vmem>>
    %dma_start3A_106 = arith.constant 0 : i32
    %dma_start3A_107 = arith.constant 0 : i32
    %dma_start3A_108 = tpu.memref_slice %arg2[%dma_start3A_106, %dma_start3A_107] : memref<10000x128xf32, #tpu.memory_space<hbm>> -> memref<10000x128xf32, #tpu.memory_space<hbm>>
    tpu.enqueue_indirect_dma source(%dma_start3A_108 : memref<10000x128xf32, #tpu.memory_space<hbm>>) target(%dma_start3A_102 : memref<64x128xf32, #tpu.memory_space<vmem>>) offsets(%dma_start3A_105 : memref<64xi32, #tpu.memory_space<vmem>>) semaphore(%arg13 : memref<!tpu.dma_semaphore, #tpu.memory_space<semaphore_mem>>)
    %dma_start3A_109 = arith.constant 1 : i32
    %dma_start3A_110 = arith.constant 0 : i32
    %dma_start3A_111 = arith.constant 0 : i32
    %dma_start3A_112 = tpu.memref_slice %arg11[%dma_start3A_110, %dma_start3A_111] : memref<128x128xf32, #tpu.memory_space<vmem>> -> memref<64x128xf32, #tpu.memory_space<vmem>>
    %dma_start3A_113 = arith.constant 0 : i32
    %dma_start3A_114 = tpu.memref_slice %arg8[%dma_start3A_109, %dma_start3A_113] : memref<40x128xi32, #tpu.memory_space<vmem>> -> memref<1x64xi32, #tpu.memory_space<vmem>>
    %dma_start3A_115 = tpu.memref_squeeze %dma_start3A_114 : memref<1x64xi32, #tpu.memory_space<vmem>> -> memref<64xi32, #tpu.memory_space<vmem>>
    %dma_start3A_116 = arith.constant 0 : i32
    %dma_start3A_117 = arith.constant 0 : i32
    %dma_start3A_118 = tpu.memref_slice %arg2[%dma_start3A_116, %dma_start3A_117] : memref<10000x128xf32, #tpu.memory_space<hbm>> -> memref<10000x128xf32, #tpu.memory_space<hbm>>
    tpu.enqueue_indirect_dma source(%dma_start3A_118 : memref<10000x128xf32, #tpu.memory_space<hbm>>) target(%dma_start3A_112 : memref<64x128xf32, #tpu.memory_space<vmem>>) offsets(%dma_start3A_115 : memref<64xi32, #tpu.memory_space<vmem>>) semaphore(%arg14 : memref<!tpu.dma_semaphore, #tpu.memory_space<semaphore_mem>>)
    %dma_start3A_119 = arith.constant 1 : i32
    %dma_start3A_120 = arith.constant 64 : i32
    %dma_start3A_121 = arith.constant 0 : i32
    %dma_start3A_122 = tpu.memref_slice %arg11[%dma_start3A_120, %dma_start3A_121] : memref<128x128xf32, #tpu.memory_space<vmem>> -> memref<64x128xf32, #tpu.memory_space<vmem>>
    %dma_start3A_123 = arith.constant 64 : i32
    %dma_start3A_124 = tpu.memref_slice %arg8[%dma_start3A_119, %dma_start3A_123] : memref<40x128xi32, #tpu.memory_space<vmem>> -> memref<1x64xi32, #tpu.memory_space<vmem>>
    %dma_start3A_125 = tpu.memref_squeeze %dma_start3A_124 : memref<1x64xi32, #tpu.memory_space<vmem>> -> memref<64xi32, #tpu.memory_space<vmem>>
    %dma_start3A_126 = arith.constant 0 : i32
    %dma_start3A_127 = arith.constant 0 : i32
    %dma_start3A_128 = tpu.memref_slice %arg2[%dma_start3A_126, %dma_start3A_127] : memref<10000x128xf32, #tpu.memory_space<hbm>> -> memref<10000x128xf32, #tpu.memory_space<hbm>>
    tpu.enqueue_indirect_dma source(%dma_start3A_128 : memref<10000x128xf32, #tpu.memory_space<hbm>>) target(%dma_start3A_122 : memref<64x128xf32, #tpu.memory_space<vmem>>) offsets(%dma_start3A_125 : memref<64xi32, #tpu.memory_space<vmem>>) semaphore(%arg14 : memref<!tpu.dma_semaphore, #tpu.memory_space<semaphore_mem>>)
    %scan3A_129 = arith.constant 0 : i32
    %scan3A_130 = arith.constant 0 : i32
    %scan3A_131 = arith.constant 19 : i32
    %scan3A_132 = arith.addi %scan3A_130, %scan3A_131 : i32
    %scan3A_133 = arith.constant 1 : i32
    scf.for %scan3A_185 = %scan3A_130 to %scan3A_132 step %scan3A_133  : i32 {
      %mul3A_186 = arith.constant 2 : i32
      %mul3A_187 = arith.muli %mul3A_186, %scan3A_185 : i32
      %dma_wait3A_188 = arith.constant 0 : i32
      %dma_wait3A_189 = arith.constant 0 : i32
      %dma_wait3A_190 = tpu.memref_slice %arg10[%dma_wait3A_188, %dma_wait3A_189] : memref<128x128xf32, #tpu.memory_space<vmem>> -> memref<64x128xf32, #tpu.memory_space<vmem>>
      %dma_wait3A_191 = arith.constant 0 : i32
      %dma_wait3A_192 = tpu.memref_slice %arg8[%mul3A_187, %dma_wait3A_191] : memref<40x128xi32, #tpu.memory_space<vmem>> -> memref<1x64xi32, #tpu.memory_space<vmem>>
      %dma_wait3A_193 = tpu.memref_squeeze %dma_wait3A_192 : memref<1x64xi32, #tpu.memory_space<vmem>> -> memref<64xi32, #tpu.memory_space<vmem>>
      %dma_wait3A_194 = arith.constant 0 : i32
      %dma_wait3A_195 = arith.constant 0 : i32
      %dma_wait3A_196 = tpu.memref_slice %arg2[%dma_wait3A_194, %dma_wait3A_195] : memref<10000x128xf32, #tpu.memory_space<hbm>> -> memref<10000x128xf32, #tpu.memory_space<hbm>>
      tpu.wait_indirect_dma semaphore(%arg13 : memref<!tpu.dma_semaphore, #tpu.memory_space<semaphore_mem>>) src(%dma_wait3A_196 : memref<10000x128xf32, #tpu.memory_space<hbm>>) dst(%dma_wait3A_190 : memref<64x128xf32, #tpu.memory_space<vmem>>)
      %dma_wait3A_197 = arith.constant 64 : i32
      %dma_wait3A_198 = arith.constant 0 : i32
      %dma_wait3A_199 = tpu.memref_slice %arg10[%dma_wait3A_197, %dma_wait3A_198] : memref<128x128xf32, #tpu.memory_space<vmem>> -> memref<64x128xf32, #tpu.memory_space<vmem>>
      %dma_wait3A_200 = arith.constant 64 : i32
      %dma_wait3A_201 = tpu.memref_slice %arg8[%mul3A_187, %dma_wait3A_200] : memref<40x128xi32, #tpu.memory_space<vmem>> -> memref<1x64xi32, #tpu.memory_space<vmem>>
      %dma_wait3A_202 = tpu.memref_squeeze %dma_wait3A_201 : memref<1x64xi32, #tpu.memory_space<vmem>> -> memref<64xi32, #tpu.memory_space<vmem>>
      %dma_wait3A_203 = arith.constant 0 : i32
      %dma_wait3A_204 = arith.constant 0 : i32
      %dma_wait3A_205 = tpu.memref_slice %arg2[%dma_wait3A_203, %dma_wait3A_204] : memref<10000x128xf32, #tpu.memory_space<hbm>> -> memref<10000x128xf32, #tpu.memory_space<hbm>>
      tpu.wait_indirect_dma semaphore(%arg13 : memref<!tpu.dma_semaphore, #tpu.memory_space<semaphore_mem>>) src(%dma_wait3A_205 : memref<10000x128xf32, #tpu.memory_space<hbm>>) dst(%dma_wait3A_199 : memref<64x128xf32, #tpu.memory_space<vmem>>)
      "tpu.region"() ({
        %run_scoped3A_268 = tpu.sem_alloc : memref<!tpu.dma_semaphore, #tpu.memory_space<semaphore_mem>>
        %dma_start3A_269 = arith.constant 0 : i32
        %dma_start3A_270 = tpu.memref_slice %arg9[%mul3A_187, %dma_start3A_269] : memref<40x128xi32, #tpu.memory_space<vmem>> -> memref<1x128xi32, #tpu.memory_space<vmem>>
        %dma_start3A_271 = tpu.memref_squeeze %dma_start3A_270 : memref<1x128xi32, #tpu.memory_space<vmem>> -> memref<128xi32, #tpu.memory_space<vmem>>
        %dma_start3A_272 = arith.constant 0 : i32
        %dma_start3A_273 = arith.constant 0 : i32
        %dma_start3A_274 = tpu.memref_slice %arg12[%dma_start3A_272, %dma_start3A_273] : memref<10240x128xf32, #tpu.memory_space<vmem_shared>> -> memref<10240x128xf32, #tpu.memory_space<vmem_shared>>
        tpu.enqueue_indirect_dma source(%arg10 : memref<128x128xf32, #tpu.memory_space<vmem>>) target(%dma_start3A_274 : memref<10240x128xf32, #tpu.memory_space<vmem_shared>>) offsets(%dma_start3A_271 : memref<128xi32, #tpu.memory_space<vmem>>) semaphore(%run_scoped3A_268 : memref<!tpu.dma_semaphore, #tpu.memory_space<semaphore_mem>>) {add = true}
        %dma_wait3A_275 = arith.constant 0 : i32
        %dma_wait3A_276 = tpu.memref_slice %arg9[%mul3A_187, %dma_wait3A_275] : memref<40x128xi32, #tpu.memory_space<vmem>> -> memref<1x128xi32, #tpu.memory_space<vmem>>
        %dma_wait3A_277 = tpu.memref_squeeze %dma_wait3A_276 : memref<1x128xi32, #tpu.memory_space<vmem>> -> memref<128xi32, #tpu.memory_space<vmem>>
        %dma_wait3A_278 = arith.constant 0 : i32
        %dma_wait3A_279 = arith.constant 0 : i32
        %dma_wait3A_280 = tpu.memref_slice %arg12[%dma_wait3A_278, %dma_wait3A_279] : memref<10240x128xf32, #tpu.memory_space<vmem_shared>> -> memref<10240x128xf32, #tpu.memory_space<vmem_shared>>
        tpu.wait_indirect_dma semaphore(%run_scoped3A_268 : memref<!tpu.dma_semaphore, #tpu.memory_space<semaphore_mem>>) src(%arg10 : memref<128x128xf32, #tpu.memory_space<vmem>>) dst(%dma_wait3A_280 : memref<10240x128xf32, #tpu.memory_space<vmem_shared>>)
        tpu.yield
      }) : () -> ()
      %add3A_206 = arith.constant 2 : i32
      %add3A_207 = arith.addi %mul3A_187, %add3A_206 : i32
      %dma_start3A_208 = arith.constant 0 : i32
      %dma_start3A_209 = arith.constant 0 : i32
      %dma_start3A_210 = tpu.memref_slice %arg10[%dma_start3A_208, %dma_start3A_209] : memref<128x128xf32, #tpu.memory_space<vmem>> -> memref<64x128xf32, #tpu.memory_space<vmem>>
      %dma_start3A_211 = arith.constant 0 : i32
      %dma_start3A_212 = tpu.memref_slice %arg8[%add3A_207, %dma_start3A_211] : memref<40x128xi32, #tpu.memory_space<vmem>> -> memref<1x64xi32, #tpu.memory_space<vmem>>
      %dma_start3A_213 = tpu.memref_squeeze %dma_start3A_212 : memref<1x64xi32, #tpu.memory_space<vmem>> -> memref<64xi32, #tpu.memory_space<vmem>>
      %dma_start3A_214 = arith.constant 0 : i32
      %dma_start3A_215 = arith.constant 0 : i32
      %dma_start3A_216 = tpu.memref_slice %arg2[%dma_start3A_214, %dma_start3A_215] : memref<10000x128xf32, #tpu.memory_space<hbm>> -> memref<10000x128xf32, #tpu.memory_space<hbm>>
      tpu.enqueue_indirect_dma source(%dma_start3A_216 : memref<10000x128xf32, #tpu.memory_space<hbm>>) target(%dma_start3A_210 : memref<64x128xf32, #tpu.memory_space<vmem>>) offsets(%dma_start3A_213 : memref<64xi32, #tpu.memory_space<vmem>>) semaphore(%arg13 : memref<!tpu.dma_semaphore, #tpu.memory_space<semaphore_mem>>)
      %dma_start3A_217 = arith.constant 64 : i32
      %dma_start3A_218 = arith.constant 0 : i32
      %dma_start3A_219 = tpu.memref_slice %arg10[%dma_start3A_217, %dma_start3A_218] : memref<128x128xf32, #tpu.memory_space<vmem>> -> memref<64x128xf32, #tpu.memory_space<vmem>>
      %dma_start3A_220 = arith.constant 64 : i32
      %dma_start3A_221 = tpu.memref_slice %arg8[%add3A_207, %dma_start3A_220] : memref<40x128xi32, #tpu.memory_space<vmem>> -> memref<1x64xi32, #tpu.memory_space<vmem>>
      %dma_start3A_222 = tpu.memref_squeeze %dma_start3A_221 : memref<1x64xi32, #tpu.memory_space<vmem>> -> memref<64xi32, #tpu.memory_space<vmem>>
      %dma_start3A_223 = arith.constant 0 : i32
      %dma_start3A_224 = arith.constant 0 : i32
      %dma_start3A_225 = tpu.memref_slice %arg2[%dma_start3A_223, %dma_start3A_224] : memref<10000x128xf32, #tpu.memory_space<hbm>> -> memref<10000x128xf32, #tpu.memory_space<hbm>>
      tpu.enqueue_indirect_dma source(%dma_start3A_225 : memref<10000x128xf32, #tpu.memory_space<hbm>>) target(%dma_start3A_219 : memref<64x128xf32, #tpu.memory_space<vmem>>) offsets(%dma_start3A_222 : memref<64xi32, #tpu.memory_space<vmem>>) semaphore(%arg13 : memref<!tpu.dma_semaphore, #tpu.memory_space<semaphore_mem>>)
      %add3A_226 = arith.constant 1 : i32
      %add3A_227 = arith.addi %mul3A_187, %add3A_226 : i32
      %dma_wait3A_228 = arith.constant 0 : i32
      %dma_wait3A_229 = arith.constant 0 : i32
      %dma_wait3A_230 = tpu.memref_slice %arg11[%dma_wait3A_228, %dma_wait3A_229] : memref<128x128xf32, #tpu.memory_space<vmem>> -> memref<64x128xf32, #tpu.memory_space<vmem>>
      %dma_wait3A_231 = arith.constant 0 : i32
      %dma_wait3A_232 = tpu.memref_slice %arg8[%add3A_227, %dma_wait3A_231] : memref<40x128xi32, #tpu.memory_space<vmem>> -> memref<1x64xi32, #tpu.memory_space<vmem>>
      %dma_wait3A_233 = tpu.memref_squeeze %dma_wait3A_232 : memref<1x64xi32, #tpu.memory_space<vmem>> -> memref<64xi32, #tpu.memory_space<vmem>>
      %dma_wait3A_234 = arith.constant 0 : i32
      %dma_wait3A_235 = arith.constant 0 : i32
      %dma_wait3A_236 = tpu.memref_slice %arg2[%dma_wait3A_234, %dma_wait3A_235] : memref<10000x128xf32, #tpu.memory_space<hbm>> -> memref<10000x128xf32, #tpu.memory_space<hbm>>
      tpu.wait_indirect_dma semaphore(%arg14 : memref<!tpu.dma_semaphore, #tpu.memory_space<semaphore_mem>>) src(%dma_wait3A_236 : memref<10000x128xf32, #tpu.memory_space<hbm>>) dst(%dma_wait3A_230 : memref<64x128xf32, #tpu.memory_space<vmem>>)
      %dma_wait3A_237 = arith.constant 64 : i32
      %dma_wait3A_238 = arith.constant 0 : i32
      %dma_wait3A_239 = tpu.memref_slice %arg11[%dma_wait3A_237, %dma_wait3A_238] : memref<128x128xf32, #tpu.memory_space<vmem>> -> memref<64x128xf32, #tpu.memory_space<vmem>>
      %dma_wait3A_240 = arith.constant 64 : i32
      %dma_wait3A_241 = tpu.memref_slice %arg8[%add3A_227, %dma_wait3A_240] : memref<40x128xi32, #tpu.memory_space<vmem>> -> memref<1x64xi32, #tpu.memory_space<vmem>>
      %dma_wait3A_242 = tpu.memref_squeeze %dma_wait3A_241 : memref<1x64xi32, #tpu.memory_space<vmem>> -> memref<64xi32, #tpu.memory_space<vmem>>
      %dma_wait3A_243 = arith.constant 0 : i32
      %dma_wait3A_244 = arith.constant 0 : i32
      %dma_wait3A_245 = tpu.memref_slice %arg2[%dma_wait3A_243, %dma_wait3A_244] : memref<10000x128xf32, #tpu.memory_space<hbm>> -> memref<10000x128xf32, #tpu.memory_space<hbm>>
      tpu.wait_indirect_dma semaphore(%arg14 : memref<!tpu.dma_semaphore, #tpu.memory_space<semaphore_mem>>) src(%dma_wait3A_245 : memref<10000x128xf32, #tpu.memory_space<hbm>>) dst(%dma_wait3A_239 : memref<64x128xf32, #tpu.memory_space<vmem>>)
      %add3A_246 = arith.constant 1 : i32
      %add3A_247 = arith.addi %mul3A_187, %add3A_246 : i32
      "tpu.region"() ({
        %run_scoped3A_268 = tpu.sem_alloc : memref<!tpu.dma_semaphore, #tpu.memory_space<semaphore_mem>>
        %dma_start3A_269 = arith.constant 0 : i32
        %dma_start3A_270 = tpu.memref_slice %arg9[%add3A_247, %dma_start3A_269] : memref<40x128xi32, #tpu.memory_space<vmem>> -> memref<1x128xi32, #tpu.memory_space<vmem>>
        %dma_start3A_271 = tpu.memref_squeeze %dma_start3A_270 : memref<1x128xi32, #tpu.memory_space<vmem>> -> memref<128xi32, #tpu.memory_space<vmem>>
        %dma_start3A_272 = arith.constant 0 : i32
        %dma_start3A_273 = arith.constant 0 : i32
        %dma_start3A_274 = tpu.memref_slice %arg12[%dma_start3A_272, %dma_start3A_273] : memref<10240x128xf32, #tpu.memory_space<vmem_shared>> -> memref<10240x128xf32, #tpu.memory_space<vmem_shared>>
        tpu.enqueue_indirect_dma source(%arg11 : memref<128x128xf32, #tpu.memory_space<vmem>>) target(%dma_start3A_274 : memref<10240x128xf32, #tpu.memory_space<vmem_shared>>) offsets(%dma_start3A_271 : memref<128xi32, #tpu.memory_space<vmem>>) semaphore(%run_scoped3A_268 : memref<!tpu.dma_semaphore, #tpu.memory_space<semaphore_mem>>) {add = true}
        %dma_wait3A_275 = arith.constant 0 : i32
        %dma_wait3A_276 = tpu.memref_slice %arg9[%add3A_247, %dma_wait3A_275] : memref<40x128xi32, #tpu.memory_space<vmem>> -> memref<1x128xi32, #tpu.memory_space<vmem>>
        %dma_wait3A_277 = tpu.memref_squeeze %dma_wait3A_276 : memref<1x128xi32, #tpu.memory_space<vmem>> -> memref<128xi32, #tpu.memory_space<vmem>>
        %dma_wait3A_278 = arith.constant 0 : i32
        %dma_wait3A_279 = arith.constant 0 : i32
        %dma_wait3A_280 = tpu.memref_slice %arg12[%dma_wait3A_278, %dma_wait3A_279] : memref<10240x128xf32, #tpu.memory_space<vmem_shared>> -> memref<10240x128xf32, #tpu.memory_space<vmem_shared>>
        tpu.wait_indirect_dma semaphore(%run_scoped3A_268 : memref<!tpu.dma_semaphore, #tpu.memory_space<semaphore_mem>>) src(%arg11 : memref<128x128xf32, #tpu.memory_space<vmem>>) dst(%dma_wait3A_280 : memref<10240x128xf32, #tpu.memory_space<vmem_shared>>)
        tpu.yield
      }) : () -> ()
      %add3A_248 = arith.constant 3 : i32
      %add3A_249 = arith.addi %mul3A_187, %add3A_248 : i32
      %dma_start3A_250 = arith.constant 0 : i32
      %dma_start3A_251 = arith.constant 0 : i32
      %dma_start3A_252 = tpu.memref_slice %arg11[%dma_start3A_250, %dma_start3A_251] : memref<128x128xf32, #tpu.memory_space<vmem>> -> memref<64x128xf32, #tpu.memory_space<vmem>>
      %dma_start3A_253 = arith.constant 0 : i32
      %dma_start3A_254 = tpu.memref_slice %arg8[%add3A_249, %dma_start3A_253] : memref<40x128xi32, #tpu.memory_space<vmem>> -> memref<1x64xi32, #tpu.memory_space<vmem>>
      %dma_start3A_255 = tpu.memref_squeeze %dma_start3A_254 : memref<1x64xi32, #tpu.memory_space<vmem>> -> memref<64xi32, #tpu.memory_space<vmem>>
      %dma_start3A_256 = arith.constant 0 : i32
      %dma_start3A_257 = arith.constant 0 : i32
      %dma_start3A_258 = tpu.memref_slice %arg2[%dma_start3A_256, %dma_start3A_257] : memref<10000x128xf32, #tpu.memory_space<hbm>> -> memref<10000x128xf32, #tpu.memory_space<hbm>>
      tpu.enqueue_indirect_dma source(%dma_start3A_258 : memref<10000x128xf32, #tpu.memory_space<hbm>>) target(%dma_start3A_252 : memref<64x128xf32, #tpu.memory_space<vmem>>) offsets(%dma_start3A_255 : memref<64xi32, #tpu.memory_space<vmem>>) semaphore(%arg14 : memref<!tpu.dma_semaphore, #tpu.memory_space<semaphore_mem>>)
      %dma_start3A_259 = arith.constant 64 : i32
      %dma_start3A_260 = arith.constant 0 : i32
      %dma_start3A_261 = tpu.memref_slice %arg11[%dma_start3A_259, %dma_start3A_260] : memref<128x128xf32, #tpu.memory_space<vmem>> -> memref<64x128xf32, #tpu.memory_space<vmem>>
      %dma_start3A_262 = arith.constant 64 : i32
      %dma_start3A_263 = tpu.memref_slice %arg8[%add3A_249, %dma_start3A_262] : memref<40x128xi32, #tpu.memory_space<vmem>> -> memref<1x64xi32, #tpu.memory_space<vmem>>
      %dma_start3A_264 = tpu.memref_squeeze %dma_start3A_263 : memref<1x64xi32, #tpu.memory_space<vmem>> -> memref<64xi32, #tpu.memory_space<vmem>>
      %dma_start3A_265 = arith.constant 0 : i32
      %dma_start3A_266 = arith.constant 0 : i32
      %dma_start3A_267 = tpu.memref_slice %arg2[%dma_start3A_265, %dma_start3A_266] : memref<10000x128xf32, #tpu.memory_space<hbm>> -> memref<10000x128xf32, #tpu.memory_space<hbm>>
      tpu.enqueue_indirect_dma source(%dma_start3A_267 : memref<10000x128xf32, #tpu.memory_space<hbm>>) target(%dma_start3A_261 : memref<64x128xf32, #tpu.memory_space<vmem>>) offsets(%dma_start3A_264 : memref<64xi32, #tpu.memory_space<vmem>>) semaphore(%arg14 : memref<!tpu.dma_semaphore, #tpu.memory_space<semaphore_mem>>)
    }
    %scan3A_134 = arith.constant 19 : i32
    %dma_wait3A_135 = arith.constant 38 : i32
    %dma_wait3A_136 = arith.constant 0 : i32
    %dma_wait3A_137 = arith.constant 0 : i32
    %dma_wait3A_138 = tpu.memref_slice %arg10[%dma_wait3A_136, %dma_wait3A_137] : memref<128x128xf32, #tpu.memory_space<vmem>> -> memref<64x128xf32, #tpu.memory_space<vmem>>
    %dma_wait3A_139 = arith.constant 0 : i32
    %dma_wait3A_140 = tpu.memref_slice %arg8[%dma_wait3A_135, %dma_wait3A_139] : memref<40x128xi32, #tpu.memory_space<vmem>> -> memref<1x64xi32, #tpu.memory_space<vmem>>
    %dma_wait3A_141 = tpu.memref_squeeze %dma_wait3A_140 : memref<1x64xi32, #tpu.memory_space<vmem>> -> memref<64xi32, #tpu.memory_space<vmem>>
    %dma_wait3A_142 = arith.constant 0 : i32
    %dma_wait3A_143 = arith.constant 0 : i32
    %dma_wait3A_144 = tpu.memref_slice %arg2[%dma_wait3A_142, %dma_wait3A_143] : memref<10000x128xf32, #tpu.memory_space<hbm>> -> memref<10000x128xf32, #tpu.memory_space<hbm>>
    tpu.wait_indirect_dma semaphore(%arg13 : memref<!tpu.dma_semaphore, #tpu.memory_space<semaphore_mem>>) src(%dma_wait3A_144 : memref<10000x128xf32, #tpu.memory_space<hbm>>) dst(%dma_wait3A_138 : memref<64x128xf32, #tpu.memory_space<vmem>>)
    %dma_wait3A_145 = arith.constant 38 : i32
    %dma_wait3A_146 = arith.constant 64 : i32
    %dma_wait3A_147 = arith.constant 0 : i32
    %dma_wait3A_148 = tpu.memref_slice %arg10[%dma_wait3A_146, %dma_wait3A_147] : memref<128x128xf32, #tpu.memory_space<vmem>> -> memref<64x128xf32, #tpu.memory_space<vmem>>
    %dma_wait3A_149 = arith.constant 64 : i32
    %dma_wait3A_150 = tpu.memref_slice %arg8[%dma_wait3A_145, %dma_wait3A_149] : memref<40x128xi32, #tpu.memory_space<vmem>> -> memref<1x64xi32, #tpu.memory_space<vmem>>
    %dma_wait3A_151 = tpu.memref_squeeze %dma_wait3A_150 : memref<1x64xi32, #tpu.memory_space<vmem>> -> memref<64xi32, #tpu.memory_space<vmem>>
    %dma_wait3A_152 = arith.constant 0 : i32
    %dma_wait3A_153 = arith.constant 0 : i32
    %dma_wait3A_154 = tpu.memref_slice %arg2[%dma_wait3A_152, %dma_wait3A_153] : memref<10000x128xf32, #tpu.memory_space<hbm>> -> memref<10000x128xf32, #tpu.memory_space<hbm>>
    tpu.wait_indirect_dma semaphore(%arg13 : memref<!tpu.dma_semaphore, #tpu.memory_space<semaphore_mem>>) src(%dma_wait3A_154 : memref<10000x128xf32, #tpu.memory_space<hbm>>) dst(%dma_wait3A_148 : memref<64x128xf32, #tpu.memory_space<vmem>>)
    %run_scoped3A_155 = arith.constant 38 : i32
    "tpu.region"() ({
      %run_scoped3A_185 = tpu.sem_alloc : memref<!tpu.dma_semaphore, #tpu.memory_space<semaphore_mem>>
      %dma_start3A_186 = arith.constant 0 : i32
      %dma_start3A_187 = tpu.memref_slice %arg9[%run_scoped3A_155, %dma_start3A_186] : memref<40x128xi32, #tpu.memory_space<vmem>> -> memref<1x128xi32, #tpu.memory_space<vmem>>
      %dma_start3A_188 = tpu.memref_squeeze %dma_start3A_187 : memref<1x128xi32, #tpu.memory_space<vmem>> -> memref<128xi32, #tpu.memory_space<vmem>>
      %dma_start3A_189 = arith.constant 0 : i32
      %dma_start3A_190 = arith.constant 0 : i32
      %dma_start3A_191 = tpu.memref_slice %arg12[%dma_start3A_189, %dma_start3A_190] : memref<10240x128xf32, #tpu.memory_space<vmem_shared>> -> memref<10240x128xf32, #tpu.memory_space<vmem_shared>>
      tpu.enqueue_indirect_dma source(%arg10 : memref<128x128xf32, #tpu.memory_space<vmem>>) target(%dma_start3A_191 : memref<10240x128xf32, #tpu.memory_space<vmem_shared>>) offsets(%dma_start3A_188 : memref<128xi32, #tpu.memory_space<vmem>>) semaphore(%run_scoped3A_185 : memref<!tpu.dma_semaphore, #tpu.memory_space<semaphore_mem>>) {add = true}
      %dma_wait3A_192 = arith.constant 0 : i32
      %dma_wait3A_193 = tpu.memref_slice %arg9[%run_scoped3A_155, %dma_wait3A_192] : memref<40x128xi32, #tpu.memory_space<vmem>> -> memref<1x128xi32, #tpu.memory_space<vmem>>
      %dma_wait3A_194 = tpu.memref_squeeze %dma_wait3A_193 : memref<1x128xi32, #tpu.memory_space<vmem>> -> memref<128xi32, #tpu.memory_space<vmem>>
      %dma_wait3A_195 = arith.constant 0 : i32
      %dma_wait3A_196 = arith.constant 0 : i32
      %dma_wait3A_197 = tpu.memref_slice %arg12[%dma_wait3A_195, %dma_wait3A_196] : memref<10240x128xf32, #tpu.memory_space<vmem_shared>> -> memref<10240x128xf32, #tpu.memory_space<vmem_shared>>
      tpu.wait_indirect_dma semaphore(%run_scoped3A_185 : memref<!tpu.dma_semaphore, #tpu.memory_space<semaphore_mem>>) src(%arg10 : memref<128x128xf32, #tpu.memory_space<vmem>>) dst(%dma_wait3A_197 : memref<10240x128xf32, #tpu.memory_space<vmem_shared>>)
      tpu.yield
    }) : () -> ()
    %dma_wait3A_156 = arith.constant 39 : i32
    %dma_wait3A_157 = arith.constant 0 : i32
    %dma_wait3A_158 = arith.constant 0 : i32
    %dma_wait3A_159 = tpu.memref_slice %arg11[%dma_wait3A_157, %dma_wait3A_158] : memref<128x128xf32, #tpu.memory_space<vmem>> -> memref<64x128xf32, #tpu.memory_space<vmem>>
    %dma_wait3A_160 = arith.constant 0 : i32
    %dma_wait3A_161 = tpu.memref_slice %arg8[%dma_wait3A_156, %dma_wait3A_160] : memref<40x128xi32, #tpu.memory_space<vmem>> -> memref<1x64xi32, #tpu.memory_space<vmem>>
    %dma_wait3A_162 = tpu.memref_squeeze %dma_wait3A_161 : memref<1x64xi32, #tpu.memory_space<vmem>> -> memref<64xi32, #tpu.memory_space<vmem>>
    %dma_wait3A_163 = arith.constant 0 : i32
    %dma_wait3A_164 = arith.constant 0 : i32
    %dma_wait3A_165 = tpu.memref_slice %arg2[%dma_wait3A_163, %dma_wait3A_164] : memref<10000x128xf32, #tpu.memory_space<hbm>> -> memref<10000x128xf32, #tpu.memory_space<hbm>>
    tpu.wait_indirect_dma semaphore(%arg14 : memref<!tpu.dma_semaphore, #tpu.memory_space<semaphore_mem>>) src(%dma_wait3A_165 : memref<10000x128xf32, #tpu.memory_space<hbm>>) dst(%dma_wait3A_159 : memref<64x128xf32, #tpu.memory_space<vmem>>)
    %dma_wait3A_166 = arith.constant 39 : i32
    %dma_wait3A_167 = arith.constant 64 : i32
    %dma_wait3A_168 = arith.constant 0 : i32
    %dma_wait3A_169 = tpu.memref_slice %arg11[%dma_wait3A_167, %dma_wait3A_168] : memref<128x128xf32, #tpu.memory_space<vmem>> -> memref<64x128xf32, #tpu.memory_space<vmem>>
    %dma_wait3A_170 = arith.constant 64 : i32
    %dma_wait3A_171 = tpu.memref_slice %arg8[%dma_wait3A_166, %dma_wait3A_170] : memref<40x128xi32, #tpu.memory_space<vmem>> -> memref<1x64xi32, #tpu.memory_space<vmem>>
    %dma_wait3A_172 = tpu.memref_squeeze %dma_wait3A_171 : memref<1x64xi32, #tpu.memory_space<vmem>> -> memref<64xi32, #tpu.memory_space<vmem>>
    %dma_wait3A_173 = arith.constant 0 : i32
    %dma_wait3A_174 = arith.constant 0 : i32
    %dma_wait3A_175 = tpu.memref_slice %arg2[%dma_wait3A_173, %dma_wait3A_174] : memref<10000x128xf32, #tpu.memory_space<hbm>> -> memref<10000x128xf32, #tpu.memory_space<hbm>>
    tpu.wait_indirect_dma semaphore(%arg14 : memref<!tpu.dma_semaphore, #tpu.memory_space<semaphore_mem>>) src(%dma_wait3A_175 : memref<10000x128xf32, #tpu.memory_space<hbm>>) dst(%dma_wait3A_169 : memref<64x128xf32, #tpu.memory_space<vmem>>)
    %run_scoped3A_176 = arith.constant 39 : i32
    "tpu.region"() ({
      %run_scoped3A_185 = tpu.sem_alloc : memref<!tpu.dma_semaphore, #tpu.memory_space<semaphore_mem>>
      %dma_start3A_186 = arith.constant 0 : i32
      %dma_start3A_187 = tpu.memref_slice %arg9[%run_scoped3A_176, %dma_start3A_186] : memref<40x128xi32, #tpu.memory_space<vmem>> -> memref<1x128xi32, #tpu.memory_space<vmem>>
      %dma_start3A_188 = tpu.memref_squeeze %dma_start3A_187 : memref<1x128xi32, #tpu.memory_space<vmem>> -> memref<128xi32, #tpu.memory_space<vmem>>
      %dma_start3A_189 = arith.constant 0 : i32
      %dma_start3A_190 = arith.constant 0 : i32
      %dma_start3A_191 = tpu.memref_slice %arg12[%dma_start3A_189, %dma_start3A_190] : memref<10240x128xf32, #tpu.memory_space<vmem_shared>> -> memref<10240x128xf32, #tpu.memory_space<vmem_shared>>
      tpu.enqueue_indirect_dma source(%arg11 : memref<128x128xf32, #tpu.memory_space<vmem>>) target(%dma_start3A_191 : memref<10240x128xf32, #tpu.memory_space<vmem_shared>>) offsets(%dma_start3A_188 : memref<128xi32, #tpu.memory_space<vmem>>) semaphore(%run_scoped3A_185 : memref<!tpu.dma_semaphore, #tpu.memory_space<semaphore_mem>>) {add = true}
      %dma_wait3A_192 = arith.constant 0 : i32
      %dma_wait3A_193 = tpu.memref_slice %arg9[%run_scoped3A_176, %dma_wait3A_192] : memref<40x128xi32, #tpu.memory_space<vmem>> -> memref<1x128xi32, #tpu.memory_space<vmem>>
      %dma_wait3A_194 = tpu.memref_squeeze %dma_wait3A_193 : memref<1x128xi32, #tpu.memory_space<vmem>> -> memref<128xi32, #tpu.memory_space<vmem>>
      %dma_wait3A_195 = arith.constant 0 : i32
      %dma_wait3A_196 = arith.constant 0 : i32
      %dma_wait3A_197 = tpu.memref_slice %arg12[%dma_wait3A_195, %dma_wait3A_196] : memref<10240x128xf32, #tpu.memory_space<vmem_shared>> -> memref<10240x128xf32, #tpu.memory_space<vmem_shared>>
      tpu.wait_indirect_dma semaphore(%run_scoped3A_185 : memref<!tpu.dma_semaphore, #tpu.memory_space<semaphore_mem>>) src(%arg11 : memref<128x128xf32, #tpu.memory_space<vmem>>) dst(%dma_wait3A_197 : memref<10240x128xf32, #tpu.memory_space<vmem_shared>>)
      tpu.yield
    }) : () -> ()
    %barrier3A_177 = arith.constant 0 : index
    tpu.barrier barrier_id(%barrier3A_177)
    %eq3A = arith.constant 0 : i32
    %eq3A_178 = arith.cmpi eq, %arg0, %eq3A : i32
    %convert_element_type3A = arith.extui %eq3A_178 : i1 to i32
    %cond3A = arith.constant 0 : i32
    %cond3A_179 = arith.cmpi ne, %convert_element_type3A, %cond3A : i32
    scf.if %cond3A_179 {
      %mul3A_185 = arith.constant 640 : i32
      %mul3A_186 = arith.muli %arg1, %mul3A_185 : i32
      %mul3A_187 = arith.constant 640 : i32
      %mul3A_188 = arith.muli %arg1, %mul3A_187 : i32
      "tpu.region"() ({
        %run_scoped3A_189 = tpu.sem_alloc : memref<!tpu.dma_semaphore, #tpu.memory_space<semaphore_mem>>
        %dma_start3A_190 = arith.constant 0 : i32
        %dma_start3A_191 = tpu.memref_slice %arg6[%mul3A_188, %dma_start3A_190] : memref<10240x128xf32, #tpu.memory_space<hbm>> -> memref<640x128xf32, #tpu.memory_space<hbm>>
        %dma_start3A_192 = arith.constant 0 : i32
        %dma_start3A_193 = tpu.memref_slice %arg12[%mul3A_186, %dma_start3A_192] : memref<10240x128xf32, #tpu.memory_space<vmem_shared>> -> memref<640x128xf32, #tpu.memory_space<vmem_shared>>
        tpu.enqueue_dma source(%dma_start3A_193 : memref<640x128xf32, #tpu.memory_space<vmem_shared>>) target(%dma_start3A_191 : memref<640x128xf32, #tpu.memory_space<hbm>>) target_semaphore(%run_scoped3A_189 : memref<!tpu.dma_semaphore, #tpu.memory_space<semaphore_mem>>)
        %dma_wait3A_194 = arith.constant 0 : i32
        %dma_wait3A_195 = tpu.memref_slice %arg6[%mul3A_188, %dma_wait3A_194] : memref<10240x128xf32, #tpu.memory_space<hbm>> -> memref<640x128xf32, #tpu.memory_space<hbm>>
        %dma_wait3A_196 = arith.constant 0 : i32
        %dma_wait3A_197 = tpu.memref_slice %arg12[%mul3A_186, %dma_wait3A_196] : memref<10240x128xf32, #tpu.memory_space<vmem_shared>> -> memref<640x128xf32, #tpu.memory_space<vmem_shared>>
        tpu.wait_dma2 semaphore(%run_scoped3A_189 : memref<!tpu.dma_semaphore, #tpu.memory_space<semaphore_mem>>) src(%dma_wait3A_197 : memref<640x128xf32, #tpu.memory_space<vmem_shared>>) dst(%dma_wait3A_195 : memref<640x128xf32, #tpu.memory_space<hbm>>)
        tpu.yield
      }) : () -> ()
    } else {
    }
    %eq3A_180 = arith.constant 1 : i32
    %eq3A_181 = arith.cmpi eq, %arg0, %eq3A_180 : i32
    %convert_element_type3A_182 = arith.extui %eq3A_181 : i1 to i32
    %cond3A_183 = arith.constant 0 : i32
    %cond3A_184 = arith.cmpi ne, %convert_element_type3A_182, %cond3A_183 : i32
    scf.if %cond3A_184 {
      %mul3A_185 = arith.constant 640 : i32
      %mul3A_186 = arith.muli %arg1, %mul3A_185 : i32
      %mul3A_187 = arith.constant 640 : i32
      %mul3A_188 = arith.muli %arg1, %mul3A_187 : i32
      "tpu.region"() ({
        %run_scoped3A_189 = tpu.sem_alloc : memref<!tpu.dma_semaphore, #tpu.memory_space<semaphore_mem>>
        %dma_start3A_190 = arith.constant 0 : i32
        %dma_start3A_191 = tpu.memref_slice %arg7[%mul3A_188, %dma_start3A_190] : memref<10240x128xf32, #tpu.memory_space<hbm>> -> memref<640x128xf32, #tpu.memory_space<hbm>>
        %dma_start3A_192 = arith.constant 0 : i32
        %dma_start3A_193 = tpu.memref_slice %arg12[%mul3A_186, %dma_start3A_192] : memref<10240x128xf32, #tpu.memory_space<vmem_shared>> -> memref<640x128xf32, #tpu.memory_space<vmem_shared>>
        tpu.enqueue_dma source(%dma_start3A_193 : memref<640x128xf32, #tpu.memory_space<vmem_shared>>) target(%dma_start3A_191 : memref<640x128xf32, #tpu.memory_space<hbm>>) target_semaphore(%run_scoped3A_189 : memref<!tpu.dma_semaphore, #tpu.memory_space<semaphore_mem>>)
        %dma_wait3A_194 = arith.constant 0 : i32
        %dma_wait3A_195 = tpu.memref_slice %arg7[%mul3A_188, %dma_wait3A_194] : memref<10240x128xf32, #tpu.memory_space<hbm>> -> memref<640x128xf32, #tpu.memory_space<hbm>>
        %dma_wait3A_196 = arith.constant 0 : i32
        %dma_wait3A_197 = tpu.memref_slice %arg12[%mul3A_186, %dma_wait3A_196] : memref<10240x128xf32, #tpu.memory_space<vmem_shared>> -> memref<640x128xf32, #tpu.memory_space<vmem_shared>>
        tpu.wait_dma2 semaphore(%run_scoped3A_189 : memref<!tpu.dma_semaphore, #tpu.memory_space<semaphore_mem>>) src(%dma_wait3A_197 : memref<640x128xf32, #tpu.memory_space<vmem_shared>>) dst(%dma_wait3A_195 : memref<640x128xf32, #tpu.memory_space<hbm>>)
        tpu.yield
      }) : () -> ()
    } else {
    }
    return
  }
}

#map = affine_map<(d0, d1) -> (0, 0)>
#map1 = affine_map<(d0, d1) -> (0, 0, 0)>
module attributes {stable_mosaic.version = 14 : i64} {
  func.func @sc_agg(%arg0: i32, %arg1: i32, %arg2: memref<10000x128xf32, #tpu.memory_space<hbm>>, %arg3: memref<32x80x128xi32, #tpu.memory_space<hbm>>, %arg4: memref<32x80x128xi32, #tpu.memory_space<hbm>>, %arg5: memref<10240x128xf32, #tpu.memory_space<hbm>>, %arg6: memref<10240x128xf32, #tpu.memory_space<hbm>>, %arg7: memref<10240x128xf32, #tpu.memory_space<hbm>>, %arg8: memref<40x128xi32, #tpu.memory_space<vmem>>, %arg9: memref<40x128xi32, #tpu.memory_space<vmem>>, %arg10: memref<128x128xf32, #tpu.memory_space<vmem>>, %arg11: memref<128x128xf32, #tpu.memory_space<vmem>>, %arg12: memref<10240x128xf32, #tpu.memory_space<vmem_shared>>, %arg13: memref<!tpu.dma_semaphore, #tpu.memory_space<semaphore_mem>>, %arg14: memref<!tpu.dma_semaphore, #tpu.memory_space<semaphore_mem>>, %arg15: memref<!tpu.dma_semaphore, #tpu.memory_space<semaphore_mem>>, %arg16: memref<!tpu.dma_semaphore, #tpu.memory_space<semaphore_mem>>) attributes {dimension_semantics = [#tpu.dimension_semantics<core_parallel>, #tpu.dimension_semantics<subcore_parallel>], iteration_bounds = array<i64: 2, 16>, scalar_prefetch = 0 : i64, scratch_operands = 9 : i64, tpu.core_type = #tpu.core_type<sc_vector_subcore>, window_params = [{transform_indices = #map}, {transform_indices = #map1}, {transform_indices = #map1}, {transform_indices = #map}, {transform_indices = #map}, {transform_indices = #map}]} {
    %mul3A = arith.constant 2 : i32
    %mul3A_0 = arith.muli %arg1, %mul3A : i32
    %add3A = arith.addi %mul3A_0, %arg0 : i32
    "tpu.region"() ({
      %run_scoped3A_185 = tpu.sem_alloc : memref<!tpu.dma_semaphore, #tpu.memory_space<semaphore_mem>>
      %dma_start3A_186 = arith.constant 0 : i32
      %dma_start3A_187 = arith.constant 0 : i32
      %dma_start3A_188 = tpu.memref_slice %arg3[%add3A, %dma_start3A_186, %dma_start3A_187] : memref<32x80x128xi32, #tpu.memory_space<hbm>> -> memref<1x40x128xi32, #tpu.memory_space<hbm>>
      %dma_start3A_189 = tpu.memref_squeeze %dma_start3A_188 : memref<1x40x128xi32, #tpu.memory_space<hbm>> -> memref<40x128xi32, #tpu.memory_space<hbm>>
      %dma_start3A_190 = arith.constant 0 : i32
      %dma_start3A_191 = arith.constant 0 : i32
      %dma_start3A_192 = tpu.memref_slice %arg3[%add3A, %dma_start3A_190, %dma_start3A_191] : memref<32x80x128xi32, #tpu.memory_space<hbm>> -> memref<1x40x128xi32, #tpu.memory_space<hbm>>
      %dma_start3A_193 = tpu.memref_squeeze %dma_start3A_192 : memref<1x40x128xi32, #tpu.memory_space<hbm>> -> memref<40x128xi32, #tpu.memory_space<hbm>>
      tpu.enqueue_dma source(%dma_start3A_193 : memref<40x128xi32, #tpu.memory_space<hbm>>) target(%arg8 : memref<40x128xi32, #tpu.memory_space<vmem>>) target_semaphore(%run_scoped3A_185 : memref<!tpu.dma_semaphore, #tpu.memory_space<semaphore_mem>>)
      %dma_wait3A_194 = arith.constant 0 : i32
      %dma_wait3A_195 = arith.constant 0 : i32
      %dma_wait3A_196 = tpu.memref_slice %arg3[%add3A, %dma_wait3A_194, %dma_wait3A_195] : memref<32x80x128xi32, #tpu.memory_space<hbm>> -> memref<1x40x128xi32, #tpu.memory_space<hbm>>
      %dma_wait3A_197 = tpu.memref_squeeze %dma_wait3A_196 : memref<1x40x128xi32, #tpu.memory_space<hbm>> -> memref<40x128xi32, #tpu.memory_space<hbm>>
      %dma_wait3A_198 = arith.constant 0 : i32
      %dma_wait3A_199 = arith.constant 0 : i32
      %dma_wait3A_200 = tpu.memref_slice %arg3[%add3A, %dma_wait3A_198, %dma_wait3A_199] : memref<32x80x128xi32, #tpu.memory_space<hbm>> -> memref<1x40x128xi32, #tpu.memory_space<hbm>>
      %dma_wait3A_201 = tpu.memref_squeeze %dma_wait3A_200 : memref<1x40x128xi32, #tpu.memory_space<hbm>> -> memref<40x128xi32, #tpu.memory_space<hbm>>
      tpu.wait_dma2 semaphore(%run_scoped3A_185 : memref<!tpu.dma_semaphore, #tpu.memory_space<semaphore_mem>>) src(%dma_wait3A_201 : memref<40x128xi32, #tpu.memory_space<hbm>>) dst(%arg8 : memref<40x128xi32, #tpu.memory_space<vmem>>)
      tpu.yield
    }) : () -> ()
    "tpu.region"() ({
      %run_scoped3A_185 = tpu.sem_alloc : memref<!tpu.dma_semaphore, #tpu.memory_space<semaphore_mem>>
      %dma_start3A_186 = arith.constant 0 : i32
      %dma_start3A_187 = arith.constant 0 : i32
      %dma_start3A_188 = tpu.memref_slice %arg4[%add3A, %dma_start3A_186, %dma_start3A_187] : memref<32x80x128xi32, #tpu.memory_space<hbm>> -> memref<1x40x128xi32, #tpu.memory_space<hbm>>
      %dma_start3A_189 = tpu.memref_squeeze %dma_start3A_188 : memref<1x40x128xi32, #tpu.memory_space<hbm>> -> memref<40x128xi32, #tpu.memory_space<hbm>>
      %dma_start3A_190 = arith.constant 0 : i32
      %dma_start3A_191 = arith.constant 0 : i32
      %dma_start3A_192 = tpu.memref_slice %arg4[%add3A, %dma_start3A_190, %dma_start3A_191] : memref<32x80x128xi32, #tpu.memory_space<hbm>> -> memref<1x40x128xi32, #tpu.memory_space<hbm>>
      %dma_start3A_193 = tpu.memref_squeeze %dma_start3A_192 : memref<1x40x128xi32, #tpu.memory_space<hbm>> -> memref<40x128xi32, #tpu.memory_space<hbm>>
      tpu.enqueue_dma source(%dma_start3A_193 : memref<40x128xi32, #tpu.memory_space<hbm>>) target(%arg9 : memref<40x128xi32, #tpu.memory_space<vmem>>) target_semaphore(%run_scoped3A_185 : memref<!tpu.dma_semaphore, #tpu.memory_space<semaphore_mem>>)
      %dma_wait3A_194 = arith.constant 0 : i32
      %dma_wait3A_195 = arith.constant 0 : i32
      %dma_wait3A_196 = tpu.memref_slice %arg4[%add3A, %dma_wait3A_194, %dma_wait3A_195] : memref<32x80x128xi32, #tpu.memory_space<hbm>> -> memref<1x40x128xi32, #tpu.memory_space<hbm>>
      %dma_wait3A_197 = tpu.memref_squeeze %dma_wait3A_196 : memref<1x40x128xi32, #tpu.memory_space<hbm>> -> memref<40x128xi32, #tpu.memory_space<hbm>>
      %dma_wait3A_198 = arith.constant 0 : i32
      %dma_wait3A_199 = arith.constant 0 : i32
      %dma_wait3A_200 = tpu.memref_slice %arg4[%add3A, %dma_wait3A_198, %dma_wait3A_199] : memref<32x80x128xi32, #tpu.memory_space<hbm>> -> memref<1x40x128xi32, #tpu.memory_space<hbm>>
      %dma_wait3A_201 = tpu.memref_squeeze %dma_wait3A_200 : memref<1x40x128xi32, #tpu.memory_space<hbm>> -> memref<40x128xi32, #tpu.memory_space<hbm>>
      tpu.wait_dma2 semaphore(%run_scoped3A_185 : memref<!tpu.dma_semaphore, #tpu.memory_space<semaphore_mem>>) src(%dma_wait3A_201 : memref<40x128xi32, #tpu.memory_space<hbm>>) dst(%arg9 : memref<40x128xi32, #tpu.memory_space<vmem>>)
      tpu.yield
    }) : () -> ()
    %dma_start3A = arith.constant 0 : i32
    %dma_start3A_1 = arith.constant 0 : i32
    %dma_start3A_2 = arith.constant 0 : i32
    %dma_start3A_3 = tpu.memref_slice %arg10[%dma_start3A_1, %dma_start3A_2] : memref<128x128xf32, #tpu.memory_space<vmem>> -> memref<64x128xf32, #tpu.memory_space<vmem>>
    %dma_start3A_4 = arith.constant 0 : i32
    %dma_start3A_5 = tpu.memref_slice %arg8[%dma_start3A, %dma_start3A_4] : memref<40x128xi32, #tpu.memory_space<vmem>> -> memref<1x64xi32, #tpu.memory_space<vmem>>
    %dma_start3A_6 = tpu.memref_squeeze %dma_start3A_5 : memref<1x64xi32, #tpu.memory_space<vmem>> -> memref<64xi32, #tpu.memory_space<vmem>>
    %dma_start3A_7 = arith.constant 0 : i32
    %dma_start3A_8 = arith.constant 0 : i32
    %dma_start3A_9 = tpu.memref_slice %arg2[%dma_start3A_7, %dma_start3A_8] : memref<10000x128xf32, #tpu.memory_space<hbm>> -> memref<10000x128xf32, #tpu.memory_space<hbm>>
    tpu.enqueue_indirect_dma source(%dma_start3A_9 : memref<10000x128xf32, #tpu.memory_space<hbm>>) target(%dma_start3A_3 : memref<64x128xf32, #tpu.memory_space<vmem>>) offsets(%dma_start3A_6 : memref<64xi32, #tpu.memory_space<vmem>>) semaphore(%arg13 : memref<!tpu.dma_semaphore, #tpu.memory_space<semaphore_mem>>)
    %dma_start3A_10 = arith.constant 0 : i32
    %dma_start3A_11 = arith.constant 64 : i32
    %dma_start3A_12 = arith.constant 0 : i32
    %dma_start3A_13 = tpu.memref_slice %arg10[%dma_start3A_11, %dma_start3A_12] : memref<128x128xf32, #tpu.memory_space<vmem>> -> memref<64x128xf32, #tpu.memory_space<vmem>>
    %dma_start3A_14 = arith.constant 64 : i32
    %dma_start3A_15 = tpu.memref_slice %arg8[%dma_start3A_10, %dma_start3A_14] : memref<40x128xi32, #tpu.memory_space<vmem>> -> memref<1x64xi32, #tpu.memory_space<vmem>>
    %dma_start3A_16 = tpu.memref_squeeze %dma_start3A_15 : memref<1x64xi32, #tpu.memory_space<vmem>> -> memref<64xi32, #tpu.memory_space<vmem>>
    %dma_start3A_17 = arith.constant 0 : i32
    %dma_start3A_18 = arith.constant 0 : i32
    %dma_start3A_19 = tpu.memref_slice %arg2[%dma_start3A_17, %dma_start3A_18] : memref<10000x128xf32, #tpu.memory_space<hbm>> -> memref<10000x128xf32, #tpu.memory_space<hbm>>
    tpu.enqueue_indirect_dma source(%dma_start3A_19 : memref<10000x128xf32, #tpu.memory_space<hbm>>) target(%dma_start3A_13 : memref<64x128xf32, #tpu.memory_space<vmem>>) offsets(%dma_start3A_16 : memref<64xi32, #tpu.memory_space<vmem>>) semaphore(%arg13 : memref<!tpu.dma_semaphore, #tpu.memory_space<semaphore_mem>>)
    %dma_start3A_20 = arith.constant 1 : i32
    %dma_start3A_21 = arith.constant 0 : i32
    %dma_start3A_22 = arith.constant 0 : i32
    %dma_start3A_23 = tpu.memref_slice %arg11[%dma_start3A_21, %dma_start3A_22] : memref<128x128xf32, #tpu.memory_space<vmem>> -> memref<64x128xf32, #tpu.memory_space<vmem>>
    %dma_start3A_24 = arith.constant 0 : i32
    %dma_start3A_25 = tpu.memref_slice %arg8[%dma_start3A_20, %dma_start3A_24] : memref<40x128xi32, #tpu.memory_space<vmem>> -> memref<1x64xi32, #tpu.memory_space<vmem>>
    %dma_start3A_26 = tpu.memref_squeeze %dma_start3A_25 : memref<1x64xi32, #tpu.memory_space<vmem>> -> memref<64xi32, #tpu.memory_space<vmem>>
    %dma_start3A_27 = arith.constant 0 : i32
    %dma_start3A_28 = arith.constant 0 : i32
    %dma_start3A_29 = tpu.memref_slice %arg2[%dma_start3A_27, %dma_start3A_28] : memref<10000x128xf32, #tpu.memory_space<hbm>> -> memref<10000x128xf32, #tpu.memory_space<hbm>>
    tpu.enqueue_indirect_dma source(%dma_start3A_29 : memref<10000x128xf32, #tpu.memory_space<hbm>>) target(%dma_start3A_23 : memref<64x128xf32, #tpu.memory_space<vmem>>) offsets(%dma_start3A_26 : memref<64xi32, #tpu.memory_space<vmem>>) semaphore(%arg14 : memref<!tpu.dma_semaphore, #tpu.memory_space<semaphore_mem>>)
    %dma_start3A_30 = arith.constant 1 : i32
    %dma_start3A_31 = arith.constant 64 : i32
    %dma_start3A_32 = arith.constant 0 : i32
    %dma_start3A_33 = tpu.memref_slice %arg11[%dma_start3A_31, %dma_start3A_32] : memref<128x128xf32, #tpu.memory_space<vmem>> -> memref<64x128xf32, #tpu.memory_space<vmem>>
    %dma_start3A_34 = arith.constant 64 : i32
    %dma_start3A_35 = tpu.memref_slice %arg8[%dma_start3A_30, %dma_start3A_34] : memref<40x128xi32, #tpu.memory_space<vmem>> -> memref<1x64xi32, #tpu.memory_space<vmem>>
    %dma_start3A_36 = tpu.memref_squeeze %dma_start3A_35 : memref<1x64xi32, #tpu.memory_space<vmem>> -> memref<64xi32, #tpu.memory_space<vmem>>
    %dma_start3A_37 = arith.constant 0 : i32
    %dma_start3A_38 = arith.constant 0 : i32
    %dma_start3A_39 = tpu.memref_slice %arg2[%dma_start3A_37, %dma_start3A_38] : memref<10000x128xf32, #tpu.memory_space<hbm>> -> memref<10000x128xf32, #tpu.memory_space<hbm>>
    tpu.enqueue_indirect_dma source(%dma_start3A_39 : memref<10000x128xf32, #tpu.memory_space<hbm>>) target(%dma_start3A_33 : memref<64x128xf32, #tpu.memory_space<vmem>>) offsets(%dma_start3A_36 : memref<64xi32, #tpu.memory_space<vmem>>) semaphore(%arg14 : memref<!tpu.dma_semaphore, #tpu.memory_space<semaphore_mem>>)
    %mul3A_40 = arith.constant 640 : i32
    %mul3A_41 = arith.muli %arg1, %mul3A_40 : i32
    %mul3A_42 = arith.constant 640 : i32
    %mul3A_43 = arith.muli %arg1, %mul3A_42 : i32
    "tpu.region"() ({
      %run_scoped3A_185 = tpu.sem_alloc : memref<!tpu.dma_semaphore, #tpu.memory_space<semaphore_mem>>
      %dma_start3A_186 = arith.constant 0 : i32
      %dma_start3A_187 = tpu.memref_slice %arg12[%mul3A_43, %dma_start3A_186] : memref<10240x128xf32, #tpu.memory_space<vmem_shared>> -> memref<640x128xf32, #tpu.memory_space<vmem_shared>>
      %dma_start3A_188 = arith.constant 0 : i32
      %dma_start3A_189 = tpu.memref_slice %arg5[%mul3A_41, %dma_start3A_188] : memref<10240x128xf32, #tpu.memory_space<hbm>> -> memref<640x128xf32, #tpu.memory_space<hbm>>
      tpu.enqueue_dma source(%dma_start3A_189 : memref<640x128xf32, #tpu.memory_space<hbm>>) target(%dma_start3A_187 : memref<640x128xf32, #tpu.memory_space<vmem_shared>>) target_semaphore(%run_scoped3A_185 : memref<!tpu.dma_semaphore, #tpu.memory_space<semaphore_mem>>)
      %dma_wait3A_190 = arith.constant 0 : i32
      %dma_wait3A_191 = tpu.memref_slice %arg12[%mul3A_43, %dma_wait3A_190] : memref<10240x128xf32, #tpu.memory_space<vmem_shared>> -> memref<640x128xf32, #tpu.memory_space<vmem_shared>>
      %dma_wait3A_192 = arith.constant 0 : i32
      %dma_wait3A_193 = tpu.memref_slice %arg5[%mul3A_41, %dma_wait3A_192] : memref<10240x128xf32, #tpu.memory_space<hbm>> -> memref<640x128xf32, #tpu.memory_space<hbm>>
      tpu.wait_dma2 semaphore(%run_scoped3A_185 : memref<!tpu.dma_semaphore, #tpu.memory_space<semaphore_mem>>) src(%dma_wait3A_193 : memref<640x128xf32, #tpu.memory_space<hbm>>) dst(%dma_wait3A_191 : memref<640x128xf32, #tpu.memory_space<vmem_shared>>)
      tpu.yield
    }) : () -> ()
    %barrier3A = arith.constant 0 : index
    tpu.barrier barrier_id(%barrier3A)
    %scan3A = arith.constant 0 : i32
    %scan3A_44 = arith.constant 0 : i32
    %scan3A_45 = arith.constant 19 : i32
    %scan3A_46 = arith.addi %scan3A_44, %scan3A_45 : i32
    %scan3A_47 = arith.constant 1 : i32
    scf.for %scan3A_185 = %scan3A_44 to %scan3A_46 step %scan3A_47  : i32 {
      %mul3A_186 = arith.constant 2 : i32
      %mul3A_187 = arith.muli %mul3A_186, %scan3A_185 : i32
      %dma_wait3A_188 = arith.constant 0 : i32
      %dma_wait3A_189 = arith.constant 0 : i32
      %dma_wait3A_190 = tpu.memref_slice %arg10[%dma_wait3A_188, %dma_wait3A_189] : memref<128x128xf32, #tpu.memory_space<vmem>> -> memref<64x128xf32, #tpu.memory_space<vmem>>
      %dma_wait3A_191 = arith.constant 0 : i32
      %dma_wait3A_192 = tpu.memref_slice %arg8[%mul3A_187, %dma_wait3A_191] : memref<40x128xi32, #tpu.memory_space<vmem>> -> memref<1x64xi32, #tpu.memory_space<vmem>>
      %dma_wait3A_193 = tpu.memref_squeeze %dma_wait3A_192 : memref<1x64xi32, #tpu.memory_space<vmem>> -> memref<64xi32, #tpu.memory_space<vmem>>
      %dma_wait3A_194 = arith.constant 0 : i32
      %dma_wait3A_195 = arith.constant 0 : i32
      %dma_wait3A_196 = tpu.memref_slice %arg2[%dma_wait3A_194, %dma_wait3A_195] : memref<10000x128xf32, #tpu.memory_space<hbm>> -> memref<10000x128xf32, #tpu.memory_space<hbm>>
      tpu.wait_indirect_dma semaphore(%arg13 : memref<!tpu.dma_semaphore, #tpu.memory_space<semaphore_mem>>) src(%dma_wait3A_196 : memref<10000x128xf32, #tpu.memory_space<hbm>>) dst(%dma_wait3A_190 : memref<64x128xf32, #tpu.memory_space<vmem>>)
      %dma_wait3A_197 = arith.constant 64 : i32
      %dma_wait3A_198 = arith.constant 0 : i32
      %dma_wait3A_199 = tpu.memref_slice %arg10[%dma_wait3A_197, %dma_wait3A_198] : memref<128x128xf32, #tpu.memory_space<vmem>> -> memref<64x128xf32, #tpu.memory_space<vmem>>
      %dma_wait3A_200 = arith.constant 64 : i32
      %dma_wait3A_201 = tpu.memref_slice %arg8[%mul3A_187, %dma_wait3A_200] : memref<40x128xi32, #tpu.memory_space<vmem>> -> memref<1x64xi32, #tpu.memory_space<vmem>>
      %dma_wait3A_202 = tpu.memref_squeeze %dma_wait3A_201 : memref<1x64xi32, #tpu.memory_space<vmem>> -> memref<64xi32, #tpu.memory_space<vmem>>
      %dma_wait3A_203 = arith.constant 0 : i32
      %dma_wait3A_204 = arith.constant 0 : i32
      %dma_wait3A_205 = tpu.memref_slice %arg2[%dma_wait3A_203, %dma_wait3A_204] : memref<10000x128xf32, #tpu.memory_space<hbm>> -> memref<10000x128xf32, #tpu.memory_space<hbm>>
      tpu.wait_indirect_dma semaphore(%arg13 : memref<!tpu.dma_semaphore, #tpu.memory_space<semaphore_mem>>) src(%dma_wait3A_205 : memref<10000x128xf32, #tpu.memory_space<hbm>>) dst(%dma_wait3A_199 : memref<64x128xf32, #tpu.memory_space<vmem>>)
      "tpu.region"() ({
        %run_scoped3A_268 = tpu.sem_alloc : memref<!tpu.dma_semaphore, #tpu.memory_space<semaphore_mem>>
        %dma_start3A_269 = arith.constant 0 : i32
        %dma_start3A_270 = tpu.memref_slice %arg9[%mul3A_187, %dma_start3A_269] : memref<40x128xi32, #tpu.memory_space<vmem>> -> memref<1x128xi32, #tpu.memory_space<vmem>>
        %dma_start3A_271 = tpu.memref_squeeze %dma_start3A_270 : memref<1x128xi32, #tpu.memory_space<vmem>> -> memref<128xi32, #tpu.memory_space<vmem>>
        %dma_start3A_272 = arith.constant 0 : i32
        %dma_start3A_273 = arith.constant 0 : i32
        %dma_start3A_274 = tpu.memref_slice %arg12[%dma_start3A_272, %dma_start3A_273] : memref<10240x128xf32, #tpu.memory_space<vmem_shared>> -> memref<10240x128xf32, #tpu.memory_space<vmem_shared>>
        tpu.enqueue_indirect_dma source(%arg10 : memref<128x128xf32, #tpu.memory_space<vmem>>) target(%dma_start3A_274 : memref<10240x128xf32, #tpu.memory_space<vmem_shared>>) offsets(%dma_start3A_271 : memref<128xi32, #tpu.memory_space<vmem>>) semaphore(%run_scoped3A_268 : memref<!tpu.dma_semaphore, #tpu.memory_space<semaphore_mem>>) {add = true}
        %dma_wait3A_275 = arith.constant 0 : i32
        %dma_wait3A_276 = tpu.memref_slice %arg9[%mul3A_187, %dma_wait3A_275] : memref<40x128xi32, #tpu.memory_space<vmem>> -> memref<1x128xi32, #tpu.memory_space<vmem>>
        %dma_wait3A_277 = tpu.memref_squeeze %dma_wait3A_276 : memref<1x128xi32, #tpu.memory_space<vmem>> -> memref<128xi32, #tpu.memory_space<vmem>>
        %dma_wait3A_278 = arith.constant 0 : i32
        %dma_wait3A_279 = arith.constant 0 : i32
        %dma_wait3A_280 = tpu.memref_slice %arg12[%dma_wait3A_278, %dma_wait3A_279] : memref<10240x128xf32, #tpu.memory_space<vmem_shared>> -> memref<10240x128xf32, #tpu.memory_space<vmem_shared>>
        tpu.wait_indirect_dma semaphore(%run_scoped3A_268 : memref<!tpu.dma_semaphore, #tpu.memory_space<semaphore_mem>>) src(%arg10 : memref<128x128xf32, #tpu.memory_space<vmem>>) dst(%dma_wait3A_280 : memref<10240x128xf32, #tpu.memory_space<vmem_shared>>)
        tpu.yield
      }) : () -> ()
      %add3A_206 = arith.constant 2 : i32
      %add3A_207 = arith.addi %mul3A_187, %add3A_206 : i32
      %dma_start3A_208 = arith.constant 0 : i32
      %dma_start3A_209 = arith.constant 0 : i32
      %dma_start3A_210 = tpu.memref_slice %arg10[%dma_start3A_208, %dma_start3A_209] : memref<128x128xf32, #tpu.memory_space<vmem>> -> memref<64x128xf32, #tpu.memory_space<vmem>>
      %dma_start3A_211 = arith.constant 0 : i32
      %dma_start3A_212 = tpu.memref_slice %arg8[%add3A_207, %dma_start3A_211] : memref<40x128xi32, #tpu.memory_space<vmem>> -> memref<1x64xi32, #tpu.memory_space<vmem>>
      %dma_start3A_213 = tpu.memref_squeeze %dma_start3A_212 : memref<1x64xi32, #tpu.memory_space<vmem>> -> memref<64xi32, #tpu.memory_space<vmem>>
      %dma_start3A_214 = arith.constant 0 : i32
      %dma_start3A_215 = arith.constant 0 : i32
      %dma_start3A_216 = tpu.memref_slice %arg2[%dma_start3A_214, %dma_start3A_215] : memref<10000x128xf32, #tpu.memory_space<hbm>> -> memref<10000x128xf32, #tpu.memory_space<hbm>>
      tpu.enqueue_indirect_dma source(%dma_start3A_216 : memref<10000x128xf32, #tpu.memory_space<hbm>>) target(%dma_start3A_210 : memref<64x128xf32, #tpu.memory_space<vmem>>) offsets(%dma_start3A_213 : memref<64xi32, #tpu.memory_space<vmem>>) semaphore(%arg13 : memref<!tpu.dma_semaphore, #tpu.memory_space<semaphore_mem>>)
      %dma_start3A_217 = arith.constant 64 : i32
      %dma_start3A_218 = arith.constant 0 : i32
      %dma_start3A_219 = tpu.memref_slice %arg10[%dma_start3A_217, %dma_start3A_218] : memref<128x128xf32, #tpu.memory_space<vmem>> -> memref<64x128xf32, #tpu.memory_space<vmem>>
      %dma_start3A_220 = arith.constant 64 : i32
      %dma_start3A_221 = tpu.memref_slice %arg8[%add3A_207, %dma_start3A_220] : memref<40x128xi32, #tpu.memory_space<vmem>> -> memref<1x64xi32, #tpu.memory_space<vmem>>
      %dma_start3A_222 = tpu.memref_squeeze %dma_start3A_221 : memref<1x64xi32, #tpu.memory_space<vmem>> -> memref<64xi32, #tpu.memory_space<vmem>>
      %dma_start3A_223 = arith.constant 0 : i32
      %dma_start3A_224 = arith.constant 0 : i32
      %dma_start3A_225 = tpu.memref_slice %arg2[%dma_start3A_223, %dma_start3A_224] : memref<10000x128xf32, #tpu.memory_space<hbm>> -> memref<10000x128xf32, #tpu.memory_space<hbm>>
      tpu.enqueue_indirect_dma source(%dma_start3A_225 : memref<10000x128xf32, #tpu.memory_space<hbm>>) target(%dma_start3A_219 : memref<64x128xf32, #tpu.memory_space<vmem>>) offsets(%dma_start3A_222 : memref<64xi32, #tpu.memory_space<vmem>>) semaphore(%arg13 : memref<!tpu.dma_semaphore, #tpu.memory_space<semaphore_mem>>)
      %add3A_226 = arith.constant 1 : i32
      %add3A_227 = arith.addi %mul3A_187, %add3A_226 : i32
      %dma_wait3A_228 = arith.constant 0 : i32
      %dma_wait3A_229 = arith.constant 0 : i32
      %dma_wait3A_230 = tpu.memref_slice %arg11[%dma_wait3A_228, %dma_wait3A_229] : memref<128x128xf32, #tpu.memory_space<vmem>> -> memref<64x128xf32, #tpu.memory_space<vmem>>
      %dma_wait3A_231 = arith.constant 0 : i32
      %dma_wait3A_232 = tpu.memref_slice %arg8[%add3A_227, %dma_wait3A_231] : memref<40x128xi32, #tpu.memory_space<vmem>> -> memref<1x64xi32, #tpu.memory_space<vmem>>
      %dma_wait3A_233 = tpu.memref_squeeze %dma_wait3A_232 : memref<1x64xi32, #tpu.memory_space<vmem>> -> memref<64xi32, #tpu.memory_space<vmem>>
      %dma_wait3A_234 = arith.constant 0 : i32
      %dma_wait3A_235 = arith.constant 0 : i32
      %dma_wait3A_236 = tpu.memref_slice %arg2[%dma_wait3A_234, %dma_wait3A_235] : memref<10000x128xf32, #tpu.memory_space<hbm>> -> memref<10000x128xf32, #tpu.memory_space<hbm>>
      tpu.wait_indirect_dma semaphore(%arg14 : memref<!tpu.dma_semaphore, #tpu.memory_space<semaphore_mem>>) src(%dma_wait3A_236 : memref<10000x128xf32, #tpu.memory_space<hbm>>) dst(%dma_wait3A_230 : memref<64x128xf32, #tpu.memory_space<vmem>>)
      %dma_wait3A_237 = arith.constant 64 : i32
      %dma_wait3A_238 = arith.constant 0 : i32
      %dma_wait3A_239 = tpu.memref_slice %arg11[%dma_wait3A_237, %dma_wait3A_238] : memref<128x128xf32, #tpu.memory_space<vmem>> -> memref<64x128xf32, #tpu.memory_space<vmem>>
      %dma_wait3A_240 = arith.constant 64 : i32
      %dma_wait3A_241 = tpu.memref_slice %arg8[%add3A_227, %dma_wait3A_240] : memref<40x128xi32, #tpu.memory_space<vmem>> -> memref<1x64xi32, #tpu.memory_space<vmem>>
      %dma_wait3A_242 = tpu.memref_squeeze %dma_wait3A_241 : memref<1x64xi32, #tpu.memory_space<vmem>> -> memref<64xi32, #tpu.memory_space<vmem>>
      %dma_wait3A_243 = arith.constant 0 : i32
      %dma_wait3A_244 = arith.constant 0 : i32
      %dma_wait3A_245 = tpu.memref_slice %arg2[%dma_wait3A_243, %dma_wait3A_244] : memref<10000x128xf32, #tpu.memory_space<hbm>> -> memref<10000x128xf32, #tpu.memory_space<hbm>>
      tpu.wait_indirect_dma semaphore(%arg14 : memref<!tpu.dma_semaphore, #tpu.memory_space<semaphore_mem>>) src(%dma_wait3A_245 : memref<10000x128xf32, #tpu.memory_space<hbm>>) dst(%dma_wait3A_239 : memref<64x128xf32, #tpu.memory_space<vmem>>)
      %add3A_246 = arith.constant 1 : i32
      %add3A_247 = arith.addi %mul3A_187, %add3A_246 : i32
      "tpu.region"() ({
        %run_scoped3A_268 = tpu.sem_alloc : memref<!tpu.dma_semaphore, #tpu.memory_space<semaphore_mem>>
        %dma_start3A_269 = arith.constant 0 : i32
        %dma_start3A_270 = tpu.memref_slice %arg9[%add3A_247, %dma_start3A_269] : memref<40x128xi32, #tpu.memory_space<vmem>> -> memref<1x128xi32, #tpu.memory_space<vmem>>
        %dma_start3A_271 = tpu.memref_squeeze %dma_start3A_270 : memref<1x128xi32, #tpu.memory_space<vmem>> -> memref<128xi32, #tpu.memory_space<vmem>>
        %dma_start3A_272 = arith.constant 0 : i32
        %dma_start3A_273 = arith.constant 0 : i32
        %dma_start3A_274 = tpu.memref_slice %arg12[%dma_start3A_272, %dma_start3A_273] : memref<10240x128xf32, #tpu.memory_space<vmem_shared>> -> memref<10240x128xf32, #tpu.memory_space<vmem_shared>>
        tpu.enqueue_indirect_dma source(%arg11 : memref<128x128xf32, #tpu.memory_space<vmem>>) target(%dma_start3A_274 : memref<10240x128xf32, #tpu.memory_space<vmem_shared>>) offsets(%dma_start3A_271 : memref<128xi32, #tpu.memory_space<vmem>>) semaphore(%run_scoped3A_268 : memref<!tpu.dma_semaphore, #tpu.memory_space<semaphore_mem>>) {add = true}
        %dma_wait3A_275 = arith.constant 0 : i32
        %dma_wait3A_276 = tpu.memref_slice %arg9[%add3A_247, %dma_wait3A_275] : memref<40x128xi32, #tpu.memory_space<vmem>> -> memref<1x128xi32, #tpu.memory_space<vmem>>
        %dma_wait3A_277 = tpu.memref_squeeze %dma_wait3A_276 : memref<1x128xi32, #tpu.memory_space<vmem>> -> memref<128xi32, #tpu.memory_space<vmem>>
        %dma_wait3A_278 = arith.constant 0 : i32
        %dma_wait3A_279 = arith.constant 0 : i32
        %dma_wait3A_280 = tpu.memref_slice %arg12[%dma_wait3A_278, %dma_wait3A_279] : memref<10240x128xf32, #tpu.memory_space<vmem_shared>> -> memref<10240x128xf32, #tpu.memory_space<vmem_shared>>
        tpu.wait_indirect_dma semaphore(%run_scoped3A_268 : memref<!tpu.dma_semaphore, #tpu.memory_space<semaphore_mem>>) src(%arg11 : memref<128x128xf32, #tpu.memory_space<vmem>>) dst(%dma_wait3A_280 : memref<10240x128xf32, #tpu.memory_space<vmem_shared>>)
        tpu.yield
      }) : () -> ()
      %add3A_248 = arith.constant 3 : i32
      %add3A_249 = arith.addi %mul3A_187, %add3A_248 : i32
      %dma_start3A_250 = arith.constant 0 : i32
      %dma_start3A_251 = arith.constant 0 : i32
      %dma_start3A_252 = tpu.memref_slice %arg11[%dma_start3A_250, %dma_start3A_251] : memref<128x128xf32, #tpu.memory_space<vmem>> -> memref<64x128xf32, #tpu.memory_space<vmem>>
      %dma_start3A_253 = arith.constant 0 : i32
      %dma_start3A_254 = tpu.memref_slice %arg8[%add3A_249, %dma_start3A_253] : memref<40x128xi32, #tpu.memory_space<vmem>> -> memref<1x64xi32, #tpu.memory_space<vmem>>
      %dma_start3A_255 = tpu.memref_squeeze %dma_start3A_254 : memref<1x64xi32, #tpu.memory_space<vmem>> -> memref<64xi32, #tpu.memory_space<vmem>>
      %dma_start3A_256 = arith.constant 0 : i32
      %dma_start3A_257 = arith.constant 0 : i32
      %dma_start3A_258 = tpu.memref_slice %arg2[%dma_start3A_256, %dma_start3A_257] : memref<10000x128xf32, #tpu.memory_space<hbm>> -> memref<10000x128xf32, #tpu.memory_space<hbm>>
      tpu.enqueue_indirect_dma source(%dma_start3A_258 : memref<10000x128xf32, #tpu.memory_space<hbm>>) target(%dma_start3A_252 : memref<64x128xf32, #tpu.memory_space<vmem>>) offsets(%dma_start3A_255 : memref<64xi32, #tpu.memory_space<vmem>>) semaphore(%arg14 : memref<!tpu.dma_semaphore, #tpu.memory_space<semaphore_mem>>)
      %dma_start3A_259 = arith.constant 64 : i32
      %dma_start3A_260 = arith.constant 0 : i32
      %dma_start3A_261 = tpu.memref_slice %arg11[%dma_start3A_259, %dma_start3A_260] : memref<128x128xf32, #tpu.memory_space<vmem>> -> memref<64x128xf32, #tpu.memory_space<vmem>>
      %dma_start3A_262 = arith.constant 64 : i32
      %dma_start3A_263 = tpu.memref_slice %arg8[%add3A_249, %dma_start3A_262] : memref<40x128xi32, #tpu.memory_space<vmem>> -> memref<1x64xi32, #tpu.memory_space<vmem>>
      %dma_start3A_264 = tpu.memref_squeeze %dma_start3A_263 : memref<1x64xi32, #tpu.memory_space<vmem>> -> memref<64xi32, #tpu.memory_space<vmem>>
      %dma_start3A_265 = arith.constant 0 : i32
      %dma_start3A_266 = arith.constant 0 : i32
      %dma_start3A_267 = tpu.memref_slice %arg2[%dma_start3A_265, %dma_start3A_266] : memref<10000x128xf32, #tpu.memory_space<hbm>> -> memref<10000x128xf32, #tpu.memory_space<hbm>>
      tpu.enqueue_indirect_dma source(%dma_start3A_267 : memref<10000x128xf32, #tpu.memory_space<hbm>>) target(%dma_start3A_261 : memref<64x128xf32, #tpu.memory_space<vmem>>) offsets(%dma_start3A_264 : memref<64xi32, #tpu.memory_space<vmem>>) semaphore(%arg14 : memref<!tpu.dma_semaphore, #tpu.memory_space<semaphore_mem>>)
    }
    %scan3A_48 = arith.constant 19 : i32
    %dma_wait3A = arith.constant 38 : i32
    %dma_wait3A_49 = arith.constant 0 : i32
    %dma_wait3A_50 = arith.constant 0 : i32
    %dma_wait3A_51 = tpu.memref_slice %arg10[%dma_wait3A_49, %dma_wait3A_50] : memref<128x128xf32, #tpu.memory_space<vmem>> -> memref<64x128xf32, #tpu.memory_space<vmem>>
    %dma_wait3A_52 = arith.constant 0 : i32
    %dma_wait3A_53 = tpu.memref_slice %arg8[%dma_wait3A, %dma_wait3A_52] : memref<40x128xi32, #tpu.memory_space<vmem>> -> memref<1x64xi32, #tpu.memory_space<vmem>>
    %dma_wait3A_54 = tpu.memref_squeeze %dma_wait3A_53 : memref<1x64xi32, #tpu.memory_space<vmem>> -> memref<64xi32, #tpu.memory_space<vmem>>
    %dma_wait3A_55 = arith.constant 0 : i32
    %dma_wait3A_56 = arith.constant 0 : i32
    %dma_wait3A_57 = tpu.memref_slice %arg2[%dma_wait3A_55, %dma_wait3A_56] : memref<10000x128xf32, #tpu.memory_space<hbm>> -> memref<10000x128xf32, #tpu.memory_space<hbm>>
    tpu.wait_indirect_dma semaphore(%arg13 : memref<!tpu.dma_semaphore, #tpu.memory_space<semaphore_mem>>) src(%dma_wait3A_57 : memref<10000x128xf32, #tpu.memory_space<hbm>>) dst(%dma_wait3A_51 : memref<64x128xf32, #tpu.memory_space<vmem>>)
    %dma_wait3A_58 = arith.constant 38 : i32
    %dma_wait3A_59 = arith.constant 64 : i32
    %dma_wait3A_60 = arith.constant 0 : i32
    %dma_wait3A_61 = tpu.memref_slice %arg10[%dma_wait3A_59, %dma_wait3A_60] : memref<128x128xf32, #tpu.memory_space<vmem>> -> memref<64x128xf32, #tpu.memory_space<vmem>>
    %dma_wait3A_62 = arith.constant 64 : i32
    %dma_wait3A_63 = tpu.memref_slice %arg8[%dma_wait3A_58, %dma_wait3A_62] : memref<40x128xi32, #tpu.memory_space<vmem>> -> memref<1x64xi32, #tpu.memory_space<vmem>>
    %dma_wait3A_64 = tpu.memref_squeeze %dma_wait3A_63 : memref<1x64xi32, #tpu.memory_space<vmem>> -> memref<64xi32, #tpu.memory_space<vmem>>
    %dma_wait3A_65 = arith.constant 0 : i32
    %dma_wait3A_66 = arith.constant 0 : i32
    %dma_wait3A_67 = tpu.memref_slice %arg2[%dma_wait3A_65, %dma_wait3A_66] : memref<10000x128xf32, #tpu.memory_space<hbm>> -> memref<10000x128xf32, #tpu.memory_space<hbm>>
    tpu.wait_indirect_dma semaphore(%arg13 : memref<!tpu.dma_semaphore, #tpu.memory_space<semaphore_mem>>) src(%dma_wait3A_67 : memref<10000x128xf32, #tpu.memory_space<hbm>>) dst(%dma_wait3A_61 : memref<64x128xf32, #tpu.memory_space<vmem>>)
    %run_scoped3A = arith.constant 38 : i32
    "tpu.region"() ({
      %run_scoped3A_185 = tpu.sem_alloc : memref<!tpu.dma_semaphore, #tpu.memory_space<semaphore_mem>>
      %dma_start3A_186 = arith.constant 0 : i32
      %dma_start3A_187 = tpu.memref_slice %arg9[%run_scoped3A, %dma_start3A_186] : memref<40x128xi32, #tpu.memory_space<vmem>> -> memref<1x128xi32, #tpu.memory_space<vmem>>
      %dma_start3A_188 = tpu.memref_squeeze %dma_start3A_187 : memref<1x128xi32, #tpu.memory_space<vmem>> -> memref<128xi32, #tpu.memory_space<vmem>>
      %dma_start3A_189 = arith.constant 0 : i32
      %dma_start3A_190 = arith.constant 0 : i32
      %dma_start3A_191 = tpu.memref_slice %arg12[%dma_start3A_189, %dma_start3A_190] : memref<10240x128xf32, #tpu.memory_space<vmem_shared>> -> memref<10240x128xf32, #tpu.memory_space<vmem_shared>>
      tpu.enqueue_indirect_dma source(%arg10 : memref<128x128xf32, #tpu.memory_space<vmem>>) target(%dma_start3A_191 : memref<10240x128xf32, #tpu.memory_space<vmem_shared>>) offsets(%dma_start3A_188 : memref<128xi32, #tpu.memory_space<vmem>>) semaphore(%run_scoped3A_185 : memref<!tpu.dma_semaphore, #tpu.memory_space<semaphore_mem>>) {add = true}
      %dma_wait3A_192 = arith.constant 0 : i32
      %dma_wait3A_193 = tpu.memref_slice %arg9[%run_scoped3A, %dma_wait3A_192] : memref<40x128xi32, #tpu.memory_space<vmem>> -> memref<1x128xi32, #tpu.memory_space<vmem>>
      %dma_wait3A_194 = tpu.memref_squeeze %dma_wait3A_193 : memref<1x128xi32, #tpu.memory_space<vmem>> -> memref<128xi32, #tpu.memory_space<vmem>>
      %dma_wait3A_195 = arith.constant 0 : i32
      %dma_wait3A_196 = arith.constant 0 : i32
      %dma_wait3A_197 = tpu.memref_slice %arg12[%dma_wait3A_195, %dma_wait3A_196] : memref<10240x128xf32, #tpu.memory_space<vmem_shared>> -> memref<10240x128xf32, #tpu.memory_space<vmem_shared>>
      tpu.wait_indirect_dma semaphore(%run_scoped3A_185 : memref<!tpu.dma_semaphore, #tpu.memory_space<semaphore_mem>>) src(%arg10 : memref<128x128xf32, #tpu.memory_space<vmem>>) dst(%dma_wait3A_197 : memref<10240x128xf32, #tpu.memory_space<vmem_shared>>)
      tpu.yield
    }) : () -> ()
    %dma_wait3A_68 = arith.constant 39 : i32
    %dma_wait3A_69 = arith.constant 0 : i32
    %dma_wait3A_70 = arith.constant 0 : i32
    %dma_wait3A_71 = tpu.memref_slice %arg11[%dma_wait3A_69, %dma_wait3A_70] : memref<128x128xf32, #tpu.memory_space<vmem>> -> memref<64x128xf32, #tpu.memory_space<vmem>>
    %dma_wait3A_72 = arith.constant 0 : i32
    %dma_wait3A_73 = tpu.memref_slice %arg8[%dma_wait3A_68, %dma_wait3A_72] : memref<40x128xi32, #tpu.memory_space<vmem>> -> memref<1x64xi32, #tpu.memory_space<vmem>>
    %dma_wait3A_74 = tpu.memref_squeeze %dma_wait3A_73 : memref<1x64xi32, #tpu.memory_space<vmem>> -> memref<64xi32, #tpu.memory_space<vmem>>
    %dma_wait3A_75 = arith.constant 0 : i32
    %dma_wait3A_76 = arith.constant 0 : i32
    %dma_wait3A_77 = tpu.memref_slice %arg2[%dma_wait3A_75, %dma_wait3A_76] : memref<10000x128xf32, #tpu.memory_space<hbm>> -> memref<10000x128xf32, #tpu.memory_space<hbm>>
    tpu.wait_indirect_dma semaphore(%arg14 : memref<!tpu.dma_semaphore, #tpu.memory_space<semaphore_mem>>) src(%dma_wait3A_77 : memref<10000x128xf32, #tpu.memory_space<hbm>>) dst(%dma_wait3A_71 : memref<64x128xf32, #tpu.memory_space<vmem>>)
    %dma_wait3A_78 = arith.constant 39 : i32
    %dma_wait3A_79 = arith.constant 64 : i32
    %dma_wait3A_80 = arith.constant 0 : i32
    %dma_wait3A_81 = tpu.memref_slice %arg11[%dma_wait3A_79, %dma_wait3A_80] : memref<128x128xf32, #tpu.memory_space<vmem>> -> memref<64x128xf32, #tpu.memory_space<vmem>>
    %dma_wait3A_82 = arith.constant 64 : i32
    %dma_wait3A_83 = tpu.memref_slice %arg8[%dma_wait3A_78, %dma_wait3A_82] : memref<40x128xi32, #tpu.memory_space<vmem>> -> memref<1x64xi32, #tpu.memory_space<vmem>>
    %dma_wait3A_84 = tpu.memref_squeeze %dma_wait3A_83 : memref<1x64xi32, #tpu.memory_space<vmem>> -> memref<64xi32, #tpu.memory_space<vmem>>
    %dma_wait3A_85 = arith.constant 0 : i32
    %dma_wait3A_86 = arith.constant 0 : i32
    %dma_wait3A_87 = tpu.memref_slice %arg2[%dma_wait3A_85, %dma_wait3A_86] : memref<10000x128xf32, #tpu.memory_space<hbm>> -> memref<10000x128xf32, #tpu.memory_space<hbm>>
    tpu.wait_indirect_dma semaphore(%arg14 : memref<!tpu.dma_semaphore, #tpu.memory_space<semaphore_mem>>) src(%dma_wait3A_87 : memref<10000x128xf32, #tpu.memory_space<hbm>>) dst(%dma_wait3A_81 : memref<64x128xf32, #tpu.memory_space<vmem>>)
    %run_scoped3A_88 = arith.constant 39 : i32
    "tpu.region"() ({
      %run_scoped3A_185 = tpu.sem_alloc : memref<!tpu.dma_semaphore, #tpu.memory_space<semaphore_mem>>
      %dma_start3A_186 = arith.constant 0 : i32
      %dma_start3A_187 = tpu.memref_slice %arg9[%run_scoped3A_88, %dma_start3A_186] : memref<40x128xi32, #tpu.memory_space<vmem>> -> memref<1x128xi32, #tpu.memory_space<vmem>>
      %dma_start3A_188 = tpu.memref_squeeze %dma_start3A_187 : memref<1x128xi32, #tpu.memory_space<vmem>> -> memref<128xi32, #tpu.memory_space<vmem>>
      %dma_start3A_189 = arith.constant 0 : i32
      %dma_start3A_190 = arith.constant 0 : i32
      %dma_start3A_191 = tpu.memref_slice %arg12[%dma_start3A_189, %dma_start3A_190] : memref<10240x128xf32, #tpu.memory_space<vmem_shared>> -> memref<10240x128xf32, #tpu.memory_space<vmem_shared>>
      tpu.enqueue_indirect_dma source(%arg11 : memref<128x128xf32, #tpu.memory_space<vmem>>) target(%dma_start3A_191 : memref<10240x128xf32, #tpu.memory_space<vmem_shared>>) offsets(%dma_start3A_188 : memref<128xi32, #tpu.memory_space<vmem>>) semaphore(%run_scoped3A_185 : memref<!tpu.dma_semaphore, #tpu.memory_space<semaphore_mem>>) {add = true}
      %dma_wait3A_192 = arith.constant 0 : i32
      %dma_wait3A_193 = tpu.memref_slice %arg9[%run_scoped3A_88, %dma_wait3A_192] : memref<40x128xi32, #tpu.memory_space<vmem>> -> memref<1x128xi32, #tpu.memory_space<vmem>>
      %dma_wait3A_194 = tpu.memref_squeeze %dma_wait3A_193 : memref<1x128xi32, #tpu.memory_space<vmem>> -> memref<128xi32, #tpu.memory_space<vmem>>
      %dma_wait3A_195 = arith.constant 0 : i32
      %dma_wait3A_196 = arith.constant 0 : i32
      %dma_wait3A_197 = tpu.memref_slice %arg12[%dma_wait3A_195, %dma_wait3A_196] : memref<10240x128xf32, #tpu.memory_space<vmem_shared>> -> memref<10240x128xf32, #tpu.memory_space<vmem_shared>>
      tpu.wait_indirect_dma semaphore(%run_scoped3A_185 : memref<!tpu.dma_semaphore, #tpu.memory_space<semaphore_mem>>) src(%arg11 : memref<128x128xf32, #tpu.memory_space<vmem>>) dst(%dma_wait3A_197 : memref<10240x128xf32, #tpu.memory_space<vmem_shared>>)
      tpu.yield
    }) : () -> ()
    "tpu.region"() ({
      %run_scoped3A_185 = tpu.sem_alloc : memref<!tpu.dma_semaphore, #tpu.memory_space<semaphore_mem>>
      %dma_start3A_186 = arith.constant 40 : i32
      %dma_start3A_187 = arith.constant 0 : i32
      %dma_start3A_188 = tpu.memref_slice %arg3[%add3A, %dma_start3A_186, %dma_start3A_187] : memref<32x80x128xi32, #tpu.memory_space<hbm>> -> memref<1x40x128xi32, #tpu.memory_space<hbm>>
      %dma_start3A_189 = tpu.memref_squeeze %dma_start3A_188 : memref<1x40x128xi32, #tpu.memory_space<hbm>> -> memref<40x128xi32, #tpu.memory_space<hbm>>
      %dma_start3A_190 = arith.constant 40 : i32
      %dma_start3A_191 = arith.constant 0 : i32
      %dma_start3A_192 = tpu.memref_slice %arg3[%add3A, %dma_start3A_190, %dma_start3A_191] : memref<32x80x128xi32, #tpu.memory_space<hbm>> -> memref<1x40x128xi32, #tpu.memory_space<hbm>>
      %dma_start3A_193 = tpu.memref_squeeze %dma_start3A_192 : memref<1x40x128xi32, #tpu.memory_space<hbm>> -> memref<40x128xi32, #tpu.memory_space<hbm>>
      tpu.enqueue_dma source(%dma_start3A_193 : memref<40x128xi32, #tpu.memory_space<hbm>>) target(%arg8 : memref<40x128xi32, #tpu.memory_space<vmem>>) target_semaphore(%run_scoped3A_185 : memref<!tpu.dma_semaphore, #tpu.memory_space<semaphore_mem>>)
      %dma_wait3A_194 = arith.constant 40 : i32
      %dma_wait3A_195 = arith.constant 0 : i32
      %dma_wait3A_196 = tpu.memref_slice %arg3[%add3A, %dma_wait3A_194, %dma_wait3A_195] : memref<32x80x128xi32, #tpu.memory_space<hbm>> -> memref<1x40x128xi32, #tpu.memory_space<hbm>>
      %dma_wait3A_197 = tpu.memref_squeeze %dma_wait3A_196 : memref<1x40x128xi32, #tpu.memory_space<hbm>> -> memref<40x128xi32, #tpu.memory_space<hbm>>
      %dma_wait3A_198 = arith.constant 40 : i32
      %dma_wait3A_199 = arith.constant 0 : i32
      %dma_wait3A_200 = tpu.memref_slice %arg3[%add3A, %dma_wait3A_198, %dma_wait3A_199] : memref<32x80x128xi32, #tpu.memory_space<hbm>> -> memref<1x40x128xi32, #tpu.memory_space<hbm>>
      %dma_wait3A_201 = tpu.memref_squeeze %dma_wait3A_200 : memref<1x40x128xi32, #tpu.memory_space<hbm>> -> memref<40x128xi32, #tpu.memory_space<hbm>>
      tpu.wait_dma2 semaphore(%run_scoped3A_185 : memref<!tpu.dma_semaphore, #tpu.memory_space<semaphore_mem>>) src(%dma_wait3A_201 : memref<40x128xi32, #tpu.memory_space<hbm>>) dst(%arg8 : memref<40x128xi32, #tpu.memory_space<vmem>>)
      tpu.yield
    }) : () -> ()
    "tpu.region"() ({
      %run_scoped3A_185 = tpu.sem_alloc : memref<!tpu.dma_semaphore, #tpu.memory_space<semaphore_mem>>
      %dma_start3A_186 = arith.constant 40 : i32
      %dma_start3A_187 = arith.constant 0 : i32
      %dma_start3A_188 = tpu.memref_slice %arg4[%add3A, %dma_start3A_186, %dma_start3A_187] : memref<32x80x128xi32, #tpu.memory_space<hbm>> -> memref<1x40x128xi32, #tpu.memory_space<hbm>>
      %dma_start3A_189 = tpu.memref_squeeze %dma_start3A_188 : memref<1x40x128xi32, #tpu.memory_space<hbm>> -> memref<40x128xi32, #tpu.memory_space<hbm>>
      %dma_start3A_190 = arith.constant 40 : i32
      %dma_start3A_191 = arith.constant 0 : i32
      %dma_start3A_192 = tpu.memref_slice %arg4[%add3A, %dma_start3A_190, %dma_start3A_191] : memref<32x80x128xi32, #tpu.memory_space<hbm>> -> memref<1x40x128xi32, #tpu.memory_space<hbm>>
      %dma_start3A_193 = tpu.memref_squeeze %dma_start3A_192 : memref<1x40x128xi32, #tpu.memory_space<hbm>> -> memref<40x128xi32, #tpu.memory_space<hbm>>
      tpu.enqueue_dma source(%dma_start3A_193 : memref<40x128xi32, #tpu.memory_space<hbm>>) target(%arg9 : memref<40x128xi32, #tpu.memory_space<vmem>>) target_semaphore(%run_scoped3A_185 : memref<!tpu.dma_semaphore, #tpu.memory_space<semaphore_mem>>)
      %dma_wait3A_194 = arith.constant 40 : i32
      %dma_wait3A_195 = arith.constant 0 : i32
      %dma_wait3A_196 = tpu.memref_slice %arg4[%add3A, %dma_wait3A_194, %dma_wait3A_195] : memref<32x80x128xi32, #tpu.memory_space<hbm>> -> memref<1x40x128xi32, #tpu.memory_space<hbm>>
      %dma_wait3A_197 = tpu.memref_squeeze %dma_wait3A_196 : memref<1x40x128xi32, #tpu.memory_space<hbm>> -> memref<40x128xi32, #tpu.memory_space<hbm>>
      %dma_wait3A_198 = arith.constant 40 : i32
      %dma_wait3A_199 = arith.constant 0 : i32
      %dma_wait3A_200 = tpu.memref_slice %arg4[%add3A, %dma_wait3A_198, %dma_wait3A_199] : memref<32x80x128xi32, #tpu.memory_space<hbm>> -> memref<1x40x128xi32, #tpu.memory_space<hbm>>
      %dma_wait3A_201 = tpu.memref_squeeze %dma_wait3A_200 : memref<1x40x128xi32, #tpu.memory_space<hbm>> -> memref<40x128xi32, #tpu.memory_space<hbm>>
      tpu.wait_dma2 semaphore(%run_scoped3A_185 : memref<!tpu.dma_semaphore, #tpu.memory_space<semaphore_mem>>) src(%dma_wait3A_201 : memref<40x128xi32, #tpu.memory_space<hbm>>) dst(%arg9 : memref<40x128xi32, #tpu.memory_space<vmem>>)
      tpu.yield
    }) : () -> ()
    %dma_start3A_89 = arith.constant 0 : i32
    %dma_start3A_90 = arith.constant 0 : i32
    %dma_start3A_91 = arith.constant 0 : i32
    %dma_start3A_92 = tpu.memref_slice %arg10[%dma_start3A_90, %dma_start3A_91] : memref<128x128xf32, #tpu.memory_space<vmem>> -> memref<64x128xf32, #tpu.memory_space<vmem>>
    %dma_start3A_93 = arith.constant 0 : i32
    %dma_start3A_94 = tpu.memref_slice %arg8[%dma_start3A_89, %dma_start3A_93] : memref<40x128xi32, #tpu.memory_space<vmem>> -> memref<1x64xi32, #tpu.memory_space<vmem>>
    %dma_start3A_95 = tpu.memref_squeeze %dma_start3A_94 : memref<1x64xi32, #tpu.memory_space<vmem>> -> memref<64xi32, #tpu.memory_space<vmem>>
    %dma_start3A_96 = arith.constant 0 : i32
    %dma_start3A_97 = arith.constant 0 : i32
    %dma_start3A_98 = tpu.memref_slice %arg2[%dma_start3A_96, %dma_start3A_97] : memref<10000x128xf32, #tpu.memory_space<hbm>> -> memref<10000x128xf32, #tpu.memory_space<hbm>>
    tpu.enqueue_indirect_dma source(%dma_start3A_98 : memref<10000x128xf32, #tpu.memory_space<hbm>>) target(%dma_start3A_92 : memref<64x128xf32, #tpu.memory_space<vmem>>) offsets(%dma_start3A_95 : memref<64xi32, #tpu.memory_space<vmem>>) semaphore(%arg13 : memref<!tpu.dma_semaphore, #tpu.memory_space<semaphore_mem>>)
    %dma_start3A_99 = arith.constant 0 : i32
    %dma_start3A_100 = arith.constant 64 : i32
    %dma_start3A_101 = arith.constant 0 : i32
    %dma_start3A_102 = tpu.memref_slice %arg10[%dma_start3A_100, %dma_start3A_101] : memref<128x128xf32, #tpu.memory_space<vmem>> -> memref<64x128xf32, #tpu.memory_space<vmem>>
    %dma_start3A_103 = arith.constant 64 : i32
    %dma_start3A_104 = tpu.memref_slice %arg8[%dma_start3A_99, %dma_start3A_103] : memref<40x128xi32, #tpu.memory_space<vmem>> -> memref<1x64xi32, #tpu.memory_space<vmem>>
    %dma_start3A_105 = tpu.memref_squeeze %dma_start3A_104 : memref<1x64xi32, #tpu.memory_space<vmem>> -> memref<64xi32, #tpu.memory_space<vmem>>
    %dma_start3A_106 = arith.constant 0 : i32
    %dma_start3A_107 = arith.constant 0 : i32
    %dma_start3A_108 = tpu.memref_slice %arg2[%dma_start3A_106, %dma_start3A_107] : memref<10000x128xf32, #tpu.memory_space<hbm>> -> memref<10000x128xf32, #tpu.memory_space<hbm>>
    tpu.enqueue_indirect_dma source(%dma_start3A_108 : memref<10000x128xf32, #tpu.memory_space<hbm>>) target(%dma_start3A_102 : memref<64x128xf32, #tpu.memory_space<vmem>>) offsets(%dma_start3A_105 : memref<64xi32, #tpu.memory_space<vmem>>) semaphore(%arg13 : memref<!tpu.dma_semaphore, #tpu.memory_space<semaphore_mem>>)
    %dma_start3A_109 = arith.constant 1 : i32
    %dma_start3A_110 = arith.constant 0 : i32
    %dma_start3A_111 = arith.constant 0 : i32
    %dma_start3A_112 = tpu.memref_slice %arg11[%dma_start3A_110, %dma_start3A_111] : memref<128x128xf32, #tpu.memory_space<vmem>> -> memref<64x128xf32, #tpu.memory_space<vmem>>
    %dma_start3A_113 = arith.constant 0 : i32
    %dma_start3A_114 = tpu.memref_slice %arg8[%dma_start3A_109, %dma_start3A_113] : memref<40x128xi32, #tpu.memory_space<vmem>> -> memref<1x64xi32, #tpu.memory_space<vmem>>
    %dma_start3A_115 = tpu.memref_squeeze %dma_start3A_114 : memref<1x64xi32, #tpu.memory_space<vmem>> -> memref<64xi32, #tpu.memory_space<vmem>>
    %dma_start3A_116 = arith.constant 0 : i32
    %dma_start3A_117 = arith.constant 0 : i32
    %dma_start3A_118 = tpu.memref_slice %arg2[%dma_start3A_116, %dma_start3A_117] : memref<10000x128xf32, #tpu.memory_space<hbm>> -> memref<10000x128xf32, #tpu.memory_space<hbm>>
    tpu.enqueue_indirect_dma source(%dma_start3A_118 : memref<10000x128xf32, #tpu.memory_space<hbm>>) target(%dma_start3A_112 : memref<64x128xf32, #tpu.memory_space<vmem>>) offsets(%dma_start3A_115 : memref<64xi32, #tpu.memory_space<vmem>>) semaphore(%arg14 : memref<!tpu.dma_semaphore, #tpu.memory_space<semaphore_mem>>)
    %dma_start3A_119 = arith.constant 1 : i32
    %dma_start3A_120 = arith.constant 64 : i32
    %dma_start3A_121 = arith.constant 0 : i32
    %dma_start3A_122 = tpu.memref_slice %arg11[%dma_start3A_120, %dma_start3A_121] : memref<128x128xf32, #tpu.memory_space<vmem>> -> memref<64x128xf32, #tpu.memory_space<vmem>>
    %dma_start3A_123 = arith.constant 64 : i32
    %dma_start3A_124 = tpu.memref_slice %arg8[%dma_start3A_119, %dma_start3A_123] : memref<40x128xi32, #tpu.memory_space<vmem>> -> memref<1x64xi32, #tpu.memory_space<vmem>>
    %dma_start3A_125 = tpu.memref_squeeze %dma_start3A_124 : memref<1x64xi32, #tpu.memory_space<vmem>> -> memref<64xi32, #tpu.memory_space<vmem>>
    %dma_start3A_126 = arith.constant 0 : i32
    %dma_start3A_127 = arith.constant 0 : i32
    %dma_start3A_128 = tpu.memref_slice %arg2[%dma_start3A_126, %dma_start3A_127] : memref<10000x128xf32, #tpu.memory_space<hbm>> -> memref<10000x128xf32, #tpu.memory_space<hbm>>
    tpu.enqueue_indirect_dma source(%dma_start3A_128 : memref<10000x128xf32, #tpu.memory_space<hbm>>) target(%dma_start3A_122 : memref<64x128xf32, #tpu.memory_space<vmem>>) offsets(%dma_start3A_125 : memref<64xi32, #tpu.memory_space<vmem>>) semaphore(%arg14 : memref<!tpu.dma_semaphore, #tpu.memory_space<semaphore_mem>>)
    %scan3A_129 = arith.constant 0 : i32
    %scan3A_130 = arith.constant 0 : i32
    %scan3A_131 = arith.constant 19 : i32
    %scan3A_132 = arith.addi %scan3A_130, %scan3A_131 : i32
    %scan3A_133 = arith.constant 1 : i32
    scf.for %scan3A_185 = %scan3A_130 to %scan3A_132 step %scan3A_133  : i32 {
      %mul3A_186 = arith.constant 2 : i32
      %mul3A_187 = arith.muli %mul3A_186, %scan3A_185 : i32
      %dma_wait3A_188 = arith.constant 0 : i32
      %dma_wait3A_189 = arith.constant 0 : i32
      %dma_wait3A_190 = tpu.memref_slice %arg10[%dma_wait3A_188, %dma_wait3A_189] : memref<128x128xf32, #tpu.memory_space<vmem>> -> memref<64x128xf32, #tpu.memory_space<vmem>>
      %dma_wait3A_191 = arith.constant 0 : i32
      %dma_wait3A_192 = tpu.memref_slice %arg8[%mul3A_187, %dma_wait3A_191] : memref<40x128xi32, #tpu.memory_space<vmem>> -> memref<1x64xi32, #tpu.memory_space<vmem>>
      %dma_wait3A_193 = tpu.memref_squeeze %dma_wait3A_192 : memref<1x64xi32, #tpu.memory_space<vmem>> -> memref<64xi32, #tpu.memory_space<vmem>>
      %dma_wait3A_194 = arith.constant 0 : i32
      %dma_wait3A_195 = arith.constant 0 : i32
      %dma_wait3A_196 = tpu.memref_slice %arg2[%dma_wait3A_194, %dma_wait3A_195] : memref<10000x128xf32, #tpu.memory_space<hbm>> -> memref<10000x128xf32, #tpu.memory_space<hbm>>
      tpu.wait_indirect_dma semaphore(%arg13 : memref<!tpu.dma_semaphore, #tpu.memory_space<semaphore_mem>>) src(%dma_wait3A_196 : memref<10000x128xf32, #tpu.memory_space<hbm>>) dst(%dma_wait3A_190 : memref<64x128xf32, #tpu.memory_space<vmem>>)
      %dma_wait3A_197 = arith.constant 64 : i32
      %dma_wait3A_198 = arith.constant 0 : i32
      %dma_wait3A_199 = tpu.memref_slice %arg10[%dma_wait3A_197, %dma_wait3A_198] : memref<128x128xf32, #tpu.memory_space<vmem>> -> memref<64x128xf32, #tpu.memory_space<vmem>>
      %dma_wait3A_200 = arith.constant 64 : i32
      %dma_wait3A_201 = tpu.memref_slice %arg8[%mul3A_187, %dma_wait3A_200] : memref<40x128xi32, #tpu.memory_space<vmem>> -> memref<1x64xi32, #tpu.memory_space<vmem>>
      %dma_wait3A_202 = tpu.memref_squeeze %dma_wait3A_201 : memref<1x64xi32, #tpu.memory_space<vmem>> -> memref<64xi32, #tpu.memory_space<vmem>>
      %dma_wait3A_203 = arith.constant 0 : i32
      %dma_wait3A_204 = arith.constant 0 : i32
      %dma_wait3A_205 = tpu.memref_slice %arg2[%dma_wait3A_203, %dma_wait3A_204] : memref<10000x128xf32, #tpu.memory_space<hbm>> -> memref<10000x128xf32, #tpu.memory_space<hbm>>
      tpu.wait_indirect_dma semaphore(%arg13 : memref<!tpu.dma_semaphore, #tpu.memory_space<semaphore_mem>>) src(%dma_wait3A_205 : memref<10000x128xf32, #tpu.memory_space<hbm>>) dst(%dma_wait3A_199 : memref<64x128xf32, #tpu.memory_space<vmem>>)
      "tpu.region"() ({
        %run_scoped3A_268 = tpu.sem_alloc : memref<!tpu.dma_semaphore, #tpu.memory_space<semaphore_mem>>
        %dma_start3A_269 = arith.constant 0 : i32
        %dma_start3A_270 = tpu.memref_slice %arg9[%mul3A_187, %dma_start3A_269] : memref<40x128xi32, #tpu.memory_space<vmem>> -> memref<1x128xi32, #tpu.memory_space<vmem>>
        %dma_start3A_271 = tpu.memref_squeeze %dma_start3A_270 : memref<1x128xi32, #tpu.memory_space<vmem>> -> memref<128xi32, #tpu.memory_space<vmem>>
        %dma_start3A_272 = arith.constant 0 : i32
        %dma_start3A_273 = arith.constant 0 : i32
        %dma_start3A_274 = tpu.memref_slice %arg12[%dma_start3A_272, %dma_start3A_273] : memref<10240x128xf32, #tpu.memory_space<vmem_shared>> -> memref<10240x128xf32, #tpu.memory_space<vmem_shared>>
        tpu.enqueue_indirect_dma source(%arg10 : memref<128x128xf32, #tpu.memory_space<vmem>>) target(%dma_start3A_274 : memref<10240x128xf32, #tpu.memory_space<vmem_shared>>) offsets(%dma_start3A_271 : memref<128xi32, #tpu.memory_space<vmem>>) semaphore(%run_scoped3A_268 : memref<!tpu.dma_semaphore, #tpu.memory_space<semaphore_mem>>) {add = true}
        %dma_wait3A_275 = arith.constant 0 : i32
        %dma_wait3A_276 = tpu.memref_slice %arg9[%mul3A_187, %dma_wait3A_275] : memref<40x128xi32, #tpu.memory_space<vmem>> -> memref<1x128xi32, #tpu.memory_space<vmem>>
        %dma_wait3A_277 = tpu.memref_squeeze %dma_wait3A_276 : memref<1x128xi32, #tpu.memory_space<vmem>> -> memref<128xi32, #tpu.memory_space<vmem>>
        %dma_wait3A_278 = arith.constant 0 : i32
        %dma_wait3A_279 = arith.constant 0 : i32
        %dma_wait3A_280 = tpu.memref_slice %arg12[%dma_wait3A_278, %dma_wait3A_279] : memref<10240x128xf32, #tpu.memory_space<vmem_shared>> -> memref<10240x128xf32, #tpu.memory_space<vmem_shared>>
        tpu.wait_indirect_dma semaphore(%run_scoped3A_268 : memref<!tpu.dma_semaphore, #tpu.memory_space<semaphore_mem>>) src(%arg10 : memref<128x128xf32, #tpu.memory_space<vmem>>) dst(%dma_wait3A_280 : memref<10240x128xf32, #tpu.memory_space<vmem_shared>>)
        tpu.yield
      }) : () -> ()
      %add3A_206 = arith.constant 2 : i32
      %add3A_207 = arith.addi %mul3A_187, %add3A_206 : i32
      %dma_start3A_208 = arith.constant 0 : i32
      %dma_start3A_209 = arith.constant 0 : i32
      %dma_start3A_210 = tpu.memref_slice %arg10[%dma_start3A_208, %dma_start3A_209] : memref<128x128xf32, #tpu.memory_space<vmem>> -> memref<64x128xf32, #tpu.memory_space<vmem>>
      %dma_start3A_211 = arith.constant 0 : i32
      %dma_start3A_212 = tpu.memref_slice %arg8[%add3A_207, %dma_start3A_211] : memref<40x128xi32, #tpu.memory_space<vmem>> -> memref<1x64xi32, #tpu.memory_space<vmem>>
      %dma_start3A_213 = tpu.memref_squeeze %dma_start3A_212 : memref<1x64xi32, #tpu.memory_space<vmem>> -> memref<64xi32, #tpu.memory_space<vmem>>
      %dma_start3A_214 = arith.constant 0 : i32
      %dma_start3A_215 = arith.constant 0 : i32
      %dma_start3A_216 = tpu.memref_slice %arg2[%dma_start3A_214, %dma_start3A_215] : memref<10000x128xf32, #tpu.memory_space<hbm>> -> memref<10000x128xf32, #tpu.memory_space<hbm>>
      tpu.enqueue_indirect_dma source(%dma_start3A_216 : memref<10000x128xf32, #tpu.memory_space<hbm>>) target(%dma_start3A_210 : memref<64x128xf32, #tpu.memory_space<vmem>>) offsets(%dma_start3A_213 : memref<64xi32, #tpu.memory_space<vmem>>) semaphore(%arg13 : memref<!tpu.dma_semaphore, #tpu.memory_space<semaphore_mem>>)
      %dma_start3A_217 = arith.constant 64 : i32
      %dma_start3A_218 = arith.constant 0 : i32
      %dma_start3A_219 = tpu.memref_slice %arg10[%dma_start3A_217, %dma_start3A_218] : memref<128x128xf32, #tpu.memory_space<vmem>> -> memref<64x128xf32, #tpu.memory_space<vmem>>
      %dma_start3A_220 = arith.constant 64 : i32
      %dma_start3A_221 = tpu.memref_slice %arg8[%add3A_207, %dma_start3A_220] : memref<40x128xi32, #tpu.memory_space<vmem>> -> memref<1x64xi32, #tpu.memory_space<vmem>>
      %dma_start3A_222 = tpu.memref_squeeze %dma_start3A_221 : memref<1x64xi32, #tpu.memory_space<vmem>> -> memref<64xi32, #tpu.memory_space<vmem>>
      %dma_start3A_223 = arith.constant 0 : i32
      %dma_start3A_224 = arith.constant 0 : i32
      %dma_start3A_225 = tpu.memref_slice %arg2[%dma_start3A_223, %dma_start3A_224] : memref<10000x128xf32, #tpu.memory_space<hbm>> -> memref<10000x128xf32, #tpu.memory_space<hbm>>
      tpu.enqueue_indirect_dma source(%dma_start3A_225 : memref<10000x128xf32, #tpu.memory_space<hbm>>) target(%dma_start3A_219 : memref<64x128xf32, #tpu.memory_space<vmem>>) offsets(%dma_start3A_222 : memref<64xi32, #tpu.memory_space<vmem>>) semaphore(%arg13 : memref<!tpu.dma_semaphore, #tpu.memory_space<semaphore_mem>>)
      %add3A_226 = arith.constant 1 : i32
      %add3A_227 = arith.addi %mul3A_187, %add3A_226 : i32
      %dma_wait3A_228 = arith.constant 0 : i32
      %dma_wait3A_229 = arith.constant 0 : i32
      %dma_wait3A_230 = tpu.memref_slice %arg11[%dma_wait3A_228, %dma_wait3A_229] : memref<128x128xf32, #tpu.memory_space<vmem>> -> memref<64x128xf32, #tpu.memory_space<vmem>>
      %dma_wait3A_231 = arith.constant 0 : i32
      %dma_wait3A_232 = tpu.memref_slice %arg8[%add3A_227, %dma_wait3A_231] : memref<40x128xi32, #tpu.memory_space<vmem>> -> memref<1x64xi32, #tpu.memory_space<vmem>>
      %dma_wait3A_233 = tpu.memref_squeeze %dma_wait3A_232 : memref<1x64xi32, #tpu.memory_space<vmem>> -> memref<64xi32, #tpu.memory_space<vmem>>
      %dma_wait3A_234 = arith.constant 0 : i32
      %dma_wait3A_235 = arith.constant 0 : i32
      %dma_wait3A_236 = tpu.memref_slice %arg2[%dma_wait3A_234, %dma_wait3A_235] : memref<10000x128xf32, #tpu.memory_space<hbm>> -> memref<10000x128xf32, #tpu.memory_space<hbm>>
      tpu.wait_indirect_dma semaphore(%arg14 : memref<!tpu.dma_semaphore, #tpu.memory_space<semaphore_mem>>) src(%dma_wait3A_236 : memref<10000x128xf32, #tpu.memory_space<hbm>>) dst(%dma_wait3A_230 : memref<64x128xf32, #tpu.memory_space<vmem>>)
      %dma_wait3A_237 = arith.constant 64 : i32
      %dma_wait3A_238 = arith.constant 0 : i32
      %dma_wait3A_239 = tpu.memref_slice %arg11[%dma_wait3A_237, %dma_wait3A_238] : memref<128x128xf32, #tpu.memory_space<vmem>> -> memref<64x128xf32, #tpu.memory_space<vmem>>
      %dma_wait3A_240 = arith.constant 64 : i32
      %dma_wait3A_241 = tpu.memref_slice %arg8[%add3A_227, %dma_wait3A_240] : memref<40x128xi32, #tpu.memory_space<vmem>> -> memref<1x64xi32, #tpu.memory_space<vmem>>
      %dma_wait3A_242 = tpu.memref_squeeze %dma_wait3A_241 : memref<1x64xi32, #tpu.memory_space<vmem>> -> memref<64xi32, #tpu.memory_space<vmem>>
      %dma_wait3A_243 = arith.constant 0 : i32
      %dma_wait3A_244 = arith.constant 0 : i32
      %dma_wait3A_245 = tpu.memref_slice %arg2[%dma_wait3A_243, %dma_wait3A_244] : memref<10000x128xf32, #tpu.memory_space<hbm>> -> memref<10000x128xf32, #tpu.memory_space<hbm>>
      tpu.wait_indirect_dma semaphore(%arg14 : memref<!tpu.dma_semaphore, #tpu.memory_space<semaphore_mem>>) src(%dma_wait3A_245 : memref<10000x128xf32, #tpu.memory_space<hbm>>) dst(%dma_wait3A_239 : memref<64x128xf32, #tpu.memory_space<vmem>>)
      %add3A_246 = arith.constant 1 : i32
      %add3A_247 = arith.addi %mul3A_187, %add3A_246 : i32
      "tpu.region"() ({
        %run_scoped3A_268 = tpu.sem_alloc : memref<!tpu.dma_semaphore, #tpu.memory_space<semaphore_mem>>
        %dma_start3A_269 = arith.constant 0 : i32
        %dma_start3A_270 = tpu.memref_slice %arg9[%add3A_247, %dma_start3A_269] : memref<40x128xi32, #tpu.memory_space<vmem>> -> memref<1x128xi32, #tpu.memory_space<vmem>>
        %dma_start3A_271 = tpu.memref_squeeze %dma_start3A_270 : memref<1x128xi32, #tpu.memory_space<vmem>> -> memref<128xi32, #tpu.memory_space<vmem>>
        %dma_start3A_272 = arith.constant 0 : i32
        %dma_start3A_273 = arith.constant 0 : i32
        %dma_start3A_274 = tpu.memref_slice %arg12[%dma_start3A_272, %dma_start3A_273] : memref<10240x128xf32, #tpu.memory_space<vmem_shared>> -> memref<10240x128xf32, #tpu.memory_space<vmem_shared>>
        tpu.enqueue_indirect_dma source(%arg11 : memref<128x128xf32, #tpu.memory_space<vmem>>) target(%dma_start3A_274 : memref<10240x128xf32, #tpu.memory_space<vmem_shared>>) offsets(%dma_start3A_271 : memref<128xi32, #tpu.memory_space<vmem>>) semaphore(%run_scoped3A_268 : memref<!tpu.dma_semaphore, #tpu.memory_space<semaphore_mem>>) {add = true}
        %dma_wait3A_275 = arith.constant 0 : i32
        %dma_wait3A_276 = tpu.memref_slice %arg9[%add3A_247, %dma_wait3A_275] : memref<40x128xi32, #tpu.memory_space<vmem>> -> memref<1x128xi32, #tpu.memory_space<vmem>>
        %dma_wait3A_277 = tpu.memref_squeeze %dma_wait3A_276 : memref<1x128xi32, #tpu.memory_space<vmem>> -> memref<128xi32, #tpu.memory_space<vmem>>
        %dma_wait3A_278 = arith.constant 0 : i32
        %dma_wait3A_279 = arith.constant 0 : i32
        %dma_wait3A_280 = tpu.memref_slice %arg12[%dma_wait3A_278, %dma_wait3A_279] : memref<10240x128xf32, #tpu.memory_space<vmem_shared>> -> memref<10240x128xf32, #tpu.memory_space<vmem_shared>>
        tpu.wait_indirect_dma semaphore(%run_scoped3A_268 : memref<!tpu.dma_semaphore, #tpu.memory_space<semaphore_mem>>) src(%arg11 : memref<128x128xf32, #tpu.memory_space<vmem>>) dst(%dma_wait3A_280 : memref<10240x128xf32, #tpu.memory_space<vmem_shared>>)
        tpu.yield
      }) : () -> ()
      %add3A_248 = arith.constant 3 : i32
      %add3A_249 = arith.addi %mul3A_187, %add3A_248 : i32
      %dma_start3A_250 = arith.constant 0 : i32
      %dma_start3A_251 = arith.constant 0 : i32
      %dma_start3A_252 = tpu.memref_slice %arg11[%dma_start3A_250, %dma_start3A_251] : memref<128x128xf32, #tpu.memory_space<vmem>> -> memref<64x128xf32, #tpu.memory_space<vmem>>
      %dma_start3A_253 = arith.constant 0 : i32
      %dma_start3A_254 = tpu.memref_slice %arg8[%add3A_249, %dma_start3A_253] : memref<40x128xi32, #tpu.memory_space<vmem>> -> memref<1x64xi32, #tpu.memory_space<vmem>>
      %dma_start3A_255 = tpu.memref_squeeze %dma_start3A_254 : memref<1x64xi32, #tpu.memory_space<vmem>> -> memref<64xi32, #tpu.memory_space<vmem>>
      %dma_start3A_256 = arith.constant 0 : i32
      %dma_start3A_257 = arith.constant 0 : i32
      %dma_start3A_258 = tpu.memref_slice %arg2[%dma_start3A_256, %dma_start3A_257] : memref<10000x128xf32, #tpu.memory_space<hbm>> -> memref<10000x128xf32, #tpu.memory_space<hbm>>
      tpu.enqueue_indirect_dma source(%dma_start3A_258 : memref<10000x128xf32, #tpu.memory_space<hbm>>) target(%dma_start3A_252 : memref<64x128xf32, #tpu.memory_space<vmem>>) offsets(%dma_start3A_255 : memref<64xi32, #tpu.memory_space<vmem>>) semaphore(%arg14 : memref<!tpu.dma_semaphore, #tpu.memory_space<semaphore_mem>>)
      %dma_start3A_259 = arith.constant 64 : i32
      %dma_start3A_260 = arith.constant 0 : i32
      %dma_start3A_261 = tpu.memref_slice %arg11[%dma_start3A_259, %dma_start3A_260] : memref<128x128xf32, #tpu.memory_space<vmem>> -> memref<64x128xf32, #tpu.memory_space<vmem>>
      %dma_start3A_262 = arith.constant 64 : i32
      %dma_start3A_263 = tpu.memref_slice %arg8[%add3A_249, %dma_start3A_262] : memref<40x128xi32, #tpu.memory_space<vmem>> -> memref<1x64xi32, #tpu.memory_space<vmem>>
      %dma_start3A_264 = tpu.memref_squeeze %dma_start3A_263 : memref<1x64xi32, #tpu.memory_space<vmem>> -> memref<64xi32, #tpu.memory_space<vmem>>
      %dma_start3A_265 = arith.constant 0 : i32
      %dma_start3A_266 = arith.constant 0 : i32
      %dma_start3A_267 = tpu.memref_slice %arg2[%dma_start3A_265, %dma_start3A_266] : memref<10000x128xf32, #tpu.memory_space<hbm>> -> memref<10000x128xf32, #tpu.memory_space<hbm>>
      tpu.enqueue_indirect_dma source(%dma_start3A_267 : memref<10000x128xf32, #tpu.memory_space<hbm>>) target(%dma_start3A_261 : memref<64x128xf32, #tpu.memory_space<vmem>>) offsets(%dma_start3A_264 : memref<64xi32, #tpu.memory_space<vmem>>) semaphore(%arg14 : memref<!tpu.dma_semaphore, #tpu.memory_space<semaphore_mem>>)
    }
    %scan3A_134 = arith.constant 19 : i32
    %dma_wait3A_135 = arith.constant 38 : i32
    %dma_wait3A_136 = arith.constant 0 : i32
    %dma_wait3A_137 = arith.constant 0 : i32
    %dma_wait3A_138 = tpu.memref_slice %arg10[%dma_wait3A_136, %dma_wait3A_137] : memref<128x128xf32, #tpu.memory_space<vmem>> -> memref<64x128xf32, #tpu.memory_space<vmem>>
    %dma_wait3A_139 = arith.constant 0 : i32
    %dma_wait3A_140 = tpu.memref_slice %arg8[%dma_wait3A_135, %dma_wait3A_139] : memref<40x128xi32, #tpu.memory_space<vmem>> -> memref<1x64xi32, #tpu.memory_space<vmem>>
    %dma_wait3A_141 = tpu.memref_squeeze %dma_wait3A_140 : memref<1x64xi32, #tpu.memory_space<vmem>> -> memref<64xi32, #tpu.memory_space<vmem>>
    %dma_wait3A_142 = arith.constant 0 : i32
    %dma_wait3A_143 = arith.constant 0 : i32
    %dma_wait3A_144 = tpu.memref_slice %arg2[%dma_wait3A_142, %dma_wait3A_143] : memref<10000x128xf32, #tpu.memory_space<hbm>> -> memref<10000x128xf32, #tpu.memory_space<hbm>>
    tpu.wait_indirect_dma semaphore(%arg13 : memref<!tpu.dma_semaphore, #tpu.memory_space<semaphore_mem>>) src(%dma_wait3A_144 : memref<10000x128xf32, #tpu.memory_space<hbm>>) dst(%dma_wait3A_138 : memref<64x128xf32, #tpu.memory_space<vmem>>)
    %dma_wait3A_145 = arith.constant 38 : i32
    %dma_wait3A_146 = arith.constant 64 : i32
    %dma_wait3A_147 = arith.constant 0 : i32
    %dma_wait3A_148 = tpu.memref_slice %arg10[%dma_wait3A_146, %dma_wait3A_147] : memref<128x128xf32, #tpu.memory_space<vmem>> -> memref<64x128xf32, #tpu.memory_space<vmem>>
    %dma_wait3A_149 = arith.constant 64 : i32
    %dma_wait3A_150 = tpu.memref_slice %arg8[%dma_wait3A_145, %dma_wait3A_149] : memref<40x128xi32, #tpu.memory_space<vmem>> -> memref<1x64xi32, #tpu.memory_space<vmem>>
    %dma_wait3A_151 = tpu.memref_squeeze %dma_wait3A_150 : memref<1x64xi32, #tpu.memory_space<vmem>> -> memref<64xi32, #tpu.memory_space<vmem>>
    %dma_wait3A_152 = arith.constant 0 : i32
    %dma_wait3A_153 = arith.constant 0 : i32
    %dma_wait3A_154 = tpu.memref_slice %arg2[%dma_wait3A_152, %dma_wait3A_153] : memref<10000x128xf32, #tpu.memory_space<hbm>> -> memref<10000x128xf32, #tpu.memory_space<hbm>>
    tpu.wait_indirect_dma semaphore(%arg13 : memref<!tpu.dma_semaphore, #tpu.memory_space<semaphore_mem>>) src(%dma_wait3A_154 : memref<10000x128xf32, #tpu.memory_space<hbm>>) dst(%dma_wait3A_148 : memref<64x128xf32, #tpu.memory_space<vmem>>)
    %run_scoped3A_155 = arith.constant 38 : i32
    "tpu.region"() ({
      %run_scoped3A_185 = tpu.sem_alloc : memref<!tpu.dma_semaphore, #tpu.memory_space<semaphore_mem>>
      %dma_start3A_186 = arith.constant 0 : i32
      %dma_start3A_187 = tpu.memref_slice %arg9[%run_scoped3A_155, %dma_start3A_186] : memref<40x128xi32, #tpu.memory_space<vmem>> -> memref<1x128xi32, #tpu.memory_space<vmem>>
      %dma_start3A_188 = tpu.memref_squeeze %dma_start3A_187 : memref<1x128xi32, #tpu.memory_space<vmem>> -> memref<128xi32, #tpu.memory_space<vmem>>
      %dma_start3A_189 = arith.constant 0 : i32
      %dma_start3A_190 = arith.constant 0 : i32
      %dma_start3A_191 = tpu.memref_slice %arg12[%dma_start3A_189, %dma_start3A_190] : memref<10240x128xf32, #tpu.memory_space<vmem_shared>> -> memref<10240x128xf32, #tpu.memory_space<vmem_shared>>
      tpu.enqueue_indirect_dma source(%arg10 : memref<128x128xf32, #tpu.memory_space<vmem>>) target(%dma_start3A_191 : memref<10240x128xf32, #tpu.memory_space<vmem_shared>>) offsets(%dma_start3A_188 : memref<128xi32, #tpu.memory_space<vmem>>) semaphore(%run_scoped3A_185 : memref<!tpu.dma_semaphore, #tpu.memory_space<semaphore_mem>>) {add = true}
      %dma_wait3A_192 = arith.constant 0 : i32
      %dma_wait3A_193 = tpu.memref_slice %arg9[%run_scoped3A_155, %dma_wait3A_192] : memref<40x128xi32, #tpu.memory_space<vmem>> -> memref<1x128xi32, #tpu.memory_space<vmem>>
      %dma_wait3A_194 = tpu.memref_squeeze %dma_wait3A_193 : memref<1x128xi32, #tpu.memory_space<vmem>> -> memref<128xi32, #tpu.memory_space<vmem>>
      %dma_wait3A_195 = arith.constant 0 : i32
      %dma_wait3A_196 = arith.constant 0 : i32
      %dma_wait3A_197 = tpu.memref_slice %arg12[%dma_wait3A_195, %dma_wait3A_196] : memref<10240x128xf32, #tpu.memory_space<vmem_shared>> -> memref<10240x128xf32, #tpu.memory_space<vmem_shared>>
      tpu.wait_indirect_dma semaphore(%run_scoped3A_185 : memref<!tpu.dma_semaphore, #tpu.memory_space<semaphore_mem>>) src(%arg10 : memref<128x128xf32, #tpu.memory_space<vmem>>) dst(%dma_wait3A_197 : memref<10240x128xf32, #tpu.memory_space<vmem_shared>>)
      tpu.yield
    }) : () -> ()
    %dma_wait3A_156 = arith.constant 39 : i32
    %dma_wait3A_157 = arith.constant 0 : i32
    %dma_wait3A_158 = arith.constant 0 : i32
    %dma_wait3A_159 = tpu.memref_slice %arg11[%dma_wait3A_157, %dma_wait3A_158] : memref<128x128xf32, #tpu.memory_space<vmem>> -> memref<64x128xf32, #tpu.memory_space<vmem>>
    %dma_wait3A_160 = arith.constant 0 : i32
    %dma_wait3A_161 = tpu.memref_slice %arg8[%dma_wait3A_156, %dma_wait3A_160] : memref<40x128xi32, #tpu.memory_space<vmem>> -> memref<1x64xi32, #tpu.memory_space<vmem>>
    %dma_wait3A_162 = tpu.memref_squeeze %dma_wait3A_161 : memref<1x64xi32, #tpu.memory_space<vmem>> -> memref<64xi32, #tpu.memory_space<vmem>>
    %dma_wait3A_163 = arith.constant 0 : i32
    %dma_wait3A_164 = arith.constant 0 : i32
    %dma_wait3A_165 = tpu.memref_slice %arg2[%dma_wait3A_163, %dma_wait3A_164] : memref<10000x128xf32, #tpu.memory_space<hbm>> -> memref<10000x128xf32, #tpu.memory_space<hbm>>
    tpu.wait_indirect_dma semaphore(%arg14 : memref<!tpu.dma_semaphore, #tpu.memory_space<semaphore_mem>>) src(%dma_wait3A_165 : memref<10000x128xf32, #tpu.memory_space<hbm>>) dst(%dma_wait3A_159 : memref<64x128xf32, #tpu.memory_space<vmem>>)
    %dma_wait3A_166 = arith.constant 39 : i32
    %dma_wait3A_167 = arith.constant 64 : i32
    %dma_wait3A_168 = arith.constant 0 : i32
    %dma_wait3A_169 = tpu.memref_slice %arg11[%dma_wait3A_167, %dma_wait3A_168] : memref<128x128xf32, #tpu.memory_space<vmem>> -> memref<64x128xf32, #tpu.memory_space<vmem>>
    %dma_wait3A_170 = arith.constant 64 : i32
    %dma_wait3A_171 = tpu.memref_slice %arg8[%dma_wait3A_166, %dma_wait3A_170] : memref<40x128xi32, #tpu.memory_space<vmem>> -> memref<1x64xi32, #tpu.memory_space<vmem>>
    %dma_wait3A_172 = tpu.memref_squeeze %dma_wait3A_171 : memref<1x64xi32, #tpu.memory_space<vmem>> -> memref<64xi32, #tpu.memory_space<vmem>>
    %dma_wait3A_173 = arith.constant 0 : i32
    %dma_wait3A_174 = arith.constant 0 : i32
    %dma_wait3A_175 = tpu.memref_slice %arg2[%dma_wait3A_173, %dma_wait3A_174] : memref<10000x128xf32, #tpu.memory_space<hbm>> -> memref<10000x128xf32, #tpu.memory_space<hbm>>
    tpu.wait_indirect_dma semaphore(%arg14 : memref<!tpu.dma_semaphore, #tpu.memory_space<semaphore_mem>>) src(%dma_wait3A_175 : memref<10000x128xf32, #tpu.memory_space<hbm>>) dst(%dma_wait3A_169 : memref<64x128xf32, #tpu.memory_space<vmem>>)
    %run_scoped3A_176 = arith.constant 39 : i32
    "tpu.region"() ({
      %run_scoped3A_185 = tpu.sem_alloc : memref<!tpu.dma_semaphore, #tpu.memory_space<semaphore_mem>>
      %dma_start3A_186 = arith.constant 0 : i32
      %dma_start3A_187 = tpu.memref_slice %arg9[%run_scoped3A_176, %dma_start3A_186] : memref<40x128xi32, #tpu.memory_space<vmem>> -> memref<1x128xi32, #tpu.memory_space<vmem>>
      %dma_start3A_188 = tpu.memref_squeeze %dma_start3A_187 : memref<1x128xi32, #tpu.memory_space<vmem>> -> memref<128xi32, #tpu.memory_space<vmem>>
      %dma_start3A_189 = arith.constant 0 : i32
      %dma_start3A_190 = arith.constant 0 : i32
      %dma_start3A_191 = tpu.memref_slice %arg12[%dma_start3A_189, %dma_start3A_190] : memref<10240x128xf32, #tpu.memory_space<vmem_shared>> -> memref<10240x128xf32, #tpu.memory_space<vmem_shared>>
      tpu.enqueue_indirect_dma source(%arg11 : memref<128x128xf32, #tpu.memory_space<vmem>>) target(%dma_start3A_191 : memref<10240x128xf32, #tpu.memory_space<vmem_shared>>) offsets(%dma_start3A_188 : memref<128xi32, #tpu.memory_space<vmem>>) semaphore(%run_scoped3A_185 : memref<!tpu.dma_semaphore, #tpu.memory_space<semaphore_mem>>) {add = true}
      %dma_wait3A_192 = arith.constant 0 : i32
      %dma_wait3A_193 = tpu.memref_slice %arg9[%run_scoped3A_176, %dma_wait3A_192] : memref<40x128xi32, #tpu.memory_space<vmem>> -> memref<1x128xi32, #tpu.memory_space<vmem>>
      %dma_wait3A_194 = tpu.memref_squeeze %dma_wait3A_193 : memref<1x128xi32, #tpu.memory_space<vmem>> -> memref<128xi32, #tpu.memory_space<vmem>>
      %dma_wait3A_195 = arith.constant 0 : i32
      %dma_wait3A_196 = arith.constant 0 : i32
      %dma_wait3A_197 = tpu.memref_slice %arg12[%dma_wait3A_195, %dma_wait3A_196] : memref<10240x128xf32, #tpu.memory_space<vmem_shared>> -> memref<10240x128xf32, #tpu.memory_space<vmem_shared>>
      tpu.wait_indirect_dma semaphore(%run_scoped3A_185 : memref<!tpu.dma_semaphore, #tpu.memory_space<semaphore_mem>>) src(%arg11 : memref<128x128xf32, #tpu.memory_space<vmem>>) dst(%dma_wait3A_197 : memref<10240x128xf32, #tpu.memory_space<vmem_shared>>)
      tpu.yield
    }) : () -> ()
    %barrier3A_177 = arith.constant 0 : index
    tpu.barrier barrier_id(%barrier3A_177)
    %eq3A = arith.constant 0 : i32
    %eq3A_178 = arith.cmpi eq, %arg0, %eq3A : i32
    %convert_element_type3A = arith.extui %eq3A_178 : i1 to i32
    %cond3A = arith.constant 0 : i32
    %cond3A_179 = arith.cmpi ne, %convert_element_type3A, %cond3A : i32
    scf.if %cond3A_179 {
      %mul3A_185 = arith.constant 640 : i32
      %mul3A_186 = arith.muli %arg1, %mul3A_185 : i32
      %mul3A_187 = arith.constant 640 : i32
      %mul3A_188 = arith.muli %arg1, %mul3A_187 : i32
      "tpu.region"() ({
        %run_scoped3A_189 = tpu.sem_alloc : memref<!tpu.dma_semaphore, #tpu.memory_space<semaphore_mem>>
        %dma_start3A_190 = arith.constant 0 : i32
        %dma_start3A_191 = tpu.memref_slice %arg6[%mul3A_188, %dma_start3A_190] : memref<10240x128xf32, #tpu.memory_space<hbm>> -> memref<640x128xf32, #tpu.memory_space<hbm>>
        %dma_start3A_192 = arith.constant 0 : i32
        %dma_start3A_193 = tpu.memref_slice %arg12[%mul3A_186, %dma_start3A_192] : memref<10240x128xf32, #tpu.memory_space<vmem_shared>> -> memref<640x128xf32, #tpu.memory_space<vmem_shared>>
        tpu.enqueue_dma source(%dma_start3A_193 : memref<640x128xf32, #tpu.memory_space<vmem_shared>>) target(%dma_start3A_191 : memref<640x128xf32, #tpu.memory_space<hbm>>) target_semaphore(%run_scoped3A_189 : memref<!tpu.dma_semaphore, #tpu.memory_space<semaphore_mem>>)
        %dma_wait3A_194 = arith.constant 0 : i32
        %dma_wait3A_195 = tpu.memref_slice %arg6[%mul3A_188, %dma_wait3A_194] : memref<10240x128xf32, #tpu.memory_space<hbm>> -> memref<640x128xf32, #tpu.memory_space<hbm>>
        %dma_wait3A_196 = arith.constant 0 : i32
        %dma_wait3A_197 = tpu.memref_slice %arg12[%mul3A_186, %dma_wait3A_196] : memref<10240x128xf32, #tpu.memory_space<vmem_shared>> -> memref<640x128xf32, #tpu.memory_space<vmem_shared>>
        tpu.wait_dma2 semaphore(%run_scoped3A_189 : memref<!tpu.dma_semaphore, #tpu.memory_space<semaphore_mem>>) src(%dma_wait3A_197 : memref<640x128xf32, #tpu.memory_space<vmem_shared>>) dst(%dma_wait3A_195 : memref<640x128xf32, #tpu.memory_space<hbm>>)
        tpu.yield
      }) : () -> ()
    } else {
    }
    %eq3A_180 = arith.constant 1 : i32
    %eq3A_181 = arith.cmpi eq, %arg0, %eq3A_180 : i32
    %convert_element_type3A_182 = arith.extui %eq3A_181 : i1 to i32
    %cond3A_183 = arith.constant 0 : i32
    %cond3A_184 = arith.cmpi ne, %convert_element_type3A_182, %cond3A_183 : i32
    scf.if %cond3A_184 {
      %mul3A_185 = arith.constant 640 : i32
      %mul3A_186 = arith.muli %arg1, %mul3A_185 : i32
      %mul3A_187 = arith.constant 640 : i32
      %mul3A_188 = arith.muli %arg1, %mul3A_187 : i32
      "tpu.region"() ({
        %run_scoped3A_189 = tpu.sem_alloc : memref<!tpu.dma_semaphore, #tpu.memory_space<semaphore_mem>>
        %dma_start3A_190 = arith.constant 0 : i32
        %dma_start3A_191 = tpu.memref_slice %arg7[%mul3A_188, %dma_start3A_190] : memref<10240x128xf32, #tpu.memory_space<hbm>> -> memref<640x128xf32, #tpu.memory_space<hbm>>
        %dma_start3A_192 = arith.constant 0 : i32
        %dma_start3A_193 = tpu.memref_slice %arg12[%mul3A_186, %dma_start3A_192] : memref<10240x128xf32, #tpu.memory_space<vmem_shared>> -> memref<640x128xf32, #tpu.memory_space<vmem_shared>>
        tpu.enqueue_dma source(%dma_start3A_193 : memref<640x128xf32, #tpu.memory_space<vmem_shared>>) target(%dma_start3A_191 : memref<640x128xf32, #tpu.memory_space<hbm>>) target_semaphore(%run_scoped3A_189 : memref<!tpu.dma_semaphore, #tpu.memory_space<semaphore_mem>>)
        %dma_wait3A_194 = arith.constant 0 : i32
        %dma_wait3A_195 = tpu.memref_slice %arg7[%mul3A_188, %dma_wait3A_194] : memref<10240x128xf32, #tpu.memory_space<hbm>> -> memref<640x128xf32, #tpu.memory_space<hbm>>
        %dma_wait3A_196 = arith.constant 0 : i32
        %dma_wait3A_197 = tpu.memref_slice %arg12[%mul3A_186, %dma_wait3A_196] : memref<10240x128xf32, #tpu.memory_space<vmem_shared>> -> memref<640x128xf32, #tpu.memory_space<vmem_shared>>
        tpu.wait_dma2 semaphore(%run_scoped3A_189 : memref<!tpu.dma_semaphore, #tpu.memory_space<semaphore_mem>>) src(%dma_wait3A_197 : memref<640x128xf32, #tpu.memory_space<vmem_shared>>) dst(%dma_wait3A_195 : memref<640x128xf32, #tpu.memory_space<hbm>>)
        tpu.yield
      }) : () -> ()
    } else {
    }
    return
  }
}

module attributes {stable_mosaic.version = 14 : i64} {
  func.func @_mlp_body(%arg0: memref<10000x128xf32, #tpu.memory_space<vmem>>, %arg1: memref<10240x128xf32, #tpu.memory_space<vmem>>, %arg2: memref<10240x128xf32, #tpu.memory_space<vmem>>, %arg3: memref<128x128xf32, #tpu.memory_space<vmem>>, %arg4: memref<1x128xf32, #tpu.memory_space<vmem>>, %arg5: memref<1x128xf32, #tpu.memory_space<vmem>>, %arg6: memref<1x128xf32, #tpu.memory_space<vmem>>, %arg7: memref<128x128xf32, #tpu.memory_space<vmem>>, %arg8: memref<1x128xf32, #tpu.memory_space<vmem>>, %arg9: memref<10000x128xf32, #tpu.memory_space<vmem>>) attributes {dimension_semantics = [], scalar_prefetch = 0 : i64, scratch_operands = 0 : i64, tpu.core_type = #tpu.core_type<tc>} {
    %get3A = arith.constant 0 : index
    %get3A_0 = arith.constant 0 : index
    %get3A_1 = vector.load %arg0[%get3A, %get3A_0] : memref<10000x128xf32, #tpu.memory_space<vmem>>, vector<10000x128xf32>
    %get3A_2 = arith.constant 0 : index
    %get3A_3 = arith.constant 0 : index
    %get3A_4 = vector.load %arg1[%get3A_2, %get3A_3] : memref<10240x128xf32, #tpu.memory_space<vmem>>, vector<10000x128xf32>
    %add3A = arith.addf %get3A_1, %get3A_4 : vector<10000x128xf32>
    %get3A_5 = arith.constant 0 : index
    %get3A_6 = arith.constant 0 : index
    %get3A_7 = vector.load %arg2[%get3A_5, %get3A_6] : memref<10240x128xf32, #tpu.memory_space<vmem>>, vector<10000x128xf32>
    %add3A_8 = arith.addf %add3A, %get3A_7 : vector<10000x128xf32>
    %get3A_9 = arith.constant 0 : index
    %get3A_10 = arith.constant 0 : index
    %get3A_11 = vector.load %arg3[%get3A_9, %get3A_10] : memref<128x128xf32, #tpu.memory_space<vmem>>, vector<128x128xf32>
    %dot_general3A = arith.constant dense<0.000000e+00> : vector<10000x128xf32>
    %dot_general3A_12 = tpu.matmul %add3A_8, %get3A_11, %dot_general3A {dimension_numbers = #tpu.dot_dimension_numbers<[1], [0], [0], [1], [0, 0, 1, 1], [], []>, transpose_lhs_hint = false} : vector<10000x128xf32>, vector<128x128xf32>, vector<10000x128xf32> -> vector<10000x128xf32>
    %get3A_13 = arith.constant 0 : index
    %get3A_14 = arith.constant 0 : index
    %get3A_15 = vector.load %arg4[%get3A_13, %get3A_14] : memref<1x128xf32, #tpu.memory_space<vmem>>, vector<1x128xf32>
    %add3A_16 = vector.broadcast %get3A_15 : vector<1x128xf32> to vector<10000x128xf32>
    %add3A_17 = arith.addf %dot_general3A_12, %add3A_16 : vector<10000x128xf32>
    %reduce_sum3A = arith.constant dense<0.000000e+00> : vector<128xf32>
    %reduce_sum3A_18 = vector.multi_reduction <add>, %add3A_17, %reduce_sum3A [0] : vector<10000x128xf32> to vector<128xf32>
    %broadcast_in_dim3A = vector.shape_cast %reduce_sum3A_18 : vector<128xf32> to vector<1x128xf32>
    %div3A = arith.constant 1.000000e+04 : f32
    %div3A_19 = vector.broadcast %div3A : f32 to vector<1x128xf32>
    %div3A_20 = arith.divf %broadcast_in_dim3A, %div3A_19 : vector<1x128xf32>
    %sub3A = vector.broadcast %div3A_20 : vector<1x128xf32> to vector<10000x128xf32>
    %sub3A_21 = arith.subf %add3A_17, %sub3A : vector<10000x128xf32>
    %square3A = arith.mulf %sub3A_21, %sub3A_21 : vector<10000x128xf32>
    %reduce_sum3A_22 = arith.constant dense<0.000000e+00> : vector<128xf32>
    %reduce_sum3A_23 = vector.multi_reduction <add>, %square3A, %reduce_sum3A_22 [0] : vector<10000x128xf32> to vector<128xf32>
    %broadcast_in_dim3A_24 = vector.shape_cast %reduce_sum3A_23 : vector<128xf32> to vector<1x128xf32>
    %div3A_25 = arith.constant 1.000000e+04 : f32
    %div3A_26 = vector.broadcast %div3A_25 : f32 to vector<1x128xf32>
    %div3A_27 = arith.divf %broadcast_in_dim3A_24, %div3A_26 : vector<1x128xf32>
    %sub3A_28 = vector.broadcast %div3A_20 : vector<1x128xf32> to vector<10000x128xf32>
    %sub3A_29 = arith.subf %add3A_17, %sub3A_28 : vector<10000x128xf32>
    %add3A_30 = arith.constant 9.99999974E-6 : f32
    %add3A_31 = vector.broadcast %add3A_30 : f32 to vector<1x128xf32>
    %add3A_32 = arith.addf %div3A_27, %add3A_31 : vector<1x128xf32>
    %rsqrt3A = math.rsqrt %add3A_32 : vector<1x128xf32>
    %mul3A = vector.broadcast %rsqrt3A : vector<1x128xf32> to vector<10000x128xf32>
    %mul3A_33 = arith.mulf %sub3A_29, %mul3A : vector<10000x128xf32>
    %get3A_34 = arith.constant 0 : index
    %get3A_35 = arith.constant 0 : index
    %get3A_36 = vector.load %arg5[%get3A_34, %get3A_35] : memref<1x128xf32, #tpu.memory_space<vmem>>, vector<1x128xf32>
    %mul3A_37 = vector.broadcast %get3A_36 : vector<1x128xf32> to vector<10000x128xf32>
    %mul3A_38 = arith.mulf %mul3A_33, %mul3A_37 : vector<10000x128xf32>
    %get3A_39 = arith.constant 0 : index
    %get3A_40 = arith.constant 0 : index
    %get3A_41 = vector.load %arg6[%get3A_39, %get3A_40] : memref<1x128xf32, #tpu.memory_space<vmem>>, vector<1x128xf32>
    %add3A_42 = vector.broadcast %get3A_41 : vector<1x128xf32> to vector<10000x128xf32>
    %add3A_43 = arith.addf %mul3A_38, %add3A_42 : vector<10000x128xf32>
    %max3A = arith.constant 0.000000e+00 : f32
    %max3A_44 = vector.broadcast %max3A : f32 to vector<10000x128xf32>
    %max3A_45 = arith.maximumf %add3A_43, %max3A_44 : vector<10000x128xf32>
    %get3A_46 = arith.constant 0 : index
    %get3A_47 = arith.constant 0 : index
    %get3A_48 = vector.load %arg7[%get3A_46, %get3A_47] : memref<128x128xf32, #tpu.memory_space<vmem>>, vector<128x128xf32>
    %dot_general3A_49 = arith.constant dense<0.000000e+00> : vector<10000x128xf32>
    %dot_general3A_50 = tpu.matmul %max3A_45, %get3A_48, %dot_general3A_49 {dimension_numbers = #tpu.dot_dimension_numbers<[1], [0], [0], [1], [0, 0, 1, 1], [], []>, transpose_lhs_hint = false} : vector<10000x128xf32>, vector<128x128xf32>, vector<10000x128xf32> -> vector<10000x128xf32>
    %get3A_51 = arith.constant 0 : index
    %get3A_52 = arith.constant 0 : index
    %get3A_53 = vector.load %arg8[%get3A_51, %get3A_52] : memref<1x128xf32, #tpu.memory_space<vmem>>, vector<1x128xf32>
    %add3A_54 = vector.broadcast %get3A_53 : vector<1x128xf32> to vector<10000x128xf32>
    %add3A_55 = arith.addf %dot_general3A_50, %add3A_54 : vector<10000x128xf32>
    %max3A_56 = arith.constant 0.000000e+00 : f32
    %max3A_57 = vector.broadcast %max3A_56 : f32 to vector<10000x128xf32>
    %max3A_58 = arith.maximumf %add3A_55, %max3A_57 : vector<10000x128xf32>
    %swap3A = arith.constant 0 : index
    %swap3A_59 = arith.constant 0 : index
    %swap3A_60 = vector.load %arg9[%swap3A, %swap3A_59] : memref<10000x128xf32, #tpu.memory_space<vmem>>, vector<10000x128xf32>
    tpu.vector_store %arg9[%swap3A, %swap3A_59], %max3A_58 {strides = array<i32>} : memref<10000x128xf32, #tpu.memory_space<vmem>>, vector<10000x128xf32>,
    return
  }
}

module attributes {stable_mosaic.version = 14 : i64} {
  func.func @_final_body(%arg0: memref<10000x128xf32, #tpu.memory_space<vmem>>, %arg1: memref<10240x128xf32, #tpu.memory_space<vmem>>, %arg2: memref<10240x128xf32, #tpu.memory_space<vmem>>, %arg3: memref<128x128xf32, #tpu.memory_space<vmem>>, %arg4: memref<1x128xf32, #tpu.memory_space<vmem>>, %arg5: memref<1x128xf32, #tpu.memory_space<vmem>>, %arg6: memref<1x128xf32, #tpu.memory_space<vmem>>, %arg7: memref<128x128xf32, #tpu.memory_space<vmem>>, %arg8: memref<1x128xf32, #tpu.memory_space<vmem>>, %arg9: memref<128x128xf32, #tpu.memory_space<vmem>>, %arg10: memref<1x128xf32, #tpu.memory_space<vmem>>, %arg11: memref<128x40xf32, #tpu.memory_space<vmem>>, %arg12: memref<1x40xf32, #tpu.memory_space<vmem>>, %arg13: memref<10000x40xf32, #tpu.memory_space<vmem>>) attributes {dimension_semantics = [], scalar_prefetch = 0 : i64, scratch_operands = 0 : i64, tpu.core_type = #tpu.core_type<tc>} {
    %get3A = arith.constant 0 : index
    %get3A_0 = arith.constant 0 : index
    %get3A_1 = vector.load %arg0[%get3A, %get3A_0] : memref<10000x128xf32, #tpu.memory_space<vmem>>, vector<10000x128xf32>
    %get3A_2 = arith.constant 0 : index
    %get3A_3 = arith.constant 0 : index
    %get3A_4 = vector.load %arg1[%get3A_2, %get3A_3] : memref<10240x128xf32, #tpu.memory_space<vmem>>, vector<10000x128xf32>
    %add3A = arith.addf %get3A_1, %get3A_4 : vector<10000x128xf32>
    %get3A_5 = arith.constant 0 : index
    %get3A_6 = arith.constant 0 : index
    %get3A_7 = vector.load %arg2[%get3A_5, %get3A_6] : memref<10240x128xf32, #tpu.memory_space<vmem>>, vector<10000x128xf32>
    %add3A_8 = arith.addf %add3A, %get3A_7 : vector<10000x128xf32>
    %get3A_9 = arith.constant 0 : index
    %get3A_10 = arith.constant 0 : index
    %get3A_11 = vector.load %arg3[%get3A_9, %get3A_10] : memref<128x128xf32, #tpu.memory_space<vmem>>, vector<128x128xf32>
    %dot_general3A = arith.constant dense<0.000000e+00> : vector<10000x128xf32>
    %dot_general3A_12 = tpu.matmul %add3A_8, %get3A_11, %dot_general3A {dimension_numbers = #tpu.dot_dimension_numbers<[1], [0], [0], [1], [0, 0, 1, 1], [], []>, transpose_lhs_hint = false} : vector<10000x128xf32>, vector<128x128xf32>, vector<10000x128xf32> -> vector<10000x128xf32>
    %get3A_13 = arith.constant 0 : index
    %get3A_14 = arith.constant 0 : index
    %get3A_15 = vector.load %arg4[%get3A_13, %get3A_14] : memref<1x128xf32, #tpu.memory_space<vmem>>, vector<1x128xf32>
    %add3A_16 = vector.broadcast %get3A_15 : vector<1x128xf32> to vector<10000x128xf32>
    %add3A_17 = arith.addf %dot_general3A_12, %add3A_16 : vector<10000x128xf32>
    %reduce_sum3A = arith.constant dense<0.000000e+00> : vector<128xf32>
    %reduce_sum3A_18 = vector.multi_reduction <add>, %add3A_17, %reduce_sum3A [0] : vector<10000x128xf32> to vector<128xf32>
    %broadcast_in_dim3A = vector.shape_cast %reduce_sum3A_18 : vector<128xf32> to vector<1x128xf32>
    %div3A = arith.constant 1.000000e+04 : f32
    %div3A_19 = vector.broadcast %div3A : f32 to vector<1x128xf32>
    %div3A_20 = arith.divf %broadcast_in_dim3A, %div3A_19 : vector<1x128xf32>
    %sub3A = vector.broadcast %div3A_20 : vector<1x128xf32> to vector<10000x128xf32>
    %sub3A_21 = arith.subf %add3A_17, %sub3A : vector<10000x128xf32>
    %square3A = arith.mulf %sub3A_21, %sub3A_21 : vector<10000x128xf32>
    %reduce_sum3A_22 = arith.constant dense<0.000000e+00> : vector<128xf32>
    %reduce_sum3A_23 = vector.multi_reduction <add>, %square3A, %reduce_sum3A_22 [0] : vector<10000x128xf32> to vector<128xf32>
    %broadcast_in_dim3A_24 = vector.shape_cast %reduce_sum3A_23 : vector<128xf32> to vector<1x128xf32>
    %div3A_25 = arith.constant 1.000000e+04 : f32
    %div3A_26 = vector.broadcast %div3A_25 : f32 to vector<1x128xf32>
    %div3A_27 = arith.divf %broadcast_in_dim3A_24, %div3A_26 : vector<1x128xf32>
    %sub3A_28 = vector.broadcast %div3A_20 : vector<1x128xf32> to vector<10000x128xf32>
    %sub3A_29 = arith.subf %add3A_17, %sub3A_28 : vector<10000x128xf32>
    %add3A_30 = arith.constant 9.99999974E-6 : f32
    %add3A_31 = vector.broadcast %add3A_30 : f32 to vector<1x128xf32>
    %add3A_32 = arith.addf %div3A_27, %add3A_31 : vector<1x128xf32>
    %rsqrt3A = math.rsqrt %add3A_32 : vector<1x128xf32>
    %mul3A = vector.broadcast %rsqrt3A : vector<1x128xf32> to vector<10000x128xf32>
    %mul3A_33 = arith.mulf %sub3A_29, %mul3A : vector<10000x128xf32>
    %get3A_34 = arith.constant 0 : index
    %get3A_35 = arith.constant 0 : index
    %get3A_36 = vector.load %arg5[%get3A_34, %get3A_35] : memref<1x128xf32, #tpu.memory_space<vmem>>, vector<1x128xf32>
    %mul3A_37 = vector.broadcast %get3A_36 : vector<1x128xf32> to vector<10000x128xf32>
    %mul3A_38 = arith.mulf %mul3A_33, %mul3A_37 : vector<10000x128xf32>
    %get3A_39 = arith.constant 0 : index
    %get3A_40 = arith.constant 0 : index
    %get3A_41 = vector.load %arg6[%get3A_39, %get3A_40] : memref<1x128xf32, #tpu.memory_space<vmem>>, vector<1x128xf32>
    %add3A_42 = vector.broadcast %get3A_41 : vector<1x128xf32> to vector<10000x128xf32>
    %add3A_43 = arith.addf %mul3A_38, %add3A_42 : vector<10000x128xf32>
    %max3A = arith.constant 0.000000e+00 : f32
    %max3A_44 = vector.broadcast %max3A : f32 to vector<10000x128xf32>
    %max3A_45 = arith.maximumf %add3A_43, %max3A_44 : vector<10000x128xf32>
    %get3A_46 = arith.constant 0 : index
    %get3A_47 = arith.constant 0 : index
    %get3A_48 = vector.load %arg7[%get3A_46, %get3A_47] : memref<128x128xf32, #tpu.memory_space<vmem>>, vector<128x128xf32>
    %dot_general3A_49 = arith.constant dense<0.000000e+00> : vector<10000x128xf32>
    %dot_general3A_50 = tpu.matmul %max3A_45, %get3A_48, %dot_general3A_49 {dimension_numbers = #tpu.dot_dimension_numbers<[1], [0], [0], [1], [0, 0, 1, 1], [], []>, transpose_lhs_hint = false} : vector<10000x128xf32>, vector<128x128xf32>, vector<10000x128xf32> -> vector<10000x128xf32>
    %get3A_51 = arith.constant 0 : index
    %get3A_52 = arith.constant 0 : index
    %get3A_53 = vector.load %arg8[%get3A_51, %get3A_52] : memref<1x128xf32, #tpu.memory_space<vmem>>, vector<1x128xf32>
    %add3A_54 = vector.broadcast %get3A_53 : vector<1x128xf32> to vector<10000x128xf32>
    %add3A_55 = arith.addf %dot_general3A_50, %add3A_54 : vector<10000x128xf32>
    %max3A_56 = arith.constant 0.000000e+00 : f32
    %max3A_57 = vector.broadcast %max3A_56 : f32 to vector<10000x128xf32>
    %max3A_58 = arith.maximumf %add3A_55, %max3A_57 : vector<10000x128xf32>
    %get3A_59 = arith.constant 0 : index
    %get3A_60 = arith.constant 0 : index
    %get3A_61 = vector.load %arg9[%get3A_59, %get3A_60] : memref<128x128xf32, #tpu.memory_space<vmem>>, vector<128x128xf32>
    %dot_general3A_62 = arith.constant dense<0.000000e+00> : vector<10000x128xf32>
    %dot_general3A_63 = tpu.matmul %max3A_58, %get3A_61, %dot_general3A_62 {dimension_numbers = #tpu.dot_dimension_numbers<[1], [0], [0], [1], [0, 0, 1, 1], [], []>, transpose_lhs_hint = false} : vector<10000x128xf32>, vector<128x128xf32>, vector<10000x128xf32> -> vector<10000x128xf32>
    %get3A_64 = arith.constant 0 : index
    %get3A_65 = arith.constant 0 : index
    %get3A_66 = vector.load %arg10[%get3A_64, %get3A_65] : memref<1x128xf32, #tpu.memory_space<vmem>>, vector<1x128xf32>
    %add3A_67 = vector.broadcast %get3A_66 : vector<1x128xf32> to vector<10000x128xf32>
    %add3A_68 = arith.addf %dot_general3A_63, %add3A_67 : vector<10000x128xf32>
    %max3A_69 = arith.constant 0.000000e+00 : f32
    %max3A_70 = vector.broadcast %max3A_69 : f32 to vector<10000x128xf32>
    %max3A_71 = arith.maximumf %add3A_68, %max3A_70 : vector<10000x128xf32>
    %get3A_72 = arith.constant 0 : index
    %get3A_73 = arith.constant 0 : index
    %get3A_74 = vector.load %arg11[%get3A_72, %get3A_73] : memref<128x40xf32, #tpu.memory_space<vmem>>, vector<128x40xf32>
    %dot_general3A_75 = arith.constant dense<0.000000e+00> : vector<10000x40xf32>
    %dot_general3A_76 = tpu.matmul %max3A_71, %get3A_74, %dot_general3A_75 {dimension_numbers = #tpu.dot_dimension_numbers<[1], [0], [0], [1], [0, 0, 1, 1], [], []>, transpose_lhs_hint = false} : vector<10000x128xf32>, vector<128x40xf32>, vector<10000x40xf32> -> vector<10000x40xf32>
    %get3A_77 = arith.constant 0 : index
    %get3A_78 = arith.constant 0 : index
    %get3A_79 = vector.load %arg12[%get3A_77, %get3A_78] : memref<1x40xf32, #tpu.memory_space<vmem>>, vector<1x40xf32>
    %add3A_80 = vector.broadcast %get3A_79 : vector<1x40xf32> to vector<10000x40xf32>
    %add3A_81 = arith.addf %dot_general3A_76, %add3A_80 : vector<10000x40xf32>
    %swap3A = arith.constant 0 : index
    %swap3A_82 = arith.constant 0 : index
    %swap3A_83 = vector.load %arg13[%swap3A, %swap3A_82] : memref<10000x40xf32, #tpu.memory_space<vmem>>, vector<10000x40xf32>
    tpu.vector_store %arg13[%swap3A, %swap3A_82], %add3A_81 {strides = array<i32>} : memref<10000x40xf32, #tpu.memory_space<vmem>>, vector<10000x40xf32>,
    return
  }
}

</mosaic_0001>

<sc_bundles>
// kernel: kernel.11.cloned.1.call-start
scs
__scs_entry_jumppad:
0x0: {  	(pc) =	sbr.rel $0x88, $3  }
0x1: {  	(tag) =	ssettag $0x0;
	lr =	simm.s32 $0x1  }
0x2: {  	[smem:$0x3F89] =	sst lr;
	_ =	strace $0xD0000000  }
0x3: {  	_ = 	snop  }
0x4: {  	_ = 	snop  }
0x5: {  	_ = 	snop  }
0x6: {  	_ = 	snop  }
0x7: {  	_ = 	snop  }
__scs_overlays_trampoline_lowered:
0x8: {  	[smem:$0x3F98] =	sst s0  }
0x9: {  	[smem:$0x3F99] =	sst s1  }
0xa: {  	[smem:$0x3F9A] =	sst s2  }
0xb: {  	[smem:$0x3F9B] =	sst s3  }
0xc: {  	[smem:$0x3F9C] =	sst s4  }
0xd: {  	[smem:$0x3F9D] =	sst s5  }
0xe: {  	[smem:$0x3F9E] =	sst s6  }
0xf: {  	[smem:$0x3F9F] =	sst s7  }
0x10: {  	[smem:$0x3FA0] =	sst s8  }
0x11: {  	[smem:$0x3FA1] =	sst s9;
	s0 =	simm.s32 @!p0 $0x0  }
0x12: {  	s1 =	sld [smem:$0x3F87];
	s0 =	simm.s32 @p0 $0x1  }
0x13: {  	[smem:$0x3FA2] =	sst s0;
	s0 =	simm.s32 @!p1 $0x0  }
0x14: {  	s2 =	sld [smem:$0x3F86];
	s0 =	simm.s32 @p1 $0x1  }
0x15: {  	[smem:$0x3FA3] =	sst s0;
	s0 =	simm.s32 @!p2 $0x0  }
0x16: {  	s3 =	sld [smem:$0x3FDB];
	s0 =	simm.s32 @p2 $0x1  }
0x17: {  	s4 =	simm.s32 $0x1BF5;
	[smem:$0x3FA5] =	sst s0  }
0x18: {  	s0 =	sld [smem:$0x3F88];
	_ =	swait.ge [sflag:s4], $0x0  }
0x19: {  	s7 =	sld [smem:$0x3F89]  }
0x1a: {  	s8 =	sadd.s32 $0xFFFFE003, lr  }
0x1b: {  	s9 =	sadd.s32 $0xFFFFFEF7, lr;
	s5 =	simm.s32 $0xFFFFFFFF;
	p2 =	slt.u32 s8, $0xFFFFF086  }
0x1c: {  	p1 =	slt.u32 s9, $0xF7A;
	s5 =	simm.s32 @!p2 $0x0  }
0x1d: {  	s5 =	simm.s32 @p1 $0x1;
	p0 =	seq.s32 s7, s2  }
0x1e: {  	s7 =	smul.u32 @!p0 $0xF7A, s2;
	p2 =	seq.s32 @!p0 s5, $0x0  }
0x1f: {  	s9 =	smul.u32 $0xF7A, s1;
	s8 =	simm.s32 @!p0 $0x1BF5;
	p2 =	por !p2, p0  }
0x20: {  	[sflag:s8] =	ssyncset.s32 @!p0 $0xFFFFF086;
	s6 =	sadd.s32 @!p0 s3, s7;
	s7 =	simm.s32 @!p0 $0x108  }
0x21: {  	s3 =	sadd.s32 s3, s9;
	s6 =	sadd.s32 @!p0 $0x88, s6;
	s7 =	simm.s32 @p2 $0x1082  }
0x22: {  	[simem:s7], [sflag:s8] =	dma.local @!p0 [hbm:s6], $0xF7A  }
0x23: {  	s9 =	sor.u32 $0xD0000000, s2;
	s6 =	simm.s32 $0x108;
	_ =	swait.ge @!p0 [sflag:s8], $0x0  }
0x24: {  	s3 =	sadd.s32 $0x88, s3;
	s6 =	simm.s32 @!p1 $0x1082;
	[sflag:s4] =	ssyncset.s32 $0xFFFFF086  }
0x25: {  	[simem:s6], [sflag:s4] =	dma.local [hbm:s3], $0xF7A  }
0x26: {  	[smem:$0x3F89] =	sst s1;
	(tag) =	ssettag s2;
	_ =	strace s9  }
0x27: {  	s1 =	sld [smem:$0x3F99]  }
0x28: {  	s2 =	sld [smem:$0x3F9A]  }
0x29: {  	s4 =	sld [smem:$0x3F9C]  }
0x2a: {  	p0 =	seq.s32 s5, $0x0;
	s5 =	sld [smem:$0x3F9D]  }
0x2b: {  	s6 =	sld [smem:$0x3F9E]  }
0x2c: {  	s7 =	sld [smem:$0x3F9F]  }
0x2d: {  	s3 =	simm.s32 $0x108;
	s8 =	sld [smem:$0x3FA0]  }
0x2e: {  	s3 =	simm.s32 @!p0 $0x1082;
	s9 =	sld [smem:$0x3FA1]  }
0x2f: {  	lr =	sadd.s32 s0, s3;
	s0 =	sld [smem:$0x3F98]  }
0x30: {  	s3 =	sld [smem:$0x3F9B]  }
0x31: {  	[smem:$0x3FA4] =	sst s10  }
0x32: {  	s10 =	sld [smem:$0x3FA2];
	_ =	sdelay $0x3  }
0x33: {  	p0 =	seq.s32 s10, $0x1;
	s10 =	sld [smem:$0x3FA4];
	_ =	sdelay $0x3  }
0x34: {  	[smem:$0x3FA4] =	sst s10  }
0x35: {  	s10 =	sld [smem:$0x3FA3];
	_ =	sdelay $0x3  }
0x36: {  	p1 =	seq.s32 s10, $0x1;
	s10 =	sld [smem:$0x3FA4];
	_ =	sdelay $0x3  }
0x37: {  	[smem:$0x3FA4] =	sst s10  }
0x38: {  	s10 =	sld [smem:$0x3FA5]  }
0x39: {  	_ = 	snop;
	(pc) =	sbr.ind lr, $3  }
0x3a: {  	_ = 	snop  }
0x3b: {  	_ = 	snop  }
0x3c: {  	p2 =	seq.s32 s10, $0x1;
	s10 =	sld [smem:$0x3FA4]  }
0x3d: {  	_ =	shalt  }
0x3e: {  	_ =	shalt  }
0x3f: {  	_ =	shalt  }
0x40: {  	_ =	shalt  }
0x41: {  	_ =	shalt  }
0x42: {  	_ =	shalt  }
0x43: {  	_ =	shalt  }
0x44: {  	_ =	shalt  }
0x45: {  	_ =	shalt  }
0x46: {  	_ =	shalt  }
0x47: {  	_ =	shalt  }
0x48: {  	_ =	shalt  }
0x49: {  	_ =	shalt  }
0x4a: {  	_ =	shalt  }
0x4b: {  	_ =	shalt  }
0x4c: {  	_ =	shalt  }
0x4d: {  	_ =	shalt  }
0x4e: {  	_ =	shalt  }
0x4f: {  	_ =	shalt  }
0x50: {  	_ =	shalt  }
0x51: {  	_ =	shalt  }
0x52: {  	_ =	shalt  }
0x53: {  	_ =	shalt  }
0x54: {  	_ =	shalt  }
0x55: {  	_ =	shalt  }
0x56: {  	_ =	shalt  }
0x57: {  	_ =	shalt  }
0x58: {  	_ =	shalt  }
0x59: {  	_ =	shalt  }
0x5a: {  	_ =	shalt  }
0x5b: {  	_ =	shalt  }
0x5c: {  	_ =	shalt  }
0x5d: {  	_ =	shalt  }
0x5e: {  	_ =	shalt  }
0x5f: {  	_ =	shalt  }
0x60: {  	_ =	shalt  }
0x61: {  	_ =	shalt  }
0x62: {  	_ =	shalt  }
0x63: {  	_ =	shalt  }
0x64: {  	_ =	shalt  }
0x65: {  	_ =	shalt  }
0x66: {  	_ =	shalt  }
0x67: {  	_ =	shalt  }
0x68: {  	_ =	shalt  }
0x69: {  	_ =	shalt  }
0x6a: {  	_ =	shalt  }
0x6b: {  	_ =	shalt  }
0x6c: {  	_ =	shalt  }
0x6d: {  	_ =	shalt  }
0x6e: {  	_ =	shalt  }
0x6f: {  	_ =	shalt  }
0x70: {  	_ =	shalt  }
0x71: {  	_ =	shalt  }
0x72: {  	_ =	shalt  }
0x73: {  	_ =	shalt  }
0x74: {  	_ =	shalt  }
0x75: {  	_ =	shalt  }
0x76: {  	_ =	shalt  }
0x77: {  	_ =	shalt  }
0x78: {  	_ =	shalt  }
0x79: {  	_ =	shalt  }
0x7a: {  	_ =	shalt  }
0x7b: {  	_ =	shalt  }
0x7c: {  	_ =	shalt  }
0x7d: {  	_ =	shalt  }
0x7e: {  	_ =	shalt  }
0x7f: {  	_ =	shalt  }
0x80: {  	_ =	shalt  }
0x81: {  	_ =	shalt  }
0x82: {  	_ =	shalt  }
0x83: {  	_ =	shalt  }
0x84: {  	_ =	shalt  }
0x85: {  	_ =	shalt  }
0x86: {  	_ =	shalt  }
0x87: {  	_ =	shalt  }
.Lfunc_end0:
.L_simem_size_0:
called_computation.1_lowered:
.L_overlay_start_0:
0x88: {  	s2 =	sld [smem:$0x3FD9]  }
0x89: {  	s3 =	sld [smem:$0x3FFE];
	_ =	sdelay $0x1  }
0x8a: {  	s1 =	srdreg.scid  }
0x8b: {  	s0 =	sand.u32 $0x1, s1  }
0x8c: {  	s17 =	sshll.u32 s0, $0xA;
	s2 =	sadd.s32 s3, s2  }
0x8d: {  	s2 =	sadd.s32 s2, s17  }
0x8e: {  	[smem:$0x3FB0] =	sst s2  }
0x8f: {  	_ = 	snop  }
0x90: {  	s2 =	sld [smem:$0x3FD0];
	(tm) =	ssettm $0x1  }
0x91: {  	s18 =	sld [smem:$0x3FFB];
	_ =	sdelay $0x3  }
0x92: {  	_ =	strace s18  }
0x93: {  	s3 =	sld [smem:$0x3FFC];
	_ =	sdelay $0x3  }
0x94: {  	_ =	strace s3  }
0x95: {  	s3 =	sld [smem:$0x3FFD];
	_ =	sdelay $0x3  }
0x96: {  	_ =	strace s3  }
0x97: {  	_ =	strace $0x8FFFFFFF  }
0x98: {  	s19 =	sld [smem:$0x3FDB];
	_ =	sdelay $0x1  }
0x99: {  	s4 =	simm.s32 $_scs_section_size  }
0x9a: {  	s5 =	simm.s32 $_size__tile_overlayer_lowered;
	s6 =	simm.s32 $_tile_overlayer_lowered  }
0x9b: {  	s22 =	simm.s32 $0x1BFF;
	s21 =	sshll.u32 s6, $0x1;
	s3 =	sadd.s32 s4, s19  }
0x9c: {  	s7 =	simm.s32 $0x0;
	s20 =	sshll.u32 s5, $0x1;
	s5 =	sadd.s32 s21, s3  }
0x9d: {  	[timem:s7], [sflag:s22] =	dma.local [hbm:s5], s20  }
0x9e: {  	_ =	swait.ge [sflag:s22], s20  }
0x9f: {  	s4 =	ssub.s32 $0x0, s20;
	[sflag:s22] =	ssyncset.done $0x0  }
0xa0: {  	[sflag:s22] =	ssyncadd.s32 s4;
	_ =	sdelay $0x1  }
0xa1: {  	s23 =	simm.s32 $0x1B8B  }
0xa2: {  	_ =	swait.ge [sflag:s23], $0x1  }
0xa3: {  	[sflag:s23] =	ssyncset.done $0x0  }
0xa4: {  	s25 =	simm.s32 $0x1B8E;
	s24 =	sld [smem:$0x3FFE];
	[sflag:s23] =	ssyncadd.s32 $0xFFFFFFFF  }
0xa5: {  	s26 =	simm.s32 $execute0_lowered;
	[smem:$0x3FD2] =	sst s25  }
0xa6: {  	s5 =	sshll.u32 s26, $0x1;
	_ =	strace $0x80000049;
	[dreg:$0x1] =	wrdreg $0xFFFFFFFF  }
0xa7: {  	s28 =	simm.s32 $_size_execute0_lowered;
	s3 =	sadd.s32 s3, s5;
	[dreg:$0x0] =	wrdreg $0x0  }
0xa8: {  	s5 =	sshll.u32 s28, $0x1;
	[dreg:$0x2] =	wrdreg s3  }
0xa9: {  	[dreg:$0x3] =	wrdreg s5  }
0xaa: {  	[dreg:$0x4] =	wrdreg $0xC0  }
0xab: {  	_ =	task [dreg:s7], $0x5FFFF  }
0xac: {  	[dreg:$0x1] =	wrdreg $0xFFFFFFFF  }
0xad: {  	[dreg:$0x0] =	wrdreg $0x60  }
0xae: {  	[dreg:$0x2] =	wrdreg s24  }
0xaf: {  	[dreg:$0x3] =	wrdreg s2  }
0xb0: {  	[dreg:$0x4] =	wrdreg $0xA8000  }
0xb1: {  	[dreg:$0x5] =	wrdreg $0x9  }
0xb2: {  	_ =	task.clear_ibuf [dreg:s7], $0x6FFFF;
	_ =	strace $0x90000049  }
0xb3: {  	s29 =	simm.s32 $0x9;
	_ =	strace $0x8000004B  }
0xb4: {  	_ =	swait.ge [sflag:s29], $0x1  }
0xb5: {  	[sflag:s29] =	ssyncadd.s32 $0xFFFFFFFF  }
0xb6: {  	_ =	strace $0x9000004B  }
0xb7: {  	_ =	sfence  }
0xb8: {  	s30 =	sld [smem:$0x0];
	_ =	sdelay $0x2  }
0xb9: {  	s31 =	sshll.u32 s1, $0xD;
	s1 =	sshrl.u32 s1, $0x2  }
0xba: {  	s3 =	sand.u32 $0x4000, s31;
	s1 =	sadd.s32 s1, s30  }
0xbb: {  	s0 =	sor.u32 s3, s0;
	s1 =	sshll.u32 s1, $0x11  }
0xbc: {  	s0 =	sor.u32 s1, s0  }
0xbd: {  	s0 =	sadd.s32 $0x8F2B, s0  }
0xbe: {  	[sflag:s0] =	ssyncadd.remote.s32 $0x1  }
0xbf: {  	_ =	sfence.sel $0xFFFF  }
0xc0: {  	[dreg:$0x0] =	wrdreg $0xFFFFFFFF;
	(pc) =	sbr.abs _section_cstart, $3  }
0xc1: {  	[dreg:$0x1] =	wrdreg $0xFFFFFFFF  }
0xc2: {  	_ =	task.clear_ibuf [dreg:s7], $0x2FFFF;
	_ =	strace $0x9FFFFFFF  }
0xc3: {  	(tm) =	ssettm $0x7FFFFFFF  }
tec
execute0_lowered:
.L_overlay_start_1:
0x0: {  	(tag) =	ssettag $0x1  }
0x1: {  	s5 =	rddreg [dreg:$0x0]  }
0x2: {  	s9 =	rddreg [dreg:$0x1]  }
0x3: {  	s2 =	rddreg [dreg:$0x2]  }
0x4: {  	s3 =	simm.s32 $0x0;
	s1 =	stileid.u32;
	s4 =	srdreg.scid  }
0x5: {  	s16 =	simm.s32 $0x2800;
	s17 =	simm.s32 $0x4800;
	s18 =	simm.s32 $0x80  }
0x6: {  	s19 =	simm.s32 $0x6800;
	s20 =	simm.s32 $0xC0;
	s21 =	simm.s32 $0x8800  }
0x7: {  	s22 =	simm.s32 $0x1;
	s23 =	simm.s32 $0x2;
	s24 =	simm.s32 $0x2700  }
0x8: {  	s25 =	simm.s32 $0x2780;
	s26 =	simm.s32 $0x0;
	[smem:$0x7FF] =	sst s3  }
0x9: {  	s10 =	sand.u32 $0x1, s4;
	s29 =	sshll.u32 s1, $0x1;
	s6 =	smul.u32 $0x2800, s1  }
0xa: {  	s4 =	sadd.s32 $0x37A00, s5;
	s11 =	sadd.s32 $0x5A00, s5;
	s13 =	smul.u32 $0x50000, s1  }
0xb: {  	_ =	strace $0x8000004A;
	s7 =	sor.u32 s10, s29;
	s8 =	ssub.s32 $0x2, s10  }
0xc: {  	p0 =	seq.s32 s10, $0x1;
	s7 =	smul.u32 $0x2800, s7;
	s12 =	sshrl.u32 s8, $0x1  }
0xd: {  	s14 =	sadd.s32 s6, s5;
	s30 =	sshrl.u32 s13, $0x2;
	s13 =	simm.s32 $0x3  }
0xe: {  	s12 =	ssub.s32 s8, s12;
	s8 =	sadd.s32 $0xFA00, s14;
	s15 =	sshrl.u32 s7, $0x3  }
0xf: {  	s7 =	sadd.s32 s30, s2;
	s5 =	sadd.s32 s9, s15;
	s31 =	sadd.s32 $0x280, s15  }
0x10: {  	s6 =	sadd.s32 s11, s15;
	s15 =	simm.s32 $0x86C00;
	s9 =	sadd.s32 s9, s31  }
0x11: {  	s10 =	sadd.s32 s11, s31;
	s11 =	smax.u32 s12, $0x1;
	s15 =	simm.s32 @!p0 $0x5EC00  }
0x12: {  	s12 =	sadd.s32 s15, s14;
	s14 =	simm.s32 $0x1400;
	s15 =	simm.s32 $0x40  }
.LBB2_1:
0x13: {  	[tilespmem:s3], [sflag:$0x3] =	stream.linear.gather [hbm4b:s5+s3], $0x1400, $0x38;
	[tilespmem:$0x1E800] =	vst v63  }
0x14: {  	_ =	swait.ge [sflag:s13], $0x1400  }
0x15: {  	[sflag:s13] =	ssyncset.done $0x0  }
0x16: {  	[sflag:s13] =	ssyncadd.s32 $0xFFFFEC00  }
0x17: {  	[tilespmem:s14], [sflag:$0x3] =	stream.linear.gather [hbm4b:s6+s3], $0x1400, $0x38;
	[tilespmem:$0x1E800] =	vst v63  }
0x18: {  	_ =	swait.ge [sflag:s13], $0x1400  }
0x19: {  	[sflag:s13] =	ssyncset.done $0x0  }
0x1a: {  	[sflag:s13] =	ssyncadd.s32 $0xFFFFEC00  }
0x1b: {  	[tilespmem:s16], [sflag:$0x1] =	stream.indirect.gather [hbm4b:s4+s15], $0x80, s3, s15, $0xb8;
	[tilespmem:$0x1E800] =	vst v63  }
0x1c: {  	_ = 	snop  }
0x1d: {  	[tilespmem:s17], [sflag:$0x1] =	stream.indirect.gather [hbm4b:s4+s15], $0x80, s15, s15, $0xb8;
	[tilespmem:$0x1E800] =	vst v63  }
0x1e: {  	s28 =	sshll.u32 s1, $0x6  }
0x1f: {  	[tilespmem:s19], [sflag:$0x2] =	stream.indirect.gather [hbm4b:s4+s15], $0x80, s18, s15, $0xb8;
	[tilespmem:$0x1E800] =	vst v63  }
0x20: {  	s29 =	sshrl.u32 s7, $0x3;
	s28 =	sor.u32 $0x1C03, s28  }
0x21: {  	[tilespmem:s21], [sflag:$0x2] =	stream.indirect.gather [hbm4b:s4+s15], $0x80, s20, s15, $0xb8;
	[tilespmem:$0x1E800] =	vst v63  }
0x22: {  	[spmem:s29], [sflag:s28] =	dma.local [hbm:s8], $0x2800  }
0x23: {  	_ =	swait.ge [sflag:s13], $0x2800  }
0x24: {  	[sflag:s13] =	ssyncset.done $0x0  }
0x25: {  	[sflag:s13] =	ssyncadd.s32 $0xFFFFD800  }
0x26: {  	[bflag:$0x0] =	sbarrier.arrive $0xFFFF  }
0x27: {  	_ =	swait.ge [sflag:s22], $0x2000  }
0x28: {  	[sflag:s22] =	ssyncset.done $0x0  }
0x29: {  	[sflag:s22] =	ssyncadd.s32 $0xFFFFE000  }
0x2a: {  	_ =	swait.ge [sflag:s22], $0x2000  }
0x2b: {  	[sflag:s22] =	ssyncset.done $0x0  }
0x2c: {  	s30 =	simm.s32 $0x1400;
	[sflag:s22] =	ssyncadd.s32 $0xFFFFE000  }
0x2d: {  	[spmem:s2] =	stream.indirect.scatter.add.f32 [tilespmem:s16], [sflag:$0x3], $0x80, s30, s18, $0xb8;
	[tilespmem:$0x1E800] =	vst v63  }
0x2e: {  	_ =	swait.ge [sflag:s13], $0x4000  }
0x2f: {  	[sflag:s13] =	ssyncset.done $0x0  }
0x30: {  	s30 =	simm.s32 $0x100;
	[sflag:s13] =	ssyncadd.s32 $0xFFFFC000  }
0x31: {  	[tilespmem:s16], [sflag:$0x1] =	stream.indirect.gather [hbm4b:s4+s15], $0x80, s30, s15, $0xb8;
	[tilespmem:$0x1E800] =	vst v63  }
0x32: {  	s30 =	simm.s32 $0x140  }
0x33: {  	[tilespmem:s17], [sflag:$0x1] =	stream.indirect.gather [hbm4b:s4+s15], $0x80, s30, s15, $0xb8;
	[tilespmem:$0x1E800] =	vst v63  }
0x34: {  	_ =	swait.ge [sflag:s23], $0x2000  }
0x35: {  	[sflag:s23] =	ssyncset.done $0x0  }
0x36: {  	[sflag:s23] =	ssyncadd.s32 $0xFFFFE000  }
0x37: {  	_ =	swait.ge [sflag:s23], $0x2000  }
0x38: {  	[sflag:s23] =	ssyncset.done $0x0  }
0x39: {  	s30 =	simm.s32 $0x1480;
	[sflag:s23] =	ssyncadd.s32 $0xFFFFE000  }
0x3a: {  	[spmem:s2] =	stream.indirect.scatter.add.f32 [tilespmem:s19], [sflag:$0x3], $0x80, s30, s18, $0xb8;
	[tilespmem:$0x1E800] =	vst v63  }
0x3b: {  	_ =	swait.ge [sflag:s13], $0x4000  }
0x3c: {  	[sflag:s13] =	ssyncset.done $0x0  }
0x3d: {  	s30 =	simm.s32 $0x180;
	[sflag:s13] =	ssyncadd.s32 $0xFFFFC000  }
0x3e: {  	[tilespmem:s19], [sflag:$0x2] =	stream.indirect.gather [hbm4b:s4+s15], $0x80, s30, s15, $0xb8;
	[tilespmem:$0x1E800] =	vst v63  }
0x3f: {  	s31 =	simm.s32 $0x1C0;
	s30 =	simm.s32 $0x400  }
.LBB2_2:
0x40: {  	[tilespmem:s21], [sflag:$0x2] =	stream.indirect.gather [hbm4b:s4+s15], $0x80, s31, s15, $0xb8;
	[tilespmem:$0x1E800] =	vst v63  }
0x41: {  	s31 =	smov.u32 s30  }
0x42: {  	p0 =	sne.s32 s30, $0x4800;
	s30 =	sadd.s32 $0x400, s30;
	_ =	swait.ge [sflag:s22], $0x2000  }
0x43: {  	[sflag:s22] =	ssyncset.done $0x0  }
0x44: {  	[sflag:s22] =	ssyncadd.s32 $0xFFFFE000  }
0x45: {  	_ =	swait.ge [sflag:s22], $0x2000  }
0x46: {  	s31 =	sshra.s32 s31, $0x2;
	[sflag:s22] =	ssyncset.done $0x0  }
0x47: {  	s0 =	sadd.s32 $0x1400, s31;
	[sflag:s22] =	ssyncadd.s32 $0xFFFFE000  }
0x48: {  	[spmem:s2] =	stream.indirect.scatter.add.f32 [tilespmem:s16], [sflag:$0x3], $0x80, s0, s18, $0xb8;
	[tilespmem:$0x1E800] =	vst v63  }
0x49: {  	_ =	swait.ge [sflag:s13], $0x4000  }
0x4a: {  	[sflag:s13] =	ssyncset.done $0x0  }
0x4b: {  	s0 =	sadd.s32 $0x100, s31;
	[sflag:s13] =	ssyncadd.s32 $0xFFFFC000  }
0x4c: {  	[tilespmem:s16], [sflag:$0x1] =	stream.indirect.gather [hbm4b:s4+s15], $0x80, s0, s15, $0xb8;
	[tilespmem:$0x1E800] =	vst v63  }
0x4d: {  	s0 =	sadd.s32 $0x140, s31  }
0x4e: {  	[tilespmem:s17], [sflag:$0x1] =	stream.indirect.gather [hbm4b:s4+s15], $0x80, s0, s15, $0xb8;
	[tilespmem:$0x1E800] =	vst v63  }
0x4f: {  	_ =	swait.ge [sflag:s23], $0x2000  }
0x50: {  	[sflag:s23] =	ssyncset.done $0x0  }
0x51: {  	[sflag:s23] =	ssyncadd.s32 $0xFFFFE000  }
0x52: {  	_ =	swait.ge [sflag:s23], $0x2000  }
0x53: {  	[sflag:s23] =	ssyncset.done $0x0  }
0x54: {  	s0 =	sadd.s32 $0x1480, s31;
	[sflag:s23] =	ssyncadd.s32 $0xFFFFE000  }
0x55: {  	[spmem:s2] =	stream.indirect.scatter.add.f32 [tilespmem:s19], [sflag:$0x3], $0x80, s0, s18, $0xb8;
	[tilespmem:$0x1E800] =	vst v63  }
.Ltmp0:
0x56: {  	_ =	swait.ge [sflag:s13], $0x4000;
	(pc) =	sbr.rel @p0 .LBB2_2-.Ltmp0, $4  }
0x57: {  	[sflag:s13] =	ssyncset.done $0x0  }
0x58: {  	s0 =	sadd.s32 $0x180, s31;
	[sflag:s13] =	ssyncadd.s32 $0xFFFFC000  }
0x59: {  	[tilespmem:s19], [sflag:$0x2] =	stream.indirect.gather [hbm4b:s4+s15], $0x80, s0, s15, $0xb8;
	[tilespmem:$0x1E800] =	vst v63  }
0x5a: {  	s31 =	sadd.s32 $0x1C0, s31  }
0x5b: {  	[tilespmem:s21], [sflag:$0x2] =	stream.indirect.gather [hbm4b:s4+s15], $0x80, s31, s15, $0xb8;
	[tilespmem:$0x1E800] =	vst v63  }
0x5c: {  	_ =	swait.ge [sflag:s22], $0x2000  }
0x5d: {  	[sflag:s22] =	ssyncset.done $0x0  }
0x5e: {  	[sflag:s22] =	ssyncadd.s32 $0xFFFFE000  }
0x5f: {  	_ =	swait.ge [sflag:s22], $0x2000  }
0x60: {  	[sflag:s22] =	ssyncset.done $0x0  }
0x61: {  	[sflag:s22] =	ssyncadd.s32 $0xFFFFE000  }
0x62: {  	[spmem:s2] =	stream.indirect.scatter.add.f32 [tilespmem:s16], [sflag:$0x3], $0x80, s24, s18, $0xb8;
	[tilespmem:$0x1E800] =	vst v63  }
0x63: {  	_ =	swait.ge [sflag:s13], $0x4000  }
0x64: {  	[sflag:s13] =	ssyncset.done $0x0  }
0x65: {  	[sflag:s13] =	ssyncadd.s32 $0xFFFFC000  }
0x66: {  	_ =	swait.ge [sflag:s23], $0x2000  }
0x67: {  	[sflag:s23] =	ssyncset.done $0x0  }
0x68: {  	[sflag:s23] =	ssyncadd.s32 $0xFFFFE000  }
0x69: {  	_ =	swait.ge [sflag:s23], $0x2000  }
0x6a: {  	[sflag:s23] =	ssyncset.done $0x0  }
0x6b: {  	[sflag:s23] =	ssyncadd.s32 $0xFFFFE000  }
0x6c: {  	[spmem:s2] =	stream.indirect.scatter.add.f32 [tilespmem:s19], [sflag:$0x3], $0x80, s25, s18, $0xb8;
	[tilespmem:$0x1E800] =	vst v63  }
0x6d: {  	_ =	swait.ge [sflag:s13], $0x4000  }
0x6e: {  	[sflag:s13] =	ssyncset.done $0x0  }
0x6f: {  	s0 =	simm.s32 $0x0;
	[sflag:s13] =	ssyncadd.s32 $0xFFFFC000  }
0x70: {  	[tilespmem:s0], [sflag:$0x3] =	stream.linear.gather [hbm4b:s9+s0], $0x1400, $0x38;
	[tilespmem:$0x1E800] =	vst v63  }
0x71: {  	_ =	swait.ge [sflag:s13], $0x1400  }
0x72: {  	[sflag:s13] =	ssyncset.done $0x0  }
0x73: {  	[sflag:s13] =	ssyncadd.s32 $0xFFFFEC00  }
0x74: {  	[tilespmem:s14], [sflag:$0x3] =	stream.linear.gather [hbm4b:s10+s0], $0x1400, $0x38;
	[tilespmem:$0x1E800] =	vst v63  }
0x75: {  	_ =	swait.ge [sflag:s13], $0x1400  }
0x76: {  	[sflag:s13] =	ssyncset.done $0x0  }
0x77: {  	[sflag:s13] =	ssyncadd.s32 $0xFFFFEC00  }
0x78: {  	[tilespmem:s16], [sflag:$0x1] =	stream.indirect.gather [hbm4b:s4+s15], $0x80, s0, s15, $0xb8;
	[tilespmem:$0x1E800] =	vst v63  }
0x79: {  	_ = 	snop  }
0x7a: {  	[tilespmem:s17], [sflag:$0x1] =	stream.indirect.gather [hbm4b:s4+s15], $0x80, s15, s15, $0xb8;
	[tilespmem:$0x1E800] =	vst v63  }
0x7b: {  	_ = 	snop  }
0x7c: {  	[tilespmem:s19], [sflag:$0x2] =	stream.indirect.gather [hbm4b:s4+s15], $0x80, s18, s15, $0xb8;
	[tilespmem:$0x1E800] =	vst v63  }
0x7d: {  	_ = 	snop  }
0x7e: {  	[tilespmem:s21], [sflag:$0x2] =	stream.indirect.gather [hbm4b:s4+s15], $0x80, s20, s15, $0xb8;
	[tilespmem:$0x1E800] =	vst v63  }
0x7f: {  	_ =	swait.ge [sflag:s22], $0x2000  }
0x80: {  	[sflag:s22] =	ssyncset.done $0x0  }
0x81: {  	[sflag:s22] =	ssyncadd.s32 $0xFFFFE000  }
0x82: {  	_ =	swait.ge [sflag:s22], $0x2000  }
0x83: {  	[sflag:s22] =	ssyncset.done $0x0  }
0x84: {  	s0 =	simm.s32 $0x1400;
	[sflag:s22] =	ssyncadd.s32 $0xFFFFE000  }
0x85: {  	[spmem:s2] =	stream.indirect.scatter.add.f32 [tilespmem:s16], [sflag:$0x3], $0x80, s0, s18, $0xb8;
	[tilespmem:$0x1E800] =	vst v63  }
0x86: {  	_ =	swait.ge [sflag:s13], $0x4000  }
0x87: {  	[sflag:s13] =	ssyncset.done $0x0  }
0x88: {  	s0 =	simm.s32 $0x100;
	[sflag:s13] =	ssyncadd.s32 $0xFFFFC000  }
0x89: {  	[tilespmem:s16], [sflag:$0x1] =	stream.indirect.gather [hbm4b:s4+s15], $0x80, s0, s15, $0xb8;
	[tilespmem:$0x1E800] =	vst v63  }
0x8a: {  	s0 =	simm.s32 $0x140  }
0x8b: {  	[tilespmem:s17], [sflag:$0x1] =	stream.indirect.gather [hbm4b:s4+s15], $0x80, s0, s15, $0xb8;
	[tilespmem:$0x1E800] =	vst v63  }
0x8c: {  	_ =	swait.ge [sflag:s23], $0x2000  }
0x8d: {  	[sflag:s23] =	ssyncset.done $0x0  }
0x8e: {  	[sflag:s23] =	ssyncadd.s32 $0xFFFFE000  }
0x8f: {  	_ =	swait.ge [sflag:s23], $0x2000  }
0x90: {  	[sflag:s23] =	ssyncset.done $0x0  }
0x91: {  	s0 =	simm.s32 $0x1480;
	[sflag:s23] =	ssyncadd.s32 $0xFFFFE000  }
0x92: {  	[spmem:s2] =	stream.indirect.scatter.add.f32 [tilespmem:s19], [sflag:$0x3], $0x80, s0, s18, $0xb8;
	[tilespmem:$0x1E800] =	vst v63  }
0x93: {  	_ =	swait.ge [sflag:s13], $0x4000  }
0x94: {  	s30 =	simm.s32 $0x400;
	[sflag:s13] =	ssyncset.done $0x0  }
0x95: {  	s31 =	simm.s32 $0x1C0;
	s0 =	simm.s32 $0x180;
	[sflag:s13] =	ssyncadd.s32 $0xFFFFC000  }
0x96: {  	[tilespmem:s19], [sflag:$0x2] =	stream.indirect.gather [hbm4b:s4+s15], $0x80, s0, s15, $0xb8;
	[tilespmem:$0x1E800] =	vst v63  }
.LBB2_4:
0x97: {  	[tilespmem:s21], [sflag:$0x2] =	stream.indirect.gather [hbm4b:s4+s15], $0x80, s31, s15, $0xb8;
	[tilespmem:$0x1E800] =	vst v63  }
0x98: {  	s0 =	smov.u32 s30  }
0x99: {  	p0 =	sne.s32 s30, $0x4800;
	s30 =	sadd.s32 $0x400, s30;
	_ =	swait.ge [sflag:s22], $0x2000  }
0x9a: {  	[sflag:s22] =	ssyncset.done $0x0  }
0x9b: {  	[sflag:s22] =	ssyncadd.s32 $0xFFFFE000  }
0x9c: {  	_ =	swait.ge [sflag:s22], $0x2000  }
0x9d: {  	s0 =	sshra.s32 s0, $0x2;
	[sflag:s22] =	ssyncset.done $0x0  }
0x9e: {  	s31 =	sadd.s32 $0x1400, s0;
	[sflag:s22] =	ssyncadd.s32 $0xFFFFE000  }
0x9f: {  	[spmem:s2] =	stream.indirect.scatter.add.f32 [tilespmem:s16], [sflag:$0x3], $0x80, s31, s18, $0xb8;
	[tilespmem:$0x1E800] =	vst v63  }
0xa0: {  	_ =	swait.ge [sflag:s13], $0x4000  }
0xa1: {  	[sflag:s13] =	ssyncset.done $0x0  }
0xa2: {  	s31 =	sadd.s32 $0x100, s0;
	[sflag:s13] =	ssyncadd.s32 $0xFFFFC000  }
0xa3: {  	[tilespmem:s16], [sflag:$0x1] =	stream.indirect.gather [hbm4b:s4+s15], $0x80, s31, s15, $0xb8;
	[tilespmem:$0x1E800] =	vst v63  }
0xa4: {  	s31 =	sadd.s32 $0x140, s0  }
0xa5: {  	[tilespmem:s17], [sflag:$0x1] =	stream.indirect.gather [hbm4b:s4+s15], $0x80, s31, s15, $0xb8;
	[tilespmem:$0x1E800] =	vst v63  }
0xa6: {  	_ =	swait.ge [sflag:s23], $0x2000  }
0xa7: {  	[sflag:s23] =	ssyncset.done $0x0  }
0xa8: {  	[sflag:s23] =	ssyncadd.s32 $0xFFFFE000  }
0xa9: {  	_ =	swait.ge [sflag:s23], $0x2000  }
0xaa: {  	[sflag:s23] =	ssyncset.done $0x0  }
0xab: {  	s31 =	sadd.s32 $0x1480, s0;
	[sflag:s23] =	ssyncadd.s32 $0xFFFFE000  }
0xac: {  	[spmem:s2] =	stream.indirect.scatter.add.f32 [tilespmem:s19], [sflag:$0x3], $0x80, s31, s18, $0xb8;
	[tilespmem:$0x1E800] =	vst v63  }
.Ltmp1:
0xad: {  	_ =	swait.ge [sflag:s13], $0x4000;
	(pc) =	sbr.rel @p0 .LBB2_4-.Ltmp1, $4  }
0xae: {  	[sflag:s13] =	ssyncset.done $0x0  }
0xaf: {  	s31 =	sadd.s32 $0x180, s0;
	[sflag:s13] =	ssyncadd.s32 $0xFFFFC000  }
0xb0: {  	[tilespmem:s19], [sflag:$0x2] =	stream.indirect.gather [hbm4b:s4+s15], $0x80, s31, s15, $0xb8;
	[tilespmem:$0x1E800] =	vst v63  }
0xb1: {  	s31 =	sadd.s32 $0x1C0, s0  }
0xb2: {  	[tilespmem:s21], [sflag:$0x2] =	stream.indirect.gather [hbm4b:s4+s15], $0x80, s31, s15, $0xb8;
	[tilespmem:$0x1E800] =	vst v63  }
0xb3: {  	_ =	swait.ge [sflag:s22], $0x2000  }
0xb4: {  	[sflag:s22] =	ssyncset.done $0x0  }
0xb5: {  	[sflag:s22] =	ssyncadd.s32 $0xFFFFE000  }
0xb6: {  	_ =	swait.ge [sflag:s22], $0x2000  }
0xb7: {  	[sflag:s22] =	ssyncset.done $0x0  }
0xb8: {  	[sflag:s22] =	ssyncadd.s32 $0xFFFFE000  }
0xb9: {  	[spmem:s2] =	stream.indirect.scatter.add.f32 [tilespmem:s16], [sflag:$0x3], $0x80, s24, s18, $0xb8;
	[tilespmem:$0x1E800] =	vst v63  }
0xba: {  	_ =	swait.ge [sflag:s13], $0x4000  }
0xbb: {  	[sflag:s13] =	ssyncset.done $0x0  }
0xbc: {  	[sflag:s13] =	ssyncadd.s32 $0xFFFFC000  }
0xbd: {  	_ =	swait.ge [sflag:s23], $0x2000  }
0xbe: {  	[sflag:s23] =	ssyncset.done $0x0  }
0xbf: {  	[sflag:s23] =	ssyncadd.s32 $0xFFFFE000  }
0xc0: {  	_ =	swait.ge [sflag:s23], $0x2000  }
0xc1: {  	[sflag:s23] =	ssyncset.done $0x0  }
0xc2: {  	[sflag:s23] =	ssyncadd.s32 $0xFFFFE000  }
0xc3: {  	[spmem:s2] =	stream.indirect.scatter.add.f32 [tilespmem:s19], [sflag:$0x3], $0x80, s25, s18, $0xb8;
	[tilespmem:$0x1E800] =	vst v63  }
0xc4: {  	_ =	swait.ge [sflag:s13], $0x4000  }
0xc5: {  	s26 =	sadd.s32 $0x1, s26;
	[sflag:s13] =	ssyncset.done $0x0  }
0xc6: {  	p0 =	sne.s32 s26, s11;
	[sflag:s13] =	ssyncadd.s32 $0xFFFFC000  }
.Ltmp2:
0xc7: {  	[bflag:$0x0] =	sbarrier.arrive $0xFFFF;
	(pc) =	sbr.rel @p0 .LBB2_1-.Ltmp2, $4  }
0xc8: {  	[hbm:s12], [sflag:s28] =	dma.local [spmem:s29], $0x2800  }
0xc9: {  	_ =	swait.ge [sflag:s13], $0x2800  }
0xca: {  	[sflag:s13] =	ssyncset.done $0x0  }
0xcb: {  	[sflag:s13] =	ssyncadd.s32 $0xFFFFD800  }
0xcc: {  	_ =	sfence.sel $0x180000  }
0xcd: {  	[bflag:$0x0] =	sbarrier.arrive $0xFFFF  }
0xce: {  	_ =	strace $0x9000004A  }
0xcf: {  	[bflag:$0x2] =	sbarrier.arrive $0xFFFF  }
0xd0: {  	p0 =	sne.s32 s1, $0x0;
	s0 =	rddreg [dreg:$0x3]  }
0xd1: {  	s0 =	sadd.s32 @!p0 $0x100000, s0  }
0xd2: {  	[sflag:s0] =	ssyncadd.tile.s32 @!p0 $0x1;
	_ =	shalt  }
.Lfunc_end2:
_tile_overlayer_lowered:
.L_overlay_start_2:
0xd3: {  	(tag) =	ssettag $0x2  }
0xd4: {  	s0 =	rddreg [dreg:$0x0];
	s2 =	stileid.u32  }
0xd5: {  	s1 =	rddreg [dreg:$0x1];
	p0 =	sne.s32 s2, $0x0  }
0xd6: {  	s3 =	rddreg [dreg:$0x2];
	[bflag:$0x3] =	sbarrier.arrive $0xFFFF;
	s2 =	simm.s32 @!p0 $0x1C03  }
0xd7: {  	[timem:s3], [sflag:s2] =	dma.local @!p0 [hbm:s0], s1  }
0xd8: {  	s0 =	simm.s32 @!p0 $0x3  }
0xd9: {  	_ =	swait.ge @!p0 [sflag:s0], s1  }
0xda: {  	s1 =	ssub.s32 @!p0 $0x0, s1;
	[sflag:s0] =	ssyncset.done @!p0 $0x0  }
0xdb: {  	[sflag:s0] =	ssyncadd.s32 @!p0 s1  }
0xdc: {  	[bflag:$0x3] =	sbarrier.arrive $0xFFFF  }
0xdd: {  	_ =	shalt  }

// kernel: kernel.14.cloned.1.call-start
scs
__scs_entry_jumppad:
0x0: {  	(pc) =	sbr.rel $0x88, $3  }
0x1: {  	(tag) =	ssettag $0x0;
	lr =	simm.s32 $0x1  }
0x2: {  	[smem:$0x3F89] =	sst lr;
	_ =	strace $0xD0000000  }
0x3: {  	_ = 	snop  }
0x4: {  	_ = 	snop  }
0x5: {  	_ = 	snop  }
0x6: {  	_ = 	snop  }
0x7: {  	_ = 	snop  }
__scs_overlays_trampoline_lowered:
0x8: {  	[smem:$0x3F98] =	sst s0  }
0x9: {  	[smem:$0x3F99] =	sst s1  }
0xa: {  	[smem:$0x3F9A] =	sst s2  }
0xb: {  	[smem:$0x3F9B] =	sst s3  }
0xc: {  	[smem:$0x3F9C] =	sst s4  }
0xd: {  	[smem:$0x3F9D] =	sst s5  }
0xe: {  	[smem:$0x3F9E] =	sst s6  }
0xf: {  	[smem:$0x3F9F] =	sst s7  }
0x10: {  	[smem:$0x3FA0] =	sst s8  }
0x11: {  	[smem:$0x3FA1] =	sst s9;
	s0 =	simm.s32 @!p0 $0x0  }
0x12: {  	s1 =	sld [smem:$0x3F87];
	s0 =	simm.s32 @p0 $0x1  }
0x13: {  	[smem:$0x3FA2] =	sst s0;
	s0 =	simm.s32 @!p1 $0x0  }
0x14: {  	s2 =	sld [smem:$0x3F86];
	s0 =	simm.s32 @p1 $0x1  }
0x15: {  	[smem:$0x3FA3] =	sst s0;
	s0 =	simm.s32 @!p2 $0x0  }
0x16: {  	s3 =	sld [smem:$0x3FDB];
	s0 =	simm.s32 @p2 $0x1  }
0x17: {  	s4 =	simm.s32 $0x1BF5;
	[smem:$0x3FA5] =	sst s0  }
0x18: {  	s0 =	sld [smem:$0x3F88];
	_ =	swait.ge [sflag:s4], $0x0  }
0x19: {  	s7 =	sld [smem:$0x3F89]  }
0x1a: {  	s8 =	sadd.s32 $0xFFFFE003, lr  }
0x1b: {  	s9 =	sadd.s32 $0xFFFFFEF7, lr;
	s5 =	simm.s32 $0xFFFFFFFF;
	p2 =	slt.u32 s8, $0xFFFFF086  }
0x1c: {  	p1 =	slt.u32 s9, $0xF7A;
	s5 =	simm.s32 @!p2 $0x0  }
0x1d: {  	s5 =	simm.s32 @p1 $0x1;
	p0 =	seq.s32 s7, s2  }
0x1e: {  	s7 =	smul.u32 @!p0 $0xF7A, s2;
	p2 =	seq.s32 @!p0 s5, $0x0  }
0x1f: {  	s9 =	smul.u32 $0xF7A, s1;
	s8 =	simm.s32 @!p0 $0x1BF5;
	p2 =	por !p2, p0  }
0x20: {  	[sflag:s8] =	ssyncset.s32 @!p0 $0xFFFFF086;
	s6 =	sadd.s32 @!p0 s3, s7;
	s7 =	simm.s32 @!p0 $0x108  }
0x21: {  	s3 =	sadd.s32 s3, s9;
	s6 =	sadd.s32 @!p0 $0x88, s6;
	s7 =	simm.s32 @p2 $0x1082  }
0x22: {  	[simem:s7], [sflag:s8] =	dma.local @!p0 [hbm:s6], $0xF7A  }
0x23: {  	s9 =	sor.u32 $0xD0000000, s2;
	s6 =	simm.s32 $0x108;
	_ =	swait.ge @!p0 [sflag:s8], $0x0  }
0x24: {  	s3 =	sadd.s32 $0x88, s3;
	s6 =	simm.s32 @!p1 $0x1082;
	[sflag:s4] =	ssyncset.s32 $0xFFFFF086  }
0x25: {  	[simem:s6], [sflag:s4] =	dma.local [hbm:s3], $0xF7A  }
0x26: {  	[smem:$0x3F89] =	sst s1;
	(tag) =	ssettag s2;
	_ =	strace s9  }
0x27: {  	s1 =	sld [smem:$0x3F99]  }
0x28: {  	s2 =	sld [smem:$0x3F9A]  }
0x29: {  	s4 =	sld [smem:$0x3F9C]  }
0x2a: {  	p0 =	seq.s32 s5, $0x0;
	s5 =	sld [smem:$0x3F9D]  }
0x2b: {  	s6 =	sld [smem:$0x3F9E]  }
0x2c: {  	s7 =	sld [smem:$0x3F9F]  }
0x2d: {  	s3 =	simm.s32 $0x108;
	s8 =	sld [smem:$0x3FA0]  }
0x2e: {  	s3 =	simm.s32 @!p0 $0x1082;
	s9 =	sld [smem:$0x3FA1]  }
0x2f: {  	lr =	sadd.s32 s0, s3;
	s0 =	sld [smem:$0x3F98]  }
0x30: {  	s3 =	sld [smem:$0x3F9B]  }
0x31: {  	[smem:$0x3FA4] =	sst s10  }
0x32: {  	s10 =	sld [smem:$0x3FA2];
	_ =	sdelay $0x3  }
0x33: {  	p0 =	seq.s32 s10, $0x1;
	s10 =	sld [smem:$0x3FA4];
	_ =	sdelay $0x3  }
0x34: {  	[smem:$0x3FA4] =	sst s10  }
0x35: {  	s10 =	sld [smem:$0x3FA3];
	_ =	sdelay $0x3  }
0x36: {  	p1 =	seq.s32 s10, $0x1;
	s10 =	sld [smem:$0x3FA4];
	_ =	sdelay $0x3  }
0x37: {  	[smem:$0x3FA4] =	sst s10  }
0x38: {  	s10 =	sld [smem:$0x3FA5]  }
0x39: {  	_ = 	snop;
	(pc) =	sbr.ind lr, $3  }
0x3a: {  	_ = 	snop  }
0x3b: {  	_ = 	snop  }
0x3c: {  	p2 =	seq.s32 s10, $0x1;
	s10 =	sld [smem:$0x3FA4]  }
0x3d: {  	_ =	shalt  }
0x3e: {  	_ =	shalt  }
0x3f: {  	_ =	shalt  }
0x40: {  	_ =	shalt  }
0x41: {  	_ =	shalt  }
0x42: {  	_ =	shalt  }
0x43: {  	_ =	shalt  }
0x44: {  	_ =	shalt  }
0x45: {  	_ =	shalt  }
0x46: {  	_ =	shalt  }
0x47: {  	_ =	shalt  }
0x48: {  	_ =	shalt  }
0x49: {  	_ =	shalt  }
0x4a: {  	_ =	shalt  }
0x4b: {  	_ =	shalt  }
0x4c: {  	_ =	shalt  }
0x4d: {  	_ =	shalt  }
0x4e: {  	_ =	shalt  }
0x4f: {  	_ =	shalt  }
0x50: {  	_ =	shalt  }
0x51: {  	_ =	shalt  }
0x52: {  	_ =	shalt  }
0x53: {  	_ =	shalt  }
0x54: {  	_ =	shalt  }
0x55: {  	_ =	shalt  }
0x56: {  	_ =	shalt  }
0x57: {  	_ =	shalt  }
0x58: {  	_ =	shalt  }
0x59: {  	_ =	shalt  }
0x5a: {  	_ =	shalt  }
0x5b: {  	_ =	shalt  }
0x5c: {  	_ =	shalt  }
0x5d: {  	_ =	shalt  }
0x5e: {  	_ =	shalt  }
0x5f: {  	_ =	shalt  }
0x60: {  	_ =	shalt  }
0x61: {  	_ =	shalt  }
0x62: {  	_ =	shalt  }
0x63: {  	_ =	shalt  }
0x64: {  	_ =	shalt  }
0x65: {  	_ =	shalt  }
0x66: {  	_ =	shalt  }
0x67: {  	_ =	shalt  }
0x68: {  	_ =	shalt  }
0x69: {  	_ =	shalt  }
0x6a: {  	_ =	shalt  }
0x6b: {  	_ =	shalt  }
0x6c: {  	_ =	shalt  }
0x6d: {  	_ =	shalt  }
0x6e: {  	_ =	shalt  }
0x6f: {  	_ =	shalt  }
0x70: {  	_ =	shalt  }
0x71: {  	_ =	shalt  }
0x72: {  	_ =	shalt  }
0x73: {  	_ =	shalt  }
0x74: {  	_ =	shalt  }
0x75: {  	_ =	shalt  }
0x76: {  	_ =	shalt  }
0x77: {  	_ =	shalt  }
0x78: {  	_ =	shalt  }
0x79: {  	_ =	shalt  }
0x7a: {  	_ =	shalt  }
0x7b: {  	_ =	shalt  }
0x7c: {  	_ =	shalt  }
0x7d: {  	_ =	shalt  }
0x7e: {  	_ =	shalt  }
0x7f: {  	_ =	shalt  }
0x80: {  	_ =	shalt  }
0x81: {  	_ =	shalt  }
0x82: {  	_ =	shalt  }
0x83: {  	_ =	shalt  }
0x84: {  	_ =	shalt  }
0x85: {  	_ =	shalt  }
0x86: {  	_ =	shalt  }
0x87: {  	_ =	shalt  }
.Lfunc_end0:
.L_simem_size_0:
called_computation.2_lowered:
.L_overlay_start_0:
0x88: {  	s2 =	sld [smem:$0x3FD9]  }
0x89: {  	s3 =	sld [smem:$0x3FFE];
	_ =	sdelay $0x1  }
0x8a: {  	s1 =	srdreg.scid  }
0x8b: {  	s0 =	sand.u32 $0x1, s1  }
0x8c: {  	s17 =	sshll.u32 s0, $0xA;
	s2 =	sadd.s32 s3, s2  }
0x8d: {  	s2 =	sadd.s32 s2, s17  }
0x8e: {  	[smem:$0x3FB0] =	sst s2  }
0x8f: {  	_ = 	snop  }
0x90: {  	s2 =	sld [smem:$0x3FD0];
	(tm) =	ssettm $0x1  }
0x91: {  	s18 =	sld [smem:$0x3FFB];
	_ =	sdelay $0x3  }
0x92: {  	_ =	strace s18  }
0x93: {  	s3 =	sld [smem:$0x3FFC];
	_ =	sdelay $0x3  }
0x94: {  	_ =	strace s3  }
0x95: {  	s3 =	sld [smem:$0x3FFD];
	_ =	sdelay $0x3  }
0x96: {  	_ =	strace s3  }
0x97: {  	_ =	strace $0x8FFFFFFF  }
0x98: {  	s19 =	sld [smem:$0x3FDB];
	_ =	sdelay $0x1  }
0x99: {  	s4 =	simm.s32 $_scs_section_size  }
0x9a: {  	s5 =	simm.s32 $_size__tile_overlayer_lowered;
	s6 =	simm.s32 $_tile_overlayer_lowered  }
0x9b: {  	s22 =	simm.s32 $0x1BFF;
	s21 =	sshll.u32 s6, $0x1;
	s3 =	sadd.s32 s4, s19  }
0x9c: {  	s7 =	simm.s32 $0x0;
	s20 =	sshll.u32 s5, $0x1;
	s5 =	sadd.s32 s21, s3  }
0x9d: {  	[timem:s7], [sflag:s22] =	dma.local [hbm:s5], s20  }
0x9e: {  	_ =	swait.ge [sflag:s22], s20  }
0x9f: {  	s4 =	ssub.s32 $0x0, s20;
	[sflag:s22] =	ssyncset.done $0x0  }
0xa0: {  	[sflag:s22] =	ssyncadd.s32 s4;
	_ =	sdelay $0x1  }
0xa1: {  	s23 =	simm.s32 $0x1B8B  }
0xa2: {  	_ =	swait.ge [sflag:s23], $0x1  }
0xa3: {  	[sflag:s23] =	ssyncset.done $0x0  }
0xa4: {  	s25 =	simm.s32 $0x1B8E;
	s24 =	sld [smem:$0x3FFE];
	[sflag:s23] =	ssyncadd.s32 $0xFFFFFFFF  }
0xa5: {  	s26 =	simm.s32 $execute0_lowered;
	[smem:$0x3FD2] =	sst s25  }
0xa6: {  	s5 =	sshll.u32 s26, $0x1;
	_ =	strace $0x8000004C;
	[dreg:$0x1] =	wrdreg $0xFFFFFFFF  }
0xa7: {  	s28 =	simm.s32 $_size_execute0_lowered;
	s3 =	sadd.s32 s3, s5;
	[dreg:$0x0] =	wrdreg $0x0  }
0xa8: {  	s5 =	sshll.u32 s28, $0x1;
	[dreg:$0x2] =	wrdreg s3  }
0xa9: {  	[dreg:$0x3] =	wrdreg s5  }
0xaa: {  	[dreg:$0x4] =	wrdreg $0xC0  }
0xab: {  	_ =	task [dreg:s7], $0x5FFFF  }
0xac: {  	[dreg:$0x1] =	wrdreg $0xFFFFFFFF  }
0xad: {  	[dreg:$0x0] =	wrdreg $0x60  }
0xae: {  	[dreg:$0x2] =	wrdreg s24  }
0xaf: {  	[dreg:$0x3] =	wrdreg s2  }
0xb0: {  	[dreg:$0x4] =	wrdreg $0xA8000  }
0xb1: {  	[dreg:$0x5] =	wrdreg $0x9  }
0xb2: {  	_ =	task.clear_ibuf [dreg:s7], $0x6FFFF;
	_ =	strace $0x9000004C  }
0xb3: {  	s29 =	simm.s32 $0x9;
	_ =	strace $0x8000004E  }
0xb4: {  	_ =	swait.ge [sflag:s29], $0x1  }
0xb5: {  	[sflag:s29] =	ssyncadd.s32 $0xFFFFFFFF  }
0xb6: {  	_ =	strace $0x9000004E  }
0xb7: {  	_ =	sfence  }
0xb8: {  	s30 =	sld [smem:$0x0];
	_ =	sdelay $0x2  }
0xb9: {  	s31 =	sshll.u32 s1, $0xD;
	s1 =	sshrl.u32 s1, $0x2  }
0xba: {  	s3 =	sand.u32 $0x4000, s31;
	s1 =	sadd.s32 s1, s30  }
0xbb: {  	s0 =	sor.u32 s3, s0;
	s1 =	sshll.u32 s1, $0x11  }
0xbc: {  	s0 =	sor.u32 s1, s0  }
0xbd: {  	s0 =	sadd.s32 $0x8F2B, s0  }
0xbe: {  	[sflag:s0] =	ssyncadd.remote.s32 $0x1  }
0xbf: {  	_ =	sfence.sel $0xFFFF  }
0xc0: {  	[dreg:$0x0] =	wrdreg $0xFFFFFFFF;
	(pc) =	sbr.abs _section_cstart, $3  }
0xc1: {  	[dreg:$0x1] =	wrdreg $0xFFFFFFFF  }
0xc2: {  	_ =	task.clear_ibuf [dreg:s7], $0x2FFFF;
	_ =	strace $0x9FFFFFFF  }
0xc3: {  	(tm) =	ssettm $0x7FFFFFFF  }
tec
execute0_lowered:
.L_overlay_start_1:
0x0: {  	(tag) =	ssettag $0x1  }
0x1: {  	s5 =	rddreg [dreg:$0x0]  }
0x2: {  	s9 =	rddreg [dreg:$0x1]  }
0x3: {  	s2 =	rddreg [dreg:$0x2]  }
0x4: {  	s3 =	simm.s32 $0x0;
	s1 =	stileid.u32;
	s4 =	srdreg.scid  }
0x5: {  	s16 =	simm.s32 $0x2800;
	s17 =	simm.s32 $0x4800;
	s18 =	simm.s32 $0x80  }
0x6: {  	s19 =	simm.s32 $0x6800;
	s20 =	simm.s32 $0xC0;
	s21 =	simm.s32 $0x8800  }
0x7: {  	s22 =	simm.s32 $0x1;
	s23 =	simm.s32 $0x2;
	s24 =	simm.s32 $0x2700  }
0x8: {  	s25 =	simm.s32 $0x2780;
	s26 =	simm.s32 $0x0;
	[smem:$0x7FF] =	sst s3  }
0x9: {  	s10 =	sand.u32 $0x1, s4;
	s29 =	sshll.u32 s1, $0x1;
	s6 =	smul.u32 $0x2800, s1  }
0xa: {  	s4 =	sadd.s32 $0x37A00, s5;
	s11 =	sadd.s32 $0x5A00, s5;
	s13 =	smul.u32 $0x50000, s1  }
0xb: {  	_ =	strace $0x8000004D;
	s7 =	sor.u32 s10, s29;
	s8 =	ssub.s32 $0x2, s10  }
0xc: {  	p0 =	seq.s32 s10, $0x1;
	s7 =	smul.u32 $0x2800, s7;
	s12 =	sshrl.u32 s8, $0x1  }
0xd: {  	s14 =	sadd.s32 s6, s5;
	s30 =	sshrl.u32 s13, $0x2;
	s13 =	simm.s32 $0x3  }
0xe: {  	s12 =	ssub.s32 s8, s12;
	s8 =	sadd.s32 $0xFA00, s14;
	s15 =	sshrl.u32 s7, $0x3  }
0xf: {  	s7 =	sadd.s32 s30, s2;
	s5 =	sadd.s32 s9, s15;
	s31 =	sadd.s32 $0x280, s15  }
0x10: {  	s6 =	sadd.s32 s11, s15;
	s15 =	simm.s32 $0x86C00;
	s9 =	sadd.s32 s9, s31  }
0x11: {  	s10 =	sadd.s32 s11, s31;
	s11 =	smax.u32 s12, $0x1;
	s15 =	simm.s32 @!p0 $0x5EC00  }
0x12: {  	s12 =	sadd.s32 s15, s14;
	s14 =	simm.s32 $0x1400;
	s15 =	simm.s32 $0x40  }
.LBB2_1:
0x13: {  	[tilespmem:s3], [sflag:$0x3] =	stream.linear.gather [hbm4b:s5+s3], $0x1400, $0x38;
	[tilespmem:$0x1E800] =	vst v63  }
0x14: {  	_ =	swait.ge [sflag:s13], $0x1400  }
0x15: {  	[sflag:s13] =	ssyncset.done $0x0  }
0x16: {  	[sflag:s13] =	ssyncadd.s32 $0xFFFFEC00  }
0x17: {  	[tilespmem:s14], [sflag:$0x3] =	stream.linear.gather [hbm4b:s6+s3], $0x1400, $0x38;
	[tilespmem:$0x1E800] =	vst v63  }
0x18: {  	_ =	swait.ge [sflag:s13], $0x1400  }
0x19: {  	[sflag:s13] =	ssyncset.done $0x0  }
0x1a: {  	[sflag:s13] =	ssyncadd.s32 $0xFFFFEC00  }
0x1b: {  	[tilespmem:s16], [sflag:$0x1] =	stream.indirect.gather [hbm4b:s4+s15], $0x80, s3, s15, $0xb8;
	[tilespmem:$0x1E800] =	vst v63  }
0x1c: {  	_ = 	snop  }
0x1d: {  	[tilespmem:s17], [sflag:$0x1] =	stream.indirect.gather [hbm4b:s4+s15], $0x80, s15, s15, $0xb8;
	[tilespmem:$0x1E800] =	vst v63  }
0x1e: {  	s28 =	sshll.u32 s1, $0x6  }
0x1f: {  	[tilespmem:s19], [sflag:$0x2] =	stream.indirect.gather [hbm4b:s4+s15], $0x80, s18, s15, $0xb8;
	[tilespmem:$0x1E800] =	vst v63  }
0x20: {  	s29 =	sshrl.u32 s7, $0x3;
	s28 =	sor.u32 $0x1C03, s28  }
0x21: {  	[tilespmem:s21], [sflag:$0x2] =	stream.indirect.gather [hbm4b:s4+s15], $0x80, s20, s15, $0xb8;
	[tilespmem:$0x1E800] =	vst v63  }
0x22: {  	[spmem:s29], [sflag:s28] =	dma.local [hbm:s8], $0x2800  }
0x23: {  	_ =	swait.ge [sflag:s13], $0x2800  }
0x24: {  	[sflag:s13] =	ssyncset.done $0x0  }
0x25: {  	[sflag:s13] =	ssyncadd.s32 $0xFFFFD800  }
0x26: {  	[bflag:$0x0] =	sbarrier.arrive $0xFFFF  }
0x27: {  	_ =	swait.ge [sflag:s22], $0x2000  }
0x28: {  	[sflag:s22] =	ssyncset.done $0x0  }
0x29: {  	[sflag:s22] =	ssyncadd.s32 $0xFFFFE000  }
0x2a: {  	_ =	swait.ge [sflag:s22], $0x2000  }
0x2b: {  	[sflag:s22] =	ssyncset.done $0x0  }
0x2c: {  	s30 =	simm.s32 $0x1400;
	[sflag:s22] =	ssyncadd.s32 $0xFFFFE000  }
0x2d: {  	[spmem:s2] =	stream.indirect.scatter.add.f32 [tilespmem:s16], [sflag:$0x3], $0x80, s30, s18, $0xb8;
	[tilespmem:$0x1E800] =	vst v63  }
0x2e: {  	_ =	swait.ge [sflag:s13], $0x4000  }
0x2f: {  	[sflag:s13] =	ssyncset.done $0x0  }
0x30: {  	s30 =	simm.s32 $0x100;
	[sflag:s13] =	ssyncadd.s32 $0xFFFFC000  }
0x31: {  	[tilespmem:s16], [sflag:$0x1] =	stream.indirect.gather [hbm4b:s4+s15], $0x80, s30, s15, $0xb8;
	[tilespmem:$0x1E800] =	vst v63  }
0x32: {  	s30 =	simm.s32 $0x140  }
0x33: {  	[tilespmem:s17], [sflag:$0x1] =	stream.indirect.gather [hbm4b:s4+s15], $0x80, s30, s15, $0xb8;
	[tilespmem:$0x1E800] =	vst v63  }
0x34: {  	_ =	swait.ge [sflag:s23], $0x2000  }
0x35: {  	[sflag:s23] =	ssyncset.done $0x0  }
0x36: {  	[sflag:s23] =	ssyncadd.s32 $0xFFFFE000  }
0x37: {  	_ =	swait.ge [sflag:s23], $0x2000  }
0x38: {  	[sflag:s23] =	ssyncset.done $0x0  }
0x39: {  	s30 =	simm.s32 $0x1480;
	[sflag:s23] =	ssyncadd.s32 $0xFFFFE000  }
0x3a: {  	[spmem:s2] =	stream.indirect.scatter.add.f32 [tilespmem:s19], [sflag:$0x3], $0x80, s30, s18, $0xb8;
	[tilespmem:$0x1E800] =	vst v63  }
0x3b: {  	_ =	swait.ge [sflag:s13], $0x4000  }
0x3c: {  	[sflag:s13] =	ssyncset.done $0x0  }
0x3d: {  	s30 =	simm.s32 $0x180;
	[sflag:s13] =	ssyncadd.s32 $0xFFFFC000  }
0x3e: {  	[tilespmem:s19], [sflag:$0x2] =	stream.indirect.gather [hbm4b:s4+s15], $0x80, s30, s15, $0xb8;
	[tilespmem:$0x1E800] =	vst v63  }
0x3f: {  	s31 =	simm.s32 $0x1C0;
	s30 =	simm.s32 $0x400  }
.LBB2_2:
0x40: {  	[tilespmem:s21], [sflag:$0x2] =	stream.indirect.gather [hbm4b:s4+s15], $0x80, s31, s15, $0xb8;
	[tilespmem:$0x1E800] =	vst v63  }
0x41: {  	s31 =	smov.u32 s30  }
0x42: {  	p0 =	sne.s32 s30, $0x4800;
	s30 =	sadd.s32 $0x400, s30;
	_ =	swait.ge [sflag:s22], $0x2000  }
0x43: {  	[sflag:s22] =	ssyncset.done $0x0  }
0x44: {  	[sflag:s22] =	ssyncadd.s32 $0xFFFFE000  }
0x45: {  	_ =	swait.ge [sflag:s22], $0x2000  }
0x46: {  	s31 =	sshra.s32 s31, $0x2;
	[sflag:s22] =	ssyncset.done $0x0  }
0x47: {  	s0 =	sadd.s32 $0x1400, s31;
	[sflag:s22] =	ssyncadd.s32 $0xFFFFE000  }
0x48: {  	[spmem:s2] =	stream.indirect.scatter.add.f32 [tilespmem:s16], [sflag:$0x3], $0x80, s0, s18, $0xb8;
	[tilespmem:$0x1E800] =	vst v63  }
0x49: {  	_ =	swait.ge [sflag:s13], $0x4000  }
0x4a: {  	[sflag:s13] =	ssyncset.done $0x0  }
0x4b: {  	s0 =	sadd.s32 $0x100, s31;
	[sflag:s13] =	ssyncadd.s32 $0xFFFFC000  }
0x4c: {  	[tilespmem:s16], [sflag:$0x1] =	stream.indirect.gather [hbm4b:s4+s15], $0x80, s0, s15, $0xb8;
	[tilespmem:$0x1E800] =	vst v63  }
0x4d: {  	s0 =	sadd.s32 $0x140, s31  }
0x4e: {  	[tilespmem:s17], [sflag:$0x1] =	stream.indirect.gather [hbm4b:s4+s15], $0x80, s0, s15, $0xb8;
	[tilespmem:$0x1E800] =	vst v63  }
0x4f: {  	_ =	swait.ge [sflag:s23], $0x2000  }
0x50: {  	[sflag:s23] =	ssyncset.done $0x0  }
0x51: {  	[sflag:s23] =	ssyncadd.s32 $0xFFFFE000  }
0x52: {  	_ =	swait.ge [sflag:s23], $0x2000  }
0x53: {  	[sflag:s23] =	ssyncset.done $0x0  }
0x54: {  	s0 =	sadd.s32 $0x1480, s31;
	[sflag:s23] =	ssyncadd.s32 $0xFFFFE000  }
0x55: {  	[spmem:s2] =	stream.indirect.scatter.add.f32 [tilespmem:s19], [sflag:$0x3], $0x80, s0, s18, $0xb8;
	[tilespmem:$0x1E800] =	vst v63  }
.Ltmp0:
0x56: {  	_ =	swait.ge [sflag:s13], $0x4000;
	(pc) =	sbr.rel @p0 .LBB2_2-.Ltmp0, $4  }
0x57: {  	[sflag:s13] =	ssyncset.done $0x0  }
0x58: {  	s0 =	sadd.s32 $0x180, s31;
	[sflag:s13] =	ssyncadd.s32 $0xFFFFC000  }
0x59: {  	[tilespmem:s19], [sflag:$0x2] =	stream.indirect.gather [hbm4b:s4+s15], $0x80, s0, s15, $0xb8;
	[tilespmem:$0x1E800] =	vst v63  }
0x5a: {  	s31 =	sadd.s32 $0x1C0, s31  }
0x5b: {  	[tilespmem:s21], [sflag:$0x2] =	stream.indirect.gather [hbm4b:s4+s15], $0x80, s31, s15, $0xb8;
	[tilespmem:$0x1E800] =	vst v63  }
0x5c: {  	_ =	swait.ge [sflag:s22], $0x2000  }
0x5d: {  	[sflag:s22] =	ssyncset.done $0x0  }
0x5e: {  	[sflag:s22] =	ssyncadd.s32 $0xFFFFE000  }
0x5f: {  	_ =	swait.ge [sflag:s22], $0x2000  }
0x60: {  	[sflag:s22] =	ssyncset.done $0x0  }
0x61: {  	[sflag:s22] =	ssyncadd.s32 $0xFFFFE000  }
0x62: {  	[spmem:s2] =	stream.indirect.scatter.add.f32 [tilespmem:s16], [sflag:$0x3], $0x80, s24, s18, $0xb8;
	[tilespmem:$0x1E800] =	vst v63  }
0x63: {  	_ =	swait.ge [sflag:s13], $0x4000  }
0x64: {  	[sflag:s13] =	ssyncset.done $0x0  }
0x65: {  	[sflag:s13] =	ssyncadd.s32 $0xFFFFC000  }
0x66: {  	_ =	swait.ge [sflag:s23], $0x2000  }
0x67: {  	[sflag:s23] =	ssyncset.done $0x0  }
0x68: {  	[sflag:s23] =	ssyncadd.s32 $0xFFFFE000  }
0x69: {  	_ =	swait.ge [sflag:s23], $0x2000  }
0x6a: {  	[sflag:s23] =	ssyncset.done $0x0  }
0x6b: {  	[sflag:s23] =	ssyncadd.s32 $0xFFFFE000  }
0x6c: {  	[spmem:s2] =	stream.indirect.scatter.add.f32 [tilespmem:s19], [sflag:$0x3], $0x80, s25, s18, $0xb8;
	[tilespmem:$0x1E800] =	vst v63  }
0x6d: {  	_ =	swait.ge [sflag:s13], $0x4000  }
0x6e: {  	[sflag:s13] =	ssyncset.done $0x0  }
0x6f: {  	s0 =	simm.s32 $0x0;
	[sflag:s13] =	ssyncadd.s32 $0xFFFFC000  }
0x70: {  	[tilespmem:s0], [sflag:$0x3] =	stream.linear.gather [hbm4b:s9+s0], $0x1400, $0x38;
	[tilespmem:$0x1E800] =	vst v63  }
0x71: {  	_ =	swait.ge [sflag:s13], $0x1400  }
0x72: {  	[sflag:s13] =	ssyncset.done $0x0  }
0x73: {  	[sflag:s13] =	ssyncadd.s32 $0xFFFFEC00  }
0x74: {  	[tilespmem:s14], [sflag:$0x3] =	stream.linear.gather [hbm4b:s10+s0], $0x1400, $0x38;
	[tilespmem:$0x1E800] =	vst v63  }
0x75: {  	_ =	swait.ge [sflag:s13], $0x1400  }
0x76: {  	[sflag:s13] =	ssyncset.done $0x0  }
0x77: {  	[sflag:s13] =	ssyncadd.s32 $0xFFFFEC00  }
0x78: {  	[tilespmem:s16], [sflag:$0x1] =	stream.indirect.gather [hbm4b:s4+s15], $0x80, s0, s15, $0xb8;
	[tilespmem:$0x1E800] =	vst v63  }
0x79: {  	_ = 	snop  }
0x7a: {  	[tilespmem:s17], [sflag:$0x1] =	stream.indirect.gather [hbm4b:s4+s15], $0x80, s15, s15, $0xb8;
	[tilespmem:$0x1E800] =	vst v63  }
0x7b: {  	_ = 	snop  }
0x7c: {  	[tilespmem:s19], [sflag:$0x2] =	stream.indirect.gather [hbm4b:s4+s15], $0x80, s18, s15, $0xb8;
	[tilespmem:$0x1E800] =	vst v63  }
0x7d: {  	_ = 	snop  }
0x7e: {  	[tilespmem:s21], [sflag:$0x2] =	stream.indirect.gather [hbm4b:s4+s15], $0x80, s20, s15, $0xb8;
	[tilespmem:$0x1E800] =	vst v63  }
0x7f: {  	_ =	swait.ge [sflag:s22], $0x2000  }
0x80: {  	[sflag:s22] =	ssyncset.done $0x0  }
0x81: {  	[sflag:s22] =	ssyncadd.s32 $0xFFFFE000  }
0x82: {  	_ =	swait.ge [sflag:s22], $0x2000  }
0x83: {  	[sflag:s22] =	ssyncset.done $0x0  }
0x84: {  	s0 =	simm.s32 $0x1400;
	[sflag:s22] =	ssyncadd.s32 $0xFFFFE000  }
0x85: {  	[spmem:s2] =	stream.indirect.scatter.add.f32 [tilespmem:s16], [sflag:$0x3], $0x80, s0, s18, $0xb8;
	[tilespmem:$0x1E800] =	vst v63  }
0x86: {  	_ =	swait.ge [sflag:s13], $0x4000  }
0x87: {  	[sflag:s13] =	ssyncset.done $0x0  }
0x88: {  	s0 =	simm.s32 $0x100;
	[sflag:s13] =	ssyncadd.s32 $0xFFFFC000  }
0x89: {  	[tilespmem:s16], [sflag:$0x1] =	stream.indirect.gather [hbm4b:s4+s15], $0x80, s0, s15, $0xb8;
	[tilespmem:$0x1E800] =	vst v63  }
0x8a: {  	s0 =	simm.s32 $0x140  }
0x8b: {  	[tilespmem:s17], [sflag:$0x1] =	stream.indirect.gather [hbm4b:s4+s15], $0x80, s0, s15, $0xb8;
	[tilespmem:$0x1E800] =	vst v63  }
0x8c: {  	_ =	swait.ge [sflag:s23], $0x2000  }
0x8d: {  	[sflag:s23] =	ssyncset.done $0x0  }
0x8e: {  	[sflag:s23] =	ssyncadd.s32 $0xFFFFE000  }
0x8f: {  	_ =	swait.ge [sflag:s23], $0x2000  }
0x90: {  	[sflag:s23] =	ssyncset.done $0x0  }
0x91: {  	s0 =	simm.s32 $0x1480;
	[sflag:s23] =	ssyncadd.s32 $0xFFFFE000  }
0x92: {  	[spmem:s2] =	stream.indirect.scatter.add.f32 [tilespmem:s19], [sflag:$0x3], $0x80, s0, s18, $0xb8;
	[tilespmem:$0x1E800] =	vst v63  }
0x93: {  	_ =	swait.ge [sflag:s13], $0x4000  }
0x94: {  	s30 =	simm.s32 $0x400;
	[sflag:s13] =	ssyncset.done $0x0  }
0x95: {  	s31 =	simm.s32 $0x1C0;
	s0 =	simm.s32 $0x180;
	[sflag:s13] =	ssyncadd.s32 $0xFFFFC000  }
0x96: {  	[tilespmem:s19], [sflag:$0x2] =	stream.indirect.gather [hbm4b:s4+s15], $0x80, s0, s15, $0xb8;
	[tilespmem:$0x1E800] =	vst v63  }
.LBB2_4:
0x97: {  	[tilespmem:s21], [sflag:$0x2] =	stream.indirect.gather [hbm4b:s4+s15], $0x80, s31, s15, $0xb8;
	[tilespmem:$0x1E800] =	vst v63  }
0x98: {  	s0 =	smov.u32 s30  }
0x99: {  	p0 =	sne.s32 s30, $0x4800;
	s30 =	sadd.s32 $0x400, s30;
	_ =	swait.ge [sflag:s22], $0x2000  }
0x9a: {  	[sflag:s22] =	ssyncset.done $0x0  }
0x9b: {  	[sflag:s22] =	ssyncadd.s32 $0xFFFFE000  }
0x9c: {  	_ =	swait.ge [sflag:s22], $0x2000  }
0x9d: {  	s0 =	sshra.s32 s0, $0x2;
	[sflag:s22] =	ssyncset.done $0x0  }
0x9e: {  	s31 =	sadd.s32 $0x1400, s0;
	[sflag:s22] =	ssyncadd.s32 $0xFFFFE000  }
0x9f: {  	[spmem:s2] =	stream.indirect.scatter.add.f32 [tilespmem:s16], [sflag:$0x3], $0x80, s31, s18, $0xb8;
	[tilespmem:$0x1E800] =	vst v63  }
0xa0: {  	_ =	swait.ge [sflag:s13], $0x4000  }
0xa1: {  	[sflag:s13] =	ssyncset.done $0x0  }
0xa2: {  	s31 =	sadd.s32 $0x100, s0;
	[sflag:s13] =	ssyncadd.s32 $0xFFFFC000  }
0xa3: {  	[tilespmem:s16], [sflag:$0x1] =	stream.indirect.gather [hbm4b:s4+s15], $0x80, s31, s15, $0xb8;
	[tilespmem:$0x1E800] =	vst v63  }
0xa4: {  	s31 =	sadd.s32 $0x140, s0  }
0xa5: {  	[tilespmem:s17], [sflag:$0x1] =	stream.indirect.gather [hbm4b:s4+s15], $0x80, s31, s15, $0xb8;
	[tilespmem:$0x1E800] =	vst v63  }
0xa6: {  	_ =	swait.ge [sflag:s23], $0x2000  }
0xa7: {  	[sflag:s23] =	ssyncset.done $0x0  }
0xa8: {  	[sflag:s23] =	ssyncadd.s32 $0xFFFFE000  }
0xa9: {  	_ =	swait.ge [sflag:s23], $0x2000  }
0xaa: {  	[sflag:s23] =	ssyncset.done $0x0  }
0xab: {  	s31 =	sadd.s32 $0x1480, s0;
	[sflag:s23] =	ssyncadd.s32 $0xFFFFE000  }
0xac: {  	[spmem:s2] =	stream.indirect.scatter.add.f32 [tilespmem:s19], [sflag:$0x3], $0x80, s31, s18, $0xb8;
	[tilespmem:$0x1E800] =	vst v63  }
.Ltmp1:
0xad: {  	_ =	swait.ge [sflag:s13], $0x4000;
	(pc) =	sbr.rel @p0 .LBB2_4-.Ltmp1, $4  }
0xae: {  	[sflag:s13] =	ssyncset.done $0x0  }
0xaf: {  	s31 =	sadd.s32 $0x180, s0;
	[sflag:s13] =	ssyncadd.s32 $0xFFFFC000  }
0xb0: {  	[tilespmem:s19], [sflag:$0x2] =	stream.indirect.gather [hbm4b:s4+s15], $0x80, s31, s15, $0xb8;
	[tilespmem:$0x1E800] =	vst v63  }
0xb1: {  	s31 =	sadd.s32 $0x1C0, s0  }
0xb2: {  	[tilespmem:s21], [sflag:$0x2] =	stream.indirect.gather [hbm4b:s4+s15], $0x80, s31, s15, $0xb8;
	[tilespmem:$0x1E800] =	vst v63  }
0xb3: {  	_ =	swait.ge [sflag:s22], $0x2000  }
0xb4: {  	[sflag:s22] =	ssyncset.done $0x0  }
0xb5: {  	[sflag:s22] =	ssyncadd.s32 $0xFFFFE000  }
0xb6: {  	_ =	swait.ge [sflag:s22], $0x2000  }
0xb7: {  	[sflag:s22] =	ssyncset.done $0x0  }
0xb8: {  	[sflag:s22] =	ssyncadd.s32 $0xFFFFE000  }
0xb9: {  	[spmem:s2] =	stream.indirect.scatter.add.f32 [tilespmem:s16], [sflag:$0x3], $0x80, s24, s18, $0xb8;
	[tilespmem:$0x1E800] =	vst v63  }
0xba: {  	_ =	swait.ge [sflag:s13], $0x4000  }
0xbb: {  	[sflag:s13] =	ssyncset.done $0x0  }
0xbc: {  	[sflag:s13] =	ssyncadd.s32 $0xFFFFC000  }
0xbd: {  	_ =	swait.ge [sflag:s23], $0x2000  }
0xbe: {  	[sflag:s23] =	ssyncset.done $0x0  }
0xbf: {  	[sflag:s23] =	ssyncadd.s32 $0xFFFFE000  }
0xc0: {  	_ =	swait.ge [sflag:s23], $0x2000  }
0xc1: {  	[sflag:s23] =	ssyncset.done $0x0  }
0xc2: {  	[sflag:s23] =	ssyncadd.s32 $0xFFFFE000  }
0xc3: {  	[spmem:s2] =	stream.indirect.scatter.add.f32 [tilespmem:s19], [sflag:$0x3], $0x80, s25, s18, $0xb8;
	[tilespmem:$0x1E800] =	vst v63  }
0xc4: {  	_ =	swait.ge [sflag:s13], $0x4000  }
0xc5: {  	s26 =	sadd.s32 $0x1, s26;
	[sflag:s13] =	ssyncset.done $0x0  }
0xc6: {  	p0 =	sne.s32 s26, s11;
	[sflag:s13] =	ssyncadd.s32 $0xFFFFC000  }
.Ltmp2:
0xc7: {  	[bflag:$0x0] =	sbarrier.arrive $0xFFFF;
	(pc) =	sbr.rel @p0 .LBB2_1-.Ltmp2, $4  }
0xc8: {  	[hbm:s12], [sflag:s28] =	dma.local [spmem:s29], $0x2800  }
0xc9: {  	_ =	swait.ge [sflag:s13], $0x2800  }
0xca: {  	[sflag:s13] =	ssyncset.done $0x0  }
0xcb: {  	[sflag:s13] =	ssyncadd.s32 $0xFFFFD800  }
0xcc: {  	_ =	sfence.sel $0x180000  }
0xcd: {  	[bflag:$0x0] =	sbarrier.arrive $0xFFFF  }
0xce: {  	_ =	strace $0x9000004D  }
0xcf: {  	[bflag:$0x2] =	sbarrier.arrive $0xFFFF  }
0xd0: {  	p0 =	sne.s32 s1, $0x0;
	s0 =	rddreg [dreg:$0x3]  }
0xd1: {  	s0 =	sadd.s32 @!p0 $0x100000, s0  }
0xd2: {  	[sflag:s0] =	ssyncadd.tile.s32 @!p0 $0x1;
	_ =	shalt  }
.Lfunc_end2:
_tile_overlayer_lowered:
.L_overlay_start_2:
0xd3: {  	(tag) =	ssettag $0x2  }
0xd4: {  	s0 =	rddreg [dreg:$0x0];
	s2 =	stileid.u32  }
0xd5: {  	s1 =	rddreg [dreg:$0x1];
	p0 =	sne.s32 s2, $0x0  }
0xd6: {  	s3 =	rddreg [dreg:$0x2];
	[bflag:$0x3] =	sbarrier.arrive $0xFFFF;
	s2 =	simm.s32 @!p0 $0x1C03  }
0xd7: {  	[timem:s3], [sflag:s2] =	dma.local @!p0 [hbm:s0], s1  }
0xd8: {  	s0 =	simm.s32 @!p0 $0x3  }
0xd9: {  	_ =	swait.ge @!p0 [sflag:s0], s1  }
0xda: {  	s1 =	ssub.s32 @!p0 $0x0, s1;
	[sflag:s0] =	ssyncset.done @!p0 $0x0  }
0xdb: {  	[sflag:s0] =	ssyncadd.s32 @!p0 s1  }
0xdc: {  	[bflag:$0x3] =	sbarrier.arrive $0xFFFF  }
0xdd: {  	_ =	shalt  }

// kernel: kernel.8.cloned.1.call-start
scs
__scs_entry_jumppad:
0x0: {  	(pc) =	sbr.rel $0x88, $3  }
0x1: {  	(tag) =	ssettag $0x0;
	lr =	simm.s32 $0x1  }
0x2: {  	[smem:$0x3F89] =	sst lr;
	_ =	strace $0xD0000000  }
0x3: {  	_ = 	snop  }
0x4: {  	_ = 	snop  }
0x5: {  	_ = 	snop  }
0x6: {  	_ = 	snop  }
0x7: {  	_ = 	snop  }
__scs_overlays_trampoline_lowered:
0x8: {  	[smem:$0x3F98] =	sst s0  }
0x9: {  	[smem:$0x3F99] =	sst s1  }
0xa: {  	[smem:$0x3F9A] =	sst s2  }
0xb: {  	[smem:$0x3F9B] =	sst s3  }
0xc: {  	[smem:$0x3F9C] =	sst s4  }
0xd: {  	[smem:$0x3F9D] =	sst s5  }
0xe: {  	[smem:$0x3F9E] =	sst s6  }
0xf: {  	[smem:$0x3F9F] =	sst s7  }
0x10: {  	[smem:$0x3FA0] =	sst s8  }
0x11: {  	[smem:$0x3FA1] =	sst s9;
	s0 =	simm.s32 @!p0 $0x0  }
0x12: {  	s1 =	sld [smem:$0x3F87];
	s0 =	simm.s32 @p0 $0x1  }
0x13: {  	[smem:$0x3FA2] =	sst s0;
	s0 =	simm.s32 @!p1 $0x0  }
0x14: {  	s2 =	sld [smem:$0x3F86];
	s0 =	simm.s32 @p1 $0x1  }
0x15: {  	[smem:$0x3FA3] =	sst s0;
	s0 =	simm.s32 @!p2 $0x0  }
0x16: {  	s3 =	sld [smem:$0x3FDB];
	s0 =	simm.s32 @p2 $0x1  }
0x17: {  	s4 =	simm.s32 $0x1BF5;
	[smem:$0x3FA5] =	sst s0  }
0x18: {  	s0 =	sld [smem:$0x3F88];
	_ =	swait.ge [sflag:s4], $0x0  }
0x19: {  	s7 =	sld [smem:$0x3F89]  }
0x1a: {  	s8 =	sadd.s32 $0xFFFFE003, lr  }
0x1b: {  	s9 =	sadd.s32 $0xFFFFFEF7, lr;
	s5 =	simm.s32 $0xFFFFFFFF;
	p2 =	slt.u32 s8, $0xFFFFF086  }
0x1c: {  	p1 =	slt.u32 s9, $0xF7A;
	s5 =	simm.s32 @!p2 $0x0  }
0x1d: {  	s5 =	simm.s32 @p1 $0x1;
	p0 =	seq.s32 s7, s2  }
0x1e: {  	s7 =	smul.u32 @!p0 $0xF7A, s2;
	p2 =	seq.s32 @!p0 s5, $0x0  }
0x1f: {  	s9 =	smul.u32 $0xF7A, s1;
	s8 =	simm.s32 @!p0 $0x1BF5;
	p2 =	por !p2, p0  }
0x20: {  	[sflag:s8] =	ssyncset.s32 @!p0 $0xFFFFF086;
	s6 =	sadd.s32 @!p0 s3, s7;
	s7 =	simm.s32 @!p0 $0x108  }
0x21: {  	s3 =	sadd.s32 s3, s9;
	s6 =	sadd.s32 @!p0 $0x88, s6;
	s7 =	simm.s32 @p2 $0x1082  }
0x22: {  	[simem:s7], [sflag:s8] =	dma.local @!p0 [hbm:s6], $0xF7A  }
0x23: {  	s9 =	sor.u32 $0xD0000000, s2;
	s6 =	simm.s32 $0x108;
	_ =	swait.ge @!p0 [sflag:s8], $0x0  }
0x24: {  	s3 =	sadd.s32 $0x88, s3;
	s6 =	simm.s32 @!p1 $0x1082;
	[sflag:s4] =	ssyncset.s32 $0xFFFFF086  }
0x25: {  	[simem:s6], [sflag:s4] =	dma.local [hbm:s3], $0xF7A  }
0x26: {  	[smem:$0x3F89] =	sst s1;
	(tag) =	ssettag s2;
	_ =	strace s9  }
0x27: {  	s1 =	sld [smem:$0x3F99]  }
0x28: {  	s2 =	sld [smem:$0x3F9A]  }
0x29: {  	s4 =	sld [smem:$0x3F9C]  }
0x2a: {  	p0 =	seq.s32 s5, $0x0;
	s5 =	sld [smem:$0x3F9D]  }
0x2b: {  	s6 =	sld [smem:$0x3F9E]  }
0x2c: {  	s7 =	sld [smem:$0x3F9F]  }
0x2d: {  	s3 =	simm.s32 $0x108;
	s8 =	sld [smem:$0x3FA0]  }
0x2e: {  	s3 =	simm.s32 @!p0 $0x1082;
	s9 =	sld [smem:$0x3FA1]  }
0x2f: {  	lr =	sadd.s32 s0, s3;
	s0 =	sld [smem:$0x3F98]  }
0x30: {  	s3 =	sld [smem:$0x3F9B]  }
0x31: {  	[smem:$0x3FA4] =	sst s10  }
0x32: {  	s10 =	sld [smem:$0x3FA2];
	_ =	sdelay $0x3  }
0x33: {  	p0 =	seq.s32 s10, $0x1;
	s10 =	sld [smem:$0x3FA4];
	_ =	sdelay $0x3  }
0x34: {  	[smem:$0x3FA4] =	sst s10  }
0x35: {  	s10 =	sld [smem:$0x3FA3];
	_ =	sdelay $0x3  }
0x36: {  	p1 =	seq.s32 s10, $0x1;
	s10 =	sld [smem:$0x3FA4];
	_ =	sdelay $0x3  }
0x37: {  	[smem:$0x3FA4] =	sst s10  }
0x38: {  	s10 =	sld [smem:$0x3FA5]  }
0x39: {  	_ = 	snop;
	(pc) =	sbr.ind lr, $3  }
0x3a: {  	_ = 	snop  }
0x3b: {  	_ = 	snop  }
0x3c: {  	p2 =	seq.s32 s10, $0x1;
	s10 =	sld [smem:$0x3FA4]  }
0x3d: {  	_ =	shalt  }
0x3e: {  	_ =	shalt  }
0x3f: {  	_ =	shalt  }
0x40: {  	_ =	shalt  }
0x41: {  	_ =	shalt  }
0x42: {  	_ =	shalt  }
0x43: {  	_ =	shalt  }
0x44: {  	_ =	shalt  }
0x45: {  	_ =	shalt  }
0x46: {  	_ =	shalt  }
0x47: {  	_ =	shalt  }
0x48: {  	_ =	shalt  }
0x49: {  	_ =	shalt  }
0x4a: {  	_ =	shalt  }
0x4b: {  	_ =	shalt  }
0x4c: {  	_ =	shalt  }
0x4d: {  	_ =	shalt  }
0x4e: {  	_ =	shalt  }
0x4f: {  	_ =	shalt  }
0x50: {  	_ =	shalt  }
0x51: {  	_ =	shalt  }
0x52: {  	_ =	shalt  }
0x53: {  	_ =	shalt  }
0x54: {  	_ =	shalt  }
0x55: {  	_ =	shalt  }
0x56: {  	_ =	shalt  }
0x57: {  	_ =	shalt  }
0x58: {  	_ =	shalt  }
0x59: {  	_ =	shalt  }
0x5a: {  	_ =	shalt  }
0x5b: {  	_ =	shalt  }
0x5c: {  	_ =	shalt  }
0x5d: {  	_ =	shalt  }
0x5e: {  	_ =	shalt  }
0x5f: {  	_ =	shalt  }
0x60: {  	_ =	shalt  }
0x61: {  	_ =	shalt  }
0x62: {  	_ =	shalt  }
0x63: {  	_ =	shalt  }
0x64: {  	_ =	shalt  }
0x65: {  	_ =	shalt  }
0x66: {  	_ =	shalt  }
0x67: {  	_ =	shalt  }
0x68: {  	_ =	shalt  }
0x69: {  	_ =	shalt  }
0x6a: {  	_ =	shalt  }
0x6b: {  	_ =	shalt  }
0x6c: {  	_ =	shalt  }
0x6d: {  	_ =	shalt  }
0x6e: {  	_ =	shalt  }
0x6f: {  	_ =	shalt  }
0x70: {  	_ =	shalt  }
0x71: {  	_ =	shalt  }
0x72: {  	_ =	shalt  }
0x73: {  	_ =	shalt  }
0x74: {  	_ =	shalt  }
0x75: {  	_ =	shalt  }
0x76: {  	_ =	shalt  }
0x77: {  	_ =	shalt  }
0x78: {  	_ =	shalt  }
0x79: {  	_ =	shalt  }
0x7a: {  	_ =	shalt  }
0x7b: {  	_ =	shalt  }
0x7c: {  	_ =	shalt  }
0x7d: {  	_ =	shalt  }
0x7e: {  	_ =	shalt  }
0x7f: {  	_ =	shalt  }
0x80: {  	_ =	shalt  }
0x81: {  	_ =	shalt  }
0x82: {  	_ =	shalt  }
0x83: {  	_ =	shalt  }
0x84: {  	_ =	shalt  }
0x85: {  	_ =	shalt  }
0x86: {  	_ =	shalt  }
0x87: {  	_ =	shalt  }
.Lfunc_end0:
.L_simem_size_0:
called_computation_lowered:
.L_overlay_start_0:
0x88: {  	s2 =	sld [smem:$0x3FD9]  }
0x89: {  	s3 =	sld [smem:$0x3FFE];
	_ =	sdelay $0x1  }
0x8a: {  	s1 =	srdreg.scid  }
0x8b: {  	s0 =	sand.u32 $0x1, s1  }
0x8c: {  	s17 =	sshll.u32 s0, $0xA;
	s2 =	sadd.s32 s3, s2  }
0x8d: {  	s2 =	sadd.s32 s2, s17  }
0x8e: {  	[smem:$0x3FB0] =	sst s2  }
0x8f: {  	_ = 	snop  }
0x90: {  	s2 =	sld [smem:$0x3FC9]  }
0x91: {  	s18 =	sld [smem:$0x3FD0];
	(tm) =	ssettm $0x1  }
0x92: {  	s4 =	sld [smem:$0x3FFB];
	_ =	sdelay $0x3  }
0x93: {  	_ =	strace s4  }
0x94: {  	s4 =	sld [smem:$0x3FFC];
	_ =	sdelay $0x3  }
0x95: {  	_ =	strace s4  }
0x96: {  	s4 =	sld [smem:$0x3FFD];
	_ =	sdelay $0x3  }
0x97: {  	_ =	strace s4  }
0x98: {  	_ =	strace $0x8FFFFFFF  }
0x99: {  	s19 =	sld [smem:$0x3FDB];
	_ =	sdelay $0x1  }
0x9a: {  	s5 =	simm.s32 $_scs_section_size  }
0x9b: {  	s6 =	simm.s32 $_size__tile_overlayer_lowered;
	s7 =	simm.s32 $_tile_overlayer_lowered  }
0x9c: {  	s22 =	simm.s32 $0x1BFF;
	s21 =	sshll.u32 s7, $0x1;
	s4 =	sadd.s32 s5, s19  }
0x9d: {  	s8 =	simm.s32 $0x0;
	s20 =	sshll.u32 s6, $0x1;
	s6 =	sadd.s32 s21, s4  }
0x9e: {  	[timem:s8], [sflag:s22] =	dma.local [hbm:s6], s20  }
0x9f: {  	_ =	swait.ge [sflag:s22], s20  }
0xa0: {  	s5 =	ssub.s32 $0x0, s20;
	[sflag:s22] =	ssyncset.done $0x0  }
0xa1: {  	[sflag:s22] =	ssyncadd.s32 s5;
	_ =	sdelay $0x1  }
0xa2: {  	s23 =	simm.s32 $0x1B8B  }
0xa3: {  	_ =	swait.ge [sflag:s23], $0x1  }
0xa4: {  	[sflag:s23] =	ssyncset.done $0x0  }
0xa5: {  	s25 =	simm.s32 $0x1B8E;
	s24 =	sld [smem:$0x3FFE];
	[sflag:s23] =	ssyncadd.s32 $0xFFFFFFFF  }
0xa6: {  	s26 =	simm.s32 $execute0_lowered;
	[smem:$0x3FD2] =	sst s25  }
0xa7: {  	s6 =	sshll.u32 s26, $0x1;
	_ =	strace $0x80000046;
	[dreg:$0x1] =	wrdreg $0xFFFFFFFF  }
0xa8: {  	s28 =	simm.s32 $_size_execute0_lowered;
	s4 =	sadd.s32 s4, s6;
	[dreg:$0x0] =	wrdreg $0x0  }
0xa9: {  	s6 =	sshll.u32 s28, $0x1;
	[dreg:$0x2] =	wrdreg s4  }
0xaa: {  	[dreg:$0x3] =	wrdreg s6  }
0xab: {  	[dreg:$0x4] =	wrdreg $0xC0  }
0xac: {  	_ =	task [dreg:s8], $0x5FFFF  }
0xad: {  	[dreg:$0x1] =	wrdreg $0xFFFFFFFF  }
0xae: {  	[dreg:$0x0] =	wrdreg $0x60  }
0xaf: {  	[dreg:$0x2] =	wrdreg s2  }
0xb0: {  	[dreg:$0x3] =	wrdreg s18  }
0xb1: {  	[dreg:$0x4] =	wrdreg s24  }
0xb2: {  	[dreg:$0x5] =	wrdreg $0xA8000  }
0xb3: {  	[dreg:$0x6] =	wrdreg $0x9  }
0xb4: {  	_ =	task.clear_ibuf [dreg:s8], $0x7FFFF;
	_ =	strace $0x90000046  }
0xb5: {  	s29 =	simm.s32 $0x9;
	_ =	strace $0x80000048  }
0xb6: {  	_ =	swait.ge [sflag:s29], $0x1  }
0xb7: {  	[sflag:s29] =	ssyncadd.s32 $0xFFFFFFFF  }
0xb8: {  	_ =	strace $0x90000048  }
0xb9: {  	_ =	sfence  }
0xba: {  	s30 =	sld [smem:$0x0];
	_ =	sdelay $0x2  }
0xbb: {  	s31 =	sshll.u32 s1, $0xD;
	s1 =	sshrl.u32 s1, $0x2  }
0xbc: {  	s3 =	sand.u32 $0x4000, s31;
	s1 =	sadd.s32 s1, s30  }
0xbd: {  	s0 =	sor.u32 s3, s0;
	s1 =	sshll.u32 s1, $0x11  }
0xbe: {  	s0 =	sor.u32 s1, s0  }
0xbf: {  	s0 =	sadd.s32 $0x8F2B, s0  }
0xc0: {  	[sflag:s0] =	ssyncadd.remote.s32 $0x1  }
0xc1: {  	_ =	sfence.sel $0xFFFF  }
0xc2: {  	[dreg:$0x0] =	wrdreg $0xFFFFFFFF;
	(pc) =	sbr.abs _section_cstart, $3  }
0xc3: {  	[dreg:$0x1] =	wrdreg $0xFFFFFFFF  }
0xc4: {  	_ =	task.clear_ibuf [dreg:s8], $0x2FFFF;
	_ =	strace $0x9FFFFFFF  }
0xc5: {  	(tm) =	ssettm $0x7FFFFFFF  }
tec
execute0_lowered:
.L_overlay_start_1:
0x0: {  	(tag) =	ssettag $0x1  }
0x1: {  	s1 =	rddreg [dreg:$0x0]  }
0x2: {  	s9 =	rddreg [dreg:$0x1]  }
0x3: {  	s5 =	rddreg [dreg:$0x2]  }
0x4: {  	s3 =	rddreg [dreg:$0x3]  }
0x5: {  	s2 =	stileid.u32;
	s6 =	srdreg.scid  }
0x6: {  	s4 =	simm.s32 $0x0;
	s16 =	simm.s32 $0x2800;
	s17 =	simm.s32 $0x4800  }
0x7: {  	s18 =	simm.s32 $0x80;
	s19 =	simm.s32 $0x6800;
	s20 =	simm.s32 $0xC0  }
0x8: {  	s21 =	simm.s32 $0x8800;
	s22 =	simm.s32 $0x1;
	s23 =	simm.s32 $0x2  }
0x9: {  	s24 =	simm.s32 $0x2700;
	s25 =	simm.s32 $0x2780;
	s26 =	simm.s32 $0x0  }
0xa: {  	s10 =	sand.u32 $0x1, s6;
	s29 =	sshll.u32 s2, $0x1;
	s7 =	smul.u32 $0x2800, s2  }
0xb: {  	[smem:$0x7FF] =	sst s4;
	s11 =	sadd.s32 $0x5A00, s5;
	s13 =	smul.u32 $0x50000, s2  }
0xc: {  	s6 =	sor.u32 s10, s29;
	_ =	strace $0x80000047;
	s8 =	ssub.s32 $0x2, s10  }
0xd: {  	p0 =	seq.s32 s10, $0x1;
	s6 =	smul.u32 $0x2800, s6;
	s12 =	sshrl.u32 s8, $0x1  }
0xe: {  	s14 =	sadd.s32 s7, s5;
	s30 =	sshrl.u32 s13, $0x2;
	s13 =	simm.s32 $0x3  }
0xf: {  	s12 =	ssub.s32 s8, s12;
	s7 =	sadd.s32 s30, s3;
	s15 =	sshrl.u32 s6, $0x3  }
0x10: {  	s8 =	sadd.s32 $0xFA00, s14;
	s5 =	sadd.s32 s9, s15;
	s31 =	sadd.s32 $0x280, s15  }
0x11: {  	s6 =	sadd.s32 s11, s15;
	s15 =	simm.s32 $0x5FA00;
	s9 =	sadd.s32 s9, s31  }
0x12: {  	s10 =	sadd.s32 s11, s31;
	s11 =	smax.u32 s12, $0x1;
	s15 =	simm.s32 @!p0 $0x37A00  }
0x13: {  	s12 =	sadd.s32 s15, s14;
	s14 =	simm.s32 $0x1400;
	s15 =	simm.s32 $0x40  }
.LBB2_1:
0x14: {  	[tilespmem:s4], [sflag:$0x3] =	stream.linear.gather [hbm4b:s5+s4], $0x1400, $0x38;
	[tilespmem:$0x1E800] =	vst v63  }
0x15: {  	_ =	swait.ge [sflag:s13], $0x1400  }
0x16: {  	[sflag:s13] =	ssyncset.done $0x0  }
0x17: {  	[sflag:s13] =	ssyncadd.s32 $0xFFFFEC00  }
0x18: {  	[tilespmem:s14], [sflag:$0x3] =	stream.linear.gather [hbm4b:s6+s4], $0x1400, $0x38;
	[tilespmem:$0x1E800] =	vst v63  }
0x19: {  	_ =	swait.ge [sflag:s13], $0x1400  }
0x1a: {  	[sflag:s13] =	ssyncset.done $0x0  }
0x1b: {  	[sflag:s13] =	ssyncadd.s32 $0xFFFFEC00  }
0x1c: {  	[tilespmem:s16], [sflag:$0x1] =	stream.indirect.gather [hbm4b:s1+s15], $0x80, s4, s15, $0xb8;
	[tilespmem:$0x1E800] =	vst v63  }
0x1d: {  	_ = 	snop  }
0x1e: {  	[tilespmem:s17], [sflag:$0x1] =	stream.indirect.gather [hbm4b:s1+s15], $0x80, s15, s15, $0xb8;
	[tilespmem:$0x1E800] =	vst v63  }
0x1f: {  	s28 =	sshll.u32 s2, $0x6  }
0x20: {  	[tilespmem:s19], [sflag:$0x2] =	stream.indirect.gather [hbm4b:s1+s15], $0x80, s18, s15, $0xb8;
	[tilespmem:$0x1E800] =	vst v63  }
0x21: {  	s29 =	sshrl.u32 s7, $0x3;
	s28 =	sor.u32 $0x1C03, s28  }
0x22: {  	[tilespmem:s21], [sflag:$0x2] =	stream.indirect.gather [hbm4b:s1+s15], $0x80, s20, s15, $0xb8;
	[tilespmem:$0x1E800] =	vst v63  }
0x23: {  	[spmem:s29], [sflag:s28] =	dma.local [hbm:s8], $0x2800  }
0x24: {  	_ =	swait.ge [sflag:s13], $0x2800  }
0x25: {  	[sflag:s13] =	ssyncset.done $0x0  }
0x26: {  	[sflag:s13] =	ssyncadd.s32 $0xFFFFD800  }
0x27: {  	[bflag:$0x0] =	sbarrier.arrive $0xFFFF  }
0x28: {  	_ =	swait.ge [sflag:s22], $0x2000  }
0x29: {  	[sflag:s22] =	ssyncset.done $0x0  }
0x2a: {  	[sflag:s22] =	ssyncadd.s32 $0xFFFFE000  }
0x2b: {  	_ =	swait.ge [sflag:s22], $0x2000  }
0x2c: {  	[sflag:s22] =	ssyncset.done $0x0  }
0x2d: {  	s30 =	simm.s32 $0x1400;
	[sflag:s22] =	ssyncadd.s32 $0xFFFFE000  }
0x2e: {  	[spmem:s3] =	stream.indirect.scatter.add.f32 [tilespmem:s16], [sflag:$0x3], $0x80, s30, s18, $0xb8;
	[tilespmem:$0x1E800] =	vst v63  }
0x2f: {  	_ =	swait.ge [sflag:s13], $0x4000  }
0x30: {  	[sflag:s13] =	ssyncset.done $0x0  }
0x31: {  	s30 =	simm.s32 $0x100;
	[sflag:s13] =	ssyncadd.s32 $0xFFFFC000  }
0x32: {  	[tilespmem:s16], [sflag:$0x1] =	stream.indirect.gather [hbm4b:s1+s15], $0x80, s30, s15, $0xb8;
	[tilespmem:$0x1E800] =	vst v63  }
0x33: {  	s30 =	simm.s32 $0x140  }
0x34: {  	[tilespmem:s17], [sflag:$0x1] =	stream.indirect.gather [hbm4b:s1+s15], $0x80, s30, s15, $0xb8;
	[tilespmem:$0x1E800] =	vst v63  }
0x35: {  	_ =	swait.ge [sflag:s23], $0x2000  }
0x36: {  	[sflag:s23] =	ssyncset.done $0x0  }
0x37: {  	[sflag:s23] =	ssyncadd.s32 $0xFFFFE000  }
0x38: {  	_ =	swait.ge [sflag:s23], $0x2000  }
0x39: {  	[sflag:s23] =	ssyncset.done $0x0  }
0x3a: {  	s30 =	simm.s32 $0x1480;
	[sflag:s23] =	ssyncadd.s32 $0xFFFFE000  }
0x3b: {  	[spmem:s3] =	stream.indirect.scatter.add.f32 [tilespmem:s19], [sflag:$0x3], $0x80, s30, s18, $0xb8;
	[tilespmem:$0x1E800] =	vst v63  }
0x3c: {  	_ =	swait.ge [sflag:s13], $0x4000  }
0x3d: {  	[sflag:s13] =	ssyncset.done $0x0  }
0x3e: {  	s30 =	simm.s32 $0x180;
	[sflag:s13] =	ssyncadd.s32 $0xFFFFC000  }
0x3f: {  	[tilespmem:s19], [sflag:$0x2] =	stream.indirect.gather [hbm4b:s1+s15], $0x80, s30, s15, $0xb8;
	[tilespmem:$0x1E800] =	vst v63  }
0x40: {  	s31 =	simm.s32 $0x1C0;
	s30 =	simm.s32 $0x400  }
.LBB2_2:
0x41: {  	[tilespmem:s21], [sflag:$0x2] =	stream.indirect.gather [hbm4b:s1+s15], $0x80, s31, s15, $0xb8;
	[tilespmem:$0x1E800] =	vst v63  }
0x42: {  	s31 =	smov.u32 s30  }
0x43: {  	p0 =	sne.s32 s30, $0x4800;
	s30 =	sadd.s32 $0x400, s30;
	_ =	swait.ge [sflag:s22], $0x2000  }
0x44: {  	[sflag:s22] =	ssyncset.done $0x0  }
0x45: {  	[sflag:s22] =	ssyncadd.s32 $0xFFFFE000  }
0x46: {  	_ =	swait.ge [sflag:s22], $0x2000  }
0x47: {  	s31 =	sshra.s32 s31, $0x2;
	[sflag:s22] =	ssyncset.done $0x0  }
0x48: {  	s0 =	sadd.s32 $0x1400, s31;
	[sflag:s22] =	ssyncadd.s32 $0xFFFFE000  }
0x49: {  	[spmem:s3] =	stream.indirect.scatter.add.f32 [tilespmem:s16], [sflag:$0x3], $0x80, s0, s18, $0xb8;
	[tilespmem:$0x1E800] =	vst v63  }
0x4a: {  	_ =	swait.ge [sflag:s13], $0x4000  }
0x4b: {  	[sflag:s13] =	ssyncset.done $0x0  }
0x4c: {  	s0 =	sadd.s32 $0x100, s31;
	[sflag:s13] =	ssyncadd.s32 $0xFFFFC000  }
0x4d: {  	[tilespmem:s16], [sflag:$0x1] =	stream.indirect.gather [hbm4b:s1+s15], $0x80, s0, s15, $0xb8;
	[tilespmem:$0x1E800] =	vst v63  }
0x4e: {  	s0 =	sadd.s32 $0x140, s31  }
0x4f: {  	[tilespmem:s17], [sflag:$0x1] =	stream.indirect.gather [hbm4b:s1+s15], $0x80, s0, s15, $0xb8;
	[tilespmem:$0x1E800] =	vst v63  }
0x50: {  	_ =	swait.ge [sflag:s23], $0x2000  }
0x51: {  	[sflag:s23] =	ssyncset.done $0x0  }
0x52: {  	[sflag:s23] =	ssyncadd.s32 $0xFFFFE000  }
0x53: {  	_ =	swait.ge [sflag:s23], $0x2000  }
0x54: {  	[sflag:s23] =	ssyncset.done $0x0  }
0x55: {  	s0 =	sadd.s32 $0x1480, s31;
	[sflag:s23] =	ssyncadd.s32 $0xFFFFE000  }
0x56: {  	[spmem:s3] =	stream.indirect.scatter.add.f32 [tilespmem:s19], [sflag:$0x3], $0x80, s0, s18, $0xb8;
	[tilespmem:$0x1E800] =	vst v63  }
.Ltmp0:
0x57: {  	_ =	swait.ge [sflag:s13], $0x4000;
	(pc) =	sbr.rel @p0 .LBB2_2-.Ltmp0, $4  }
0x58: {  	[sflag:s13] =	ssyncset.done $0x0  }
0x59: {  	s0 =	sadd.s32 $0x180, s31;
	[sflag:s13] =	ssyncadd.s32 $0xFFFFC000  }
0x5a: {  	[tilespmem:s19], [sflag:$0x2] =	stream.indirect.gather [hbm4b:s1+s15], $0x80, s0, s15, $0xb8;
	[tilespmem:$0x1E800] =	vst v63  }
0x5b: {  	s31 =	sadd.s32 $0x1C0, s31  }
0x5c: {  	[tilespmem:s21], [sflag:$0x2] =	stream.indirect.gather [hbm4b:s1+s15], $0x80, s31, s15, $0xb8;
	[tilespmem:$0x1E800] =	vst v63  }
0x5d: {  	_ =	swait.ge [sflag:s22], $0x2000  }
0x5e: {  	[sflag:s22] =	ssyncset.done $0x0  }
0x5f: {  	[sflag:s22] =	ssyncadd.s32 $0xFFFFE000  }
0x60: {  	_ =	swait.ge [sflag:s22], $0x2000  }
0x61: {  	[sflag:s22] =	ssyncset.done $0x0  }
0x62: {  	[sflag:s22] =	ssyncadd.s32 $0xFFFFE000  }
0x63: {  	[spmem:s3] =	stream.indirect.scatter.add.f32 [tilespmem:s16], [sflag:$0x3], $0x80, s24, s18, $0xb8;
	[tilespmem:$0x1E800] =	vst v63  }
0x64: {  	_ =	swait.ge [sflag:s13], $0x4000  }
0x65: {  	[sflag:s13] =	ssyncset.done $0x0  }
0x66: {  	[sflag:s13] =	ssyncadd.s32 $0xFFFFC000  }
0x67: {  	_ =	swait.ge [sflag:s23], $0x2000  }
0x68: {  	[sflag:s23] =	ssyncset.done $0x0  }
0x69: {  	[sflag:s23] =	ssyncadd.s32 $0xFFFFE000  }
0x6a: {  	_ =	swait.ge [sflag:s23], $0x2000  }
0x6b: {  	[sflag:s23] =	ssyncset.done $0x0  }
0x6c: {  	[sflag:s23] =	ssyncadd.s32 $0xFFFFE000  }
0x6d: {  	[spmem:s3] =	stream.indirect.scatter.add.f32 [tilespmem:s19], [sflag:$0x3], $0x80, s25, s18, $0xb8;
	[tilespmem:$0x1E800] =	vst v63  }
0x6e: {  	_ =	swait.ge [sflag:s13], $0x4000  }
0x6f: {  	[sflag:s13] =	ssyncset.done $0x0  }
0x70: {  	s0 =	simm.s32 $0x0;
	[sflag:s13] =	ssyncadd.s32 $0xFFFFC000  }
0x71: {  	[tilespmem:s0], [sflag:$0x3] =	stream.linear.gather [hbm4b:s9+s0], $0x1400, $0x38;
	[tilespmem:$0x1E800] =	vst v63  }
0x72: {  	_ =	swait.ge [sflag:s13], $0x1400  }
0x73: {  	[sflag:s13] =	ssyncset.done $0x0  }
0x74: {  	[sflag:s13] =	ssyncadd.s32 $0xFFFFEC00  }
0x75: {  	[tilespmem:s14], [sflag:$0x3] =	stream.linear.gather [hbm4b:s10+s0], $0x1400, $0x38;
	[tilespmem:$0x1E800] =	vst v63  }
0x76: {  	_ =	swait.ge [sflag:s13], $0x1400  }
0x77: {  	[sflag:s13] =	ssyncset.done $0x0  }
0x78: {  	[sflag:s13] =	ssyncadd.s32 $0xFFFFEC00  }
0x79: {  	[tilespmem:s16], [sflag:$0x1] =	stream.indirect.gather [hbm4b:s1+s15], $0x80, s0, s15, $0xb8;
	[tilespmem:$0x1E800] =	vst v63  }
0x7a: {  	_ = 	snop  }
0x7b: {  	[tilespmem:s17], [sflag:$0x1] =	stream.indirect.gather [hbm4b:s1+s15], $0x80, s15, s15, $0xb8;
	[tilespmem:$0x1E800] =	vst v63  }
0x7c: {  	_ = 	snop  }
0x7d: {  	[tilespmem:s19], [sflag:$0x2] =	stream.indirect.gather [hbm4b:s1+s15], $0x80, s18, s15, $0xb8;
	[tilespmem:$0x1E800] =	vst v63  }
0x7e: {  	_ = 	snop  }
0x7f: {  	[tilespmem:s21], [sflag:$0x2] =	stream.indirect.gather [hbm4b:s1+s15], $0x80, s20, s15, $0xb8;
	[tilespmem:$0x1E800] =	vst v63  }
0x80: {  	_ =	swait.ge [sflag:s22], $0x2000  }
0x81: {  	[sflag:s22] =	ssyncset.done $0x0  }
0x82: {  	[sflag:s22] =	ssyncadd.s32 $0xFFFFE000  }
0x83: {  	_ =	swait.ge [sflag:s22], $0x2000  }
0x84: {  	[sflag:s22] =	ssyncset.done $0x0  }
0x85: {  	s0 =	simm.s32 $0x1400;
	[sflag:s22] =	ssyncadd.s32 $0xFFFFE000  }
0x86: {  	[spmem:s3] =	stream.indirect.scatter.add.f32 [tilespmem:s16], [sflag:$0x3], $0x80, s0, s18, $0xb8;
	[tilespmem:$0x1E800] =	vst v63  }
0x87: {  	_ =	swait.ge [sflag:s13], $0x4000  }
0x88: {  	[sflag:s13] =	ssyncset.done $0x0  }
0x89: {  	s0 =	simm.s32 $0x100;
	[sflag:s13] =	ssyncadd.s32 $0xFFFFC000  }
0x8a: {  	[tilespmem:s16], [sflag:$0x1] =	stream.indirect.gather [hbm4b:s1+s15], $0x80, s0, s15, $0xb8;
	[tilespmem:$0x1E800] =	vst v63  }
0x8b: {  	s0 =	simm.s32 $0x140  }
0x8c: {  	[tilespmem:s17], [sflag:$0x1] =	stream.indirect.gather [hbm4b:s1+s15], $0x80, s0, s15, $0xb8;
	[tilespmem:$0x1E800] =	vst v63  }
0x8d: {  	_ =	swait.ge [sflag:s23], $0x2000  }
0x8e: {  	[sflag:s23] =	ssyncset.done $0x0  }
0x8f: {  	[sflag:s23] =	ssyncadd.s32 $0xFFFFE000  }
0x90: {  	_ =	swait.ge [sflag:s23], $0x2000  }
0x91: {  	[sflag:s23] =	ssyncset.done $0x0  }
0x92: {  	s0 =	simm.s32 $0x1480;
	[sflag:s23] =	ssyncadd.s32 $0xFFFFE000  }
0x93: {  	[spmem:s3] =	stream.indirect.scatter.add.f32 [tilespmem:s19], [sflag:$0x3], $0x80, s0, s18, $0xb8;
	[tilespmem:$0x1E800] =	vst v63  }
0x94: {  	_ =	swait.ge [sflag:s13], $0x4000  }
0x95: {  	s30 =	simm.s32 $0x400;
	[sflag:s13] =	ssyncset.done $0x0  }
0x96: {  	s31 =	simm.s32 $0x1C0;
	s0 =	simm.s32 $0x180;
	[sflag:s13] =	ssyncadd.s32 $0xFFFFC000  }
0x97: {  	[tilespmem:s19], [sflag:$0x2] =	stream.indirect.gather [hbm4b:s1+s15], $0x80, s0, s15, $0xb8;
	[tilespmem:$0x1E800] =	vst v63  }
.LBB2_4:
0x98: {  	[tilespmem:s21], [sflag:$0x2] =	stream.indirect.gather [hbm4b:s1+s15], $0x80, s31, s15, $0xb8;
	[tilespmem:$0x1E800] =	vst v63  }
0x99: {  	s0 =	smov.u32 s30  }
0x9a: {  	p0 =	sne.s32 s30, $0x4800;
	s30 =	sadd.s32 $0x400, s30;
	_ =	swait.ge [sflag:s22], $0x2000  }
0x9b: {  	[sflag:s22] =	ssyncset.done $0x0  }
0x9c: {  	[sflag:s22] =	ssyncadd.s32 $0xFFFFE000  }
0x9d: {  	_ =	swait.ge [sflag:s22], $0x2000  }
0x9e: {  	s0 =	sshra.s32 s0, $0x2;
	[sflag:s22] =	ssyncset.done $0x0  }
0x9f: {  	s31 =	sadd.s32 $0x1400, s0;
	[sflag:s22] =	ssyncadd.s32 $0xFFFFE000  }
0xa0: {  	[spmem:s3] =	stream.indirect.scatter.add.f32 [tilespmem:s16], [sflag:$0x3], $0x80, s31, s18, $0xb8;
	[tilespmem:$0x1E800] =	vst v63  }
0xa1: {  	_ =	swait.ge [sflag:s13], $0x4000  }
0xa2: {  	[sflag:s13] =	ssyncset.done $0x0  }
0xa3: {  	s31 =	sadd.s32 $0x100, s0;
	[sflag:s13] =	ssyncadd.s32 $0xFFFFC000  }
0xa4: {  	[tilespmem:s16], [sflag:$0x1] =	stream.indirect.gather [hbm4b:s1+s15], $0x80, s31, s15, $0xb8;
	[tilespmem:$0x1E800] =	vst v63  }
0xa5: {  	s31 =	sadd.s32 $0x140, s0  }
0xa6: {  	[tilespmem:s17], [sflag:$0x1] =	stream.indirect.gather [hbm4b:s1+s15], $0x80, s31, s15, $0xb8;
	[tilespmem:$0x1E800] =	vst v63  }
0xa7: {  	_ =	swait.ge [sflag:s23], $0x2000  }
0xa8: {  	[sflag:s23] =	ssyncset.done $0x0  }
0xa9: {  	[sflag:s23] =	ssyncadd.s32 $0xFFFFE000  }
0xaa: {  	_ =	swait.ge [sflag:s23], $0x2000  }
0xab: {  	[sflag:s23] =	ssyncset.done $0x0  }
0xac: {  	s31 =	sadd.s32 $0x1480, s0;
	[sflag:s23] =	ssyncadd.s32 $0xFFFFE000  }
0xad: {  	[spmem:s3] =	stream.indirect.scatter.add.f32 [tilespmem:s19], [sflag:$0x3], $0x80, s31, s18, $0xb8;
	[tilespmem:$0x1E800] =	vst v63  }
.Ltmp1:
0xae: {  	_ =	swait.ge [sflag:s13], $0x4000;
	(pc) =	sbr.rel @p0 .LBB2_4-.Ltmp1, $4  }
0xaf: {  	[sflag:s13] =	ssyncset.done $0x0  }
0xb0: {  	s31 =	sadd.s32 $0x180, s0;
	[sflag:s13] =	ssyncadd.s32 $0xFFFFC000  }
0xb1: {  	[tilespmem:s19], [sflag:$0x2] =	stream.indirect.gather [hbm4b:s1+s15], $0x80, s31, s15, $0xb8;
	[tilespmem:$0x1E800] =	vst v63  }
0xb2: {  	s31 =	sadd.s32 $0x1C0, s0  }
0xb3: {  	[tilespmem:s21], [sflag:$0x2] =	stream.indirect.gather [hbm4b:s1+s15], $0x80, s31, s15, $0xb8;
	[tilespmem:$0x1E800] =	vst v63  }
0xb4: {  	_ =	swait.ge [sflag:s22], $0x2000  }
0xb5: {  	[sflag:s22] =	ssyncset.done $0x0  }
0xb6: {  	[sflag:s22] =	ssyncadd.s32 $0xFFFFE000  }
0xb7: {  	_ =	swait.ge [sflag:s22], $0x2000  }
0xb8: {  	[sflag:s22] =	ssyncset.done $0x0  }
0xb9: {  	[sflag:s22] =	ssyncadd.s32 $0xFFFFE000  }
0xba: {  	[spmem:s3] =	stream.indirect.scatter.add.f32 [tilespmem:s16], [sflag:$0x3], $0x80, s24, s18, $0xb8;
	[tilespmem:$0x1E800] =	vst v63  }
0xbb: {  	_ =	swait.ge [sflag:s13], $0x4000  }
0xbc: {  	[sflag:s13] =	ssyncset.done $0x0  }
0xbd: {  	[sflag:s13] =	ssyncadd.s32 $0xFFFFC000  }
0xbe: {  	_ =	swait.ge [sflag:s23], $0x2000  }
0xbf: {  	[sflag:s23] =	ssyncset.done $0x0  }
0xc0: {  	[sflag:s23] =	ssyncadd.s32 $0xFFFFE000  }
0xc1: {  	_ =	swait.ge [sflag:s23], $0x2000  }
0xc2: {  	[sflag:s23] =	ssyncset.done $0x0  }
0xc3: {  	[sflag:s23] =	ssyncadd.s32 $0xFFFFE000  }
0xc4: {  	[spmem:s3] =	stream.indirect.scatter.add.f32 [tilespmem:s19], [sflag:$0x3], $0x80, s25, s18, $0xb8;
	[tilespmem:$0x1E800] =	vst v63  }
0xc5: {  	_ =	swait.ge [sflag:s13], $0x4000  }
0xc6: {  	s26 =	sadd.s32 $0x1, s26;
	[sflag:s13] =	ssyncset.done $0x0  }
0xc7: {  	p0 =	sne.s32 s26, s11;
	[sflag:s13] =	ssyncadd.s32 $0xFFFFC000  }
.Ltmp2:
0xc8: {  	[bflag:$0x0] =	sbarrier.arrive $0xFFFF;
	(pc) =	sbr.rel @p0 .LBB2_1-.Ltmp2, $4  }
0xc9: {  	[hbm:s12], [sflag:s28] =	dma.local [spmem:s29], $0x2800  }
0xca: {  	_ =	swait.ge [sflag:s13], $0x2800  }
0xcb: {  	[sflag:s13] =	ssyncset.done $0x0  }
0xcc: {  	[sflag:s13] =	ssyncadd.s32 $0xFFFFD800  }
0xcd: {  	_ =	sfence.sel $0x180000  }
0xce: {  	[bflag:$0x0] =	sbarrier.arrive $0xFFFF  }
0xcf: {  	_ =	strace $0x90000047  }
0xd0: {  	[bflag:$0x2] =	sbarrier.arrive $0xFFFF  }
0xd1: {  	p0 =	sne.s32 s2, $0x0;
	s0 =	rddreg [dreg:$0x4]  }
0xd2: {  	s0 =	sadd.s32 @!p0 $0x100000, s0  }
0xd3: {  	[sflag:s0] =	ssyncadd.tile.s32 @!p0 $0x1;
	_ =	shalt  }
.Lfunc_end2:
_tile_overlayer_lowered:
.L_overlay_start_2:
0xd4: {  	(tag) =	ssettag $0x2  }
0xd5: {  	s0 =	rddreg [dreg:$0x0];
	s2 =	stileid.u32  }
0xd6: {  	s1 =	rddreg [dreg:$0x1];
	p0 =	sne.s32 s2, $0x0  }
0xd7: {  	s3 =	rddreg [dreg:$0x2];
	[bflag:$0x3] =	sbarrier.arrive $0xFFFF;
	s2 =	simm.s32 @!p0 $0x1C03  }
0xd8: {  	[timem:s3], [sflag:s2] =	dma.local @!p0 [hbm:s0], s1  }
0xd9: {  	s0 =	simm.s32 @!p0 $0x3  }
0xda: {  	_ =	swait.ge @!p0 [sflag:s0], s1  }
0xdb: {  	s1 =	ssub.s32 @!p0 $0x0, s1;
	[sflag:s0] =	ssyncset.done @!p0 $0x0  }
0xdc: {  	[sflag:s0] =	ssyncadd.s32 @!p0 s1  }
0xdd: {  	[bflag:$0x3] =	sbarrier.arrive $0xFFFF  }
0xde: {  	_ =	shalt  }

</sc_bundles>
